<compile_context>
chip_gen: v7x
topology: tpu7x:2x2x1
jax: 0.10.2.dev20260603
libtpu: 0.0.44.dev20260713+nightly
codegen_flags: <defaults>
</compile_context>

<pallas_src>
import jax
import jax.numpy as jnp
from jax import lax
from jax.experimental import pallas as pl
from jax.experimental.pallas import tpu as pltpu
from jax.experimental.pallas import tpu_sc as plsc

NC = 2
NS = 16
NW = NC * NS

TILE = 128
VEC = 16


def _gating_body(x_ref, wg_ref, bg_ref, i0_ref, r0_ref, g0_ref,
                 cnt_ref, te_ref, acc_ref):
    pid = pl.program_id(0)
    x = x_ref[...]
    logits = jnp.dot(x, wg_ref[...], preferred_element_type=jnp.float32)
    logits = logits + bg_ref[...]
    gb, e = logits.shape
    iota = lax.broadcasted_iota(jnp.int32, (gb, e), 1)
    m1 = jnp.max(logits, axis=1, keepdims=True)
    i1 = jnp.min(jnp.where(logits == m1, iota, e), axis=1, keepdims=True)
    l2 = jnp.where(iota == i1, -jnp.inf, logits)
    m2 = jnp.max(l2, axis=1, keepdims=True)
    i2 = jnp.min(jnp.where(l2 == m2, iota, e), axis=1, keepdims=True)
    e2 = jnp.exp(m2 - m1)
    s = 1.0 + e2
    g1v = 1.0 / s
    g2v = e2 / s

    @pl.when(pid == 0)
    def _():
        acc_ref[...] = jnp.zeros_like(acc_ref)

    oh0 = (i1 == iota).astype(jnp.bfloat16)
    oh1 = (i2 == iota).astype(jnp.bfloat16)
    row = lax.broadcasted_iota(jnp.int32, (gb, gb), 0)
    col = lax.broadcasted_iota(jnp.int32, (gb, gb), 1)
    tl = (row > col).astype(jnp.bfloat16)
    cum = jnp.dot(tl, oh0 + oh1, preferred_element_type=jnp.float32)
    base = acc_ref[...]
    oh0f = oh0.astype(jnp.float32)
    oh1f = oh1.astype(jnp.float32)
    r0 = jnp.sum((cum + base) * oh0f, axis=1, keepdims=True)
    r1 = jnp.sum((cum + base) * oh1f, axis=1, keepdims=True)

    def packw(a, b):
        return jnp.concatenate(
            [a.reshape(gb // 64, 64), b.reshape(gb // 64, 64)], axis=1)

    i0_ref[...] = packw(i1, i2)
    r0_ref[...] = packw(r0.astype(jnp.int32), r1.astype(jnp.int32))
    g0_ref[...] = packw(g1v, g2v)
    total = base + jnp.sum(oh0f + oh1f, axis=0, keepdims=True)
    acc_ref[...] = total
    cnt_ref[...] = jnp.concatenate(
        [total, jnp.zeros((1, VEC - e), jnp.float32)], axis=1
    ).astype(jnp.int32)

    ac_t = jnp.floor((total + (TILE - 1)) * (1.0 / TILE))
    tri = (lax.broadcasted_iota(jnp.int32, (e, e), 0)
           <= lax.broadcasted_iota(jnp.int32, (e, e), 1)).astype(
               jnp.float32)
    bounds = jnp.dot(ac_t, tri, preferred_element_type=jnp.float32)
    tt = lax.broadcasted_iota(jnp.int32, (1, 64), 1).astype(jnp.float32)
    tev = sum((tt >= bounds[:, j:j + 1]).astype(jnp.int32)
              for j in range(e))
    te_ref[...] = jnp.minimum(tev, e - 1)


def _gating(x, Wg, bg):
    n, d = x.shape
    e = Wg.shape[1]
    gb = 512
    return pl.pallas_call(
        _gating_body,
        grid=(n // gb,),
        in_specs=[
            pl.BlockSpec((gb, d), lambda i: (i, 0)),
            pl.BlockSpec((d, e), lambda i: (0, 0)),
            pl.BlockSpec((1, e), lambda i: (0, 0)),
        ],
        out_specs=[
            pl.BlockSpec((gb // 64, 128), lambda i: (i, 0)),
            pl.BlockSpec((gb // 64, 128), lambda i: (i, 0)),
            pl.BlockSpec((gb // 64, 128), lambda i: (i, 0)),
            pl.BlockSpec((1, VEC), lambda i: (0, 0)),
            pl.BlockSpec((1, 64), lambda i: (0, 0)),
        ],
        out_shape=[
            jax.ShapeDtypeStruct((n // 64, 128), jnp.int32),
            jax.ShapeDtypeStruct((n // 64, 128), jnp.int32),
            jax.ShapeDtypeStruct((n // 64, 128), jnp.float32),
            jax.ShapeDtypeStruct((1, VEC), jnp.int32),
            jax.ShapeDtypeStruct((1, 64), jnp.int32),
        ],
        scratch_shapes=[pltpu.VMEM((1, e), jnp.float32)],
        compiler_params=pltpu.CompilerParams(
            dimension_semantics=("arbitrary",)),
    )(x, Wg, bg.reshape(1, e))


def _slot_dests(cnt_v, abi_v, abr_v, astart_v, d0i, d1i, per_w):
    cnt = cnt_v[...]
    ac = (cnt + (TILE - 1)) & jnp.int32(-TILE)
    astart_v[...] = plsc.cumsum(ac) - ac
    ch = d0i.shape[1]
    for v in range(per_w // VEC):
        sl0 = pl.ds(v * VEC, VEC)
        sl1 = pl.ds(per_w + v * VEC, VEC)
        c, off = (v * VEC) // ch, (v * VEC) % ch
        osl = pl.ds(off, VEC)
        a0 = plsc.load_gather(astart_v, [abi_v[sl0]])
        d0i[c, osl] = a0 + abr_v[sl0]
        a1 = plsc.load_gather(astart_v, [abi_v[sl1]])
        d1i[c, osl] = a1 + abr_v[sl1]


def _make_dispatch(n, d, p):
    per_w = n // NW
    ch = 32
    n_ch = per_w // ch
    mesh = plsc.VectorSubcoreMesh(
        core_axis_name="c", subcore_axis_name="s",
        num_cores=NC, num_subcores=NS)

    def body(x_hbm, abi_hbm, abr_hbm, cnt_hbm, out_hbm,
             abi_v, abr_v, cnt_v, astart_v, d0i, d1i, buf, sem, semx):
        wid = lax.axis_index("s") * NC + lax.axis_index("c")
        cx = pltpu.async_copy(x_hbm.at[pl.ds(wid * per_w, per_w)], buf,
                              semx)
        pltpu.sync_copy(abi_hbm.at[wid], abi_v)
        pltpu.sync_copy(abr_hbm.at[wid], abr_v)
        pltpu.sync_copy(cnt_hbm, cnt_v)
        _slot_dests(cnt_v, abi_v, abr_v, astart_v, d0i, d1i, per_w)
        cx.wait()
        copies = []
        for c in range(n_ch):
            src = buf.at[pl.ds(c * ch, ch)]
            copies.append(
                pltpu.async_copy(src, out_hbm.at[d0i.at[c]], sem))
            copies.append(
                pltpu.async_copy(src, out_hbm.at[d1i.at[c]], sem))
        for cp in copies:
            cp.wait()

    return pl.kernel(
        body,
        out_type=jax.ShapeDtypeStruct((p, d), jnp.float32),
        mesh=mesh,
        compiler_params=pltpu.CompilerParams(needs_layout_passes=False),
        scratch_types=[
            pltpu.VMEM((2 * per_w,), jnp.int32),
            pltpu.VMEM((2 * per_w,), jnp.int32),
            pltpu.VMEM((VEC,), jnp.int32),
            pltpu.VMEM((VEC,), jnp.int32),
            pltpu.VMEM((n_ch, ch), jnp.int32),
            pltpu.VMEM((n_ch, ch), jnp.int32),
            pltpu.VMEM((per_w, d), jnp.float32),
            pltpu.SemaphoreType.DMA,
            pltpu.SemaphoreType.DMA,
        ],
    )


def _mlp_body(te_ref, xd_ref, w1_ref, b1_ref, w2_ref, b2_ref,
              w3_ref, b3_ref, out_ref, w1b, w2b, w3b):
    t = pl.program_id(0)
    is_new = jnp.logical_or(
        t == 0, te_ref[t] != te_ref[jnp.maximum(t - 1, 0)])

    @pl.when(is_new)
    def _():
        w1b[...] = w1_ref[0].astype(jnp.bfloat16)
        w2b[...] = w2_ref[0].astype(jnp.bfloat16)
        w3b[...] = w3_ref[0].astype(jnp.bfloat16)

    xb = xd_ref[...].astype(jnp.bfloat16)
    h = jnp.dot(xb, w1b[...], preferred_element_type=jnp.float32)
    h = jnp.maximum(h + b1_ref[0], 0.0).astype(jnp.bfloat16)
    h = jnp.dot(h, w2b[...], preferred_element_type=jnp.float32)
    h = jnp.maximum(h + b2_ref[0], 0.0).astype(jnp.bfloat16)
    o = jnp.dot(h, w3b[...], preferred_element_type=jnp.float32)
    out_ref[...] = o + b3_ref[0]


def _mlp(te, xd, W1, b1, W2, b2, W3, b3):
    p, d = xd.shape
    e, _, h = W1.shape
    o = W3.shape[2]
    b1 = b1.reshape(e, 1, h)
    b2 = b2.reshape(e, 1, h)
    b3 = b3.reshape(e, 1, o)
    nt = p // TILE
    grid_spec = pltpu.PrefetchScalarGridSpec(
        num_scalar_prefetch=1,
        grid=(nt,),
        in_specs=[
            pl.BlockSpec((TILE, d), lambda t, te: (t, 0)),
            pl.BlockSpec((1, d, h), lambda t, te: (te[t], 0, 0)),
            pl.BlockSpec((1, 1, h), lambda t, te: (te[t], 0, 0)),
            pl.BlockSpec((1, h, h), lambda t, te: (te[t], 0, 0)),
            pl.BlockSpec((1, 1, h), lambda t, te: (te[t], 0, 0)),
            pl.BlockSpec((1, h, o), lambda t, te: (te[t], 0, 0)),
            pl.BlockSpec((1, 1, o), lambda t, te: (te[t], 0, 0)),
        ],
        out_specs=pl.BlockSpec((TILE, o), lambda t, te: (t, 0)),
        scratch_shapes=[
            pltpu.VMEM((d, h), jnp.bfloat16),
            pltpu.VMEM((h, h), jnp.bfloat16),
            pltpu.VMEM((h, o), jnp.bfloat16),
        ],
    )
    return pl.pallas_call(
        _mlp_body,
        grid_spec=grid_spec,
        out_shape=jax.ShapeDtypeStruct((p, o), jnp.float32),
        compiler_params=pltpu.CompilerParams(
            dimension_semantics=("arbitrary",)),
    )(te, xd, W1, b1, W2, b2, W3, b3)


def _make_combine(n, o, p):
    per_w = n // NW
    ch = 32
    n_ch = per_w // ch
    mesh = plsc.VectorSubcoreMesh(
        core_axis_name="c", subcore_axis_name="s",
        num_cores=NC, num_subcores=NS)

    def body(y_hbm, abi_hbm, abr_hbm, abg_hbm, cnt_hbm, out_hbm,
             abi_v, abr_v, abg_v, cnt_v,
             astart_v, d0i, d1i, buf0, buf1, sem0, sem1):
        wid = lax.axis_index("s") * NC + lax.axis_index("c")
        pltpu.sync_copy(abi_hbm.at[wid], abi_v)
        pltpu.sync_copy(abr_hbm.at[wid], abr_v)
        pltpu.sync_copy(abg_hbm.at[wid], abg_v)
        pltpu.sync_copy(cnt_hbm, cnt_v)
        _slot_dests(cnt_v, abi_v, abr_v, astart_v, d0i, d1i, per_w)
        for c in range(n_ch):
            ca = pltpu.async_copy(y_hbm.at[d0i.at[c]], buf0, sem0)
            cb = pltpu.async_copy(y_hbm.at[d1i.at[c]], buf1, sem1)
            ca.wait()
            cb.wait()

            def row_fma(r, _):
                t = c * ch + r
                g0b = plsc.load_gather(abg_v, [jnp.full((VEC,), t,
                                                        jnp.int32)])
                g1b = plsc.load_gather(abg_v, [jnp.full((VEC,), per_w + t,
                                                        jnp.int32)])
                for j in range(o // VEC):
                    sl = pl.ds(j * VEC, VEC)
                    buf0[r, sl] = buf0[r, sl] * g0b + buf1[r, sl] * g1b
                return 0

            lax.fori_loop(0, ch, row_fma, 0)
            pltpu.sync_copy(
                buf0, out_hbm.at[pl.ds(wid * per_w + c * ch, ch)])

    return pl.kernel(
        body,
        out_type=jax.ShapeDtypeStruct((n, o), jnp.float32),
        mesh=mesh,
        compiler_params=pltpu.CompilerParams(needs_layout_passes=False),
        scratch_types=[
            pltpu.VMEM((2 * per_w,), jnp.int32),
            pltpu.VMEM((2 * per_w,), jnp.int32),
            pltpu.VMEM((2 * per_w,), jnp.float32),
            pltpu.VMEM((VEC,), jnp.int32),
            pltpu.VMEM((VEC,), jnp.int32),
            pltpu.VMEM((n_ch, ch), jnp.int32),
            pltpu.VMEM((n_ch, ch), jnp.int32),
            pltpu.VMEM((ch, o), jnp.float32),
            pltpu.VMEM((ch, o), jnp.float32),
            pltpu.SemaphoreType.DMA,
            pltpu.SemaphoreType.DMA,
        ],
    )


def kernel(x, Wg, bg, W1, b1, W2, b2, W3, b3):
    n, d = x.shape
    e = Wg.shape[1]
    k = 2
    p = n * k + e * TILE
    o = W3.shape[2]

    abi, abr, abg, cnt16, te64 = _gating(x, Wg, bg)
    cnt16 = cnt16.reshape(VEC)
    nt = p // TILE
    te = te64.reshape(64)[:nt]

    xd = _make_dispatch(n, d, p)(x, abi, abr, cnt16)

    y = _mlp(te, xd, W1, b1, W2, b2, W3, b3)

    return _make_combine(n, o, p)(y, abi, abr, abg, cnt16)

# --- scband reference (transcript-rebuilt; emitter-appended) ---
"""Pipeline reference for scband-mo-e-32658931319292 (READ-ONLY COPY).

The authoritative reference and input builder live on the scoring server;
editing this copy changes nothing except your own understanding.
"""

import jax, jax.numpy as jnp
import numpy as np

E = 8
K = 2
D = 1024
H = 1024
O = 1024
N = 2048


def setup_inputs(seed: int = 0) -> dict:
    key = jax.random.key(seed)
    ks = jax.random.split(key, 8)
    return {
        "x": jax.random.normal(ks[0], (N, D), dtype=jnp.float32),
        "Wg": jax.random.normal(ks[1], (D, E), dtype=jnp.float32) * 0.02,
        "bg": jnp.zeros((E,), dtype=jnp.float32),
        "W1": jax.random.normal(ks[2], (E, D, H), dtype=jnp.float32) * 0.02,
        "b1": jnp.zeros((E, H), dtype=jnp.float32),
        "W2": jax.random.normal(ks[3], (E, H, H), dtype=jnp.float32) * 0.02,
        "b2": jnp.zeros((E, H), dtype=jnp.float32),
        "W3": jax.random.normal(ks[4], (E, H, O), dtype=jnp.float32) * 0.02,
        "b3": jnp.zeros((E, O), dtype=jnp.float32),
    }


def reference(x, Wg, bg, W1, b1, W2, b2, W3, b3):
    n, _ = x.shape
    # gating
    gating_logits = x @ Wg + bg
    top_k_gates, top_k_indices = jax.lax.top_k(gating_logits, K)
    top_k_gates = jax.nn.softmax(top_k_gates, axis=1)
    # flatten token->slot assignments (each token duplicated K times)
    x_flat = jnp.repeat(x, K, axis=0)                 # [n*K, D]
    expert_idx_flat = top_k_indices.reshape(-1)       # [n*K]
    gates_flat = top_k_gates.reshape(-1)              # [n*K]
    # Expert MLP: Linear(D,H)+ReLU, Linear(H,H)+ReLU, Linear(H,O)
    def expert_apply(w1, bb1, w2, bb2, w3, bb3):
        h = jax.nn.relu(x_flat @ w1 + bb1)
        h = jax.nn.relu(h @ w2 + bb2)
        return h @ w3 + bb3
    all_out = jax.vmap(expert_apply)(W1, b1, W2, b2, W3, b3)  # [E, n*K, O]
    # select the assigned expert's output per slot (mathematically identical to
    # the torch masked per-expert dispatch)
    oh = jax.nn.one_hot(expert_idx_flat, E, dtype=x.dtype)    # [n*K, E]
    expert_outputs_flat = jnp.einsum('ne,eno->no', oh, all_out)  # [n*K, O]
    weighted_outputs_flat = expert_outputs_flat * gates_flat[:, None]
    batch_idx = jnp.repeat(jnp.arange(n), K)
    final_output = jnp.zeros((n, O), dtype=x.dtype).at[batch_idx].add(weighted_outputs_flat)
    return final_output

if __name__ == "__main__":
    import jax
    _d = setup_inputs()
    print(jax.jit(kernel)(*tuple(_d.values())))

</pallas_src>

<mosaic_0001>
#map = affine_map<(d0, d1) -> (0, 0)>
#map1 = affine_map<(d0, d1) -> (0)>
module attributes {stable_mosaic.version = 14 : i64} {
  func.func @body(%arg0: i32, %arg1: i32, %arg2: memref<2048x1024xf32, #tpu.memory_space<hbm>>, %arg3: memref<32x128xi32, #tpu.memory_space<hbm>>, %arg4: memref<32x128xi32, #tpu.memory_space<hbm>>, %arg5: memref<16xi32, #tpu.memory_space<hbm>>, %arg6: memref<5120x1024xf32, #tpu.memory_space<hbm>>, %arg7: memref<128xi32, #tpu.memory_space<vmem>>, %arg8: memref<128xi32, #tpu.memory_space<vmem>>, %arg9: memref<16xi32, #tpu.memory_space<vmem>>, %arg10: memref<16xi32, #tpu.memory_space<vmem>>, %arg11: memref<2x32xi32, #tpu.memory_space<vmem>>, %arg12: memref<2x32xi32, #tpu.memory_space<vmem>>, %arg13: memref<64x1024xf32, #tpu.memory_space<vmem>>, %arg14: memref<!tpu.dma_semaphore, #tpu.memory_space<semaphore_mem>>, %arg15: memref<!tpu.dma_semaphore, #tpu.memory_space<semaphore_mem>>) attributes {dimension_semantics = [#tpu.dimension_semantics<core_parallel>, #tpu.dimension_semantics<subcore_parallel>], iteration_bounds = array<i64: 2, 16>, scalar_prefetch = 0 : i64, scratch_operands = 9 : i64, tpu.core_type = #tpu.core_type<sc_vector_subcore>, window_params = [{transform_indices = #map}, {transform_indices = #map}, {transform_indices = #map}, {transform_indices = #map1}, {transform_indices = #map}]} {
    %mul3A = arith.constant 2 : i32
    %mul3A_0 = arith.muli %arg1, %mul3A : i32
    %add3A = arith.addi %mul3A_0, %arg0 : i32
    %mul3A_1 = arith.constant 64 : i32
    %mul3A_2 = arith.muli %add3A, %mul3A_1 : i32
    %dma_start3A = arith.constant 0 : i32
    %dma_start3A_3 = tpu.memref_slice %arg2[%mul3A_2, %dma_start3A] : memref<2048x1024xf32, #tpu.memory_space<hbm>> -> memref<64x1024xf32, #tpu.memory_space<hbm>>
    %dma_start3A_4 = arith.constant 0 : i32
    %dma_start3A_5 = tpu.memref_slice %arg2[%mul3A_2, %dma_start3A_4] : memref<2048x1024xf32, #tpu.memory_space<hbm>> -> memref<64x1024xf32, #tpu.memory_space<hbm>>
    tpu.enqueue_dma source(%dma_start3A_5 : memref<64x1024xf32, #tpu.memory_space<hbm>>) target(%arg13 : memref<64x1024xf32, #tpu.memory_space<vmem>>) target_semaphore(%arg15 : memref<!tpu.dma_semaphore, #tpu.memory_space<semaphore_mem>>)
    "tpu.region"() ({
      %run_scoped3A = tpu.sem_alloc : memref<!tpu.dma_semaphore, #tpu.memory_space<semaphore_mem>>
      %dma_start3A_176 = arith.constant 0 : i32
      %dma_start3A_177 = tpu.memref_slice %arg3[%add3A, %dma_start3A_176] : memref<32x128xi32, #tpu.memory_space<hbm>> -> memref<1x128xi32, #tpu.memory_space<hbm>>
      %dma_start3A_178 = tpu.memref_squeeze %dma_start3A_177 : memref<1x128xi32, #tpu.memory_space<hbm>> -> memref<128xi32, #tpu.memory_space<hbm>>
      %dma_start3A_179 = arith.constant 0 : i32
      %dma_start3A_180 = tpu.memref_slice %arg3[%add3A, %dma_start3A_179] : memref<32x128xi32, #tpu.memory_space<hbm>> -> memref<1x128xi32, #tpu.memory_space<hbm>>
      %dma_start3A_181 = tpu.memref_squeeze %dma_start3A_180 : memref<1x128xi32, #tpu.memory_space<hbm>> -> memref<128xi32, #tpu.memory_space<hbm>>
      tpu.enqueue_dma source(%dma_start3A_181 : memref<128xi32, #tpu.memory_space<hbm>>) target(%arg7 : memref<128xi32, #tpu.memory_space<vmem>>) target_semaphore(%run_scoped3A : memref<!tpu.dma_semaphore, #tpu.memory_space<semaphore_mem>>)
      %dma_wait3A_182 = arith.constant 0 : i32
      %dma_wait3A_183 = tpu.memref_slice %arg3[%add3A, %dma_wait3A_182] : memref<32x128xi32, #tpu.memory_space<hbm>> -> memref<1x128xi32, #tpu.memory_space<hbm>>
      %dma_wait3A_184 = tpu.memref_squeeze %dma_wait3A_183 : memref<1x128xi32, #tpu.memory_space<hbm>> -> memref<128xi32, #tpu.memory_space<hbm>>
      %dma_wait3A_185 = arith.constant 0 : i32
      %dma_wait3A_186 = tpu.memref_slice %arg3[%add3A, %dma_wait3A_185] : memref<32x128xi32, #tpu.memory_space<hbm>> -> memref<1x128xi32, #tpu.memory_space<hbm>>
      %dma_wait3A_187 = tpu.memref_squeeze %dma_wait3A_186 : memref<1x128xi32, #tpu.memory_space<hbm>> -> memref<128xi32, #tpu.memory_space<hbm>>
      tpu.wait_dma2 semaphore(%run_scoped3A : memref<!tpu.dma_semaphore, #tpu.memory_space<semaphore_mem>>) src(%dma_wait3A_187 : memref<128xi32, #tpu.memory_space<hbm>>) dst(%arg7 : memref<128xi32, #tpu.memory_space<vmem>>)
      tpu.yield
    }) : () -> ()
    "tpu.region"() ({
      %run_scoped3A = tpu.sem_alloc : memref<!tpu.dma_semaphore, #tpu.memory_space<semaphore_mem>>
      %dma_start3A_176 = arith.constant 0 : i32
      %dma_start3A_177 = tpu.memref_slice %arg4[%add3A, %dma_start3A_176] : memref<32x128xi32, #tpu.memory_space<hbm>> -> memref<1x128xi32, #tpu.memory_space<hbm>>
      %dma_start3A_178 = tpu.memref_squeeze %dma_start3A_177 : memref<1x128xi32, #tpu.memory_space<hbm>> -> memref<128xi32, #tpu.memory_space<hbm>>
      %dma_start3A_179 = arith.constant 0 : i32
      %dma_start3A_180 = tpu.memref_slice %arg4[%add3A, %dma_start3A_179] : memref<32x128xi32, #tpu.memory_space<hbm>> -> memref<1x128xi32, #tpu.memory_space<hbm>>
      %dma_start3A_181 = tpu.memref_squeeze %dma_start3A_180 : memref<1x128xi32, #tpu.memory_space<hbm>> -> memref<128xi32, #tpu.memory_space<hbm>>
      tpu.enqueue_dma source(%dma_start3A_181 : memref<128xi32, #tpu.memory_space<hbm>>) target(%arg8 : memref<128xi32, #tpu.memory_space<vmem>>) target_semaphore(%run_scoped3A : memref<!tpu.dma_semaphore, #tpu.memory_space<semaphore_mem>>)
      %dma_wait3A_182 = arith.constant 0 : i32
      %dma_wait3A_183 = tpu.memref_slice %arg4[%add3A, %dma_wait3A_182] : memref<32x128xi32, #tpu.memory_space<hbm>> -> memref<1x128xi32, #tpu.memory_space<hbm>>
      %dma_wait3A_184 = tpu.memref_squeeze %dma_wait3A_183 : memref<1x128xi32, #tpu.memory_space<hbm>> -> memref<128xi32, #tpu.memory_space<hbm>>
      %dma_wait3A_185 = arith.constant 0 : i32
      %dma_wait3A_186 = tpu.memref_slice %arg4[%add3A, %dma_wait3A_185] : memref<32x128xi32, #tpu.memory_space<hbm>> -> memref<1x128xi32, #tpu.memory_space<hbm>>
      %dma_wait3A_187 = tpu.memref_squeeze %dma_wait3A_186 : memref<1x128xi32, #tpu.memory_space<hbm>> -> memref<128xi32, #tpu.memory_space<hbm>>
      tpu.wait_dma2 semaphore(%run_scoped3A : memref<!tpu.dma_semaphore, #tpu.memory_space<semaphore_mem>>) src(%dma_wait3A_187 : memref<128xi32, #tpu.memory_space<hbm>>) dst(%arg8 : memref<128xi32, #tpu.memory_space<vmem>>)
      tpu.yield
    }) : () -> ()
    "tpu.region"() ({
      %run_scoped3A = tpu.sem_alloc : memref<!tpu.dma_semaphore, #tpu.memory_space<semaphore_mem>>
      tpu.enqueue_dma source(%arg5 : memref<16xi32, #tpu.memory_space<hbm>>) target(%arg9 : memref<16xi32, #tpu.memory_space<vmem>>) target_semaphore(%run_scoped3A : memref<!tpu.dma_semaphore, #tpu.memory_space<semaphore_mem>>)
      tpu.wait_dma2 semaphore(%run_scoped3A : memref<!tpu.dma_semaphore, #tpu.memory_space<semaphore_mem>>) src(%arg5 : memref<16xi32, #tpu.memory_space<hbm>>) dst(%arg9 : memref<16xi32, #tpu.memory_space<vmem>>)
      tpu.yield
    }) : () -> ()
    %get3A = arith.constant 0 : index
    %get3A_6 = tpu.vector_load %arg9[%get3A] {strides = array<i32>} : memref<16xi32, #tpu.memory_space<vmem>>, vector<16xi32>,
    %add3A_7 = arith.constant 127 : i32
    %add3A_8 = vector.broadcast %add3A_7 : i32 to vector<16xi32>
    %add3A_9 = arith.addi %get3A_6, %add3A_8 : vector<16xi32>
    %and3A = arith.constant -128 : i32
    %and3A_10 = vector.broadcast %and3A : i32 to vector<16xi32>
    %and3A_11 = arith.andi %add3A_9, %and3A_10 : vector<16xi32>
    %broadcast_in_dim3A = arith.constant true
    %broadcast_in_dim3A_12 = vector.broadcast %broadcast_in_dim3A : i1 to vector<16xi1>
    %masked_cumsum3A = tpu.scan <sum>, %and3A_11 masked %broadcast_in_dim3A_12 : vector<16xi32>, vector<16xi1> -> vector<16xi32>
    %sub3A = arith.subi %masked_cumsum3A, %and3A_11 : vector<16xi32>
    %swap3A = arith.constant 0 : index
    %swap3A_13 = tpu.vector_load %arg10[%swap3A] {strides = array<i32>} : memref<16xi32, #tpu.memory_space<vmem>>, vector<16xi32>,
    tpu.vector_store %arg10[%swap3A], %sub3A {strides = array<i32>} : memref<16xi32, #tpu.memory_space<vmem>>, vector<16xi32>,
    %get3A_14 = arith.constant 0 : index
    %get3A_15 = tpu.vector_load %arg7[%get3A_14] {strides = array<i32>} : memref<128xi32, #tpu.memory_space<vmem>>, vector<16xi32>,
    %gather3A = tpu.vector_load_idx %arg10[%get3A_15] : memref<16xi32, #tpu.memory_space<vmem>>[vector<16xi32>], vector<16xi32>,
    %get3A_16 = arith.constant 0 : index
    %get3A_17 = tpu.vector_load %arg8[%get3A_16] {strides = array<i32>} : memref<128xi32, #tpu.memory_space<vmem>>, vector<16xi32>,
    %add3A_18 = arith.addi %gather3A, %get3A_17 : vector<16xi32>
    %swap3A_19 = arith.constant 0 : i32
    %swap3A_20 = arith.index_cast %swap3A_19 : i32 to index
    %swap3A_21 = arith.constant 0 : index
    %swap3A_22 = tpu.vector_load %arg11[%swap3A_20, %swap3A_21] {strides = array<i32>} : memref<2x32xi32, #tpu.memory_space<vmem>>, vector<16xi32>,
    tpu.vector_store %arg11[%swap3A_20, %swap3A_21], %add3A_18 {strides = array<i32>} : memref<2x32xi32, #tpu.memory_space<vmem>>, vector<16xi32>,
    %get3A_23 = arith.constant 64 : index
    %get3A_24 = tpu.vector_load %arg7[%get3A_23] {strides = array<i32>} : memref<128xi32, #tpu.memory_space<vmem>>, vector<16xi32>,
    %gather3A_25 = tpu.vector_load_idx %arg10[%get3A_24] : memref<16xi32, #tpu.memory_space<vmem>>[vector<16xi32>], vector<16xi32>,
    %get3A_26 = arith.constant 64 : index
    %get3A_27 = tpu.vector_load %arg8[%get3A_26] {strides = array<i32>} : memref<128xi32, #tpu.memory_space<vmem>>, vector<16xi32>,
    %add3A_28 = arith.addi %gather3A_25, %get3A_27 : vector<16xi32>
    %swap3A_29 = arith.constant 0 : i32
    %swap3A_30 = arith.index_cast %swap3A_29 : i32 to index
    %swap3A_31 = arith.constant 0 : index
    %swap3A_32 = tpu.vector_load %arg12[%swap3A_30, %swap3A_31] {strides = array<i32>} : memref<2x32xi32, #tpu.memory_space<vmem>>, vector<16xi32>,
    tpu.vector_store %arg12[%swap3A_30, %swap3A_31], %add3A_28 {strides = array<i32>} : memref<2x32xi32, #tpu.memory_space<vmem>>, vector<16xi32>,
    %get3A_33 = arith.constant 16 : index
    %get3A_34 = tpu.vector_load %arg7[%get3A_33] {strides = array<i32>} : memref<128xi32, #tpu.memory_space<vmem>>, vector<16xi32>,
    %gather3A_35 = tpu.vector_load_idx %arg10[%get3A_34] : memref<16xi32, #tpu.memory_space<vmem>>[vector<16xi32>], vector<16xi32>,
    %get3A_36 = arith.constant 16 : index
    %get3A_37 = tpu.vector_load %arg8[%get3A_36] {strides = array<i32>} : memref<128xi32, #tpu.memory_space<vmem>>, vector<16xi32>,
    %add3A_38 = arith.addi %gather3A_35, %get3A_37 : vector<16xi32>
    %swap3A_39 = arith.constant 0 : i32
    %swap3A_40 = arith.index_cast %swap3A_39 : i32 to index
    %swap3A_41 = arith.constant 16 : index
    %swap3A_42 = tpu.vector_load %arg11[%swap3A_40, %swap3A_41] {strides = array<i32>} : memref<2x32xi32, #tpu.memory_space<vmem>>, vector<16xi32>,
    tpu.vector_store %arg11[%swap3A_40, %swap3A_41], %add3A_38 {strides = array<i32>} : memref<2x32xi32, #tpu.memory_space<vmem>>, vector<16xi32>,
    %get3A_43 = arith.constant 80 : index
    %get3A_44 = tpu.vector_load %arg7[%get3A_43] {strides = array<i32>} : memref<128xi32, #tpu.memory_space<vmem>>, vector<16xi32>,
    %gather3A_45 = tpu.vector_load_idx %arg10[%get3A_44] : memref<16xi32, #tpu.memory_space<vmem>>[vector<16xi32>], vector<16xi32>,
    %get3A_46 = arith.constant 80 : index
    %get3A_47 = tpu.vector_load %arg8[%get3A_46] {strides = array<i32>} : memref<128xi32, #tpu.memory_space<vmem>>, vector<16xi32>,
    %add3A_48 = arith.addi %gather3A_45, %get3A_47 : vector<16xi32>
    %swap3A_49 = arith.constant 0 : i32
    %swap3A_50 = arith.index_cast %swap3A_49 : i32 to index
    %swap3A_51 = arith.constant 16 : index
    %swap3A_52 = tpu.vector_load %arg12[%swap3A_50, %swap3A_51] {strides = array<i32>} : memref<2x32xi32, #tpu.memory_space<vmem>>, vector<16xi32>,
    tpu.vector_store %arg12[%swap3A_50, %swap3A_51], %add3A_48 {strides = array<i32>} : memref<2x32xi32, #tpu.memory_space<vmem>>, vector<16xi32>,
    %get3A_53 = arith.constant 32 : index
    %get3A_54 = tpu.vector_load %arg7[%get3A_53] {strides = array<i32>} : memref<128xi32, #tpu.memory_space<vmem>>, vector<16xi32>,
    %gather3A_55 = tpu.vector_load_idx %arg10[%get3A_54] : memref<16xi32, #tpu.memory_space<vmem>>[vector<16xi32>], vector<16xi32>,
    %get3A_56 = arith.constant 32 : index
    %get3A_57 = tpu.vector_load %arg8[%get3A_56] {strides = array<i32>} : memref<128xi32, #tpu.memory_space<vmem>>, vector<16xi32>,
    %add3A_58 = arith.addi %gather3A_55, %get3A_57 : vector<16xi32>
    %swap3A_59 = arith.constant 1 : i32
    %swap3A_60 = arith.index_cast %swap3A_59 : i32 to index
    %swap3A_61 = arith.constant 0 : index
    %swap3A_62 = tpu.vector_load %arg11[%swap3A_60, %swap3A_61] {strides = array<i32>} : memref<2x32xi32, #tpu.memory_space<vmem>>, vector<16xi32>,
    tpu.vector_store %arg11[%swap3A_60, %swap3A_61], %add3A_58 {strides = array<i32>} : memref<2x32xi32, #tpu.memory_space<vmem>>, vector<16xi32>,
    %get3A_63 = arith.constant 96 : index
    %get3A_64 = tpu.vector_load %arg7[%get3A_63] {strides = array<i32>} : memref<128xi32, #tpu.memory_space<vmem>>, vector<16xi32>,
    %gather3A_65 = tpu.vector_load_idx %arg10[%get3A_64] : memref<16xi32, #tpu.memory_space<vmem>>[vector<16xi32>], vector<16xi32>,
    %get3A_66 = arith.constant 96 : index
    %get3A_67 = tpu.vector_load %arg8[%get3A_66] {strides = array<i32>} : memref<128xi32, #tpu.memory_space<vmem>>, vector<16xi32>,
    %add3A_68 = arith.addi %gather3A_65, %get3A_67 : vector<16xi32>
    %swap3A_69 = arith.constant 1 : i32
    %swap3A_70 = arith.index_cast %swap3A_69 : i32 to index
    %swap3A_71 = arith.constant 0 : index
    %swap3A_72 = tpu.vector_load %arg12[%swap3A_70, %swap3A_71] {strides = array<i32>} : memref<2x32xi32, #tpu.memory_space<vmem>>, vector<16xi32>,
    tpu.vector_store %arg12[%swap3A_70, %swap3A_71], %add3A_68 {strides = array<i32>} : memref<2x32xi32, #tpu.memory_space<vmem>>, vector<16xi32>,
    %get3A_73 = arith.constant 48 : index
    %get3A_74 = tpu.vector_load %arg7[%get3A_73] {strides = array<i32>} : memref<128xi32, #tpu.memory_space<vmem>>, vector<16xi32>,
    %gather3A_75 = tpu.vector_load_idx %arg10[%get3A_74] : memref<16xi32, #tpu.memory_space<vmem>>[vector<16xi32>], vector<16xi32>,
    %get3A_76 = arith.constant 48 : index
    %get3A_77 = tpu.vector_load %arg8[%get3A_76] {strides = array<i32>} : memref<128xi32, #tpu.memory_space<vmem>>, vector<16xi32>,
    %add3A_78 = arith.addi %gather3A_75, %get3A_77 : vector<16xi32>
    %swap3A_79 = arith.constant 1 : i32
    %swap3A_80 = arith.index_cast %swap3A_79 : i32 to index
    %swap3A_81 = arith.constant 16 : index
    %swap3A_82 = tpu.vector_load %arg11[%swap3A_80, %swap3A_81] {strides = array<i32>} : memref<2x32xi32, #tpu.memory_space<vmem>>, vector<16xi32>,
    tpu.vector_store %arg11[%swap3A_80, %swap3A_81], %add3A_78 {strides = array<i32>} : memref<2x32xi32, #tpu.memory_space<vmem>>, vector<16xi32>,
    %get3A_83 = arith.constant 112 : index
    %get3A_84 = tpu.vector_load %arg7[%get3A_83] {strides = array<i32>} : memref<128xi32, #tpu.memory_space<vmem>>, vector<16xi32>,
    %gather3A_85 = tpu.vector_load_idx %arg10[%get3A_84] : memref<16xi32, #tpu.memory_space<vmem>>[vector<16xi32>], vector<16xi32>,
    %get3A_86 = arith.constant 112 : index
    %get3A_87 = tpu.vector_load %arg8[%get3A_86] {strides = array<i32>} : memref<128xi32, #tpu.memory_space<vmem>>, vector<16xi32>,
    %add3A_88 = arith.addi %gather3A_85, %get3A_87 : vector<16xi32>
    %swap3A_89 = arith.constant 1 : i32
    %swap3A_90 = arith.index_cast %swap3A_89 : i32 to index
    %swap3A_91 = arith.constant 16 : index
    %swap3A_92 = tpu.vector_load %arg12[%swap3A_90, %swap3A_91] {strides = array<i32>} : memref<2x32xi32, #tpu.memory_space<vmem>>, vector<16xi32>,
    tpu.vector_store %arg12[%swap3A_90, %swap3A_91], %add3A_88 {strides = array<i32>} : memref<2x32xi32, #tpu.memory_space<vmem>>, vector<16xi32>,
    %dma_wait3A = arith.constant 0 : i32
    %dma_wait3A_93 = tpu.memref_slice %arg2[%mul3A_2, %dma_wait3A] : memref<2048x1024xf32, #tpu.memory_space<hbm>> -> memref<64x1024xf32, #tpu.memory_space<hbm>>
    %dma_wait3A_94 = arith.constant 0 : i32
    %dma_wait3A_95 = tpu.memref_slice %arg2[%mul3A_2, %dma_wait3A_94] : memref<2048x1024xf32, #tpu.memory_space<hbm>> -> memref<64x1024xf32, #tpu.memory_space<hbm>>
    tpu.wait_dma2 semaphore(%arg15 : memref<!tpu.dma_semaphore, #tpu.memory_space<semaphore_mem>>) src(%dma_wait3A_95 : memref<64x1024xf32, #tpu.memory_space<hbm>>) dst(%arg13 : memref<64x1024xf32, #tpu.memory_space<vmem>>)
    %dma_start3A_96 = arith.constant 0 : i32
    %dma_start3A_97 = arith.constant 0 : i32
    %dma_start3A_98 = arith.constant 0 : i32
    %dma_start3A_99 = tpu.memref_slice %arg13[%dma_start3A_97, %dma_start3A_98] : memref<64x1024xf32, #tpu.memory_space<vmem>> -> memref<32x1024xf32, #tpu.memory_space<vmem>>
    %dma_start3A_100 = arith.constant 0 : i32
    %dma_start3A_101 = tpu.memref_slice %arg11[%dma_start3A_96, %dma_start3A_100] : memref<2x32xi32, #tpu.memory_space<vmem>> -> memref<1x32xi32, #tpu.memory_space<vmem>>
    %dma_start3A_102 = tpu.memref_squeeze %dma_start3A_101 : memref<1x32xi32, #tpu.memory_space<vmem>> -> memref<32xi32, #tpu.memory_space<vmem>>
    %dma_start3A_103 = arith.constant 0 : i32
    %dma_start3A_104 = arith.constant 0 : i32
    %dma_start3A_105 = tpu.memref_slice %arg6[%dma_start3A_103, %dma_start3A_104] : memref<5120x1024xf32, #tpu.memory_space<hbm>> -> memref<5120x1024xf32, #tpu.memory_space<hbm>>
    tpu.enqueue_indirect_dma source(%dma_start3A_99 : memref<32x1024xf32, #tpu.memory_space<vmem>>) target(%dma_start3A_105 : memref<5120x1024xf32, #tpu.memory_space<hbm>>) offsets(%dma_start3A_102 : memref<32xi32, #tpu.memory_space<vmem>>) semaphore(%arg14 : memref<!tpu.dma_semaphore, #tpu.memory_space<semaphore_mem>>)
    %dma_start3A_106 = arith.constant 0 : i32
    %dma_start3A_107 = arith.constant 0 : i32
    %dma_start3A_108 = arith.constant 0 : i32
    %dma_start3A_109 = tpu.memref_slice %arg13[%dma_start3A_107, %dma_start3A_108] : memref<64x1024xf32, #tpu.memory_space<vmem>> -> memref<32x1024xf32, #tpu.memory_space<vmem>>
    %dma_start3A_110 = arith.constant 0 : i32
    %dma_start3A_111 = tpu.memref_slice %arg12[%dma_start3A_106, %dma_start3A_110] : memref<2x32xi32, #tpu.memory_space<vmem>> -> memref<1x32xi32, #tpu.memory_space<vmem>>
    %dma_start3A_112 = tpu.memref_squeeze %dma_start3A_111 : memref<1x32xi32, #tpu.memory_space<vmem>> -> memref<32xi32, #tpu.memory_space<vmem>>
    %dma_start3A_113 = arith.constant 0 : i32
    %dma_start3A_114 = arith.constant 0 : i32
    %dma_start3A_115 = tpu.memref_slice %arg6[%dma_start3A_113, %dma_start3A_114] : memref<5120x1024xf32, #tpu.memory_space<hbm>> -> memref<5120x1024xf32, #tpu.memory_space<hbm>>
    tpu.enqueue_indirect_dma source(%dma_start3A_109 : memref<32x1024xf32, #tpu.memory_space<vmem>>) target(%dma_start3A_115 : memref<5120x1024xf32, #tpu.memory_space<hbm>>) offsets(%dma_start3A_112 : memref<32xi32, #tpu.memory_space<vmem>>) semaphore(%arg14 : memref<!tpu.dma_semaphore, #tpu.memory_space<semaphore_mem>>)
    %dma_start3A_116 = arith.constant 1 : i32
    %dma_start3A_117 = arith.constant 32 : i32
    %dma_start3A_118 = arith.constant 0 : i32
    %dma_start3A_119 = tpu.memref_slice %arg13[%dma_start3A_117, %dma_start3A_118] : memref<64x1024xf32, #tpu.memory_space<vmem>> -> memref<32x1024xf32, #tpu.memory_space<vmem>>
    %dma_start3A_120 = arith.constant 0 : i32
    %dma_start3A_121 = tpu.memref_slice %arg11[%dma_start3A_116, %dma_start3A_120] : memref<2x32xi32, #tpu.memory_space<vmem>> -> memref<1x32xi32, #tpu.memory_space<vmem>>
    %dma_start3A_122 = tpu.memref_squeeze %dma_start3A_121 : memref<1x32xi32, #tpu.memory_space<vmem>> -> memref<32xi32, #tpu.memory_space<vmem>>
    %dma_start3A_123 = arith.constant 0 : i32
    %dma_start3A_124 = arith.constant 0 : i32
    %dma_start3A_125 = tpu.memref_slice %arg6[%dma_start3A_123, %dma_start3A_124] : memref<5120x1024xf32, #tpu.memory_space<hbm>> -> memref<5120x1024xf32, #tpu.memory_space<hbm>>
    tpu.enqueue_indirect_dma source(%dma_start3A_119 : memref<32x1024xf32, #tpu.memory_space<vmem>>) target(%dma_start3A_125 : memref<5120x1024xf32, #tpu.memory_space<hbm>>) offsets(%dma_start3A_122 : memref<32xi32, #tpu.memory_space<vmem>>) semaphore(%arg14 : memref<!tpu.dma_semaphore, #tpu.memory_space<semaphore_mem>>)
    %dma_start3A_126 = arith.constant 1 : i32
    %dma_start3A_127 = arith.constant 32 : i32
    %dma_start3A_128 = arith.constant 0 : i32
    %dma_start3A_129 = tpu.memref_slice %arg13[%dma_start3A_127, %dma_start3A_128] : memref<64x1024xf32, #tpu.memory_space<vmem>> -> memref<32x1024xf32, #tpu.memory_space<vmem>>
    %dma_start3A_130 = arith.constant 0 : i32
    %dma_start3A_131 = tpu.memref_slice %arg12[%dma_start3A_126, %dma_start3A_130] : memref<2x32xi32, #tpu.memory_space<vmem>> -> memref<1x32xi32, #tpu.memory_space<vmem>>
    %dma_start3A_132 = tpu.memref_squeeze %dma_start3A_131 : memref<1x32xi32, #tpu.memory_space<vmem>> -> memref<32xi32, #tpu.memory_space<vmem>>
    %dma_start3A_133 = arith.constant 0 : i32
    %dma_start3A_134 = arith.constant 0 : i32
    %dma_start3A_135 = tpu.memref_slice %arg6[%dma_start3A_133, %dma_start3A_134] : memref<5120x1024xf32, #tpu.memory_space<hbm>> -> memref<5120x1024xf32, #tpu.memory_space<hbm>>
    tpu.enqueue_indirect_dma source(%dma_start3A_129 : memref<32x1024xf32, #tpu.memory_space<vmem>>) target(%dma_start3A_135 : memref<5120x1024xf32, #tpu.memory_space<hbm>>) offsets(%dma_start3A_132 : memref<32xi32, #tpu.memory_space<vmem>>) semaphore(%arg14 : memref<!tpu.dma_semaphore, #tpu.memory_space<semaphore_mem>>)
    %dma_wait3A_136 = arith.constant 0 : i32
    %dma_wait3A_137 = arith.constant 0 : i32
    %dma_wait3A_138 = arith.constant 0 : i32
    %dma_wait3A_139 = tpu.memref_slice %arg13[%dma_wait3A_137, %dma_wait3A_138] : memref<64x1024xf32, #tpu.memory_space<vmem>> -> memref<32x1024xf32, #tpu.memory_space<vmem>>
    %dma_wait3A_140 = arith.constant 0 : i32
    %dma_wait3A_141 = tpu.memref_slice %arg11[%dma_wait3A_136, %dma_wait3A_140] : memref<2x32xi32, #tpu.memory_space<vmem>> -> memref<1x32xi32, #tpu.memory_space<vmem>>
    %dma_wait3A_142 = tpu.memref_squeeze %dma_wait3A_141 : memref<1x32xi32, #tpu.memory_space<vmem>> -> memref<32xi32, #tpu.memory_space<vmem>>
    %dma_wait3A_143 = arith.constant 0 : i32
    %dma_wait3A_144 = arith.constant 0 : i32
    %dma_wait3A_145 = tpu.memref_slice %arg6[%dma_wait3A_143, %dma_wait3A_144] : memref<5120x1024xf32, #tpu.memory_space<hbm>> -> memref<5120x1024xf32, #tpu.memory_space<hbm>>
    tpu.wait_indirect_dma semaphore(%arg14 : memref<!tpu.dma_semaphore, #tpu.memory_space<semaphore_mem>>) src(%dma_wait3A_139 : memref<32x1024xf32, #tpu.memory_space<vmem>>) dst(%dma_wait3A_145 : memref<5120x1024xf32, #tpu.memory_space<hbm>>)
    %dma_wait3A_146 = arith.constant 0 : i32
    %dma_wait3A_147 = arith.constant 0 : i32
    %dma_wait3A_148 = arith.constant 0 : i32
    %dma_wait3A_149 = tpu.memref_slice %arg13[%dma_wait3A_147, %dma_wait3A_148] : memref<64x1024xf32, #tpu.memory_space<vmem>> -> memref<32x1024xf32, #tpu.memory_space<vmem>>
    %dma_wait3A_150 = arith.constant 0 : i32
    %dma_wait3A_151 = tpu.memref_slice %arg12[%dma_wait3A_146, %dma_wait3A_150] : memref<2x32xi32, #tpu.memory_space<vmem>> -> memref<1x32xi32, #tpu.memory_space<vmem>>
    %dma_wait3A_152 = tpu.memref_squeeze %dma_wait3A_151 : memref<1x32xi32, #tpu.memory_space<vmem>> -> memref<32xi32, #tpu.memory_space<vmem>>
    %dma_wait3A_153 = arith.constant 0 : i32
    %dma_wait3A_154 = arith.constant 0 : i32
    %dma_wait3A_155 = tpu.memref_slice %arg6[%dma_wait3A_153, %dma_wait3A_154] : memref<5120x1024xf32, #tpu.memory_space<hbm>> -> memref<5120x1024xf32, #tpu.memory_space<hbm>>
    tpu.wait_indirect_dma semaphore(%arg14 : memref<!tpu.dma_semaphore, #tpu.memory_space<semaphore_mem>>) src(%dma_wait3A_149 : memref<32x1024xf32, #tpu.memory_space<vmem>>) dst(%dma_wait3A_155 : memref<5120x1024xf32, #tpu.memory_space<hbm>>)
    %dma_wait3A_156 = arith.constant 1 : i32
    %dma_wait3A_157 = arith.constant 32 : i32
    %dma_wait3A_158 = arith.constant 0 : i32
    %dma_wait3A_159 = tpu.memref_slice %arg13[%dma_wait3A_157, %dma_wait3A_158] : memref<64x1024xf32, #tpu.memory_space<vmem>> -> memref<32x1024xf32, #tpu.memory_space<vmem>>
    %dma_wait3A_160 = arith.constant 0 : i32
    %dma_wait3A_161 = tpu.memref_slice %arg11[%dma_wait3A_156, %dma_wait3A_160] : memref<2x32xi32, #tpu.memory_space<vmem>> -> memref<1x32xi32, #tpu.memory_space<vmem>>
    %dma_wait3A_162 = tpu.memref_squeeze %dma_wait3A_161 : memref<1x32xi32, #tpu.memory_space<vmem>> -> memref<32xi32, #tpu.memory_space<vmem>>
    %dma_wait3A_163 = arith.constant 0 : i32
    %dma_wait3A_164 = arith.constant 0 : i32
    %dma_wait3A_165 = tpu.memref_slice %arg6[%dma_wait3A_163, %dma_wait3A_164] : memref<5120x1024xf32, #tpu.memory_space<hbm>> -> memref<5120x1024xf32, #tpu.memory_space<hbm>>
    tpu.wait_indirect_dma semaphore(%arg14 : memref<!tpu.dma_semaphore, #tpu.memory_space<semaphore_mem>>) src(%dma_wait3A_159 : memref<32x1024xf32, #tpu.memory_space<vmem>>) dst(%dma_wait3A_165 : memref<5120x1024xf32, #tpu.memory_space<hbm>>)
    %dma_wait3A_166 = arith.constant 1 : i32
    %dma_wait3A_167 = arith.constant 32 : i32
    %dma_wait3A_168 = arith.constant 0 : i32
    %dma_wait3A_169 = tpu.memref_slice %arg13[%dma_wait3A_167, %dma_wait3A_168] : memref<64x1024xf32, #tpu.memory_space<vmem>> -> memref<32x1024xf32, #tpu.memory_space<vmem>>
    %dma_wait3A_170 = arith.constant 0 : i32
    %dma_wait3A_171 = tpu.memref_slice %arg12[%dma_wait3A_166, %dma_wait3A_170] : memref<2x32xi32, #tpu.memory_space<vmem>> -> memref<1x32xi32, #tpu.memory_space<vmem>>
    %dma_wait3A_172 = tpu.memref_squeeze %dma_wait3A_171 : memref<1x32xi32, #tpu.memory_space<vmem>> -> memref<32xi32, #tpu.memory_space<vmem>>
    %dma_wait3A_173 = arith.constant 0 : i32
    %dma_wait3A_174 = arith.constant 0 : i32
    %dma_wait3A_175 = tpu.memref_slice %arg6[%dma_wait3A_173, %dma_wait3A_174] : memref<5120x1024xf32, #tpu.memory_space<hbm>> -> memref<5120x1024xf32, #tpu.memory_space<hbm>>
    tpu.wait_indirect_dma semaphore(%arg14 : memref<!tpu.dma_semaphore, #tpu.memory_space<semaphore_mem>>) src(%dma_wait3A_169 : memref<32x1024xf32, #tpu.memory_space<vmem>>) dst(%dma_wait3A_175 : memref<5120x1024xf32, #tpu.memory_space<hbm>>)
    return
  }
}

#map = affine_map<(d0, d1) -> (0, 0)>
#map1 = affine_map<(d0, d1) -> (0)>
module attributes {stable_mosaic.version = 14 : i64} {
  func.func @body(%arg0: i32, %arg1: i32, %arg2: memref<5120x1024xf32, #tpu.memory_space<hbm>>, %arg3: memref<32x128xi32, #tpu.memory_space<hbm>>, %arg4: memref<32x128xi32, #tpu.memory_space<hbm>>, %arg5: memref<32x128xf32, #tpu.memory_space<hbm>>, %arg6: memref<16xi32, #tpu.memory_space<hbm>>, %arg7: memref<2048x1024xf32, #tpu.memory_space<hbm>>, %arg8: memref<128xi32, #tpu.memory_space<vmem>>, %arg9: memref<128xi32, #tpu.memory_space<vmem>>, %arg10: memref<128xf32, #tpu.memory_space<vmem>>, %arg11: memref<16xi32, #tpu.memory_space<vmem>>, %arg12: memref<16xi32, #tpu.memory_space<vmem>>, %arg13: memref<2x32xi32, #tpu.memory_space<vmem>>, %arg14: memref<2x32xi32, #tpu.memory_space<vmem>>, %arg15: memref<32x1024xf32, #tpu.memory_space<vmem>>, %arg16: memref<32x1024xf32, #tpu.memory_space<vmem>>, %arg17: memref<!tpu.dma_semaphore, #tpu.memory_space<semaphore_mem>>, %arg18: memref<!tpu.dma_semaphore, #tpu.memory_space<semaphore_mem>>) attributes {dimension_semantics = [#tpu.dimension_semantics<core_parallel>, #tpu.dimension_semantics<subcore_parallel>], iteration_bounds = array<i64: 2, 16>, scalar_prefetch = 0 : i64, scratch_operands = 11 : i64, tpu.core_type = #tpu.core_type<sc_vector_subcore>, window_params = [{transform_indices = #map}, {transform_indices = #map}, {transform_indices = #map}, {transform_indices = #map}, {transform_indices = #map1}, {transform_indices = #map}]} {
    %mul3A = arith.constant 2 : i32
    %mul3A_0 = arith.muli %arg1, %mul3A : i32
    %add3A = arith.addi %mul3A_0, %arg0 : i32
    "tpu.region"() ({
      %run_scoped3A = tpu.sem_alloc : memref<!tpu.dma_semaphore, #tpu.memory_space<semaphore_mem>>
      %dma_start3A_163 = arith.constant 0 : i32
      %dma_start3A_164 = tpu.memref_slice %arg3[%add3A, %dma_start3A_163] : memref<32x128xi32, #tpu.memory_space<hbm>> -> memref<1x128xi32, #tpu.memory_space<hbm>>
      %dma_start3A_165 = tpu.memref_squeeze %dma_start3A_164 : memref<1x128xi32, #tpu.memory_space<hbm>> -> memref<128xi32, #tpu.memory_space<hbm>>
      %dma_start3A_166 = arith.constant 0 : i32
      %dma_start3A_167 = tpu.memref_slice %arg3[%add3A, %dma_start3A_166] : memref<32x128xi32, #tpu.memory_space<hbm>> -> memref<1x128xi32, #tpu.memory_space<hbm>>
      %dma_start3A_168 = tpu.memref_squeeze %dma_start3A_167 : memref<1x128xi32, #tpu.memory_space<hbm>> -> memref<128xi32, #tpu.memory_space<hbm>>
      tpu.enqueue_dma source(%dma_start3A_168 : memref<128xi32, #tpu.memory_space<hbm>>) target(%arg8 : memref<128xi32, #tpu.memory_space<vmem>>) target_semaphore(%run_scoped3A : memref<!tpu.dma_semaphore, #tpu.memory_space<semaphore_mem>>)
      %dma_wait3A_169 = arith.constant 0 : i32
      %dma_wait3A_170 = tpu.memref_slice %arg3[%add3A, %dma_wait3A_169] : memref<32x128xi32, #tpu.memory_space<hbm>> -> memref<1x128xi32, #tpu.memory_space<hbm>>
      %dma_wait3A_171 = tpu.memref_squeeze %dma_wait3A_170 : memref<1x128xi32, #tpu.memory_space<hbm>> -> memref<128xi32, #tpu.memory_space<hbm>>
      %dma_wait3A_172 = arith.constant 0 : i32
      %dma_wait3A_173 = tpu.memref_slice %arg3[%add3A, %dma_wait3A_172] : memref<32x128xi32, #tpu.memory_space<hbm>> -> memref<1x128xi32, #tpu.memory_space<hbm>>
      %dma_wait3A_174 = tpu.memref_squeeze %dma_wait3A_173 : memref<1x128xi32, #tpu.memory_space<hbm>> -> memref<128xi32, #tpu.memory_space<hbm>>
      tpu.wait_dma2 semaphore(%run_scoped3A : memref<!tpu.dma_semaphore, #tpu.memory_space<semaphore_mem>>) src(%dma_wait3A_174 : memref<128xi32, #tpu.memory_space<hbm>>) dst(%arg8 : memref<128xi32, #tpu.memory_space<vmem>>)
      tpu.yield
    }) : () -> ()
    "tpu.region"() ({
      %run_scoped3A = tpu.sem_alloc : memref<!tpu.dma_semaphore, #tpu.memory_space<semaphore_mem>>
      %dma_start3A_163 = arith.constant 0 : i32
      %dma_start3A_164 = tpu.memref_slice %arg4[%add3A, %dma_start3A_163] : memref<32x128xi32, #tpu.memory_space<hbm>> -> memref<1x128xi32, #tpu.memory_space<hbm>>
      %dma_start3A_165 = tpu.memref_squeeze %dma_start3A_164 : memref<1x128xi32, #tpu.memory_space<hbm>> -> memref<128xi32, #tpu.memory_space<hbm>>
      %dma_start3A_166 = arith.constant 0 : i32
      %dma_start3A_167 = tpu.memref_slice %arg4[%add3A, %dma_start3A_166] : memref<32x128xi32, #tpu.memory_space<hbm>> -> memref<1x128xi32, #tpu.memory_space<hbm>>
      %dma_start3A_168 = tpu.memref_squeeze %dma_start3A_167 : memref<1x128xi32, #tpu.memory_space<hbm>> -> memref<128xi32, #tpu.memory_space<hbm>>
      tpu.enqueue_dma source(%dma_start3A_168 : memref<128xi32, #tpu.memory_space<hbm>>) target(%arg9 : memref<128xi32, #tpu.memory_space<vmem>>) target_semaphore(%run_scoped3A : memref<!tpu.dma_semaphore, #tpu.memory_space<semaphore_mem>>)
      %dma_wait3A_169 = arith.constant 0 : i32
      %dma_wait3A_170 = tpu.memref_slice %arg4[%add3A, %dma_wait3A_169] : memref<32x128xi32, #tpu.memory_space<hbm>> -> memref<1x128xi32, #tpu.memory_space<hbm>>
      %dma_wait3A_171 = tpu.memref_squeeze %dma_wait3A_170 : memref<1x128xi32, #tpu.memory_space<hbm>> -> memref<128xi32, #tpu.memory_space<hbm>>
      %dma_wait3A_172 = arith.constant 0 : i32
      %dma_wait3A_173 = tpu.memref_slice %arg4[%add3A, %dma_wait3A_172] : memref<32x128xi32, #tpu.memory_space<hbm>> -> memref<1x128xi32, #tpu.memory_space<hbm>>
      %dma_wait3A_174 = tpu.memref_squeeze %dma_wait3A_173 : memref<1x128xi32, #tpu.memory_space<hbm>> -> memref<128xi32, #tpu.memory_space<hbm>>
      tpu.wait_dma2 semaphore(%run_scoped3A : memref<!tpu.dma_semaphore, #tpu.memory_space<semaphore_mem>>) src(%dma_wait3A_174 : memref<128xi32, #tpu.memory_space<hbm>>) dst(%arg9 : memref<128xi32, #tpu.memory_space<vmem>>)
      tpu.yield
    }) : () -> ()
    "tpu.region"() ({
      %run_scoped3A = tpu.sem_alloc : memref<!tpu.dma_semaphore, #tpu.memory_space<semaphore_mem>>
      %dma_start3A_163 = arith.constant 0 : i32
      %dma_start3A_164 = tpu.memref_slice %arg5[%add3A, %dma_start3A_163] : memref<32x128xf32, #tpu.memory_space<hbm>> -> memref<1x128xf32, #tpu.memory_space<hbm>>
      %dma_start3A_165 = tpu.memref_squeeze %dma_start3A_164 : memref<1x128xf32, #tpu.memory_space<hbm>> -> memref<128xf32, #tpu.memory_space<hbm>>
      %dma_start3A_166 = arith.constant 0 : i32
      %dma_start3A_167 = tpu.memref_slice %arg5[%add3A, %dma_start3A_166] : memref<32x128xf32, #tpu.memory_space<hbm>> -> memref<1x128xf32, #tpu.memory_space<hbm>>
      %dma_start3A_168 = tpu.memref_squeeze %dma_start3A_167 : memref<1x128xf32, #tpu.memory_space<hbm>> -> memref<128xf32, #tpu.memory_space<hbm>>
      tpu.enqueue_dma source(%dma_start3A_168 : memref<128xf32, #tpu.memory_space<hbm>>) target(%arg10 : memref<128xf32, #tpu.memory_space<vmem>>) target_semaphore(%run_scoped3A : memref<!tpu.dma_semaphore, #tpu.memory_space<semaphore_mem>>)
      %dma_wait3A_169 = arith.constant 0 : i32
      %dma_wait3A_170 = tpu.memref_slice %arg5[%add3A, %dma_wait3A_169] : memref<32x128xf32, #tpu.memory_space<hbm>> -> memref<1x128xf32, #tpu.memory_space<hbm>>
      %dma_wait3A_171 = tpu.memref_squeeze %dma_wait3A_170 : memref<1x128xf32, #tpu.memory_space<hbm>> -> memref<128xf32, #tpu.memory_space<hbm>>
      %dma_wait3A_172 = arith.constant 0 : i32
      %dma_wait3A_173 = tpu.memref_slice %arg5[%add3A, %dma_wait3A_172] : memref<32x128xf32, #tpu.memory_space<hbm>> -> memref<1x128xf32, #tpu.memory_space<hbm>>
      %dma_wait3A_174 = tpu.memref_squeeze %dma_wait3A_173 : memref<1x128xf32, #tpu.memory_space<hbm>> -> memref<128xf32, #tpu.memory_space<hbm>>
      tpu.wait_dma2 semaphore(%run_scoped3A : memref<!tpu.dma_semaphore, #tpu.memory_space<semaphore_mem>>) src(%dma_wait3A_174 : memref<128xf32, #tpu.memory_space<hbm>>) dst(%arg10 : memref<128xf32, #tpu.memory_space<vmem>>)
      tpu.yield
    }) : () -> ()
    "tpu.region"() ({
      %run_scoped3A = tpu.sem_alloc : memref<!tpu.dma_semaphore, #tpu.memory_space<semaphore_mem>>
      tpu.enqueue_dma source(%arg6 : memref<16xi32, #tpu.memory_space<hbm>>) target(%arg11 : memref<16xi32, #tpu.memory_space<vmem>>) target_semaphore(%run_scoped3A : memref<!tpu.dma_semaphore, #tpu.memory_space<semaphore_mem>>)
      tpu.wait_dma2 semaphore(%run_scoped3A : memref<!tpu.dma_semaphore, #tpu.memory_space<semaphore_mem>>) src(%arg6 : memref<16xi32, #tpu.memory_space<hbm>>) dst(%arg11 : memref<16xi32, #tpu.memory_space<vmem>>)
      tpu.yield
    }) : () -> ()
    %get3A = arith.constant 0 : index
    %get3A_1 = tpu.vector_load %arg11[%get3A] {strides = array<i32>} : memref<16xi32, #tpu.memory_space<vmem>>, vector<16xi32>,
    %add3A_2 = arith.constant 127 : i32
    %add3A_3 = vector.broadcast %add3A_2 : i32 to vector<16xi32>
    %add3A_4 = arith.addi %get3A_1, %add3A_3 : vector<16xi32>
    %and3A = arith.constant -128 : i32
    %and3A_5 = vector.broadcast %and3A : i32 to vector<16xi32>
    %and3A_6 = arith.andi %add3A_4, %and3A_5 : vector<16xi32>
    %broadcast_in_dim3A = arith.constant true
    %broadcast_in_dim3A_7 = vector.broadcast %broadcast_in_dim3A : i1 to vector<16xi1>
    %masked_cumsum3A = tpu.scan <sum>, %and3A_6 masked %broadcast_in_dim3A_7 : vector<16xi32>, vector<16xi1> -> vector<16xi32>
    %sub3A = arith.subi %masked_cumsum3A, %and3A_6 : vector<16xi32>
    %swap3A = arith.constant 0 : index
    %swap3A_8 = tpu.vector_load %arg12[%swap3A] {strides = array<i32>} : memref<16xi32, #tpu.memory_space<vmem>>, vector<16xi32>,
    tpu.vector_store %arg12[%swap3A], %sub3A {strides = array<i32>} : memref<16xi32, #tpu.memory_space<vmem>>, vector<16xi32>,
    %get3A_9 = arith.constant 0 : index
    %get3A_10 = tpu.vector_load %arg8[%get3A_9] {strides = array<i32>} : memref<128xi32, #tpu.memory_space<vmem>>, vector<16xi32>,
    %gather3A = tpu.vector_load_idx %arg12[%get3A_10] : memref<16xi32, #tpu.memory_space<vmem>>[vector<16xi32>], vector<16xi32>,
    %get3A_11 = arith.constant 0 : index
    %get3A_12 = tpu.vector_load %arg9[%get3A_11] {strides = array<i32>} : memref<128xi32, #tpu.memory_space<vmem>>, vector<16xi32>,
    %add3A_13 = arith.addi %gather3A, %get3A_12 : vector<16xi32>
    %swap3A_14 = arith.constant 0 : i32
    %swap3A_15 = arith.index_cast %swap3A_14 : i32 to index
    %swap3A_16 = arith.constant 0 : index
    %swap3A_17 = tpu.vector_load %arg13[%swap3A_15, %swap3A_16] {strides = array<i32>} : memref<2x32xi32, #tpu.memory_space<vmem>>, vector<16xi32>,
    tpu.vector_store %arg13[%swap3A_15, %swap3A_16], %add3A_13 {strides = array<i32>} : memref<2x32xi32, #tpu.memory_space<vmem>>, vector<16xi32>,
    %get3A_18 = arith.constant 64 : index
    %get3A_19 = tpu.vector_load %arg8[%get3A_18] {strides = array<i32>} : memref<128xi32, #tpu.memory_space<vmem>>, vector<16xi32>,
    %gather3A_20 = tpu.vector_load_idx %arg12[%get3A_19] : memref<16xi32, #tpu.memory_space<vmem>>[vector<16xi32>], vector<16xi32>,
    %get3A_21 = arith.constant 64 : index
    %get3A_22 = tpu.vector_load %arg9[%get3A_21] {strides = array<i32>} : memref<128xi32, #tpu.memory_space<vmem>>, vector<16xi32>,
    %add3A_23 = arith.addi %gather3A_20, %get3A_22 : vector<16xi32>
    %swap3A_24 = arith.constant 0 : i32
    %swap3A_25 = arith.index_cast %swap3A_24 : i32 to index
    %swap3A_26 = arith.constant 0 : index
    %swap3A_27 = tpu.vector_load %arg14[%swap3A_25, %swap3A_26] {strides = array<i32>} : memref<2x32xi32, #tpu.memory_space<vmem>>, vector<16xi32>,
    tpu.vector_store %arg14[%swap3A_25, %swap3A_26], %add3A_23 {strides = array<i32>} : memref<2x32xi32, #tpu.memory_space<vmem>>, vector<16xi32>,
    %get3A_28 = arith.constant 16 : index
    %get3A_29 = tpu.vector_load %arg8[%get3A_28] {strides = array<i32>} : memref<128xi32, #tpu.memory_space<vmem>>, vector<16xi32>,
    %gather3A_30 = tpu.vector_load_idx %arg12[%get3A_29] : memref<16xi32, #tpu.memory_space<vmem>>[vector<16xi32>], vector<16xi32>,
    %get3A_31 = arith.constant 16 : index
    %get3A_32 = tpu.vector_load %arg9[%get3A_31] {strides = array<i32>} : memref<128xi32, #tpu.memory_space<vmem>>, vector<16xi32>,
    %add3A_33 = arith.addi %gather3A_30, %get3A_32 : vector<16xi32>
    %swap3A_34 = arith.constant 0 : i32
    %swap3A_35 = arith.index_cast %swap3A_34 : i32 to index
    %swap3A_36 = arith.constant 16 : index
    %swap3A_37 = tpu.vector_load %arg13[%swap3A_35, %swap3A_36] {strides = array<i32>} : memref<2x32xi32, #tpu.memory_space<vmem>>, vector<16xi32>,
    tpu.vector_store %arg13[%swap3A_35, %swap3A_36], %add3A_33 {strides = array<i32>} : memref<2x32xi32, #tpu.memory_space<vmem>>, vector<16xi32>,
    %get3A_38 = arith.constant 80 : index
    %get3A_39 = tpu.vector_load %arg8[%get3A_38] {strides = array<i32>} : memref<128xi32, #tpu.memory_space<vmem>>, vector<16xi32>,
    %gather3A_40 = tpu.vector_load_idx %arg12[%get3A_39] : memref<16xi32, #tpu.memory_space<vmem>>[vector<16xi32>], vector<16xi32>,
    %get3A_41 = arith.constant 80 : index
    %get3A_42 = tpu.vector_load %arg9[%get3A_41] {strides = array<i32>} : memref<128xi32, #tpu.memory_space<vmem>>, vector<16xi32>,
    %add3A_43 = arith.addi %gather3A_40, %get3A_42 : vector<16xi32>
    %swap3A_44 = arith.constant 0 : i32
    %swap3A_45 = arith.index_cast %swap3A_44 : i32 to index
    %swap3A_46 = arith.constant 16 : index
    %swap3A_47 = tpu.vector_load %arg14[%swap3A_45, %swap3A_46] {strides = array<i32>} : memref<2x32xi32, #tpu.memory_space<vmem>>, vector<16xi32>,
    tpu.vector_store %arg14[%swap3A_45, %swap3A_46], %add3A_43 {strides = array<i32>} : memref<2x32xi32, #tpu.memory_space<vmem>>, vector<16xi32>,
    %get3A_48 = arith.constant 32 : index
    %get3A_49 = tpu.vector_load %arg8[%get3A_48] {strides = array<i32>} : memref<128xi32, #tpu.memory_space<vmem>>, vector<16xi32>,
    %gather3A_50 = tpu.vector_load_idx %arg12[%get3A_49] : memref<16xi32, #tpu.memory_space<vmem>>[vector<16xi32>], vector<16xi32>,
    %get3A_51 = arith.constant 32 : index
    %get3A_52 = tpu.vector_load %arg9[%get3A_51] {strides = array<i32>} : memref<128xi32, #tpu.memory_space<vmem>>, vector<16xi32>,
    %add3A_53 = arith.addi %gather3A_50, %get3A_52 : vector<16xi32>
    %swap3A_54 = arith.constant 1 : i32
    %swap3A_55 = arith.index_cast %swap3A_54 : i32 to index
    %swap3A_56 = arith.constant 0 : index
    %swap3A_57 = tpu.vector_load %arg13[%swap3A_55, %swap3A_56] {strides = array<i32>} : memref<2x32xi32, #tpu.memory_space<vmem>>, vector<16xi32>,
    tpu.vector_store %arg13[%swap3A_55, %swap3A_56], %add3A_53 {strides = array<i32>} : memref<2x32xi32, #tpu.memory_space<vmem>>, vector<16xi32>,
    %get3A_58 = arith.constant 96 : index
    %get3A_59 = tpu.vector_load %arg8[%get3A_58] {strides = array<i32>} : memref<128xi32, #tpu.memory_space<vmem>>, vector<16xi32>,
    %gather3A_60 = tpu.vector_load_idx %arg12[%get3A_59] : memref<16xi32, #tpu.memory_space<vmem>>[vector<16xi32>], vector<16xi32>,
    %get3A_61 = arith.constant 96 : index
    %get3A_62 = tpu.vector_load %arg9[%get3A_61] {strides = array<i32>} : memref<128xi32, #tpu.memory_space<vmem>>, vector<16xi32>,
    %add3A_63 = arith.addi %gather3A_60, %get3A_62 : vector<16xi32>
    %swap3A_64 = arith.constant 1 : i32
    %swap3A_65 = arith.index_cast %swap3A_64 : i32 to index
    %swap3A_66 = arith.constant 0 : index
    %swap3A_67 = tpu.vector_load %arg14[%swap3A_65, %swap3A_66] {strides = array<i32>} : memref<2x32xi32, #tpu.memory_space<vmem>>, vector<16xi32>,
    tpu.vector_store %arg14[%swap3A_65, %swap3A_66], %add3A_63 {strides = array<i32>} : memref<2x32xi32, #tpu.memory_space<vmem>>, vector<16xi32>,
    %get3A_68 = arith.constant 48 : index
    %get3A_69 = tpu.vector_load %arg8[%get3A_68] {strides = array<i32>} : memref<128xi32, #tpu.memory_space<vmem>>, vector<16xi32>,
    %gather3A_70 = tpu.vector_load_idx %arg12[%get3A_69] : memref<16xi32, #tpu.memory_space<vmem>>[vector<16xi32>], vector<16xi32>,
    %get3A_71 = arith.constant 48 : index
    %get3A_72 = tpu.vector_load %arg9[%get3A_71] {strides = array<i32>} : memref<128xi32, #tpu.memory_space<vmem>>, vector<16xi32>,
    %add3A_73 = arith.addi %gather3A_70, %get3A_72 : vector<16xi32>
    %swap3A_74 = arith.constant 1 : i32
    %swap3A_75 = arith.index_cast %swap3A_74 : i32 to index
    %swap3A_76 = arith.constant 16 : index
    %swap3A_77 = tpu.vector_load %arg13[%swap3A_75, %swap3A_76] {strides = array<i32>} : memref<2x32xi32, #tpu.memory_space<vmem>>, vector<16xi32>,
    tpu.vector_store %arg13[%swap3A_75, %swap3A_76], %add3A_73 {strides = array<i32>} : memref<2x32xi32, #tpu.memory_space<vmem>>, vector<16xi32>,
    %get3A_78 = arith.constant 112 : index
    %get3A_79 = tpu.vector_load %arg8[%get3A_78] {strides = array<i32>} : memref<128xi32, #tpu.memory_space<vmem>>, vector<16xi32>,
    %gather3A_80 = tpu.vector_load_idx %arg12[%get3A_79] : memref<16xi32, #tpu.memory_space<vmem>>[vector<16xi32>], vector<16xi32>,
    %get3A_81 = arith.constant 112 : index
    %get3A_82 = tpu.vector_load %arg9[%get3A_81] {strides = array<i32>} : memref<128xi32, #tpu.memory_space<vmem>>, vector<16xi32>,
    %add3A_83 = arith.addi %gather3A_80, %get3A_82 : vector<16xi32>
    %swap3A_84 = arith.constant 1 : i32
    %swap3A_85 = arith.index_cast %swap3A_84 : i32 to index
    %swap3A_86 = arith.constant 16 : index
    %swap3A_87 = tpu.vector_load %arg14[%swap3A_85, %swap3A_86] {strides = array<i32>} : memref<2x32xi32, #tpu.memory_space<vmem>>, vector<16xi32>,
    tpu.vector_store %arg14[%swap3A_85, %swap3A_86], %add3A_83 {strides = array<i32>} : memref<2x32xi32, #tpu.memory_space<vmem>>, vector<16xi32>,
    %dma_start3A = arith.constant 0 : i32
    %dma_start3A_88 = arith.constant 0 : i32
    %dma_start3A_89 = tpu.memref_slice %arg13[%dma_start3A, %dma_start3A_88] : memref<2x32xi32, #tpu.memory_space<vmem>> -> memref<1x32xi32, #tpu.memory_space<vmem>>
    %dma_start3A_90 = tpu.memref_squeeze %dma_start3A_89 : memref<1x32xi32, #tpu.memory_space<vmem>> -> memref<32xi32, #tpu.memory_space<vmem>>
    %dma_start3A_91 = arith.constant 0 : i32
    %dma_start3A_92 = arith.constant 0 : i32
    %dma_start3A_93 = tpu.memref_slice %arg2[%dma_start3A_91, %dma_start3A_92] : memref<5120x1024xf32, #tpu.memory_space<hbm>> -> memref<5120x1024xf32, #tpu.memory_space<hbm>>
    tpu.enqueue_indirect_dma source(%dma_start3A_93 : memref<5120x1024xf32, #tpu.memory_space<hbm>>) target(%arg15 : memref<32x1024xf32, #tpu.memory_space<vmem>>) offsets(%dma_start3A_90 : memref<32xi32, #tpu.memory_space<vmem>>) semaphore(%arg17 : memref<!tpu.dma_semaphore, #tpu.memory_space<semaphore_mem>>)
    %dma_start3A_94 = arith.constant 0 : i32
    %dma_start3A_95 = arith.constant 0 : i32
    %dma_start3A_96 = tpu.memref_slice %arg14[%dma_start3A_94, %dma_start3A_95] : memref<2x32xi32, #tpu.memory_space<vmem>> -> memref<1x32xi32, #tpu.memory_space<vmem>>
    %dma_start3A_97 = tpu.memref_squeeze %dma_start3A_96 : memref<1x32xi32, #tpu.memory_space<vmem>> -> memref<32xi32, #tpu.memory_space<vmem>>
    %dma_start3A_98 = arith.constant 0 : i32
    %dma_start3A_99 = arith.constant 0 : i32
    %dma_start3A_100 = tpu.memref_slice %arg2[%dma_start3A_98, %dma_start3A_99] : memref<5120x1024xf32, #tpu.memory_space<hbm>> -> memref<5120x1024xf32, #tpu.memory_space<hbm>>
    tpu.enqueue_indirect_dma source(%dma_start3A_100 : memref<5120x1024xf32, #tpu.memory_space<hbm>>) target(%arg16 : memref<32x1024xf32, #tpu.memory_space<vmem>>) offsets(%dma_start3A_97 : memref<32xi32, #tpu.memory_space<vmem>>) semaphore(%arg18 : memref<!tpu.dma_semaphore, #tpu.memory_space<semaphore_mem>>)
    %dma_wait3A = arith.constant 0 : i32
    %dma_wait3A_101 = arith.constant 0 : i32
    %dma_wait3A_102 = tpu.memref_slice %arg13[%dma_wait3A, %dma_wait3A_101] : memref<2x32xi32, #tpu.memory_space<vmem>> -> memref<1x32xi32, #tpu.memory_space<vmem>>
    %dma_wait3A_103 = tpu.memref_squeeze %dma_wait3A_102 : memref<1x32xi32, #tpu.memory_space<vmem>> -> memref<32xi32, #tpu.memory_space<vmem>>
    %dma_wait3A_104 = arith.constant 0 : i32
    %dma_wait3A_105 = arith.constant 0 : i32
    %dma_wait3A_106 = tpu.memref_slice %arg2[%dma_wait3A_104, %dma_wait3A_105] : memref<5120x1024xf32, #tpu.memory_space<hbm>> -> memref<5120x1024xf32, #tpu.memory_space<hbm>>
    tpu.wait_indirect_dma semaphore(%arg17 : memref<!tpu.dma_semaphore, #tpu.memory_space<semaphore_mem>>) src(%dma_wait3A_106 : memref<5120x1024xf32, #tpu.memory_space<hbm>>) dst(%arg15 : memref<32x1024xf32, #tpu.memory_space<vmem>>)
    %dma_wait3A_107 = arith.constant 0 : i32
    %dma_wait3A_108 = arith.constant 0 : i32
    %dma_wait3A_109 = tpu.memref_slice %arg14[%dma_wait3A_107, %dma_wait3A_108] : memref<2x32xi32, #tpu.memory_space<vmem>> -> memref<1x32xi32, #tpu.memory_space<vmem>>
    %dma_wait3A_110 = tpu.memref_squeeze %dma_wait3A_109 : memref<1x32xi32, #tpu.memory_space<vmem>> -> memref<32xi32, #tpu.memory_space<vmem>>
    %dma_wait3A_111 = arith.constant 0 : i32
    %dma_wait3A_112 = arith.constant 0 : i32
    %dma_wait3A_113 = tpu.memref_slice %arg2[%dma_wait3A_111, %dma_wait3A_112] : memref<5120x1024xf32, #tpu.memory_space<hbm>> -> memref<5120x1024xf32, #tpu.memory_space<hbm>>
    tpu.wait_indirect_dma semaphore(%arg18 : memref<!tpu.dma_semaphore, #tpu.memory_space<semaphore_mem>>) src(%dma_wait3A_113 : memref<5120x1024xf32, #tpu.memory_space<hbm>>) dst(%arg16 : memref<32x1024xf32, #tpu.memory_space<vmem>>)
    %scan3A = arith.constant 0 : i32
    %scan3A_114 = arith.constant 0 : i32
    %scan3A_115 = arith.constant 32 : i32
    %scan3A_116 = arith.addi %scan3A_114, %scan3A_115 : i32
    %scan3A_117 = arith.constant 1 : i32
    %scan3A_118 = scf.for %scan3A_163 = %scan3A_114 to %scan3A_116 step %scan3A_117 iter_args(%scan3A_164 = %scan3A) -> (i32)  : i32 {
      %add3A_165 = arith.constant 0 : i32
      %add3A_166 = arith.addi %add3A_165, %scan3A_163 : i32
      %broadcast_in_dim3A_167 = vector.broadcast %add3A_166 : i32 to vector<16xi32>
      %gather3A_168 = tpu.vector_load_idx %arg10[%broadcast_in_dim3A_167] : memref<128xf32, #tpu.memory_space<vmem>>[vector<16xi32>], vector<16xf32>,
      %add3A_169 = arith.constant 64 : i32
      %add3A_170 = arith.addi %add3A_169, %add3A_166 : i32
      %broadcast_in_dim3A_171 = vector.broadcast %add3A_170 : i32 to vector<16xi32>
      %gather3A_172 = tpu.vector_load_idx %arg10[%broadcast_in_dim3A_171] : memref<128xf32, #tpu.memory_space<vmem>>[vector<16xi32>], vector<16xf32>,
      %get3A_173 = arith.index_cast %scan3A_163 : i32 to index
      %get3A_174 = arith.constant 0 : index
      %get3A_175 = tpu.vector_load %arg15[%get3A_173, %get3A_174] {strides = array<i32>} : memref<32x1024xf32, #tpu.memory_space<vmem>>, vector<16xf32>,
      %mul3A_176 = arith.mulf %get3A_175, %gather3A_168 : vector<16xf32>
      %get3A_177 = arith.index_cast %scan3A_163 : i32 to index
      %get3A_178 = arith.constant 0 : index
      %get3A_179 = tpu.vector_load %arg16[%get3A_177, %get3A_178] {strides = array<i32>} : memref<32x1024xf32, #tpu.memory_space<vmem>>, vector<16xf32>,
      %mul3A_180 = arith.mulf %get3A_179, %gather3A_172 : vector<16xf32>
      %add3A_181 = arith.addf %mul3A_176, %mul3A_180 : vector<16xf32>
      %swap3A_182 = arith.index_cast %scan3A_163 : i32 to index
      %swap3A_183 = arith.constant 0 : index
      %swap3A_184 = tpu.vector_load %arg15[%swap3A_182, %swap3A_183] {strides = array<i32>} : memref<32x1024xf32, #tpu.memory_space<vmem>>, vector<16xf32>,
      tpu.vector_store %arg15[%swap3A_182, %swap3A_183], %add3A_181 {strides = array<i32>} : memref<32x1024xf32, #tpu.memory_space<vmem>>, vector<16xf32>,
      %get3A_185 = arith.index_cast %scan3A_163 : i32 to index
      %get3A_186 = arith.constant 16 : index
      %get3A_187 = tpu.vector_load %arg15[%get3A_185, %get3A_186] {strides = array<i32>} : memref<32x1024xf32, #tpu.memory_space<vmem>>, vector<16xf32>,
      %mul3A_188 = arith.mulf %get3A_187, %gather3A_168 : vector<16xf32>
      %get3A_189 = arith.index_cast %scan3A_163 : i32 to index
      %get3A_190 = arith.constant 16 : index
      %get3A_191 = tpu.vector_load %arg16[%get3A_189, %get3A_190] {strides = array<i32>} : memref<32x1024xf32, #tpu.memory_space<vmem>>, vector<16xf32>,
      %mul3A_192 = arith.mulf %get3A_191, %gather3A_172 : vector<16xf32>
      %add3A_193 = arith.addf %mul3A_188, %mul3A_192 : vector<16xf32>
      %swap3A_194 = arith.index_cast %scan3A_163 : i32 to index
      %swap3A_195 = arith.constant 16 : index
      %swap3A_196 = tpu.vector_load %arg15[%swap3A_194, %swap3A_195] {strides = array<i32>} : memref<32x1024xf32, #tpu.memory_space<vmem>>, vector<16xf32>,
      tpu.vector_store %arg15[%swap3A_194, %swap3A_195], %add3A_193 {strides = array<i32>} : memref<32x1024xf32, #tpu.memory_space<vmem>>, vector<16xf32>,
      %get3A_197 = arith.index_cast %scan3A_163 : i32 to index
      %get3A_198 = arith.constant 32 : index
      %get3A_199 = tpu.vector_load %arg15[%get3A_197, %get3A_198] {strides = array<i32>} : memref<32x1024xf32, #tpu.memory_space<vmem>>, vector<16xf32>,
      %mul3A_200 = arith.mulf %get3A_199, %gather3A_168 : vector<16xf32>
      %get3A_201 = arith.index_cast %scan3A_163 : i32 to index
      %get3A_202 = arith.constant 32 : index
      %get3A_203 = tpu.vector_load %arg16[%get3A_201, %get3A_202] {strides = array<i32>} : memref<32x1024xf32, #tpu.memory_space<vmem>>, vector<16xf32>,
      %mul3A_204 = arith.mulf %get3A_203, %gather3A_172 : vector<16xf32>
      %add3A_205 = arith.addf %mul3A_200, %mul3A_204 : vector<16xf32>
      %swap3A_206 = arith.index_cast %scan3A_163 : i32 to index
      %swap3A_207 = arith.constant 32 : index
      %swap3A_208 = tpu.vector_load %arg15[%swap3A_206, %swap3A_207] {strides = array<i32>} : memref<32x1024xf32, #tpu.memory_space<vmem>>, vector<16xf32>,
      tpu.vector_store %arg15[%swap3A_206, %swap3A_207], %add3A_205 {strides = array<i32>} : memref<32x1024xf32, #tpu.memory_space<vmem>>, vector<16xf32>,
      %get3A_209 = arith.index_cast %scan3A_163 : i32 to index
      %get3A_210 = arith.constant 48 : index
      %get3A_211 = tpu.vector_load %arg15[%get3A_209, %get3A_210] {strides = array<i32>} : memref<32x1024xf32, #tpu.memory_space<vmem>>, vector<16xf32>,
      %mul3A_212 = arith.mulf %get3A_211, %gather3A_168 : vector<16xf32>
      %get3A_213 = arith.index_cast %scan3A_163 : i32 to index
      %get3A_214 = arith.constant 48 : index
      %get3A_215 = tpu.vector_load %arg16[%get3A_213, %get3A_214] {strides = array<i32>} : memref<32x1024xf32, #tpu.memory_space<vmem>>, vector<16xf32>,
      %mul3A_216 = arith.mulf %get3A_215, %gather3A_172 : vector<16xf32>
      %add3A_217 = arith.addf %mul3A_212, %mul3A_216 : vector<16xf32>
      %swap3A_218 = arith.index_cast %scan3A_163 : i32 to index
      %swap3A_219 = arith.constant 48 : index
      %swap3A_220 = tpu.vector_load %arg15[%swap3A_218, %swap3A_219] {strides = array<i32>} : memref<32x1024xf32, #tpu.memory_space<vmem>>, vector<16xf32>,
      tpu.vector_store %arg15[%swap3A_218, %swap3A_219], %add3A_217 {strides = array<i32>} : memref<32x1024xf32, #tpu.memory_space<vmem>>, vector<16xf32>,
      %get3A_221 = arith.index_cast %scan3A_163 : i32 to index
      %get3A_222 = arith.constant 64 : index
      %get3A_223 = tpu.vector_load %arg15[%get3A_221, %get3A_222] {strides = array<i32>} : memref<32x1024xf32, #tpu.memory_space<vmem>>, vector<16xf32>,
      %mul3A_224 = arith.mulf %get3A_223, %gather3A_168 : vector<16xf32>
      %get3A_225 = arith.index_cast %scan3A_163 : i32 to index
      %get3A_226 = arith.constant 64 : index
      %get3A_227 = tpu.vector_load %arg16[%get3A_225, %get3A_226] {strides = array<i32>} : memref<32x1024xf32, #tpu.memory_space<vmem>>, vector<16xf32>,
      %mul3A_228 = arith.mulf %get3A_227, %gather3A_172 : vector<16xf32>
      %add3A_229 = arith.addf %mul3A_224, %mul3A_228 : vector<16xf32>
      %swap3A_230 = arith.index_cast %scan3A_163 : i32 to index
      %swap3A_231 = arith.constant 64 : index
      %swap3A_232 = tpu.vector_load %arg15[%swap3A_230, %swap3A_231] {strides = array<i32>} : memref<32x1024xf32, #tpu.memory_space<vmem>>, vector<16xf32>,
      tpu.vector_store %arg15[%swap3A_230, %swap3A_231], %add3A_229 {strides = array<i32>} : memref<32x1024xf32, #tpu.memory_space<vmem>>, vector<16xf32>,
      %get3A_233 = arith.index_cast %scan3A_163 : i32 to index
      %get3A_234 = arith.constant 80 : index
      %get3A_235 = tpu.vector_load %arg15[%get3A_233, %get3A_234] {strides = array<i32>} : memref<32x1024xf32, #tpu.memory_space<vmem>>, vector<16xf32>,
      %mul3A_236 = arith.mulf %get3A_235, %gather3A_168 : vector<16xf32>
      %get3A_237 = arith.index_cast %scan3A_163 : i32 to index
      %get3A_238 = arith.constant 80 : index
      %get3A_239 = tpu.vector_load %arg16[%get3A_237, %get3A_238] {strides = array<i32>} : memref<32x1024xf32, #tpu.memory_space<vmem>>, vector<16xf32>,
      %mul3A_240 = arith.mulf %get3A_239, %gather3A_172 : vector<16xf32>
      %add3A_241 = arith.addf %mul3A_236, %mul3A_240 : vector<16xf32>
      %swap3A_242 = arith.index_cast %scan3A_163 : i32 to index
      %swap3A_243 = arith.constant 80 : index
      %swap3A_244 = tpu.vector_load %arg15[%swap3A_242, %swap3A_243] {strides = array<i32>} : memref<32x1024xf32, #tpu.memory_space<vmem>>, vector<16xf32>,
      tpu.vector_store %arg15[%swap3A_242, %swap3A_243], %add3A_241 {strides = array<i32>} : memref<32x1024xf32, #tpu.memory_space<vmem>>, vector<16xf32>,
      %get3A_245 = arith.index_cast %scan3A_163 : i32 to index
      %get3A_246 = arith.constant 96 : index
      %get3A_247 = tpu.vector_load %arg15[%get3A_245, %get3A_246] {strides = array<i32>} : memref<32x1024xf32, #tpu.memory_space<vmem>>, vector<16xf32>,
      %mul3A_248 = arith.mulf %get3A_247, %gather3A_168 : vector<16xf32>
      %get3A_249 = arith.index_cast %scan3A_163 : i32 to index
      %get3A_250 = arith.constant 96 : index
      %get3A_251 = tpu.vector_load %arg16[%get3A_249, %get3A_250] {strides = array<i32>} : memref<32x1024xf32, #tpu.memory_space<vmem>>, vector<16xf32>,
      %mul3A_252 = arith.mulf %get3A_251, %gather3A_172 : vector<16xf32>
      %add3A_253 = arith.addf %mul3A_248, %mul3A_252 : vector<16xf32>
      %swap3A_254 = arith.index_cast %scan3A_163 : i32 to index
      %swap3A_255 = arith.constant 96 : index
      %swap3A_256 = tpu.vector_load %arg15[%swap3A_254, %swap3A_255] {strides = array<i32>} : memref<32x1024xf32, #tpu.memory_space<vmem>>, vector<16xf32>,
      tpu.vector_store %arg15[%swap3A_254, %swap3A_255], %add3A_253 {strides = array<i32>} : memref<32x1024xf32, #tpu.memory_space<vmem>>, vector<16xf32>,
      %get3A_257 = arith.index_cast %scan3A_163 : i32 to index
      %get3A_258 = arith.constant 112 : index
      %get3A_259 = tpu.vector_load %arg15[%get3A_257, %get3A_258] {strides = array<i32>} : memref<32x1024xf32, #tpu.memory_space<vmem>>, vector<16xf32>,
      %mul3A_260 = arith.mulf %get3A_259, %gather3A_168 : vector<16xf32>
      %get3A_261 = arith.index_cast %scan3A_163 : i32 to index
      %get3A_262 = arith.constant 112 : index
      %get3A_263 = tpu.vector_load %arg16[%get3A_261, %get3A_262] {strides = array<i32>} : memref<32x1024xf32, #tpu.memory_space<vmem>>, vector<16xf32>,
      %mul3A_264 = arith.mulf %get3A_263, %gather3A_172 : vector<16xf32>
      %add3A_265 = arith.addf %mul3A_260, %mul3A_264 : vector<16xf32>
      %swap3A_266 = arith.index_cast %scan3A_163 : i32 to index
      %swap3A_267 = arith.constant 112 : index
      %swap3A_268 = tpu.vector_load %arg15[%swap3A_266, %swap3A_267] {strides = array<i32>} : memref<32x1024xf32, #tpu.memory_space<vmem>>, vector<16xf32>,
      tpu.vector_store %arg15[%swap3A_266, %swap3A_267], %add3A_265 {strides = array<i32>} : memref<32x1024xf32, #tpu.memory_space<vmem>>, vector<16xf32>,
      %get3A_269 = arith.index_cast %scan3A_163 : i32 to index
      %get3A_270 = arith.constant 128 : index
      %get3A_271 = tpu.vector_load %arg15[%get3A_269, %get3A_270] {strides = array<i32>} : memref<32x1024xf32, #tpu.memory_space<vmem>>, vector<16xf32>,
      %mul3A_272 = arith.mulf %get3A_271, %gather3A_168 : vector<16xf32>
      %get3A_273 = arith.index_cast %scan3A_163 : i32 to index
      %get3A_274 = arith.constant 128 : index
      %get3A_275 = tpu.vector_load %arg16[%get3A_273, %get3A_274] {strides = array<i32>} : memref<32x1024xf32, #tpu.memory_space<vmem>>, vector<16xf32>,
      %mul3A_276 = arith.mulf %get3A_275, %gather3A_172 : vector<16xf32>
      %add3A_277 = arith.addf %mul3A_272, %mul3A_276 : vector<16xf32>
      %swap3A_278 = arith.index_cast %scan3A_163 : i32 to index
      %swap3A_279 = arith.constant 128 : index
      %swap3A_280 = tpu.vector_load %arg15[%swap3A_278, %swap3A_279] {strides = array<i32>} : memref<32x1024xf32, #tpu.memory_space<vmem>>, vector<16xf32>,
      tpu.vector_store %arg15[%swap3A_278, %swap3A_279], %add3A_277 {strides = array<i32>} : memref<32x1024xf32, #tpu.memory_space<vmem>>, vector<16xf32>,
      %get3A_281 = arith.index_cast %scan3A_163 : i32 to index
      %get3A_282 = arith.constant 144 : index
      %get3A_283 = tpu.vector_load %arg15[%get3A_281, %get3A_282] {strides = array<i32>} : memref<32x1024xf32, #tpu.memory_space<vmem>>, vector<16xf32>,
      %mul3A_284 = arith.mulf %get3A_283, %gather3A_168 : vector<16xf32>
      %get3A_285 = arith.index_cast %scan3A_163 : i32 to index
      %get3A_286 = arith.constant 144 : index
      %get3A_287 = tpu.vector_load %arg16[%get3A_285, %get3A_286] {strides = array<i32>} : memref<32x1024xf32, #tpu.memory_space<vmem>>, vector<16xf32>,
      %mul3A_288 = arith.mulf %get3A_287, %gather3A_172 : vector<16xf32>
      %add3A_289 = arith.addf %mul3A_284, %mul3A_288 : vector<16xf32>
      %swap3A_290 = arith.index_cast %scan3A_163 : i32 to index
      %swap3A_291 = arith.constant 144 : index
      %swap3A_292 = tpu.vector_load %arg15[%swap3A_290, %swap3A_291] {strides = array<i32>} : memref<32x1024xf32, #tpu.memory_space<vmem>>, vector<16xf32>,
      tpu.vector_store %arg15[%swap3A_290, %swap3A_291], %add3A_289 {strides = array<i32>} : memref<32x1024xf32, #tpu.memory_space<vmem>>, vector<16xf32>,
      %get3A_293 = arith.index_cast %scan3A_163 : i32 to index
      %get3A_294 = arith.constant 160 : index
      %get3A_295 = tpu.vector_load %arg15[%get3A_293, %get3A_294] {strides = array<i32>} : memref<32x1024xf32, #tpu.memory_space<vmem>>, vector<16xf32>,
      %mul3A_296 = arith.mulf %get3A_295, %gather3A_168 : vector<16xf32>
      %get3A_297 = arith.index_cast %scan3A_163 : i32 to index
      %get3A_298 = arith.constant 160 : index
      %get3A_299 = tpu.vector_load %arg16[%get3A_297, %get3A_298] {strides = array<i32>} : memref<32x1024xf32, #tpu.memory_space<vmem>>, vector<16xf32>,
      %mul3A_300 = arith.mulf %get3A_299, %gather3A_172 : vector<16xf32>
      %add3A_301 = arith.addf %mul3A_296, %mul3A_300 : vector<16xf32>
      %swap3A_302 = arith.index_cast %scan3A_163 : i32 to index
      %swap3A_303 = arith.constant 160 : index
      %swap3A_304 = tpu.vector_load %arg15[%swap3A_302, %swap3A_303] {strides = array<i32>} : memref<32x1024xf32, #tpu.memory_space<vmem>>, vector<16xf32>,
      tpu.vector_store %arg15[%swap3A_302, %swap3A_303], %add3A_301 {strides = array<i32>} : memref<32x1024xf32, #tpu.memory_space<vmem>>, vector<16xf32>,
      %get3A_305 = arith.index_cast %scan3A_163 : i32 to index
      %get3A_306 = arith.constant 176 : index
      %get3A_307 = tpu.vector_load %arg15[%get3A_305, %get3A_306] {strides = array<i32>} : memref<32x1024xf32, #tpu.memory_space<vmem>>, vector<16xf32>,
      %mul3A_308 = arith.mulf %get3A_307, %gather3A_168 : vector<16xf32>
      %get3A_309 = arith.index_cast %scan3A_163 : i32 to index
      %get3A_310 = arith.constant 176 : index
      %get3A_311 = tpu.vector_load %arg16[%get3A_309, %get3A_310] {strides = array<i32>} : memref<32x1024xf32, #tpu.memory_space<vmem>>, vector<16xf32>,
      %mul3A_312 = arith.mulf %get3A_311, %gather3A_172 : vector<16xf32>
      %add3A_313 = arith.addf %mul3A_308, %mul3A_312 : vector<16xf32>
      %swap3A_314 = arith.index_cast %scan3A_163 : i32 to index
      %swap3A_315 = arith.constant 176 : index
      %swap3A_316 = tpu.vector_load %arg15[%swap3A_314, %swap3A_315] {strides = array<i32>} : memref<32x1024xf32, #tpu.memory_space<vmem>>, vector<16xf32>,
      tpu.vector_store %arg15[%swap3A_314, %swap3A_315], %add3A_313 {strides = array<i32>} : memref<32x1024xf32, #tpu.memory_space<vmem>>, vector<16xf32>,
      %get3A_317 = arith.index_cast %scan3A_163 : i32 to index
      %get3A_318 = arith.constant 192 : index
      %get3A_319 = tpu.vector_load %arg15[%get3A_317, %get3A_318] {strides = array<i32>} : memref<32x1024xf32, #tpu.memory_space<vmem>>, vector<16xf32>,
      %mul3A_320 = arith.mulf %get3A_319, %gather3A_168 : vector<16xf32>
      %get3A_321 = arith.index_cast %scan3A_163 : i32 to index
      %get3A_322 = arith.constant 192 : index
      %get3A_323 = tpu.vector_load %arg16[%get3A_321, %get3A_322] {strides = array<i32>} : memref<32x1024xf32, #tpu.memory_space<vmem>>, vector<16xf32>,
      %mul3A_324 = arith.mulf %get3A_323, %gather3A_172 : vector<16xf32>
      %add3A_325 = arith.addf %mul3A_320, %mul3A_324 : vector<16xf32>
      %swap3A_326 = arith.index_cast %scan3A_163 : i32 to index
      %swap3A_327 = arith.constant 192 : index
      %swap3A_328 = tpu.vector_load %arg15[%swap3A_326, %swap3A_327] {strides = array<i32>} : memref<32x1024xf32, #tpu.memory_space<vmem>>, vector<16xf32>,
      tpu.vector_store %arg15[%swap3A_326, %swap3A_327], %add3A_325 {strides = array<i32>} : memref<32x1024xf32, #tpu.memory_space<vmem>>, vector<16xf32>,
      %get3A_329 = arith.index_cast %scan3A_163 : i32 to index
      %get3A_330 = arith.constant 208 : index
      %get3A_331 = tpu.vector_load %arg15[%get3A_329, %get3A_330] {strides = array<i32>} : memref<32x1024xf32, #tpu.memory_space<vmem>>, vector<16xf32>,
      %mul3A_332 = arith.mulf %get3A_331, %gather3A_168 : vector<16xf32>
      %get3A_333 = arith.index_cast %scan3A_163 : i32 to index
      %get3A_334 = arith.constant 208 : index
      %get3A_335 = tpu.vector_load %arg16[%get3A_333, %get3A_334] {strides = array<i32>} : memref<32x1024xf32, #tpu.memory_space<vmem>>, vector<16xf32>,
      %mul3A_336 = arith.mulf %get3A_335, %gather3A_172 : vector<16xf32>
      %add3A_337 = arith.addf %mul3A_332, %mul3A_336 : vector<16xf32>
      %swap3A_338 = arith.index_cast %scan3A_163 : i32 to index
      %swap3A_339 = arith.constant 208 : index
      %swap3A_340 = tpu.vector_load %arg15[%swap3A_338, %swap3A_339] {strides = array<i32>} : memref<32x1024xf32, #tpu.memory_space<vmem>>, vector<16xf32>,
      tpu.vector_store %arg15[%swap3A_338, %swap3A_339], %add3A_337 {strides = array<i32>} : memref<32x1024xf32, #tpu.memory_space<vmem>>, vector<16xf32>,
      %get3A_341 = arith.index_cast %scan3A_163 : i32 to index
      %get3A_342 = arith.constant 224 : index
      %get3A_343 = tpu.vector_load %arg15[%get3A_341, %get3A_342] {strides = array<i32>} : memref<32x1024xf32, #tpu.memory_space<vmem>>, vector<16xf32>,
      %mul3A_344 = arith.mulf %get3A_343, %gather3A_168 : vector<16xf32>
      %get3A_345 = arith.index_cast %scan3A_163 : i32 to index
      %get3A_346 = arith.constant 224 : index
      %get3A_347 = tpu.vector_load %arg16[%get3A_345, %get3A_346] {strides = array<i32>} : memref<32x1024xf32, #tpu.memory_space<vmem>>, vector<16xf32>,
      %mul3A_348 = arith.mulf %get3A_347, %gather3A_172 : vector<16xf32>
      %add3A_349 = arith.addf %mul3A_344, %mul3A_348 : vector<16xf32>
      %swap3A_350 = arith.index_cast %scan3A_163 : i32 to index
      %swap3A_351 = arith.constant 224 : index
      %swap3A_352 = tpu.vector_load %arg15[%swap3A_350, %swap3A_351] {strides = array<i32>} : memref<32x1024xf32, #tpu.memory_space<vmem>>, vector<16xf32>,
      tpu.vector_store %arg15[%swap3A_350, %swap3A_351], %add3A_349 {strides = array<i32>} : memref<32x1024xf32, #tpu.memory_space<vmem>>, vector<16xf32>,
      %get3A_353 = arith.index_cast %scan3A_163 : i32 to index
      %get3A_354 = arith.constant 240 : index
      %get3A_355 = tpu.vector_load %arg15[%get3A_353, %get3A_354] {strides = array<i32>} : memref<32x1024xf32, #tpu.memory_space<vmem>>, vector<16xf32>,
      %mul3A_356 = arith.mulf %get3A_355, %gather3A_168 : vector<16xf32>
      %get3A_357 = arith.index_cast %scan3A_163 : i32 to index
      %get3A_358 = arith.constant 240 : index
      %get3A_359 = tpu.vector_load %arg16[%get3A_357, %get3A_358] {strides = array<i32>} : memref<32x1024xf32, #tpu.memory_space<vmem>>, vector<16xf32>,
      %mul3A_360 = arith.mulf %get3A_359, %gather3A_172 : vector<16xf32>
      %add3A_361 = arith.addf %mul3A_356, %mul3A_360 : vector<16xf32>
      %swap3A_362 = arith.index_cast %scan3A_163 : i32 to index
      %swap3A_363 = arith.constant 240 : index
      %swap3A_364 = tpu.vector_load %arg15[%swap3A_362, %swap3A_363] {strides = array<i32>} : memref<32x1024xf32, #tpu.memory_space<vmem>>, vector<16xf32>,
      tpu.vector_store %arg15[%swap3A_362, %swap3A_363], %add3A_361 {strides = array<i32>} : memref<32x1024xf32, #tpu.memory_space<vmem>>, vector<16xf32>,
      %get3A_365 = arith.index_cast %scan3A_163 : i32 to index
      %get3A_366 = arith.constant 256 : index
      %get3A_367 = tpu.vector_load %arg15[%get3A_365, %get3A_366] {strides = array<i32>} : memref<32x1024xf32, #tpu.memory_space<vmem>>, vector<16xf32>,
      %mul3A_368 = arith.mulf %get3A_367, %gather3A_168 : vector<16xf32>
      %get3A_369 = arith.index_cast %scan3A_163 : i32 to index
      %get3A_370 = arith.constant 256 : index
      %get3A_371 = tpu.vector_load %arg16[%get3A_369, %get3A_370] {strides = array<i32>} : memref<32x1024xf32, #tpu.memory_space<vmem>>, vector<16xf32>,
      %mul3A_372 = arith.mulf %get3A_371, %gather3A_172 : vector<16xf32>
      %add3A_373 = arith.addf %mul3A_368, %mul3A_372 : vector<16xf32>
      %swap3A_374 = arith.index_cast %scan3A_163 : i32 to index
      %swap3A_375 = arith.constant 256 : index
      %swap3A_376 = tpu.vector_load %arg15[%swap3A_374, %swap3A_375] {strides = array<i32>} : memref<32x1024xf32, #tpu.memory_space<vmem>>, vector<16xf32>,
      tpu.vector_store %arg15[%swap3A_374, %swap3A_375], %add3A_373 {strides = array<i32>} : memref<32x1024xf32, #tpu.memory_space<vmem>>, vector<16xf32>,
      %get3A_377 = arith.index_cast %scan3A_163 : i32 to index
      %get3A_378 = arith.constant 272 : index
      %get3A_379 = tpu.vector_load %arg15[%get3A_377, %get3A_378] {strides = array<i32>} : memref<32x1024xf32, #tpu.memory_space<vmem>>, vector<16xf32>,
      %mul3A_380 = arith.mulf %get3A_379, %gather3A_168 : vector<16xf32>
      %get3A_381 = arith.index_cast %scan3A_163 : i32 to index
      %get3A_382 = arith.constant 272 : index
      %get3A_383 = tpu.vector_load %arg16[%get3A_381, %get3A_382] {strides = array<i32>} : memref<32x1024xf32, #tpu.memory_space<vmem>>, vector<16xf32>,
      %mul3A_384 = arith.mulf %get3A_383, %gather3A_172 : vector<16xf32>
      %add3A_385 = arith.addf %mul3A_380, %mul3A_384 : vector<16xf32>
      %swap3A_386 = arith.index_cast %scan3A_163 : i32 to index
      %swap3A_387 = arith.constant 272 : index
      %swap3A_388 = tpu.vector_load %arg15[%swap3A_386, %swap3A_387] {strides = array<i32>} : memref<32x1024xf32, #tpu.memory_space<vmem>>, vector<16xf32>,
      tpu.vector_store %arg15[%swap3A_386, %swap3A_387], %add3A_385 {strides = array<i32>} : memref<32x1024xf32, #tpu.memory_space<vmem>>, vector<16xf32>,
      %get3A_389 = arith.index_cast %scan3A_163 : i32 to index
      %get3A_390 = arith.constant 288 : index
      %get3A_391 = tpu.vector_load %arg15[%get3A_389, %get3A_390] {strides = array<i32>} : memref<32x1024xf32, #tpu.memory_space<vmem>>, vector<16xf32>,
      %mul3A_392 = arith.mulf %get3A_391, %gather3A_168 : vector<16xf32>
      %get3A_393 = arith.index_cast %scan3A_163 : i32 to index
      %get3A_394 = arith.constant 288 : index
      %get3A_395 = tpu.vector_load %arg16[%get3A_393, %get3A_394] {strides = array<i32>} : memref<32x1024xf32, #tpu.memory_space<vmem>>, vector<16xf32>,
      %mul3A_396 = arith.mulf %get3A_395, %gather3A_172 : vector<16xf32>
      %add3A_397 = arith.addf %mul3A_392, %mul3A_396 : vector<16xf32>
      %swap3A_398 = arith.index_cast %scan3A_163 : i32 to index
      %swap3A_399 = arith.constant 288 : index
      %swap3A_400 = tpu.vector_load %arg15[%swap3A_398, %swap3A_399] {strides = array<i32>} : memref<32x1024xf32, #tpu.memory_space<vmem>>, vector<16xf32>,
      tpu.vector_store %arg15[%swap3A_398, %swap3A_399], %add3A_397 {strides = array<i32>} : memref<32x1024xf32, #tpu.memory_space<vmem>>, vector<16xf32>,
      %get3A_401 = arith.index_cast %scan3A_163 : i32 to index
      %get3A_402 = arith.constant 304 : index
      %get3A_403 = tpu.vector_load %arg15[%get3A_401, %get3A_402] {strides = array<i32>} : memref<32x1024xf32, #tpu.memory_space<vmem>>, vector<16xf32>,
      %mul3A_404 = arith.mulf %get3A_403, %gather3A_168 : vector<16xf32>
      %get3A_405 = arith.index_cast %scan3A_163 : i32 to index
      %get3A_406 = arith.constant 304 : index
      %get3A_407 = tpu.vector_load %arg16[%get3A_405, %get3A_406] {strides = array<i32>} : memref<32x1024xf32, #tpu.memory_space<vmem>>, vector<16xf32>,
      %mul3A_408 = arith.mulf %get3A_407, %gather3A_172 : vector<16xf32>
      %add3A_409 = arith.addf %mul3A_404, %mul3A_408 : vector<16xf32>
      %swap3A_410 = arith.index_cast %scan3A_163 : i32 to index
      %swap3A_411 = arith.constant 304 : index
      %swap3A_412 = tpu.vector_load %arg15[%swap3A_410, %swap3A_411] {strides = array<i32>} : memref<32x1024xf32, #tpu.memory_space<vmem>>, vector<16xf32>,
      tpu.vector_store %arg15[%swap3A_410, %swap3A_411], %add3A_409 {strides = array<i32>} : memref<32x1024xf32, #tpu.memory_space<vmem>>, vector<16xf32>,
      %get3A_413 = arith.index_cast %scan3A_163 : i32 to index
      %get3A_414 = arith.constant 320 : index
      %get3A_415 = tpu.vector_load %arg15[%get3A_413, %get3A_414] {strides = array<i32>} : memref<32x1024xf32, #tpu.memory_space<vmem>>, vector<16xf32>,
      %mul3A_416 = arith.mulf %get3A_415, %gather3A_168 : vector<16xf32>
      %get3A_417 = arith.index_cast %scan3A_163 : i32 to index
      %get3A_418 = arith.constant 320 : index
      %get3A_419 = tpu.vector_load %arg16[%get3A_417, %get3A_418] {strides = array<i32>} : memref<32x1024xf32, #tpu.memory_space<vmem>>, vector<16xf32>,
      %mul3A_420 = arith.mulf %get3A_419, %gather3A_172 : vector<16xf32>
      %add3A_421 = arith.addf %mul3A_416, %mul3A_420 : vector<16xf32>
      %swap3A_422 = arith.index_cast %scan3A_163 : i32 to index
      %swap3A_423 = arith.constant 320 : index
      %swap3A_424 = tpu.vector_load %arg15[%swap3A_422, %swap3A_423] {strides = array<i32>} : memref<32x1024xf32, #tpu.memory_space<vmem>>, vector<16xf32>,
      tpu.vector_store %arg15[%swap3A_422, %swap3A_423], %add3A_421 {strides = array<i32>} : memref<32x1024xf32, #tpu.memory_space<vmem>>, vector<16xf32>,
      %get3A_425 = arith.index_cast %scan3A_163 : i32 to index
      %get3A_426 = arith.constant 336 : index
      %get3A_427 = tpu.vector_load %arg15[%get3A_425, %get3A_426] {strides = array<i32>} : memref<32x1024xf32, #tpu.memory_space<vmem>>, vector<16xf32>,
      %mul3A_428 = arith.mulf %get3A_427, %gather3A_168 : vector<16xf32>
      %get3A_429 = arith.index_cast %scan3A_163 : i32 to index
      %get3A_430 = arith.constant 336 : index
      %get3A_431 = tpu.vector_load %arg16[%get3A_429, %get3A_430] {strides = array<i32>} : memref<32x1024xf32, #tpu.memory_space<vmem>>, vector<16xf32>,
      %mul3A_432 = arith.mulf %get3A_431, %gather3A_172 : vector<16xf32>
      %add3A_433 = arith.addf %mul3A_428, %mul3A_432 : vector<16xf32>
      %swap3A_434 = arith.index_cast %scan3A_163 : i32 to index
      %swap3A_435 = arith.constant 336 : index
      %swap3A_436 = tpu.vector_load %arg15[%swap3A_434, %swap3A_435] {strides = array<i32>} : memref<32x1024xf32, #tpu.memory_space<vmem>>, vector<16xf32>,
      tpu.vector_store %arg15[%swap3A_434, %swap3A_435], %add3A_433 {strides = array<i32>} : memref<32x1024xf32, #tpu.memory_space<vmem>>, vector<16xf32>,
      %get3A_437 = arith.index_cast %scan3A_163 : i32 to index
      %get3A_438 = arith.constant 352 : index
      %get3A_439 = tpu.vector_load %arg15[%get3A_437, %get3A_438] {strides = array<i32>} : memref<32x1024xf32, #tpu.memory_space<vmem>>, vector<16xf32>,
      %mul3A_440 = arith.mulf %get3A_439, %gather3A_168 : vector<16xf32>
      %get3A_441 = arith.index_cast %scan3A_163 : i32 to index
      %get3A_442 = arith.constant 352 : index
      %get3A_443 = tpu.vector_load %arg16[%get3A_441, %get3A_442] {strides = array<i32>} : memref<32x1024xf32, #tpu.memory_space<vmem>>, vector<16xf32>,
      %mul3A_444 = arith.mulf %get3A_443, %gather3A_172 : vector<16xf32>
      %add3A_445 = arith.addf %mul3A_440, %mul3A_444 : vector<16xf32>
      %swap3A_446 = arith.index_cast %scan3A_163 : i32 to index
      %swap3A_447 = arith.constant 352 : index
      %swap3A_448 = tpu.vector_load %arg15[%swap3A_446, %swap3A_447] {strides = array<i32>} : memref<32x1024xf32, #tpu.memory_space<vmem>>, vector<16xf32>,
      tpu.vector_store %arg15[%swap3A_446, %swap3A_447], %add3A_445 {strides = array<i32>} : memref<32x1024xf32, #tpu.memory_space<vmem>>, vector<16xf32>,
      %get3A_449 = arith.index_cast %scan3A_163 : i32 to index
      %get3A_450 = arith.constant 368 : index
      %get3A_451 = tpu.vector_load %arg15[%get3A_449, %get3A_450] {strides = array<i32>} : memref<32x1024xf32, #tpu.memory_space<vmem>>, vector<16xf32>,
      %mul3A_452 = arith.mulf %get3A_451, %gather3A_168 : vector<16xf32>
      %get3A_453 = arith.index_cast %scan3A_163 : i32 to index
      %get3A_454 = arith.constant 368 : index
      %get3A_455 = tpu.vector_load %arg16[%get3A_453, %get3A_454] {strides = array<i32>} : memref<32x1024xf32, #tpu.memory_space<vmem>>, vector<16xf32>,
      %mul3A_456 = arith.mulf %get3A_455, %gather3A_172 : vector<16xf32>
      %add3A_457 = arith.addf %mul3A_452, %mul3A_456 : vector<16xf32>
      %swap3A_458 = arith.index_cast %scan3A_163 : i32 to index
      %swap3A_459 = arith.constant 368 : index
      %swap3A_460 = tpu.vector_load %arg15[%swap3A_458, %swap3A_459] {strides = array<i32>} : memref<32x1024xf32, #tpu.memory_space<vmem>>, vector<16xf32>,
      tpu.vector_store %arg15[%swap3A_458, %swap3A_459], %add3A_457 {strides = array<i32>} : memref<32x1024xf32, #tpu.memory_space<vmem>>, vector<16xf32>,
      %get3A_461 = arith.index_cast %scan3A_163 : i32 to index
      %get3A_462 = arith.constant 384 : index
      %get3A_463 = tpu.vector_load %arg15[%get3A_461, %get3A_462] {strides = array<i32>} : memref<32x1024xf32, #tpu.memory_space<vmem>>, vector<16xf32>,
      %mul3A_464 = arith.mulf %get3A_463, %gather3A_168 : vector<16xf32>
      %get3A_465 = arith.index_cast %scan3A_163 : i32 to index
      %get3A_466 = arith.constant 384 : index
      %get3A_467 = tpu.vector_load %arg16[%get3A_465, %get3A_466] {strides = array<i32>} : memref<32x1024xf32, #tpu.memory_space<vmem>>, vector<16xf32>,
      %mul3A_468 = arith.mulf %get3A_467, %gather3A_172 : vector<16xf32>
      %add3A_469 = arith.addf %mul3A_464, %mul3A_468 : vector<16xf32>
      %swap3A_470 = arith.index_cast %scan3A_163 : i32 to index
      %swap3A_471 = arith.constant 384 : index
      %swap3A_472 = tpu.vector_load %arg15[%swap3A_470, %swap3A_471] {strides = array<i32>} : memref<32x1024xf32, #tpu.memory_space<vmem>>, vector<16xf32>,
      tpu.vector_store %arg15[%swap3A_470, %swap3A_471], %add3A_469 {strides = array<i32>} : memref<32x1024xf32, #tpu.memory_space<vmem>>, vector<16xf32>,
      %get3A_473 = arith.index_cast %scan3A_163 : i32 to index
      %get3A_474 = arith.constant 400 : index
      %get3A_475 = tpu.vector_load %arg15[%get3A_473, %get3A_474] {strides = array<i32>} : memref<32x1024xf32, #tpu.memory_space<vmem>>, vector<16xf32>,
      %mul3A_476 = arith.mulf %get3A_475, %gather3A_168 : vector<16xf32>
      %get3A_477 = arith.index_cast %scan3A_163 : i32 to index
      %get3A_478 = arith.constant 400 : index
      %get3A_479 = tpu.vector_load %arg16[%get3A_477, %get3A_478] {strides = array<i32>} : memref<32x1024xf32, #tpu.memory_space<vmem>>, vector<16xf32>,
      %mul3A_480 = arith.mulf %get3A_479, %gather3A_172 : vector<16xf32>
      %add3A_481 = arith.addf %mul3A_476, %mul3A_480 : vector<16xf32>
      %swap3A_482 = arith.index_cast %scan3A_163 : i32 to index
      %swap3A_483 = arith.constant 400 : index
      %swap3A_484 = tpu.vector_load %arg15[%swap3A_482, %swap3A_483] {strides = array<i32>} : memref<32x1024xf32, #tpu.memory_space<vmem>>, vector<16xf32>,
      tpu.vector_store %arg15[%swap3A_482, %swap3A_483], %add3A_481 {strides = array<i32>} : memref<32x1024xf32, #tpu.memory_space<vmem>>, vector<16xf32>,
      %get3A_485 = arith.index_cast %scan3A_163 : i32 to index
      %get3A_486 = arith.constant 416 : index
      %get3A_487 = tpu.vector_load %arg15[%get3A_485, %get3A_486] {strides = array<i32>} : memref<32x1024xf32, #tpu.memory_space<vmem>>, vector<16xf32>,
      %mul3A_488 = arith.mulf %get3A_487, %gather3A_168 : vector<16xf32>
      %get3A_489 = arith.index_cast %scan3A_163 : i32 to index
      %get3A_490 = arith.constant 416 : index
      %get3A_491 = tpu.vector_load %arg16[%get3A_489, %get3A_490] {strides = array<i32>} : memref<32x1024xf32, #tpu.memory_space<vmem>>, vector<16xf32>,
      %mul3A_492 = arith.mulf %get3A_491, %gather3A_172 : vector<16xf32>
      %add3A_493 = arith.addf %mul3A_488, %mul3A_492 : vector<16xf32>
      %swap3A_494 = arith.index_cast %scan3A_163 : i32 to index
      %swap3A_495 = arith.constant 416 : index
      %swap3A_496 = tpu.vector_load %arg15[%swap3A_494, %swap3A_495] {strides = array<i32>} : memref<32x1024xf32, #tpu.memory_space<vmem>>, vector<16xf32>,
      tpu.vector_store %arg15[%swap3A_494, %swap3A_495], %add3A_493 {strides = array<i32>} : memref<32x1024xf32, #tpu.memory_space<vmem>>, vector<16xf32>,
      %get3A_497 = arith.index_cast %scan3A_163 : i32 to index
      %get3A_498 = arith.constant 432 : index
      %get3A_499 = tpu.vector_load %arg15[%get3A_497, %get3A_498] {strides = array<i32>} : memref<32x1024xf32, #tpu.memory_space<vmem>>, vector<16xf32>,
      %mul3A_500 = arith.mulf %get3A_499, %gather3A_168 : vector<16xf32>
      %get3A_501 = arith.index_cast %scan3A_163 : i32 to index
      %get3A_502 = arith.constant 432 : index
      %get3A_503 = tpu.vector_load %arg16[%get3A_501, %get3A_502] {strides = array<i32>} : memref<32x1024xf32, #tpu.memory_space<vmem>>, vector<16xf32>,
      %mul3A_504 = arith.mulf %get3A_503, %gather3A_172 : vector<16xf32>
      %add3A_505 = arith.addf %mul3A_500, %mul3A_504 : vector<16xf32>
      %swap3A_506 = arith.index_cast %scan3A_163 : i32 to index
      %swap3A_507 = arith.constant 432 : index
      %swap3A_508 = tpu.vector_load %arg15[%swap3A_506, %swap3A_507] {strides = array<i32>} : memref<32x1024xf32, #tpu.memory_space<vmem>>, vector<16xf32>,
      tpu.vector_store %arg15[%swap3A_506, %swap3A_507], %add3A_505 {strides = array<i32>} : memref<32x1024xf32, #tpu.memory_space<vmem>>, vector<16xf32>,
      %get3A_509 = arith.index_cast %scan3A_163 : i32 to index
      %get3A_510 = arith.constant 448 : index
      %get3A_511 = tpu.vector_load %arg15[%get3A_509, %get3A_510] {strides = array<i32>} : memref<32x1024xf32, #tpu.memory_space<vmem>>, vector<16xf32>,
      %mul3A_512 = arith.mulf %get3A_511, %gather3A_168 : vector<16xf32>
      %get3A_513 = arith.index_cast %scan3A_163 : i32 to index
      %get3A_514 = arith.constant 448 : index
      %get3A_515 = tpu.vector_load %arg16[%get3A_513, %get3A_514] {strides = array<i32>} : memref<32x1024xf32, #tpu.memory_space<vmem>>, vector<16xf32>,
      %mul3A_516 = arith.mulf %get3A_515, %gather3A_172 : vector<16xf32>
      %add3A_517 = arith.addf %mul3A_512, %mul3A_516 : vector<16xf32>
      %swap3A_518 = arith.index_cast %scan3A_163 : i32 to index
      %swap3A_519 = arith.constant 448 : index
      %swap3A_520 = tpu.vector_load %arg15[%swap3A_518, %swap3A_519] {strides = array<i32>} : memref<32x1024xf32, #tpu.memory_space<vmem>>, vector<16xf32>,
      tpu.vector_store %arg15[%swap3A_518, %swap3A_519], %add3A_517 {strides = array<i32>} : memref<32x1024xf32, #tpu.memory_space<vmem>>, vector<16xf32>,
      %get3A_521 = arith.index_cast %scan3A_163 : i32 to index
      %get3A_522 = arith.constant 464 : index
      %get3A_523 = tpu.vector_load %arg15[%get3A_521, %get3A_522] {strides = array<i32>} : memref<32x1024xf32, #tpu.memory_space<vmem>>, vector<16xf32>,
      %mul3A_524 = arith.mulf %get3A_523, %gather3A_168 : vector<16xf32>
      %get3A_525 = arith.index_cast %scan3A_163 : i32 to index
      %get3A_526 = arith.constant 464 : index
      %get3A_527 = tpu.vector_load %arg16[%get3A_525, %get3A_526] {strides = array<i32>} : memref<32x1024xf32, #tpu.memory_space<vmem>>, vector<16xf32>,
      %mul3A_528 = arith.mulf %get3A_527, %gather3A_172 : vector<16xf32>
      %add3A_529 = arith.addf %mul3A_524, %mul3A_528 : vector<16xf32>
      %swap3A_530 = arith.index_cast %scan3A_163 : i32 to index
      %swap3A_531 = arith.constant 464 : index
      %swap3A_532 = tpu.vector_load %arg15[%swap3A_530, %swap3A_531] {strides = array<i32>} : memref<32x1024xf32, #tpu.memory_space<vmem>>, vector<16xf32>,
      tpu.vector_store %arg15[%swap3A_530, %swap3A_531], %add3A_529 {strides = array<i32>} : memref<32x1024xf32, #tpu.memory_space<vmem>>, vector<16xf32>,
      %get3A_533 = arith.index_cast %scan3A_163 : i32 to index
      %get3A_534 = arith.constant 480 : index
      %get3A_535 = tpu.vector_load %arg15[%get3A_533, %get3A_534] {strides = array<i32>} : memref<32x1024xf32, #tpu.memory_space<vmem>>, vector<16xf32>,
      %mul3A_536 = arith.mulf %get3A_535, %gather3A_168 : vector<16xf32>
      %get3A_537 = arith.index_cast %scan3A_163 : i32 to index
      %get3A_538 = arith.constant 480 : index
      %get3A_539 = tpu.vector_load %arg16[%get3A_537, %get3A_538] {strides = array<i32>} : memref<32x1024xf32, #tpu.memory_space<vmem>>, vector<16xf32>,
      %mul3A_540 = arith.mulf %get3A_539, %gather3A_172 : vector<16xf32>
      %add3A_541 = arith.addf %mul3A_536, %mul3A_540 : vector<16xf32>
      %swap3A_542 = arith.index_cast %scan3A_163 : i32 to index
      %swap3A_543 = arith.constant 480 : index
      %swap3A_544 = tpu.vector_load %arg15[%swap3A_542, %swap3A_543] {strides = array<i32>} : memref<32x1024xf32, #tpu.memory_space<vmem>>, vector<16xf32>,
      tpu.vector_store %arg15[%swap3A_542, %swap3A_543], %add3A_541 {strides = array<i32>} : memref<32x1024xf32, #tpu.memory_space<vmem>>, vector<16xf32>,
      %get3A_545 = arith.index_cast %scan3A_163 : i32 to index
      %get3A_546 = arith.constant 496 : index
      %get3A_547 = tpu.vector_load %arg15[%get3A_545, %get3A_546] {strides = array<i32>} : memref<32x1024xf32, #tpu.memory_space<vmem>>, vector<16xf32>,
      %mul3A_548 = arith.mulf %get3A_547, %gather3A_168 : vector<16xf32>
      %get3A_549 = arith.index_cast %scan3A_163 : i32 to index
      %get3A_550 = arith.constant 496 : index
      %get3A_551 = tpu.vector_load %arg16[%get3A_549, %get3A_550] {strides = array<i32>} : memref<32x1024xf32, #tpu.memory_space<vmem>>, vector<16xf32>,
      %mul3A_552 = arith.mulf %get3A_551, %gather3A_172 : vector<16xf32>
      %add3A_553 = arith.addf %mul3A_548, %mul3A_552 : vector<16xf32>
      %swap3A_554 = arith.index_cast %scan3A_163 : i32 to index
      %swap3A_555 = arith.constant 496 : index
      %swap3A_556 = tpu.vector_load %arg15[%swap3A_554, %swap3A_555] {strides = array<i32>} : memref<32x1024xf32, #tpu.memory_space<vmem>>, vector<16xf32>,
      tpu.vector_store %arg15[%swap3A_554, %swap3A_555], %add3A_553 {strides = array<i32>} : memref<32x1024xf32, #tpu.memory_space<vmem>>, vector<16xf32>,
      %get3A_557 = arith.index_cast %scan3A_163 : i32 to index
      %get3A_558 = arith.constant 512 : index
      %get3A_559 = tpu.vector_load %arg15[%get3A_557, %get3A_558] {strides = array<i32>} : memref<32x1024xf32, #tpu.memory_space<vmem>>, vector<16xf32>,
      %mul3A_560 = arith.mulf %get3A_559, %gather3A_168 : vector<16xf32>
      %get3A_561 = arith.index_cast %scan3A_163 : i32 to index
      %get3A_562 = arith.constant 512 : index
      %get3A_563 = tpu.vector_load %arg16[%get3A_561, %get3A_562] {strides = array<i32>} : memref<32x1024xf32, #tpu.memory_space<vmem>>, vector<16xf32>,
      %mul3A_564 = arith.mulf %get3A_563, %gather3A_172 : vector<16xf32>
      %add3A_565 = arith.addf %mul3A_560, %mul3A_564 : vector<16xf32>
      %swap3A_566 = arith.index_cast %scan3A_163 : i32 to index
      %swap3A_567 = arith.constant 512 : index
      %swap3A_568 = tpu.vector_load %arg15[%swap3A_566, %swap3A_567] {strides = array<i32>} : memref<32x1024xf32, #tpu.memory_space<vmem>>, vector<16xf32>,
      tpu.vector_store %arg15[%swap3A_566, %swap3A_567], %add3A_565 {strides = array<i32>} : memref<32x1024xf32, #tpu.memory_space<vmem>>, vector<16xf32>,
      %get3A_569 = arith.index_cast %scan3A_163 : i32 to index
      %get3A_570 = arith.constant 528 : index
      %get3A_571 = tpu.vector_load %arg15[%get3A_569, %get3A_570] {strides = array<i32>} : memref<32x1024xf32, #tpu.memory_space<vmem>>, vector<16xf32>,
      %mul3A_572 = arith.mulf %get3A_571, %gather3A_168 : vector<16xf32>
      %get3A_573 = arith.index_cast %scan3A_163 : i32 to index
      %get3A_574 = arith.constant 528 : index
      %get3A_575 = tpu.vector_load %arg16[%get3A_573, %get3A_574] {strides = array<i32>} : memref<32x1024xf32, #tpu.memory_space<vmem>>, vector<16xf32>,
      %mul3A_576 = arith.mulf %get3A_575, %gather3A_172 : vector<16xf32>
      %add3A_577 = arith.addf %mul3A_572, %mul3A_576 : vector<16xf32>
      %swap3A_578 = arith.index_cast %scan3A_163 : i32 to index
      %swap3A_579 = arith.constant 528 : index
      %swap3A_580 = tpu.vector_load %arg15[%swap3A_578, %swap3A_579] {strides = array<i32>} : memref<32x1024xf32, #tpu.memory_space<vmem>>, vector<16xf32>,
      tpu.vector_store %arg15[%swap3A_578, %swap3A_579], %add3A_577 {strides = array<i32>} : memref<32x1024xf32, #tpu.memory_space<vmem>>, vector<16xf32>,
      %get3A_581 = arith.index_cast %scan3A_163 : i32 to index
      %get3A_582 = arith.constant 544 : index
      %get3A_583 = tpu.vector_load %arg15[%get3A_581, %get3A_582] {strides = array<i32>} : memref<32x1024xf32, #tpu.memory_space<vmem>>, vector<16xf32>,
      %mul3A_584 = arith.mulf %get3A_583, %gather3A_168 : vector<16xf32>
      %get3A_585 = arith.index_cast %scan3A_163 : i32 to index
      %get3A_586 = arith.constant 544 : index
      %get3A_587 = tpu.vector_load %arg16[%get3A_585, %get3A_586] {strides = array<i32>} : memref<32x1024xf32, #tpu.memory_space<vmem>>, vector<16xf32>,
      %mul3A_588 = arith.mulf %get3A_587, %gather3A_172 : vector<16xf32>
      %add3A_589 = arith.addf %mul3A_584, %mul3A_588 : vector<16xf32>
      %swap3A_590 = arith.index_cast %scan3A_163 : i32 to index
      %swap3A_591 = arith.constant 544 : index
      %swap3A_592 = tpu.vector_load %arg15[%swap3A_590, %swap3A_591] {strides = array<i32>} : memref<32x1024xf32, #tpu.memory_space<vmem>>, vector<16xf32>,
      tpu.vector_store %arg15[%swap3A_590, %swap3A_591], %add3A_589 {strides = array<i32>} : memref<32x1024xf32, #tpu.memory_space<vmem>>, vector<16xf32>,
      %get3A_593 = arith.index_cast %scan3A_163 : i32 to index
      %get3A_594 = arith.constant 560 : index
      %get3A_595 = tpu.vector_load %arg15[%get3A_593, %get3A_594] {strides = array<i32>} : memref<32x1024xf32, #tpu.memory_space<vmem>>, vector<16xf32>,
      %mul3A_596 = arith.mulf %get3A_595, %gather3A_168 : vector<16xf32>
      %get3A_597 = arith.index_cast %scan3A_163 : i32 to index
      %get3A_598 = arith.constant 560 : index
      %get3A_599 = tpu.vector_load %arg16[%get3A_597, %get3A_598] {strides = array<i32>} : memref<32x1024xf32, #tpu.memory_space<vmem>>, vector<16xf32>,
      %mul3A_600 = arith.mulf %get3A_599, %gather3A_172 : vector<16xf32>
      %add3A_601 = arith.addf %mul3A_596, %mul3A_600 : vector<16xf32>
      %swap3A_602 = arith.index_cast %scan3A_163 : i32 to index
      %swap3A_603 = arith.constant 560 : index
      %swap3A_604 = tpu.vector_load %arg15[%swap3A_602, %swap3A_603] {strides = array<i32>} : memref<32x1024xf32, #tpu.memory_space<vmem>>, vector<16xf32>,
      tpu.vector_store %arg15[%swap3A_602, %swap3A_603], %add3A_601 {strides = array<i32>} : memref<32x1024xf32, #tpu.memory_space<vmem>>, vector<16xf32>,
      %get3A_605 = arith.index_cast %scan3A_163 : i32 to index
      %get3A_606 = arith.constant 576 : index
      %get3A_607 = tpu.vector_load %arg15[%get3A_605, %get3A_606] {strides = array<i32>} : memref<32x1024xf32, #tpu.memory_space<vmem>>, vector<16xf32>,
      %mul3A_608 = arith.mulf %get3A_607, %gather3A_168 : vector<16xf32>
      %get3A_609 = arith.index_cast %scan3A_163 : i32 to index
      %get3A_610 = arith.constant 576 : index
      %get3A_611 = tpu.vector_load %arg16[%get3A_609, %get3A_610] {strides = array<i32>} : memref<32x1024xf32, #tpu.memory_space<vmem>>, vector<16xf32>,
      %mul3A_612 = arith.mulf %get3A_611, %gather3A_172 : vector<16xf32>
      %add3A_613 = arith.addf %mul3A_608, %mul3A_612 : vector<16xf32>
      %swap3A_614 = arith.index_cast %scan3A_163 : i32 to index
      %swap3A_615 = arith.constant 576 : index
      %swap3A_616 = tpu.vector_load %arg15[%swap3A_614, %swap3A_615] {strides = array<i32>} : memref<32x1024xf32, #tpu.memory_space<vmem>>, vector<16xf32>,
      tpu.vector_store %arg15[%swap3A_614, %swap3A_615], %add3A_613 {strides = array<i32>} : memref<32x1024xf32, #tpu.memory_space<vmem>>, vector<16xf32>,
      %get3A_617 = arith.index_cast %scan3A_163 : i32 to index
      %get3A_618 = arith.constant 592 : index
      %get3A_619 = tpu.vector_load %arg15[%get3A_617, %get3A_618] {strides = array<i32>} : memref<32x1024xf32, #tpu.memory_space<vmem>>, vector<16xf32>,
      %mul3A_620 = arith.mulf %get3A_619, %gather3A_168 : vector<16xf32>
      %get3A_621 = arith.index_cast %scan3A_163 : i32 to index
      %get3A_622 = arith.constant 592 : index
      %get3A_623 = tpu.vector_load %arg16[%get3A_621, %get3A_622] {strides = array<i32>} : memref<32x1024xf32, #tpu.memory_space<vmem>>, vector<16xf32>,
      %mul3A_624 = arith.mulf %get3A_623, %gather3A_172 : vector<16xf32>
      %add3A_625 = arith.addf %mul3A_620, %mul3A_624 : vector<16xf32>
      %swap3A_626 = arith.index_cast %scan3A_163 : i32 to index
      %swap3A_627 = arith.constant 592 : index
      %swap3A_628 = tpu.vector_load %arg15[%swap3A_626, %swap3A_627] {strides = array<i32>} : memref<32x1024xf32, #tpu.memory_space<vmem>>, vector<16xf32>,
      tpu.vector_store %arg15[%swap3A_626, %swap3A_627], %add3A_625 {strides = array<i32>} : memref<32x1024xf32, #tpu.memory_space<vmem>>, vector<16xf32>,
      %get3A_629 = arith.index_cast %scan3A_163 : i32 to index
      %get3A_630 = arith.constant 608 : index
      %get3A_631 = tpu.vector_load %arg15[%get3A_629, %get3A_630] {strides = array<i32>} : memref<32x1024xf32, #tpu.memory_space<vmem>>, vector<16xf32>,
      %mul3A_632 = arith.mulf %get3A_631, %gather3A_168 : vector<16xf32>
      %get3A_633 = arith.index_cast %scan3A_163 : i32 to index
      %get3A_634 = arith.constant 608 : index
      %get3A_635 = tpu.vector_load %arg16[%get3A_633, %get3A_634] {strides = array<i32>} : memref<32x1024xf32, #tpu.memory_space<vmem>>, vector<16xf32>,
      %mul3A_636 = arith.mulf %get3A_635, %gather3A_172 : vector<16xf32>
      %add3A_637 = arith.addf %mul3A_632, %mul3A_636 : vector<16xf32>
      %swap3A_638 = arith.index_cast %scan3A_163 : i32 to index
      %swap3A_639 = arith.constant 608 : index
      %swap3A_640 = tpu.vector_load %arg15[%swap3A_638, %swap3A_639] {strides = array<i32>} : memref<32x1024xf32, #tpu.memory_space<vmem>>, vector<16xf32>,
      tpu.vector_store %arg15[%swap3A_638, %swap3A_639], %add3A_637 {strides = array<i32>} : memref<32x1024xf32, #tpu.memory_space<vmem>>, vector<16xf32>,
      %get3A_641 = arith.index_cast %scan3A_163 : i32 to index
      %get3A_642 = arith.constant 624 : index
      %get3A_643 = tpu.vector_load %arg15[%get3A_641, %get3A_642] {strides = array<i32>} : memref<32x1024xf32, #tpu.memory_space<vmem>>, vector<16xf32>,
      %mul3A_644 = arith.mulf %get3A_643, %gather3A_168 : vector<16xf32>
      %get3A_645 = arith.index_cast %scan3A_163 : i32 to index
      %get3A_646 = arith.constant 624 : index
      %get3A_647 = tpu.vector_load %arg16[%get3A_645, %get3A_646] {strides = array<i32>} : memref<32x1024xf32, #tpu.memory_space<vmem>>, vector<16xf32>,
      %mul3A_648 = arith.mulf %get3A_647, %gather3A_172 : vector<16xf32>
      %add3A_649 = arith.addf %mul3A_644, %mul3A_648 : vector<16xf32>
      %swap3A_650 = arith.index_cast %scan3A_163 : i32 to index
      %swap3A_651 = arith.constant 624 : index
      %swap3A_652 = tpu.vector_load %arg15[%swap3A_650, %swap3A_651] {strides = array<i32>} : memref<32x1024xf32, #tpu.memory_space<vmem>>, vector<16xf32>,
      tpu.vector_store %arg15[%swap3A_650, %swap3A_651], %add3A_649 {strides = array<i32>} : memref<32x1024xf32, #tpu.memory_space<vmem>>, vector<16xf32>,
      %get3A_653 = arith.index_cast %scan3A_163 : i32 to index
      %get3A_654 = arith.constant 640 : index
      %get3A_655 = tpu.vector_load %arg15[%get3A_653, %get3A_654] {strides = array<i32>} : memref<32x1024xf32, #tpu.memory_space<vmem>>, vector<16xf32>,
      %mul3A_656 = arith.mulf %get3A_655, %gather3A_168 : vector<16xf32>
      %get3A_657 = arith.index_cast %scan3A_163 : i32 to index
      %get3A_658 = arith.constant 640 : index
      %get3A_659 = tpu.vector_load %arg16[%get3A_657, %get3A_658] {strides = array<i32>} : memref<32x1024xf32, #tpu.memory_space<vmem>>, vector<16xf32>,
      %mul3A_660 = arith.mulf %get3A_659, %gather3A_172 : vector<16xf32>
      %add3A_661 = arith.addf %mul3A_656, %mul3A_660 : vector<16xf32>
      %swap3A_662 = arith.index_cast %scan3A_163 : i32 to index
      %swap3A_663 = arith.constant 640 : index
      %swap3A_664 = tpu.vector_load %arg15[%swap3A_662, %swap3A_663] {strides = array<i32>} : memref<32x1024xf32, #tpu.memory_space<vmem>>, vector<16xf32>,
      tpu.vector_store %arg15[%swap3A_662, %swap3A_663], %add3A_661 {strides = array<i32>} : memref<32x1024xf32, #tpu.memory_space<vmem>>, vector<16xf32>,
      %get3A_665 = arith.index_cast %scan3A_163 : i32 to index
      %get3A_666 = arith.constant 656 : index
      %get3A_667 = tpu.vector_load %arg15[%get3A_665, %get3A_666] {strides = array<i32>} : memref<32x1024xf32, #tpu.memory_space<vmem>>, vector<16xf32>,
      %mul3A_668 = arith.mulf %get3A_667, %gather3A_168 : vector<16xf32>
      %get3A_669 = arith.index_cast %scan3A_163 : i32 to index
      %get3A_670 = arith.constant 656 : index
      %get3A_671 = tpu.vector_load %arg16[%get3A_669, %get3A_670] {strides = array<i32>} : memref<32x1024xf32, #tpu.memory_space<vmem>>, vector<16xf32>,
      %mul3A_672 = arith.mulf %get3A_671, %gather3A_172 : vector<16xf32>
      %add3A_673 = arith.addf %mul3A_668, %mul3A_672 : vector<16xf32>
      %swap3A_674 = arith.index_cast %scan3A_163 : i32 to index
      %swap3A_675 = arith.constant 656 : index
      %swap3A_676 = tpu.vector_load %arg15[%swap3A_674, %swap3A_675] {strides = array<i32>} : memref<32x1024xf32, #tpu.memory_space<vmem>>, vector<16xf32>,
      tpu.vector_store %arg15[%swap3A_674, %swap3A_675], %add3A_673 {strides = array<i32>} : memref<32x1024xf32, #tpu.memory_space<vmem>>, vector<16xf32>,
      %get3A_677 = arith.index_cast %scan3A_163 : i32 to index
      %get3A_678 = arith.constant 672 : index
      %get3A_679 = tpu.vector_load %arg15[%get3A_677, %get3A_678] {strides = array<i32>} : memref<32x1024xf32, #tpu.memory_space<vmem>>, vector<16xf32>,
      %mul3A_680 = arith.mulf %get3A_679, %gather3A_168 : vector<16xf32>
      %get3A_681 = arith.index_cast %scan3A_163 : i32 to index
      %get3A_682 = arith.constant 672 : index
      %get3A_683 = tpu.vector_load %arg16[%get3A_681, %get3A_682] {strides = array<i32>} : memref<32x1024xf32, #tpu.memory_space<vmem>>, vector<16xf32>,
      %mul3A_684 = arith.mulf %get3A_683, %gather3A_172 : vector<16xf32>
      %add3A_685 = arith.addf %mul3A_680, %mul3A_684 : vector<16xf32>
      %swap3A_686 = arith.index_cast %scan3A_163 : i32 to index
      %swap3A_687 = arith.constant 672 : index
      %swap3A_688 = tpu.vector_load %arg15[%swap3A_686, %swap3A_687] {strides = array<i32>} : memref<32x1024xf32, #tpu.memory_space<vmem>>, vector<16xf32>,
      tpu.vector_store %arg15[%swap3A_686, %swap3A_687], %add3A_685 {strides = array<i32>} : memref<32x1024xf32, #tpu.memory_space<vmem>>, vector<16xf32>,
      %get3A_689 = arith.index_cast %scan3A_163 : i32 to index
      %get3A_690 = arith.constant 688 : index
      %get3A_691 = tpu.vector_load %arg15[%get3A_689, %get3A_690] {strides = array<i32>} : memref<32x1024xf32, #tpu.memory_space<vmem>>, vector<16xf32>,
      %mul3A_692 = arith.mulf %get3A_691, %gather3A_168 : vector<16xf32>
      %get3A_693 = arith.index_cast %scan3A_163 : i32 to index
      %get3A_694 = arith.constant 688 : index
      %get3A_695 = tpu.vector_load %arg16[%get3A_693, %get3A_694] {strides = array<i32>} : memref<32x1024xf32, #tpu.memory_space<vmem>>, vector<16xf32>,
      %mul3A_696 = arith.mulf %get3A_695, %gather3A_172 : vector<16xf32>
      %add3A_697 = arith.addf %mul3A_692, %mul3A_696 : vector<16xf32>
      %swap3A_698 = arith.index_cast %scan3A_163 : i32 to index
      %swap3A_699 = arith.constant 688 : index
      %swap3A_700 = tpu.vector_load %arg15[%swap3A_698, %swap3A_699] {strides = array<i32>} : memref<32x1024xf32, #tpu.memory_space<vmem>>, vector<16xf32>,
      tpu.vector_store %arg15[%swap3A_698, %swap3A_699], %add3A_697 {strides = array<i32>} : memref<32x1024xf32, #tpu.memory_space<vmem>>, vector<16xf32>,
      %get3A_701 = arith.index_cast %scan3A_163 : i32 to index
      %get3A_702 = arith.constant 704 : index
      %get3A_703 = tpu.vector_load %arg15[%get3A_701, %get3A_702] {strides = array<i32>} : memref<32x1024xf32, #tpu.memory_space<vmem>>, vector<16xf32>,
      %mul3A_704 = arith.mulf %get3A_703, %gather3A_168 : vector<16xf32>
      %get3A_705 = arith.index_cast %scan3A_163 : i32 to index
      %get3A_706 = arith.constant 704 : index
      %get3A_707 = tpu.vector_load %arg16[%get3A_705, %get3A_706] {strides = array<i32>} : memref<32x1024xf32, #tpu.memory_space<vmem>>, vector<16xf32>,
      %mul3A_708 = arith.mulf %get3A_707, %gather3A_172 : vector<16xf32>
      %add3A_709 = arith.addf %mul3A_704, %mul3A_708 : vector<16xf32>
      %swap3A_710 = arith.index_cast %scan3A_163 : i32 to index
      %swap3A_711 = arith.constant 704 : index
      %swap3A_712 = tpu.vector_load %arg15[%swap3A_710, %swap3A_711] {strides = array<i32>} : memref<32x1024xf32, #tpu.memory_space<vmem>>, vector<16xf32>,
      tpu.vector_store %arg15[%swap3A_710, %swap3A_711], %add3A_709 {strides = array<i32>} : memref<32x1024xf32, #tpu.memory_space<vmem>>, vector<16xf32>,
      %get3A_713 = arith.index_cast %scan3A_163 : i32 to index
      %get3A_714 = arith.constant 720 : index
      %get3A_715 = tpu.vector_load %arg15[%get3A_713, %get3A_714] {strides = array<i32>} : memref<32x1024xf32, #tpu.memory_space<vmem>>, vector<16xf32>,
      %mul3A_716 = arith.mulf %get3A_715, %gather3A_168 : vector<16xf32>
      %get3A_717 = arith.index_cast %scan3A_163 : i32 to index
      %get3A_718 = arith.constant 720 : index
      %get3A_719 = tpu.vector_load %arg16[%get3A_717, %get3A_718] {strides = array<i32>} : memref<32x1024xf32, #tpu.memory_space<vmem>>, vector<16xf32>,
      %mul3A_720 = arith.mulf %get3A_719, %gather3A_172 : vector<16xf32>
      %add3A_721 = arith.addf %mul3A_716, %mul3A_720 : vector<16xf32>
      %swap3A_722 = arith.index_cast %scan3A_163 : i32 to index
      %swap3A_723 = arith.constant 720 : index
      %swap3A_724 = tpu.vector_load %arg15[%swap3A_722, %swap3A_723] {strides = array<i32>} : memref<32x1024xf32, #tpu.memory_space<vmem>>, vector<16xf32>,
      tpu.vector_store %arg15[%swap3A_722, %swap3A_723], %add3A_721 {strides = array<i32>} : memref<32x1024xf32, #tpu.memory_space<vmem>>, vector<16xf32>,
      %get3A_725 = arith.index_cast %scan3A_163 : i32 to index
      %get3A_726 = arith.constant 736 : index
      %get3A_727 = tpu.vector_load %arg15[%get3A_725, %get3A_726] {strides = array<i32>} : memref<32x1024xf32, #tpu.memory_space<vmem>>, vector<16xf32>,
      %mul3A_728 = arith.mulf %get3A_727, %gather3A_168 : vector<16xf32>
      %get3A_729 = arith.index_cast %scan3A_163 : i32 to index
      %get3A_730 = arith.constant 736 : index
      %get3A_731 = tpu.vector_load %arg16[%get3A_729, %get3A_730] {strides = array<i32>} : memref<32x1024xf32, #tpu.memory_space<vmem>>, vector<16xf32>,
      %mul3A_732 = arith.mulf %get3A_731, %gather3A_172 : vector<16xf32>
      %add3A_733 = arith.addf %mul3A_728, %mul3A_732 : vector<16xf32>
      %swap3A_734 = arith.index_cast %scan3A_163 : i32 to index
      %swap3A_735 = arith.constant 736 : index
      %swap3A_736 = tpu.vector_load %arg15[%swap3A_734, %swap3A_735] {strides = array<i32>} : memref<32x1024xf32, #tpu.memory_space<vmem>>, vector<16xf32>,
      tpu.vector_store %arg15[%swap3A_734, %swap3A_735], %add3A_733 {strides = array<i32>} : memref<32x1024xf32, #tpu.memory_space<vmem>>, vector<16xf32>,
      %get3A_737 = arith.index_cast %scan3A_163 : i32 to index
      %get3A_738 = arith.constant 752 : index
      %get3A_739 = tpu.vector_load %arg15[%get3A_737, %get3A_738] {strides = array<i32>} : memref<32x1024xf32, #tpu.memory_space<vmem>>, vector<16xf32>,
      %mul3A_740 = arith.mulf %get3A_739, %gather3A_168 : vector<16xf32>
      %get3A_741 = arith.index_cast %scan3A_163 : i32 to index
      %get3A_742 = arith.constant 752 : index
      %get3A_743 = tpu.vector_load %arg16[%get3A_741, %get3A_742] {strides = array<i32>} : memref<32x1024xf32, #tpu.memory_space<vmem>>, vector<16xf32>,
      %mul3A_744 = arith.mulf %get3A_743, %gather3A_172 : vector<16xf32>
      %add3A_745 = arith.addf %mul3A_740, %mul3A_744 : vector<16xf32>
      %swap3A_746 = arith.index_cast %scan3A_163 : i32 to index
      %swap3A_747 = arith.constant 752 : index
      %swap3A_748 = tpu.vector_load %arg15[%swap3A_746, %swap3A_747] {strides = array<i32>} : memref<32x1024xf32, #tpu.memory_space<vmem>>, vector<16xf32>,
      tpu.vector_store %arg15[%swap3A_746, %swap3A_747], %add3A_745 {strides = array<i32>} : memref<32x1024xf32, #tpu.memory_space<vmem>>, vector<16xf32>,
      %get3A_749 = arith.index_cast %scan3A_163 : i32 to index
      %get3A_750 = arith.constant 768 : index
      %get3A_751 = tpu.vector_load %arg15[%get3A_749, %get3A_750] {strides = array<i32>} : memref<32x1024xf32, #tpu.memory_space<vmem>>, vector<16xf32>,
      %mul3A_752 = arith.mulf %get3A_751, %gather3A_168 : vector<16xf32>
      %get3A_753 = arith.index_cast %scan3A_163 : i32 to index
      %get3A_754 = arith.constant 768 : index
      %get3A_755 = tpu.vector_load %arg16[%get3A_753, %get3A_754] {strides = array<i32>} : memref<32x1024xf32, #tpu.memory_space<vmem>>, vector<16xf32>,
      %mul3A_756 = arith.mulf %get3A_755, %gather3A_172 : vector<16xf32>
      %add3A_757 = arith.addf %mul3A_752, %mul3A_756 : vector<16xf32>
      %swap3A_758 = arith.index_cast %scan3A_163 : i32 to index
      %swap3A_759 = arith.constant 768 : index
      %swap3A_760 = tpu.vector_load %arg15[%swap3A_758, %swap3A_759] {strides = array<i32>} : memref<32x1024xf32, #tpu.memory_space<vmem>>, vector<16xf32>,
      tpu.vector_store %arg15[%swap3A_758, %swap3A_759], %add3A_757 {strides = array<i32>} : memref<32x1024xf32, #tpu.memory_space<vmem>>, vector<16xf32>,
      %get3A_761 = arith.index_cast %scan3A_163 : i32 to index
      %get3A_762 = arith.constant 784 : index
      %get3A_763 = tpu.vector_load %arg15[%get3A_761, %get3A_762] {strides = array<i32>} : memref<32x1024xf32, #tpu.memory_space<vmem>>, vector<16xf32>,
      %mul3A_764 = arith.mulf %get3A_763, %gather3A_168 : vector<16xf32>
      %get3A_765 = arith.index_cast %scan3A_163 : i32 to index
      %get3A_766 = arith.constant 784 : index
      %get3A_767 = tpu.vector_load %arg16[%get3A_765, %get3A_766] {strides = array<i32>} : memref<32x1024xf32, #tpu.memory_space<vmem>>, vector<16xf32>,
      %mul3A_768 = arith.mulf %get3A_767, %gather3A_172 : vector<16xf32>
      %add3A_769 = arith.addf %mul3A_764, %mul3A_768 : vector<16xf32>
      %swap3A_770 = arith.index_cast %scan3A_163 : i32 to index
      %swap3A_771 = arith.constant 784 : index
      %swap3A_772 = tpu.vector_load %arg15[%swap3A_770, %swap3A_771] {strides = array<i32>} : memref<32x1024xf32, #tpu.memory_space<vmem>>, vector<16xf32>,
      tpu.vector_store %arg15[%swap3A_770, %swap3A_771], %add3A_769 {strides = array<i32>} : memref<32x1024xf32, #tpu.memory_space<vmem>>, vector<16xf32>,
      %get3A_773 = arith.index_cast %scan3A_163 : i32 to index
      %get3A_774 = arith.constant 800 : index
      %get3A_775 = tpu.vector_load %arg15[%get3A_773, %get3A_774] {strides = array<i32>} : memref<32x1024xf32, #tpu.memory_space<vmem>>, vector<16xf32>,
      %mul3A_776 = arith.mulf %get3A_775, %gather3A_168 : vector<16xf32>
      %get3A_777 = arith.index_cast %scan3A_163 : i32 to index
      %get3A_778 = arith.constant 800 : index
      %get3A_779 = tpu.vector_load %arg16[%get3A_777, %get3A_778] {strides = array<i32>} : memref<32x1024xf32, #tpu.memory_space<vmem>>, vector<16xf32>,
      %mul3A_780 = arith.mulf %get3A_779, %gather3A_172 : vector<16xf32>
      %add3A_781 = arith.addf %mul3A_776, %mul3A_780 : vector<16xf32>
      %swap3A_782 = arith.index_cast %scan3A_163 : i32 to index
      %swap3A_783 = arith.constant 800 : index
      %swap3A_784 = tpu.vector_load %arg15[%swap3A_782, %swap3A_783] {strides = array<i32>} : memref<32x1024xf32, #tpu.memory_space<vmem>>, vector<16xf32>,
      tpu.vector_store %arg15[%swap3A_782, %swap3A_783], %add3A_781 {strides = array<i32>} : memref<32x1024xf32, #tpu.memory_space<vmem>>, vector<16xf32>,
      %get3A_785 = arith.index_cast %scan3A_163 : i32 to index
      %get3A_786 = arith.constant 816 : index
      %get3A_787 = tpu.vector_load %arg15[%get3A_785, %get3A_786] {strides = array<i32>} : memref<32x1024xf32, #tpu.memory_space<vmem>>, vector<16xf32>,
      %mul3A_788 = arith.mulf %get3A_787, %gather3A_168 : vector<16xf32>
      %get3A_789 = arith.index_cast %scan3A_163 : i32 to index
      %get3A_790 = arith.constant 816 : index
      %get3A_791 = tpu.vector_load %arg16[%get3A_789, %get3A_790] {strides = array<i32>} : memref<32x1024xf32, #tpu.memory_space<vmem>>, vector<16xf32>,
      %mul3A_792 = arith.mulf %get3A_791, %gather3A_172 : vector<16xf32>
      %add3A_793 = arith.addf %mul3A_788, %mul3A_792 : vector<16xf32>
      %swap3A_794 = arith.index_cast %scan3A_163 : i32 to index
      %swap3A_795 = arith.constant 816 : index
      %swap3A_796 = tpu.vector_load %arg15[%swap3A_794, %swap3A_795] {strides = array<i32>} : memref<32x1024xf32, #tpu.memory_space<vmem>>, vector<16xf32>,
      tpu.vector_store %arg15[%swap3A_794, %swap3A_795], %add3A_793 {strides = array<i32>} : memref<32x1024xf32, #tpu.memory_space<vmem>>, vector<16xf32>,
      %get3A_797 = arith.index_cast %scan3A_163 : i32 to index
      %get3A_798 = arith.constant 832 : index
      %get3A_799 = tpu.vector_load %arg15[%get3A_797, %get3A_798] {strides = array<i32>} : memref<32x1024xf32, #tpu.memory_space<vmem>>, vector<16xf32>,
      %mul3A_800 = arith.mulf %get3A_799, %gather3A_168 : vector<16xf32>
      %get3A_801 = arith.index_cast %scan3A_163 : i32 to index
      %get3A_802 = arith.constant 832 : index
      %get3A_803 = tpu.vector_load %arg16[%get3A_801, %get3A_802] {strides = array<i32>} : memref<32x1024xf32, #tpu.memory_space<vmem>>, vector<16xf32>,
      %mul3A_804 = arith.mulf %get3A_803, %gather3A_172 : vector<16xf32>
      %add3A_805 = arith.addf %mul3A_800, %mul3A_804 : vector<16xf32>
      %swap3A_806 = arith.index_cast %scan3A_163 : i32 to index
      %swap3A_807 = arith.constant 832 : index
      %swap3A_808 = tpu.vector_load %arg15[%swap3A_806, %swap3A_807] {strides = array<i32>} : memref<32x1024xf32, #tpu.memory_space<vmem>>, vector<16xf32>,
      tpu.vector_store %arg15[%swap3A_806, %swap3A_807], %add3A_805 {strides = array<i32>} : memref<32x1024xf32, #tpu.memory_space<vmem>>, vector<16xf32>,
      %get3A_809 = arith.index_cast %scan3A_163 : i32 to index
      %get3A_810 = arith.constant 848 : index
      %get3A_811 = tpu.vector_load %arg15[%get3A_809, %get3A_810] {strides = array<i32>} : memref<32x1024xf32, #tpu.memory_space<vmem>>, vector<16xf32>,
      %mul3A_812 = arith.mulf %get3A_811, %gather3A_168 : vector<16xf32>
      %get3A_813 = arith.index_cast %scan3A_163 : i32 to index
      %get3A_814 = arith.constant 848 : index
      %get3A_815 = tpu.vector_load %arg16[%get3A_813, %get3A_814] {strides = array<i32>} : memref<32x1024xf32, #tpu.memory_space<vmem>>, vector<16xf32>,
      %mul3A_816 = arith.mulf %get3A_815, %gather3A_172 : vector<16xf32>
      %add3A_817 = arith.addf %mul3A_812, %mul3A_816 : vector<16xf32>
      %swap3A_818 = arith.index_cast %scan3A_163 : i32 to index
      %swap3A_819 = arith.constant 848 : index
      %swap3A_820 = tpu.vector_load %arg15[%swap3A_818, %swap3A_819] {strides = array<i32>} : memref<32x1024xf32, #tpu.memory_space<vmem>>, vector<16xf32>,
      tpu.vector_store %arg15[%swap3A_818, %swap3A_819], %add3A_817 {strides = array<i32>} : memref<32x1024xf32, #tpu.memory_space<vmem>>, vector<16xf32>,
      %get3A_821 = arith.index_cast %scan3A_163 : i32 to index
      %get3A_822 = arith.constant 864 : index
      %get3A_823 = tpu.vector_load %arg15[%get3A_821, %get3A_822] {strides = array<i32>} : memref<32x1024xf32, #tpu.memory_space<vmem>>, vector<16xf32>,
      %mul3A_824 = arith.mulf %get3A_823, %gather3A_168 : vector<16xf32>
      %get3A_825 = arith.index_cast %scan3A_163 : i32 to index
      %get3A_826 = arith.constant 864 : index
      %get3A_827 = tpu.vector_load %arg16[%get3A_825, %get3A_826] {strides = array<i32>} : memref<32x1024xf32, #tpu.memory_space<vmem>>, vector<16xf32>,
      %mul3A_828 = arith.mulf %get3A_827, %gather3A_172 : vector<16xf32>
      %add3A_829 = arith.addf %mul3A_824, %mul3A_828 : vector<16xf32>
      %swap3A_830 = arith.index_cast %scan3A_163 : i32 to index
      %swap3A_831 = arith.constant 864 : index
      %swap3A_832 = tpu.vector_load %arg15[%swap3A_830, %swap3A_831] {strides = array<i32>} : memref<32x1024xf32, #tpu.memory_space<vmem>>, vector<16xf32>,
      tpu.vector_store %arg15[%swap3A_830, %swap3A_831], %add3A_829 {strides = array<i32>} : memref<32x1024xf32, #tpu.memory_space<vmem>>, vector<16xf32>,
      %get3A_833 = arith.index_cast %scan3A_163 : i32 to index
      %get3A_834 = arith.constant 880 : index
      %get3A_835 = tpu.vector_load %arg15[%get3A_833, %get3A_834] {strides = array<i32>} : memref<32x1024xf32, #tpu.memory_space<vmem>>, vector<16xf32>,
      %mul3A_836 = arith.mulf %get3A_835, %gather3A_168 : vector<16xf32>
      %get3A_837 = arith.index_cast %scan3A_163 : i32 to index
      %get3A_838 = arith.constant 880 : index
      %get3A_839 = tpu.vector_load %arg16[%get3A_837, %get3A_838] {strides = array<i32>} : memref<32x1024xf32, #tpu.memory_space<vmem>>, vector<16xf32>,
      %mul3A_840 = arith.mulf %get3A_839, %gather3A_172 : vector<16xf32>
      %add3A_841 = arith.addf %mul3A_836, %mul3A_840 : vector<16xf32>
      %swap3A_842 = arith.index_cast %scan3A_163 : i32 to index
      %swap3A_843 = arith.constant 880 : index
      %swap3A_844 = tpu.vector_load %arg15[%swap3A_842, %swap3A_843] {strides = array<i32>} : memref<32x1024xf32, #tpu.memory_space<vmem>>, vector<16xf32>,
      tpu.vector_store %arg15[%swap3A_842, %swap3A_843], %add3A_841 {strides = array<i32>} : memref<32x1024xf32, #tpu.memory_space<vmem>>, vector<16xf32>,
      %get3A_845 = arith.index_cast %scan3A_163 : i32 to index
      %get3A_846 = arith.constant 896 : index
      %get3A_847 = tpu.vector_load %arg15[%get3A_845, %get3A_846] {strides = array<i32>} : memref<32x1024xf32, #tpu.memory_space<vmem>>, vector<16xf32>,
      %mul3A_848 = arith.mulf %get3A_847, %gather3A_168 : vector<16xf32>
      %get3A_849 = arith.index_cast %scan3A_163 : i32 to index
      %get3A_850 = arith.constant 896 : index
      %get3A_851 = tpu.vector_load %arg16[%get3A_849, %get3A_850] {strides = array<i32>} : memref<32x1024xf32, #tpu.memory_space<vmem>>, vector<16xf32>,
      %mul3A_852 = arith.mulf %get3A_851, %gather3A_172 : vector<16xf32>
      %add3A_853 = arith.addf %mul3A_848, %mul3A_852 : vector<16xf32>
      %swap3A_854 = arith.index_cast %scan3A_163 : i32 to index
      %swap3A_855 = arith.constant 896 : index
      %swap3A_856 = tpu.vector_load %arg15[%swap3A_854, %swap3A_855] {strides = array<i32>} : memref<32x1024xf32, #tpu.memory_space<vmem>>, vector<16xf32>,
      tpu.vector_store %arg15[%swap3A_854, %swap3A_855], %add3A_853 {strides = array<i32>} : memref<32x1024xf32, #tpu.memory_space<vmem>>, vector<16xf32>,
      %get3A_857 = arith.index_cast %scan3A_163 : i32 to index
      %get3A_858 = arith.constant 912 : index
      %get3A_859 = tpu.vector_load %arg15[%get3A_857, %get3A_858] {strides = array<i32>} : memref<32x1024xf32, #tpu.memory_space<vmem>>, vector<16xf32>,
      %mul3A_860 = arith.mulf %get3A_859, %gather3A_168 : vector<16xf32>
      %get3A_861 = arith.index_cast %scan3A_163 : i32 to index
      %get3A_862 = arith.constant 912 : index
      %get3A_863 = tpu.vector_load %arg16[%get3A_861, %get3A_862] {strides = array<i32>} : memref<32x1024xf32, #tpu.memory_space<vmem>>, vector<16xf32>,
      %mul3A_864 = arith.mulf %get3A_863, %gather3A_172 : vector<16xf32>
      %add3A_865 = arith.addf %mul3A_860, %mul3A_864 : vector<16xf32>
      %swap3A_866 = arith.index_cast %scan3A_163 : i32 to index
      %swap3A_867 = arith.constant 912 : index
      %swap3A_868 = tpu.vector_load %arg15[%swap3A_866, %swap3A_867] {strides = array<i32>} : memref<32x1024xf32, #tpu.memory_space<vmem>>, vector<16xf32>,
      tpu.vector_store %arg15[%swap3A_866, %swap3A_867], %add3A_865 {strides = array<i32>} : memref<32x1024xf32, #tpu.memory_space<vmem>>, vector<16xf32>,
      %get3A_869 = arith.index_cast %scan3A_163 : i32 to index
      %get3A_870 = arith.constant 928 : index
      %get3A_871 = tpu.vector_load %arg15[%get3A_869, %get3A_870] {strides = array<i32>} : memref<32x1024xf32, #tpu.memory_space<vmem>>, vector<16xf32>,
      %mul3A_872 = arith.mulf %get3A_871, %gather3A_168 : vector<16xf32>
      %get3A_873 = arith.index_cast %scan3A_163 : i32 to index
      %get3A_874 = arith.constant 928 : index
      %get3A_875 = tpu.vector_load %arg16[%get3A_873, %get3A_874] {strides = array<i32>} : memref<32x1024xf32, #tpu.memory_space<vmem>>, vector<16xf32>,
      %mul3A_876 = arith.mulf %get3A_875, %gather3A_172 : vector<16xf32>
      %add3A_877 = arith.addf %mul3A_872, %mul3A_876 : vector<16xf32>
      %swap3A_878 = arith.index_cast %scan3A_163 : i32 to index
      %swap3A_879 = arith.constant 928 : index
      %swap3A_880 = tpu.vector_load %arg15[%swap3A_878, %swap3A_879] {strides = array<i32>} : memref<32x1024xf32, #tpu.memory_space<vmem>>, vector<16xf32>,
      tpu.vector_store %arg15[%swap3A_878, %swap3A_879], %add3A_877 {strides = array<i32>} : memref<32x1024xf32, #tpu.memory_space<vmem>>, vector<16xf32>,
      %get3A_881 = arith.index_cast %scan3A_163 : i32 to index
      %get3A_882 = arith.constant 944 : index
      %get3A_883 = tpu.vector_load %arg15[%get3A_881, %get3A_882] {strides = array<i32>} : memref<32x1024xf32, #tpu.memory_space<vmem>>, vector<16xf32>,
      %mul3A_884 = arith.mulf %get3A_883, %gather3A_168 : vector<16xf32>
      %get3A_885 = arith.index_cast %scan3A_163 : i32 to index
      %get3A_886 = arith.constant 944 : index
      %get3A_887 = tpu.vector_load %arg16[%get3A_885, %get3A_886] {strides = array<i32>} : memref<32x1024xf32, #tpu.memory_space<vmem>>, vector<16xf32>,
      %mul3A_888 = arith.mulf %get3A_887, %gather3A_172 : vector<16xf32>
      %add3A_889 = arith.addf %mul3A_884, %mul3A_888 : vector<16xf32>
      %swap3A_890 = arith.index_cast %scan3A_163 : i32 to index
      %swap3A_891 = arith.constant 944 : index
      %swap3A_892 = tpu.vector_load %arg15[%swap3A_890, %swap3A_891] {strides = array<i32>} : memref<32x1024xf32, #tpu.memory_space<vmem>>, vector<16xf32>,
      tpu.vector_store %arg15[%swap3A_890, %swap3A_891], %add3A_889 {strides = array<i32>} : memref<32x1024xf32, #tpu.memory_space<vmem>>, vector<16xf32>,
      %get3A_893 = arith.index_cast %scan3A_163 : i32 to index
      %get3A_894 = arith.constant 960 : index
      %get3A_895 = tpu.vector_load %arg15[%get3A_893, %get3A_894] {strides = array<i32>} : memref<32x1024xf32, #tpu.memory_space<vmem>>, vector<16xf32>,
      %mul3A_896 = arith.mulf %get3A_895, %gather3A_168 : vector<16xf32>
      %get3A_897 = arith.index_cast %scan3A_163 : i32 to index
      %get3A_898 = arith.constant 960 : index
      %get3A_899 = tpu.vector_load %arg16[%get3A_897, %get3A_898] {strides = array<i32>} : memref<32x1024xf32, #tpu.memory_space<vmem>>, vector<16xf32>,
      %mul3A_900 = arith.mulf %get3A_899, %gather3A_172 : vector<16xf32>
      %add3A_901 = arith.addf %mul3A_896, %mul3A_900 : vector<16xf32>
      %swap3A_902 = arith.index_cast %scan3A_163 : i32 to index
      %swap3A_903 = arith.constant 960 : index
      %swap3A_904 = tpu.vector_load %arg15[%swap3A_902, %swap3A_903] {strides = array<i32>} : memref<32x1024xf32, #tpu.memory_space<vmem>>, vector<16xf32>,
      tpu.vector_store %arg15[%swap3A_902, %swap3A_903], %add3A_901 {strides = array<i32>} : memref<32x1024xf32, #tpu.memory_space<vmem>>, vector<16xf32>,
      %get3A_905 = arith.index_cast %scan3A_163 : i32 to index
      %get3A_906 = arith.constant 976 : index
      %get3A_907 = tpu.vector_load %arg15[%get3A_905, %get3A_906] {strides = array<i32>} : memref<32x1024xf32, #tpu.memory_space<vmem>>, vector<16xf32>,
      %mul3A_908 = arith.mulf %get3A_907, %gather3A_168 : vector<16xf32>
      %get3A_909 = arith.index_cast %scan3A_163 : i32 to index
      %get3A_910 = arith.constant 976 : index
      %get3A_911 = tpu.vector_load %arg16[%get3A_909, %get3A_910] {strides = array<i32>} : memref<32x1024xf32, #tpu.memory_space<vmem>>, vector<16xf32>,
      %mul3A_912 = arith.mulf %get3A_911, %gather3A_172 : vector<16xf32>
      %add3A_913 = arith.addf %mul3A_908, %mul3A_912 : vector<16xf32>
      %swap3A_914 = arith.index_cast %scan3A_163 : i32 to index
      %swap3A_915 = arith.constant 976 : index
      %swap3A_916 = tpu.vector_load %arg15[%swap3A_914, %swap3A_915] {strides = array<i32>} : memref<32x1024xf32, #tpu.memory_space<vmem>>, vector<16xf32>,
      tpu.vector_store %arg15[%swap3A_914, %swap3A_915], %add3A_913 {strides = array<i32>} : memref<32x1024xf32, #tpu.memory_space<vmem>>, vector<16xf32>,
      %get3A_917 = arith.index_cast %scan3A_163 : i32 to index
      %get3A_918 = arith.constant 992 : index
      %get3A_919 = tpu.vector_load %arg15[%get3A_917, %get3A_918] {strides = array<i32>} : memref<32x1024xf32, #tpu.memory_space<vmem>>, vector<16xf32>,
      %mul3A_920 = arith.mulf %get3A_919, %gather3A_168 : vector<16xf32>
      %get3A_921 = arith.index_cast %scan3A_163 : i32 to index
      %get3A_922 = arith.constant 992 : index
      %get3A_923 = tpu.vector_load %arg16[%get3A_921, %get3A_922] {strides = array<i32>} : memref<32x1024xf32, #tpu.memory_space<vmem>>, vector<16xf32>,
      %mul3A_924 = arith.mulf %get3A_923, %gather3A_172 : vector<16xf32>
      %add3A_925 = arith.addf %mul3A_920, %mul3A_924 : vector<16xf32>
      %swap3A_926 = arith.index_cast %scan3A_163 : i32 to index
      %swap3A_927 = arith.constant 992 : index
      %swap3A_928 = tpu.vector_load %arg15[%swap3A_926, %swap3A_927] {strides = array<i32>} : memref<32x1024xf32, #tpu.memory_space<vmem>>, vector<16xf32>,
      tpu.vector_store %arg15[%swap3A_926, %swap3A_927], %add3A_925 {strides = array<i32>} : memref<32x1024xf32, #tpu.memory_space<vmem>>, vector<16xf32>,
      %get3A_929 = arith.index_cast %scan3A_163 : i32 to index
      %get3A_930 = arith.constant 1008 : index
      %get3A_931 = tpu.vector_load %arg15[%get3A_929, %get3A_930] {strides = array<i32>} : memref<32x1024xf32, #tpu.memory_space<vmem>>, vector<16xf32>,
      %mul3A_932 = arith.mulf %get3A_931, %gather3A_168 : vector<16xf32>
      %get3A_933 = arith.index_cast %scan3A_163 : i32 to index
      %get3A_934 = arith.constant 1008 : index
      %get3A_935 = tpu.vector_load %arg16[%get3A_933, %get3A_934] {strides = array<i32>} : memref<32x1024xf32, #tpu.memory_space<vmem>>, vector<16xf32>,
      %mul3A_936 = arith.mulf %get3A_935, %gather3A_172 : vector<16xf32>
      %add3A_937 = arith.addf %mul3A_932, %mul3A_936 : vector<16xf32>
      %swap3A_938 = arith.index_cast %scan3A_163 : i32 to index
      %swap3A_939 = arith.constant 1008 : index
      %swap3A_940 = tpu.vector_load %arg15[%swap3A_938, %swap3A_939] {strides = array<i32>} : memref<32x1024xf32, #tpu.memory_space<vmem>>, vector<16xf32>,
      tpu.vector_store %arg15[%swap3A_938, %swap3A_939], %add3A_937 {strides = array<i32>} : memref<32x1024xf32, #tpu.memory_space<vmem>>, vector<16xf32>,
      %scan3A_941 = arith.constant 0 : i32
      scf.yield %scan3A_941 : i32
    }
    %scan3A_119 = arith.constant 32 : i32
    %mul3A_120 = arith.constant 64 : i32
    %mul3A_121 = arith.muli %add3A, %mul3A_120 : i32
    %add3A_122 = arith.constant 0 : i32
    %add3A_123 = arith.addi %mul3A_121, %add3A_122 : i32
    "tpu.region"() ({
      %run_scoped3A = tpu.sem_alloc : memref<!tpu.dma_semaphore, #tpu.memory_space<semaphore_mem>>
      %dma_start3A_163 = arith.constant 0 : i32
      %dma_start3A_164 = tpu.memref_slice %arg7[%add3A_123, %dma_start3A_163] : memref<2048x1024xf32, #tpu.memory_space<hbm>> -> memref<32x1024xf32, #tpu.memory_space<hbm>>
      %dma_start3A_165 = arith.constant 0 : i32
      %dma_start3A_166 = tpu.memref_slice %arg7[%add3A_123, %dma_start3A_165] : memref<2048x1024xf32, #tpu.memory_space<hbm>> -> memref<32x1024xf32, #tpu.memory_space<hbm>>
      tpu.enqueue_dma source(%arg15 : memref<32x1024xf32, #tpu.memory_space<vmem>>) target(%dma_start3A_166 : memref<32x1024xf32, #tpu.memory_space<hbm>>) target_semaphore(%run_scoped3A : memref<!tpu.dma_semaphore, #tpu.memory_space<semaphore_mem>>)
      %dma_wait3A_167 = arith.constant 0 : i32
      %dma_wait3A_168 = tpu.memref_slice %arg7[%add3A_123, %dma_wait3A_167] : memref<2048x1024xf32, #tpu.memory_space<hbm>> -> memref<32x1024xf32, #tpu.memory_space<hbm>>
      %dma_wait3A_169 = arith.constant 0 : i32
      %dma_wait3A_170 = tpu.memref_slice %arg7[%add3A_123, %dma_wait3A_169] : memref<2048x1024xf32, #tpu.memory_space<hbm>> -> memref<32x1024xf32, #tpu.memory_space<hbm>>
      tpu.wait_dma2 semaphore(%run_scoped3A : memref<!tpu.dma_semaphore, #tpu.memory_space<semaphore_mem>>) src(%arg15 : memref<32x1024xf32, #tpu.memory_space<vmem>>) dst(%dma_wait3A_170 : memref<32x1024xf32, #tpu.memory_space<hbm>>)
      tpu.yield
    }) : () -> ()
    %dma_start3A_124 = arith.constant 1 : i32
    %dma_start3A_125 = arith.constant 0 : i32
    %dma_start3A_126 = tpu.memref_slice %arg13[%dma_start3A_124, %dma_start3A_125] : memref<2x32xi32, #tpu.memory_space<vmem>> -> memref<1x32xi32, #tpu.memory_space<vmem>>
    %dma_start3A_127 = tpu.memref_squeeze %dma_start3A_126 : memref<1x32xi32, #tpu.memory_space<vmem>> -> memref<32xi32, #tpu.memory_space<vmem>>
    %dma_start3A_128 = arith.constant 0 : i32
    %dma_start3A_129 = arith.constant 0 : i32
    %dma_start3A_130 = tpu.memref_slice %arg2[%dma_start3A_128, %dma_start3A_129] : memref<5120x1024xf32, #tpu.memory_space<hbm>> -> memref<5120x1024xf32, #tpu.memory_space<hbm>>
    tpu.enqueue_indirect_dma source(%dma_start3A_130 : memref<5120x1024xf32, #tpu.memory_space<hbm>>) target(%arg15 : memref<32x1024xf32, #tpu.memory_space<vmem>>) offsets(%dma_start3A_127 : memref<32xi32, #tpu.memory_space<vmem>>) semaphore(%arg17 : memref<!tpu.dma_semaphore, #tpu.memory_space<semaphore_mem>>)
    %dma_start3A_131 = arith.constant 1 : i32
    %dma_start3A_132 = arith.constant 0 : i32
    %dma_start3A_133 = tpu.memref_slice %arg14[%dma_start3A_131, %dma_start3A_132] : memref<2x32xi32, #tpu.memory_space<vmem>> -> memref<1x32xi32, #tpu.memory_space<vmem>>
    %dma_start3A_134 = tpu.memref_squeeze %dma_start3A_133 : memref<1x32xi32, #tpu.memory_space<vmem>> -> memref<32xi32, #tpu.memory_space<vmem>>
    %dma_start3A_135 = arith.constant 0 : i32
    %dma_start3A_136 = arith.constant 0 : i32
    %dma_start3A_137 = tpu.memref_slice %arg2[%dma_start3A_135, %dma_start3A_136] : memref<5120x1024xf32, #tpu.memory_space<hbm>> -> memref<5120x1024xf32, #tpu.memory_space<hbm>>
    tpu.enqueue_indirect_dma source(%dma_start3A_137 : memref<5120x1024xf32, #tpu.memory_space<hbm>>) target(%arg16 : memref<32x1024xf32, #tpu.memory_space<vmem>>) offsets(%dma_start3A_134 : memref<32xi32, #tpu.memory_space<vmem>>) semaphore(%arg18 : memref<!tpu.dma_semaphore, #tpu.memory_space<semaphore_mem>>)
    %dma_wait3A_138 = arith.constant 1 : i32
    %dma_wait3A_139 = arith.constant 0 : i32
    %dma_wait3A_140 = tpu.memref_slice %arg13[%dma_wait3A_138, %dma_wait3A_139] : memref<2x32xi32, #tpu.memory_space<vmem>> -> memref<1x32xi32, #tpu.memory_space<vmem>>
    %dma_wait3A_141 = tpu.memref_squeeze %dma_wait3A_140 : memref<1x32xi32, #tpu.memory_space<vmem>> -> memref<32xi32, #tpu.memory_space<vmem>>
    %dma_wait3A_142 = arith.constant 0 : i32
    %dma_wait3A_143 = arith.constant 0 : i32
    %dma_wait3A_144 = tpu.memref_slice %arg2[%dma_wait3A_142, %dma_wait3A_143] : memref<5120x1024xf32, #tpu.memory_space<hbm>> -> memref<5120x1024xf32, #tpu.memory_space<hbm>>
    tpu.wait_indirect_dma semaphore(%arg17 : memref<!tpu.dma_semaphore, #tpu.memory_space<semaphore_mem>>) src(%dma_wait3A_144 : memref<5120x1024xf32, #tpu.memory_space<hbm>>) dst(%arg15 : memref<32x1024xf32, #tpu.memory_space<vmem>>)
    %dma_wait3A_145 = arith.constant 1 : i32
    %dma_wait3A_146 = arith.constant 0 : i32
    %dma_wait3A_147 = tpu.memref_slice %arg14[%dma_wait3A_145, %dma_wait3A_146] : memref<2x32xi32, #tpu.memory_space<vmem>> -> memref<1x32xi32, #tpu.memory_space<vmem>>
    %dma_wait3A_148 = tpu.memref_squeeze %dma_wait3A_147 : memref<1x32xi32, #tpu.memory_space<vmem>> -> memref<32xi32, #tpu.memory_space<vmem>>
    %dma_wait3A_149 = arith.constant 0 : i32
    %dma_wait3A_150 = arith.constant 0 : i32
    %dma_wait3A_151 = tpu.memref_slice %arg2[%dma_wait3A_149, %dma_wait3A_150] : memref<5120x1024xf32, #tpu.memory_space<hbm>> -> memref<5120x1024xf32, #tpu.memory_space<hbm>>
    tpu.wait_indirect_dma semaphore(%arg18 : memref<!tpu.dma_semaphore, #tpu.memory_space<semaphore_mem>>) src(%dma_wait3A_151 : memref<5120x1024xf32, #tpu.memory_space<hbm>>) dst(%arg16 : memref<32x1024xf32, #tpu.memory_space<vmem>>)
    %scan3A_152 = arith.constant 0 : i32
    %scan3A_153 = arith.constant 0 : i32
    %scan3A_154 = arith.constant 32 : i32
    %scan3A_155 = arith.addi %scan3A_153, %scan3A_154 : i32
    %scan3A_156 = arith.constant 1 : i32
    %scan3A_157 = scf.for %scan3A_163 = %scan3A_153 to %scan3A_155 step %scan3A_156 iter_args(%scan3A_164 = %scan3A_152) -> (i32)  : i32 {
      %add3A_165 = arith.constant 32 : i32
      %add3A_166 = arith.addi %add3A_165, %scan3A_163 : i32
      %broadcast_in_dim3A_167 = vector.broadcast %add3A_166 : i32 to vector<16xi32>
      %gather3A_168 = tpu.vector_load_idx %arg10[%broadcast_in_dim3A_167] : memref<128xf32, #tpu.memory_space<vmem>>[vector<16xi32>], vector<16xf32>,
      %add3A_169 = arith.constant 64 : i32
      %add3A_170 = arith.addi %add3A_169, %add3A_166 : i32
      %broadcast_in_dim3A_171 = vector.broadcast %add3A_170 : i32 to vector<16xi32>
      %gather3A_172 = tpu.vector_load_idx %arg10[%broadcast_in_dim3A_171] : memref<128xf32, #tpu.memory_space<vmem>>[vector<16xi32>], vector<16xf32>,
      %get3A_173 = arith.index_cast %scan3A_163 : i32 to index
      %get3A_174 = arith.constant 0 : index
      %get3A_175 = tpu.vector_load %arg15[%get3A_173, %get3A_174] {strides = array<i32>} : memref<32x1024xf32, #tpu.memory_space<vmem>>, vector<16xf32>,
      %mul3A_176 = arith.mulf %get3A_175, %gather3A_168 : vector<16xf32>
      %get3A_177 = arith.index_cast %scan3A_163 : i32 to index
      %get3A_178 = arith.constant 0 : index
      %get3A_179 = tpu.vector_load %arg16[%get3A_177, %get3A_178] {strides = array<i32>} : memref<32x1024xf32, #tpu.memory_space<vmem>>, vector<16xf32>,
      %mul3A_180 = arith.mulf %get3A_179, %gather3A_172 : vector<16xf32>
      %add3A_181 = arith.addf %mul3A_176, %mul3A_180 : vector<16xf32>
      %swap3A_182 = arith.index_cast %scan3A_163 : i32 to index
      %swap3A_183 = arith.constant 0 : index
      %swap3A_184 = tpu.vector_load %arg15[%swap3A_182, %swap3A_183] {strides = array<i32>} : memref<32x1024xf32, #tpu.memory_space<vmem>>, vector<16xf32>,
      tpu.vector_store %arg15[%swap3A_182, %swap3A_183], %add3A_181 {strides = array<i32>} : memref<32x1024xf32, #tpu.memory_space<vmem>>, vector<16xf32>,
      %get3A_185 = arith.index_cast %scan3A_163 : i32 to index
      %get3A_186 = arith.constant 16 : index
      %get3A_187 = tpu.vector_load %arg15[%get3A_185, %get3A_186] {strides = array<i32>} : memref<32x1024xf32, #tpu.memory_space<vmem>>, vector<16xf32>,
      %mul3A_188 = arith.mulf %get3A_187, %gather3A_168 : vector<16xf32>
      %get3A_189 = arith.index_cast %scan3A_163 : i32 to index
      %get3A_190 = arith.constant 16 : index
      %get3A_191 = tpu.vector_load %arg16[%get3A_189, %get3A_190] {strides = array<i32>} : memref<32x1024xf32, #tpu.memory_space<vmem>>, vector<16xf32>,
      %mul3A_192 = arith.mulf %get3A_191, %gather3A_172 : vector<16xf32>
      %add3A_193 = arith.addf %mul3A_188, %mul3A_192 : vector<16xf32>
      %swap3A_194 = arith.index_cast %scan3A_163 : i32 to index
      %swap3A_195 = arith.constant 16 : index
      %swap3A_196 = tpu.vector_load %arg15[%swap3A_194, %swap3A_195] {strides = array<i32>} : memref<32x1024xf32, #tpu.memory_space<vmem>>, vector<16xf32>,
      tpu.vector_store %arg15[%swap3A_194, %swap3A_195], %add3A_193 {strides = array<i32>} : memref<32x1024xf32, #tpu.memory_space<vmem>>, vector<16xf32>,
      %get3A_197 = arith.index_cast %scan3A_163 : i32 to index
      %get3A_198 = arith.constant 32 : index
      %get3A_199 = tpu.vector_load %arg15[%get3A_197, %get3A_198] {strides = array<i32>} : memref<32x1024xf32, #tpu.memory_space<vmem>>, vector<16xf32>,
      %mul3A_200 = arith.mulf %get3A_199, %gather3A_168 : vector<16xf32>
      %get3A_201 = arith.index_cast %scan3A_163 : i32 to index
      %get3A_202 = arith.constant 32 : index
      %get3A_203 = tpu.vector_load %arg16[%get3A_201, %get3A_202] {strides = array<i32>} : memref<32x1024xf32, #tpu.memory_space<vmem>>, vector<16xf32>,
      %mul3A_204 = arith.mulf %get3A_203, %gather3A_172 : vector<16xf32>
      %add3A_205 = arith.addf %mul3A_200, %mul3A_204 : vector<16xf32>
      %swap3A_206 = arith.index_cast %scan3A_163 : i32 to index
      %swap3A_207 = arith.constant 32 : index
      %swap3A_208 = tpu.vector_load %arg15[%swap3A_206, %swap3A_207] {strides = array<i32>} : memref<32x1024xf32, #tpu.memory_space<vmem>>, vector<16xf32>,
      tpu.vector_store %arg15[%swap3A_206, %swap3A_207], %add3A_205 {strides = array<i32>} : memref<32x1024xf32, #tpu.memory_space<vmem>>, vector<16xf32>,
      %get3A_209 = arith.index_cast %scan3A_163 : i32 to index
      %get3A_210 = arith.constant 48 : index
      %get3A_211 = tpu.vector_load %arg15[%get3A_209, %get3A_210] {strides = array<i32>} : memref<32x1024xf32, #tpu.memory_space<vmem>>, vector<16xf32>,
      %mul3A_212 = arith.mulf %get3A_211, %gather3A_168 : vector<16xf32>
      %get3A_213 = arith.index_cast %scan3A_163 : i32 to index
      %get3A_214 = arith.constant 48 : index
      %get3A_215 = tpu.vector_load %arg16[%get3A_213, %get3A_214] {strides = array<i32>} : memref<32x1024xf32, #tpu.memory_space<vmem>>, vector<16xf32>,
      %mul3A_216 = arith.mulf %get3A_215, %gather3A_172 : vector<16xf32>
      %add3A_217 = arith.addf %mul3A_212, %mul3A_216 : vector<16xf32>
      %swap3A_218 = arith.index_cast %scan3A_163 : i32 to index
      %swap3A_219 = arith.constant 48 : index
      %swap3A_220 = tpu.vector_load %arg15[%swap3A_218, %swap3A_219] {strides = array<i32>} : memref<32x1024xf32, #tpu.memory_space<vmem>>, vector<16xf32>,
      tpu.vector_store %arg15[%swap3A_218, %swap3A_219], %add3A_217 {strides = array<i32>} : memref<32x1024xf32, #tpu.memory_space<vmem>>, vector<16xf32>,
      %get3A_221 = arith.index_cast %scan3A_163 : i32 to index
      %get3A_222 = arith.constant 64 : index
      %get3A_223 = tpu.vector_load %arg15[%get3A_221, %get3A_222] {strides = array<i32>} : memref<32x1024xf32, #tpu.memory_space<vmem>>, vector<16xf32>,
      %mul3A_224 = arith.mulf %get3A_223, %gather3A_168 : vector<16xf32>
      %get3A_225 = arith.index_cast %scan3A_163 : i32 to index
      %get3A_226 = arith.constant 64 : index
      %get3A_227 = tpu.vector_load %arg16[%get3A_225, %get3A_226] {strides = array<i32>} : memref<32x1024xf32, #tpu.memory_space<vmem>>, vector<16xf32>,
      %mul3A_228 = arith.mulf %get3A_227, %gather3A_172 : vector<16xf32>
      %add3A_229 = arith.addf %mul3A_224, %mul3A_228 : vector<16xf32>
      %swap3A_230 = arith.index_cast %scan3A_163 : i32 to index
      %swap3A_231 = arith.constant 64 : index
      %swap3A_232 = tpu.vector_load %arg15[%swap3A_230, %swap3A_231] {strides = array<i32>} : memref<32x1024xf32, #tpu.memory_space<vmem>>, vector<16xf32>,
      tpu.vector_store %arg15[%swap3A_230, %swap3A_231], %add3A_229 {strides = array<i32>} : memref<32x1024xf32, #tpu.memory_space<vmem>>, vector<16xf32>,
      %get3A_233 = arith.index_cast %scan3A_163 : i32 to index
      %get3A_234 = arith.constant 80 : index
      %get3A_235 = tpu.vector_load %arg15[%get3A_233, %get3A_234] {strides = array<i32>} : memref<32x1024xf32, #tpu.memory_space<vmem>>, vector<16xf32>,
      %mul3A_236 = arith.mulf %get3A_235, %gather3A_168 : vector<16xf32>
      %get3A_237 = arith.index_cast %scan3A_163 : i32 to index
      %get3A_238 = arith.constant 80 : index
      %get3A_239 = tpu.vector_load %arg16[%get3A_237, %get3A_238] {strides = array<i32>} : memref<32x1024xf32, #tpu.memory_space<vmem>>, vector<16xf32>,
      %mul3A_240 = arith.mulf %get3A_239, %gather3A_172 : vector<16xf32>
      %add3A_241 = arith.addf %mul3A_236, %mul3A_240 : vector<16xf32>
      %swap3A_242 = arith.index_cast %scan3A_163 : i32 to index
      %swap3A_243 = arith.constant 80 : index
      %swap3A_244 = tpu.vector_load %arg15[%swap3A_242, %swap3A_243] {strides = array<i32>} : memref<32x1024xf32, #tpu.memory_space<vmem>>, vector<16xf32>,
      tpu.vector_store %arg15[%swap3A_242, %swap3A_243], %add3A_241 {strides = array<i32>} : memref<32x1024xf32, #tpu.memory_space<vmem>>, vector<16xf32>,
      %get3A_245 = arith.index_cast %scan3A_163 : i32 to index
      %get3A_246 = arith.constant 96 : index
      %get3A_247 = tpu.vector_load %arg15[%get3A_245, %get3A_246] {strides = array<i32>} : memref<32x1024xf32, #tpu.memory_space<vmem>>, vector<16xf32>,
      %mul3A_248 = arith.mulf %get3A_247, %gather3A_168 : vector<16xf32>
      %get3A_249 = arith.index_cast %scan3A_163 : i32 to index
      %get3A_250 = arith.constant 96 : index
      %get3A_251 = tpu.vector_load %arg16[%get3A_249, %get3A_250] {strides = array<i32>} : memref<32x1024xf32, #tpu.memory_space<vmem>>, vector<16xf32>,
      %mul3A_252 = arith.mulf %get3A_251, %gather3A_172 : vector<16xf32>
      %add3A_253 = arith.addf %mul3A_248, %mul3A_252 : vector<16xf32>
      %swap3A_254 = arith.index_cast %scan3A_163 : i32 to index
      %swap3A_255 = arith.constant 96 : index
      %swap3A_256 = tpu.vector_load %arg15[%swap3A_254, %swap3A_255] {strides = array<i32>} : memref<32x1024xf32, #tpu.memory_space<vmem>>, vector<16xf32>,
      tpu.vector_store %arg15[%swap3A_254, %swap3A_255], %add3A_253 {strides = array<i32>} : memref<32x1024xf32, #tpu.memory_space<vmem>>, vector<16xf32>,
      %get3A_257 = arith.index_cast %scan3A_163 : i32 to index
      %get3A_258 = arith.constant 112 : index
      %get3A_259 = tpu.vector_load %arg15[%get3A_257, %get3A_258] {strides = array<i32>} : memref<32x1024xf32, #tpu.memory_space<vmem>>, vector<16xf32>,
      %mul3A_260 = arith.mulf %get3A_259, %gather3A_168 : vector<16xf32>
      %get3A_261 = arith.index_cast %scan3A_163 : i32 to index
      %get3A_262 = arith.constant 112 : index
      %get3A_263 = tpu.vector_load %arg16[%get3A_261, %get3A_262] {strides = array<i32>} : memref<32x1024xf32, #tpu.memory_space<vmem>>, vector<16xf32>,
      %mul3A_264 = arith.mulf %get3A_263, %gather3A_172 : vector<16xf32>
      %add3A_265 = arith.addf %mul3A_260, %mul3A_264 : vector<16xf32>
      %swap3A_266 = arith.index_cast %scan3A_163 : i32 to index
      %swap3A_267 = arith.constant 112 : index
      %swap3A_268 = tpu.vector_load %arg15[%swap3A_266, %swap3A_267] {strides = array<i32>} : memref<32x1024xf32, #tpu.memory_space<vmem>>, vector<16xf32>,
      tpu.vector_store %arg15[%swap3A_266, %swap3A_267], %add3A_265 {strides = array<i32>} : memref<32x1024xf32, #tpu.memory_space<vmem>>, vector<16xf32>,
      %get3A_269 = arith.index_cast %scan3A_163 : i32 to index
      %get3A_270 = arith.constant 128 : index
      %get3A_271 = tpu.vector_load %arg15[%get3A_269, %get3A_270] {strides = array<i32>} : memref<32x1024xf32, #tpu.memory_space<vmem>>, vector<16xf32>,
      %mul3A_272 = arith.mulf %get3A_271, %gather3A_168 : vector<16xf32>
      %get3A_273 = arith.index_cast %scan3A_163 : i32 to index
      %get3A_274 = arith.constant 128 : index
      %get3A_275 = tpu.vector_load %arg16[%get3A_273, %get3A_274] {strides = array<i32>} : memref<32x1024xf32, #tpu.memory_space<vmem>>, vector<16xf32>,
      %mul3A_276 = arith.mulf %get3A_275, %gather3A_172 : vector<16xf32>
      %add3A_277 = arith.addf %mul3A_272, %mul3A_276 : vector<16xf32>
      %swap3A_278 = arith.index_cast %scan3A_163 : i32 to index
      %swap3A_279 = arith.constant 128 : index
      %swap3A_280 = tpu.vector_load %arg15[%swap3A_278, %swap3A_279] {strides = array<i32>} : memref<32x1024xf32, #tpu.memory_space<vmem>>, vector<16xf32>,
      tpu.vector_store %arg15[%swap3A_278, %swap3A_279], %add3A_277 {strides = array<i32>} : memref<32x1024xf32, #tpu.memory_space<vmem>>, vector<16xf32>,
      %get3A_281 = arith.index_cast %scan3A_163 : i32 to index
      %get3A_282 = arith.constant 144 : index
      %get3A_283 = tpu.vector_load %arg15[%get3A_281, %get3A_282] {strides = array<i32>} : memref<32x1024xf32, #tpu.memory_space<vmem>>, vector<16xf32>,
      %mul3A_284 = arith.mulf %get3A_283, %gather3A_168 : vector<16xf32>
      %get3A_285 = arith.index_cast %scan3A_163 : i32 to index
      %get3A_286 = arith.constant 144 : index
      %get3A_287 = tpu.vector_load %arg16[%get3A_285, %get3A_286] {strides = array<i32>} : memref<32x1024xf32, #tpu.memory_space<vmem>>, vector<16xf32>,
      %mul3A_288 = arith.mulf %get3A_287, %gather3A_172 : vector<16xf32>
      %add3A_289 = arith.addf %mul3A_284, %mul3A_288 : vector<16xf32>
      %swap3A_290 = arith.index_cast %scan3A_163 : i32 to index
      %swap3A_291 = arith.constant 144 : index
      %swap3A_292 = tpu.vector_load %arg15[%swap3A_290, %swap3A_291] {strides = array<i32>} : memref<32x1024xf32, #tpu.memory_space<vmem>>, vector<16xf32>,
      tpu.vector_store %arg15[%swap3A_290, %swap3A_291], %add3A_289 {strides = array<i32>} : memref<32x1024xf32, #tpu.memory_space<vmem>>, vector<16xf32>,
      %get3A_293 = arith.index_cast %scan3A_163 : i32 to index
      %get3A_294 = arith.constant 160 : index
      %get3A_295 = tpu.vector_load %arg15[%get3A_293, %get3A_294] {strides = array<i32>} : memref<32x1024xf32, #tpu.memory_space<vmem>>, vector<16xf32>,
      %mul3A_296 = arith.mulf %get3A_295, %gather3A_168 : vector<16xf32>
      %get3A_297 = arith.index_cast %scan3A_163 : i32 to index
      %get3A_298 = arith.constant 160 : index
      %get3A_299 = tpu.vector_load %arg16[%get3A_297, %get3A_298] {strides = array<i32>} : memref<32x1024xf32, #tpu.memory_space<vmem>>, vector<16xf32>,
      %mul3A_300 = arith.mulf %get3A_299, %gather3A_172 : vector<16xf32>
      %add3A_301 = arith.addf %mul3A_296, %mul3A_300 : vector<16xf32>
      %swap3A_302 = arith.index_cast %scan3A_163 : i32 to index
      %swap3A_303 = arith.constant 160 : index
      %swap3A_304 = tpu.vector_load %arg15[%swap3A_302, %swap3A_303] {strides = array<i32>} : memref<32x1024xf32, #tpu.memory_space<vmem>>, vector<16xf32>,
      tpu.vector_store %arg15[%swap3A_302, %swap3A_303], %add3A_301 {strides = array<i32>} : memref<32x1024xf32, #tpu.memory_space<vmem>>, vector<16xf32>,
      %get3A_305 = arith.index_cast %scan3A_163 : i32 to index
      %get3A_306 = arith.constant 176 : index
      %get3A_307 = tpu.vector_load %arg15[%get3A_305, %get3A_306] {strides = array<i32>} : memref<32x1024xf32, #tpu.memory_space<vmem>>, vector<16xf32>,
      %mul3A_308 = arith.mulf %get3A_307, %gather3A_168 : vector<16xf32>
      %get3A_309 = arith.index_cast %scan3A_163 : i32 to index
      %get3A_310 = arith.constant 176 : index
      %get3A_311 = tpu.vector_load %arg16[%get3A_309, %get3A_310] {strides = array<i32>} : memref<32x1024xf32, #tpu.memory_space<vmem>>, vector<16xf32>,
      %mul3A_312 = arith.mulf %get3A_311, %gather3A_172 : vector<16xf32>
      %add3A_313 = arith.addf %mul3A_308, %mul3A_312 : vector<16xf32>
      %swap3A_314 = arith.index_cast %scan3A_163 : i32 to index
      %swap3A_315 = arith.constant 176 : index
      %swap3A_316 = tpu.vector_load %arg15[%swap3A_314, %swap3A_315] {strides = array<i32>} : memref<32x1024xf32, #tpu.memory_space<vmem>>, vector<16xf32>,
      tpu.vector_store %arg15[%swap3A_314, %swap3A_315], %add3A_313 {strides = array<i32>} : memref<32x1024xf32, #tpu.memory_space<vmem>>, vector<16xf32>,
      %get3A_317 = arith.index_cast %scan3A_163 : i32 to index
      %get3A_318 = arith.constant 192 : index
      %get3A_319 = tpu.vector_load %arg15[%get3A_317, %get3A_318] {strides = array<i32>} : memref<32x1024xf32, #tpu.memory_space<vmem>>, vector<16xf32>,
      %mul3A_320 = arith.mulf %get3A_319, %gather3A_168 : vector<16xf32>
      %get3A_321 = arith.index_cast %scan3A_163 : i32 to index
      %get3A_322 = arith.constant 192 : index
      %get3A_323 = tpu.vector_load %arg16[%get3A_321, %get3A_322] {strides = array<i32>} : memref<32x1024xf32, #tpu.memory_space<vmem>>, vector<16xf32>,
      %mul3A_324 = arith.mulf %get3A_323, %gather3A_172 : vector<16xf32>
      %add3A_325 = arith.addf %mul3A_320, %mul3A_324 : vector<16xf32>
      %swap3A_326 = arith.index_cast %scan3A_163 : i32 to index
      %swap3A_327 = arith.constant 192 : index
      %swap3A_328 = tpu.vector_load %arg15[%swap3A_326, %swap3A_327] {strides = array<i32>} : memref<32x1024xf32, #tpu.memory_space<vmem>>, vector<16xf32>,
      tpu.vector_store %arg15[%swap3A_326, %swap3A_327], %add3A_325 {strides = array<i32>} : memref<32x1024xf32, #tpu.memory_space<vmem>>, vector<16xf32>,
      %get3A_329 = arith.index_cast %scan3A_163 : i32 to index
      %get3A_330 = arith.constant 208 : index
      %get3A_331 = tpu.vector_load %arg15[%get3A_329, %get3A_330] {strides = array<i32>} : memref<32x1024xf32, #tpu.memory_space<vmem>>, vector<16xf32>,
      %mul3A_332 = arith.mulf %get3A_331, %gather3A_168 : vector<16xf32>
      %get3A_333 = arith.index_cast %scan3A_163 : i32 to index
      %get3A_334 = arith.constant 208 : index
      %get3A_335 = tpu.vector_load %arg16[%get3A_333, %get3A_334] {strides = array<i32>} : memref<32x1024xf32, #tpu.memory_space<vmem>>, vector<16xf32>,
      %mul3A_336 = arith.mulf %get3A_335, %gather3A_172 : vector<16xf32>
      %add3A_337 = arith.addf %mul3A_332, %mul3A_336 : vector<16xf32>
      %swap3A_338 = arith.index_cast %scan3A_163 : i32 to index
      %swap3A_339 = arith.constant 208 : index
      %swap3A_340 = tpu.vector_load %arg15[%swap3A_338, %swap3A_339] {strides = array<i32>} : memref<32x1024xf32, #tpu.memory_space<vmem>>, vector<16xf32>,
      tpu.vector_store %arg15[%swap3A_338, %swap3A_339], %add3A_337 {strides = array<i32>} : memref<32x1024xf32, #tpu.memory_space<vmem>>, vector<16xf32>,
      %get3A_341 = arith.index_cast %scan3A_163 : i32 to index
      %get3A_342 = arith.constant 224 : index
      %get3A_343 = tpu.vector_load %arg15[%get3A_341, %get3A_342] {strides = array<i32>} : memref<32x1024xf32, #tpu.memory_space<vmem>>, vector<16xf32>,
      %mul3A_344 = arith.mulf %get3A_343, %gather3A_168 : vector<16xf32>
      %get3A_345 = arith.index_cast %scan3A_163 : i32 to index
      %get3A_346 = arith.constant 224 : index
      %get3A_347 = tpu.vector_load %arg16[%get3A_345, %get3A_346] {strides = array<i32>} : memref<32x1024xf32, #tpu.memory_space<vmem>>, vector<16xf32>,
      %mul3A_348 = arith.mulf %get3A_347, %gather3A_172 : vector<16xf32>
      %add3A_349 = arith.addf %mul3A_344, %mul3A_348 : vector<16xf32>
      %swap3A_350 = arith.index_cast %scan3A_163 : i32 to index
      %swap3A_351 = arith.constant 224 : index
      %swap3A_352 = tpu.vector_load %arg15[%swap3A_350, %swap3A_351] {strides = array<i32>} : memref<32x1024xf32, #tpu.memory_space<vmem>>, vector<16xf32>,
      tpu.vector_store %arg15[%swap3A_350, %swap3A_351], %add3A_349 {strides = array<i32>} : memref<32x1024xf32, #tpu.memory_space<vmem>>, vector<16xf32>,
      %get3A_353 = arith.index_cast %scan3A_163 : i32 to index
      %get3A_354 = arith.constant 240 : index
      %get3A_355 = tpu.vector_load %arg15[%get3A_353, %get3A_354] {strides = array<i32>} : memref<32x1024xf32, #tpu.memory_space<vmem>>, vector<16xf32>,
      %mul3A_356 = arith.mulf %get3A_355, %gather3A_168 : vector<16xf32>
      %get3A_357 = arith.index_cast %scan3A_163 : i32 to index
      %get3A_358 = arith.constant 240 : index
      %get3A_359 = tpu.vector_load %arg16[%get3A_357, %get3A_358] {strides = array<i32>} : memref<32x1024xf32, #tpu.memory_space<vmem>>, vector<16xf32>,
      %mul3A_360 = arith.mulf %get3A_359, %gather3A_172 : vector<16xf32>
      %add3A_361 = arith.addf %mul3A_356, %mul3A_360 : vector<16xf32>
      %swap3A_362 = arith.index_cast %scan3A_163 : i32 to index
      %swap3A_363 = arith.constant 240 : index
      %swap3A_364 = tpu.vector_load %arg15[%swap3A_362, %swap3A_363] {strides = array<i32>} : memref<32x1024xf32, #tpu.memory_space<vmem>>, vector<16xf32>,
      tpu.vector_store %arg15[%swap3A_362, %swap3A_363], %add3A_361 {strides = array<i32>} : memref<32x1024xf32, #tpu.memory_space<vmem>>, vector<16xf32>,
      %get3A_365 = arith.index_cast %scan3A_163 : i32 to index
      %get3A_366 = arith.constant 256 : index
      %get3A_367 = tpu.vector_load %arg15[%get3A_365, %get3A_366] {strides = array<i32>} : memref<32x1024xf32, #tpu.memory_space<vmem>>, vector<16xf32>,
      %mul3A_368 = arith.mulf %get3A_367, %gather3A_168 : vector<16xf32>
      %get3A_369 = arith.index_cast %scan3A_163 : i32 to index
      %get3A_370 = arith.constant 256 : index
      %get3A_371 = tpu.vector_load %arg16[%get3A_369, %get3A_370] {strides = array<i32>} : memref<32x1024xf32, #tpu.memory_space<vmem>>, vector<16xf32>,
      %mul3A_372 = arith.mulf %get3A_371, %gather3A_172 : vector<16xf32>
      %add3A_373 = arith.addf %mul3A_368, %mul3A_372 : vector<16xf32>
      %swap3A_374 = arith.index_cast %scan3A_163 : i32 to index
      %swap3A_375 = arith.constant 256 : index
      %swap3A_376 = tpu.vector_load %arg15[%swap3A_374, %swap3A_375] {strides = array<i32>} : memref<32x1024xf32, #tpu.memory_space<vmem>>, vector<16xf32>,
      tpu.vector_store %arg15[%swap3A_374, %swap3A_375], %add3A_373 {strides = array<i32>} : memref<32x1024xf32, #tpu.memory_space<vmem>>, vector<16xf32>,
      %get3A_377 = arith.index_cast %scan3A_163 : i32 to index
      %get3A_378 = arith.constant 272 : index
      %get3A_379 = tpu.vector_load %arg15[%get3A_377, %get3A_378] {strides = array<i32>} : memref<32x1024xf32, #tpu.memory_space<vmem>>, vector<16xf32>,
      %mul3A_380 = arith.mulf %get3A_379, %gather3A_168 : vector<16xf32>
      %get3A_381 = arith.index_cast %scan3A_163 : i32 to index
      %get3A_382 = arith.constant 272 : index
      %get3A_383 = tpu.vector_load %arg16[%get3A_381, %get3A_382] {strides = array<i32>} : memref<32x1024xf32, #tpu.memory_space<vmem>>, vector<16xf32>,
      %mul3A_384 = arith.mulf %get3A_383, %gather3A_172 : vector<16xf32>
      %add3A_385 = arith.addf %mul3A_380, %mul3A_384 : vector<16xf32>
      %swap3A_386 = arith.index_cast %scan3A_163 : i32 to index
      %swap3A_387 = arith.constant 272 : index
      %swap3A_388 = tpu.vector_load %arg15[%swap3A_386, %swap3A_387] {strides = array<i32>} : memref<32x1024xf32, #tpu.memory_space<vmem>>, vector<16xf32>,
      tpu.vector_store %arg15[%swap3A_386, %swap3A_387], %add3A_385 {strides = array<i32>} : memref<32x1024xf32, #tpu.memory_space<vmem>>, vector<16xf32>,
      %get3A_389 = arith.index_cast %scan3A_163 : i32 to index
      %get3A_390 = arith.constant 288 : index
      %get3A_391 = tpu.vector_load %arg15[%get3A_389, %get3A_390] {strides = array<i32>} : memref<32x1024xf32, #tpu.memory_space<vmem>>, vector<16xf32>,
      %mul3A_392 = arith.mulf %get3A_391, %gather3A_168 : vector<16xf32>
      %get3A_393 = arith.index_cast %scan3A_163 : i32 to index
      %get3A_394 = arith.constant 288 : index
      %get3A_395 = tpu.vector_load %arg16[%get3A_393, %get3A_394] {strides = array<i32>} : memref<32x1024xf32, #tpu.memory_space<vmem>>, vector<16xf32>,
      %mul3A_396 = arith.mulf %get3A_395, %gather3A_172 : vector<16xf32>
      %add3A_397 = arith.addf %mul3A_392, %mul3A_396 : vector<16xf32>
      %swap3A_398 = arith.index_cast %scan3A_163 : i32 to index
      %swap3A_399 = arith.constant 288 : index
      %swap3A_400 = tpu.vector_load %arg15[%swap3A_398, %swap3A_399] {strides = array<i32>} : memref<32x1024xf32, #tpu.memory_space<vmem>>, vector<16xf32>,
      tpu.vector_store %arg15[%swap3A_398, %swap3A_399], %add3A_397 {strides = array<i32>} : memref<32x1024xf32, #tpu.memory_space<vmem>>, vector<16xf32>,
      %get3A_401 = arith.index_cast %scan3A_163 : i32 to index
      %get3A_402 = arith.constant 304 : index
      %get3A_403 = tpu.vector_load %arg15[%get3A_401, %get3A_402] {strides = array<i32>} : memref<32x1024xf32, #tpu.memory_space<vmem>>, vector<16xf32>,
      %mul3A_404 = arith.mulf %get3A_403, %gather3A_168 : vector<16xf32>
      %get3A_405 = arith.index_cast %scan3A_163 : i32 to index
      %get3A_406 = arith.constant 304 : index
      %get3A_407 = tpu.vector_load %arg16[%get3A_405, %get3A_406] {strides = array<i32>} : memref<32x1024xf32, #tpu.memory_space<vmem>>, vector<16xf32>,
      %mul3A_408 = arith.mulf %get3A_407, %gather3A_172 : vector<16xf32>
      %add3A_409 = arith.addf %mul3A_404, %mul3A_408 : vector<16xf32>
      %swap3A_410 = arith.index_cast %scan3A_163 : i32 to index
      %swap3A_411 = arith.constant 304 : index
      %swap3A_412 = tpu.vector_load %arg15[%swap3A_410, %swap3A_411] {strides = array<i32>} : memref<32x1024xf32, #tpu.memory_space<vmem>>, vector<16xf32>,
      tpu.vector_store %arg15[%swap3A_410, %swap3A_411], %add3A_409 {strides = array<i32>} : memref<32x1024xf32, #tpu.memory_space<vmem>>, vector<16xf32>,
      %get3A_413 = arith.index_cast %scan3A_163 : i32 to index
      %get3A_414 = arith.constant 320 : index
      %get3A_415 = tpu.vector_load %arg15[%get3A_413, %get3A_414] {strides = array<i32>} : memref<32x1024xf32, #tpu.memory_space<vmem>>, vector<16xf32>,
      %mul3A_416 = arith.mulf %get3A_415, %gather3A_168 : vector<16xf32>
      %get3A_417 = arith.index_cast %scan3A_163 : i32 to index
      %get3A_418 = arith.constant 320 : index
      %get3A_419 = tpu.vector_load %arg16[%get3A_417, %get3A_418] {strides = array<i32>} : memref<32x1024xf32, #tpu.memory_space<vmem>>, vector<16xf32>,
      %mul3A_420 = arith.mulf %get3A_419, %gather3A_172 : vector<16xf32>
      %add3A_421 = arith.addf %mul3A_416, %mul3A_420 : vector<16xf32>
      %swap3A_422 = arith.index_cast %scan3A_163 : i32 to index
      %swap3A_423 = arith.constant 320 : index
      %swap3A_424 = tpu.vector_load %arg15[%swap3A_422, %swap3A_423] {strides = array<i32>} : memref<32x1024xf32, #tpu.memory_space<vmem>>, vector<16xf32>,
      tpu.vector_store %arg15[%swap3A_422, %swap3A_423], %add3A_421 {strides = array<i32>} : memref<32x1024xf32, #tpu.memory_space<vmem>>, vector<16xf32>,
      %get3A_425 = arith.index_cast %scan3A_163 : i32 to index
      %get3A_426 = arith.constant 336 : index
      %get3A_427 = tpu.vector_load %arg15[%get3A_425, %get3A_426] {strides = array<i32>} : memref<32x1024xf32, #tpu.memory_space<vmem>>, vector<16xf32>,
      %mul3A_428 = arith.mulf %get3A_427, %gather3A_168 : vector<16xf32>
      %get3A_429 = arith.index_cast %scan3A_163 : i32 to index
      %get3A_430 = arith.constant 336 : index
      %get3A_431 = tpu.vector_load %arg16[%get3A_429, %get3A_430] {strides = array<i32>} : memref<32x1024xf32, #tpu.memory_space<vmem>>, vector<16xf32>,
      %mul3A_432 = arith.mulf %get3A_431, %gather3A_172 : vector<16xf32>
      %add3A_433 = arith.addf %mul3A_428, %mul3A_432 : vector<16xf32>
      %swap3A_434 = arith.index_cast %scan3A_163 : i32 to index
      %swap3A_435 = arith.constant 336 : index
      %swap3A_436 = tpu.vector_load %arg15[%swap3A_434, %swap3A_435] {strides = array<i32>} : memref<32x1024xf32, #tpu.memory_space<vmem>>, vector<16xf32>,
      tpu.vector_store %arg15[%swap3A_434, %swap3A_435], %add3A_433 {strides = array<i32>} : memref<32x1024xf32, #tpu.memory_space<vmem>>, vector<16xf32>,
      %get3A_437 = arith.index_cast %scan3A_163 : i32 to index
      %get3A_438 = arith.constant 352 : index
      %get3A_439 = tpu.vector_load %arg15[%get3A_437, %get3A_438] {strides = array<i32>} : memref<32x1024xf32, #tpu.memory_space<vmem>>, vector<16xf32>,
      %mul3A_440 = arith.mulf %get3A_439, %gather3A_168 : vector<16xf32>
      %get3A_441 = arith.index_cast %scan3A_163 : i32 to index
      %get3A_442 = arith.constant 352 : index
      %get3A_443 = tpu.vector_load %arg16[%get3A_441, %get3A_442] {strides = array<i32>} : memref<32x1024xf32, #tpu.memory_space<vmem>>, vector<16xf32>,
      %mul3A_444 = arith.mulf %get3A_443, %gather3A_172 : vector<16xf32>
      %add3A_445 = arith.addf %mul3A_440, %mul3A_444 : vector<16xf32>
      %swap3A_446 = arith.index_cast %scan3A_163 : i32 to index
      %swap3A_447 = arith.constant 352 : index
      %swap3A_448 = tpu.vector_load %arg15[%swap3A_446, %swap3A_447] {strides = array<i32>} : memref<32x1024xf32, #tpu.memory_space<vmem>>, vector<16xf32>,
      tpu.vector_store %arg15[%swap3A_446, %swap3A_447], %add3A_445 {strides = array<i32>} : memref<32x1024xf32, #tpu.memory_space<vmem>>, vector<16xf32>,
      %get3A_449 = arith.index_cast %scan3A_163 : i32 to index
      %get3A_450 = arith.constant 368 : index
      %get3A_451 = tpu.vector_load %arg15[%get3A_449, %get3A_450] {strides = array<i32>} : memref<32x1024xf32, #tpu.memory_space<vmem>>, vector<16xf32>,
      %mul3A_452 = arith.mulf %get3A_451, %gather3A_168 : vector<16xf32>
      %get3A_453 = arith.index_cast %scan3A_163 : i32 to index
      %get3A_454 = arith.constant 368 : index
      %get3A_455 = tpu.vector_load %arg16[%get3A_453, %get3A_454] {strides = array<i32>} : memref<32x1024xf32, #tpu.memory_space<vmem>>, vector<16xf32>,
      %mul3A_456 = arith.mulf %get3A_455, %gather3A_172 : vector<16xf32>
      %add3A_457 = arith.addf %mul3A_452, %mul3A_456 : vector<16xf32>
      %swap3A_458 = arith.index_cast %scan3A_163 : i32 to index
      %swap3A_459 = arith.constant 368 : index
      %swap3A_460 = tpu.vector_load %arg15[%swap3A_458, %swap3A_459] {strides = array<i32>} : memref<32x1024xf32, #tpu.memory_space<vmem>>, vector<16xf32>,
      tpu.vector_store %arg15[%swap3A_458, %swap3A_459], %add3A_457 {strides = array<i32>} : memref<32x1024xf32, #tpu.memory_space<vmem>>, vector<16xf32>,
      %get3A_461 = arith.index_cast %scan3A_163 : i32 to index
      %get3A_462 = arith.constant 384 : index
      %get3A_463 = tpu.vector_load %arg15[%get3A_461, %get3A_462] {strides = array<i32>} : memref<32x1024xf32, #tpu.memory_space<vmem>>, vector<16xf32>,
      %mul3A_464 = arith.mulf %get3A_463, %gather3A_168 : vector<16xf32>
      %get3A_465 = arith.index_cast %scan3A_163 : i32 to index
      %get3A_466 = arith.constant 384 : index
      %get3A_467 = tpu.vector_load %arg16[%get3A_465, %get3A_466] {strides = array<i32>} : memref<32x1024xf32, #tpu.memory_space<vmem>>, vector<16xf32>,
      %mul3A_468 = arith.mulf %get3A_467, %gather3A_172 : vector<16xf32>
      %add3A_469 = arith.addf %mul3A_464, %mul3A_468 : vector<16xf32>
      %swap3A_470 = arith.index_cast %scan3A_163 : i32 to index
      %swap3A_471 = arith.constant 384 : index
      %swap3A_472 = tpu.vector_load %arg15[%swap3A_470, %swap3A_471] {strides = array<i32>} : memref<32x1024xf32, #tpu.memory_space<vmem>>, vector<16xf32>,
      tpu.vector_store %arg15[%swap3A_470, %swap3A_471], %add3A_469 {strides = array<i32>} : memref<32x1024xf32, #tpu.memory_space<vmem>>, vector<16xf32>,
      %get3A_473 = arith.index_cast %scan3A_163 : i32 to index
      %get3A_474 = arith.constant 400 : index
      %get3A_475 = tpu.vector_load %arg15[%get3A_473, %get3A_474] {strides = array<i32>} : memref<32x1024xf32, #tpu.memory_space<vmem>>, vector<16xf32>,
      %mul3A_476 = arith.mulf %get3A_475, %gather3A_168 : vector<16xf32>
      %get3A_477 = arith.index_cast %scan3A_163 : i32 to index
      %get3A_478 = arith.constant 400 : index
      %get3A_479 = tpu.vector_load %arg16[%get3A_477, %get3A_478] {strides = array<i32>} : memref<32x1024xf32, #tpu.memory_space<vmem>>, vector<16xf32>,
      %mul3A_480 = arith.mulf %get3A_479, %gather3A_172 : vector<16xf32>
      %add3A_481 = arith.addf %mul3A_476, %mul3A_480 : vector<16xf32>
      %swap3A_482 = arith.index_cast %scan3A_163 : i32 to index
      %swap3A_483 = arith.constant 400 : index
      %swap3A_484 = tpu.vector_load %arg15[%swap3A_482, %swap3A_483] {strides = array<i32>} : memref<32x1024xf32, #tpu.memory_space<vmem>>, vector<16xf32>,
      tpu.vector_store %arg15[%swap3A_482, %swap3A_483], %add3A_481 {strides = array<i32>} : memref<32x1024xf32, #tpu.memory_space<vmem>>, vector<16xf32>,
      %get3A_485 = arith.index_cast %scan3A_163 : i32 to index
      %get3A_486 = arith.constant 416 : index
      %get3A_487 = tpu.vector_load %arg15[%get3A_485, %get3A_486] {strides = array<i32>} : memref<32x1024xf32, #tpu.memory_space<vmem>>, vector<16xf32>,
      %mul3A_488 = arith.mulf %get3A_487, %gather3A_168 : vector<16xf32>
      %get3A_489 = arith.index_cast %scan3A_163 : i32 to index
      %get3A_490 = arith.constant 416 : index
      %get3A_491 = tpu.vector_load %arg16[%get3A_489, %get3A_490] {strides = array<i32>} : memref<32x1024xf32, #tpu.memory_space<vmem>>, vector<16xf32>,
      %mul3A_492 = arith.mulf %get3A_491, %gather3A_172 : vector<16xf32>
      %add3A_493 = arith.addf %mul3A_488, %mul3A_492 : vector<16xf32>
      %swap3A_494 = arith.index_cast %scan3A_163 : i32 to index
      %swap3A_495 = arith.constant 416 : index
      %swap3A_496 = tpu.vector_load %arg15[%swap3A_494, %swap3A_495] {strides = array<i32>} : memref<32x1024xf32, #tpu.memory_space<vmem>>, vector<16xf32>,
      tpu.vector_store %arg15[%swap3A_494, %swap3A_495], %add3A_493 {strides = array<i32>} : memref<32x1024xf32, #tpu.memory_space<vmem>>, vector<16xf32>,
      %get3A_497 = arith.index_cast %scan3A_163 : i32 to index
      %get3A_498 = arith.constant 432 : index
      %get3A_499 = tpu.vector_load %arg15[%get3A_497, %get3A_498] {strides = array<i32>} : memref<32x1024xf32, #tpu.memory_space<vmem>>, vector<16xf32>,
      %mul3A_500 = arith.mulf %get3A_499, %gather3A_168 : vector<16xf32>
      %get3A_501 = arith.index_cast %scan3A_163 : i32 to index
      %get3A_502 = arith.constant 432 : index
      %get3A_503 = tpu.vector_load %arg16[%get3A_501, %get3A_502] {strides = array<i32>} : memref<32x1024xf32, #tpu.memory_space<vmem>>, vector<16xf32>,
      %mul3A_504 = arith.mulf %get3A_503, %gather3A_172 : vector<16xf32>
      %add3A_505 = arith.addf %mul3A_500, %mul3A_504 : vector<16xf32>
      %swap3A_506 = arith.index_cast %scan3A_163 : i32 to index
      %swap3A_507 = arith.constant 432 : index
      %swap3A_508 = tpu.vector_load %arg15[%swap3A_506, %swap3A_507] {strides = array<i32>} : memref<32x1024xf32, #tpu.memory_space<vmem>>, vector<16xf32>,
      tpu.vector_store %arg15[%swap3A_506, %swap3A_507], %add3A_505 {strides = array<i32>} : memref<32x1024xf32, #tpu.memory_space<vmem>>, vector<16xf32>,
      %get3A_509 = arith.index_cast %scan3A_163 : i32 to index
      %get3A_510 = arith.constant 448 : index
      %get3A_511 = tpu.vector_load %arg15[%get3A_509, %get3A_510] {strides = array<i32>} : memref<32x1024xf32, #tpu.memory_space<vmem>>, vector<16xf32>,
      %mul3A_512 = arith.mulf %get3A_511, %gather3A_168 : vector<16xf32>
      %get3A_513 = arith.index_cast %scan3A_163 : i32 to index
      %get3A_514 = arith.constant 448 : index
      %get3A_515 = tpu.vector_load %arg16[%get3A_513, %get3A_514] {strides = array<i32>} : memref<32x1024xf32, #tpu.memory_space<vmem>>, vector<16xf32>,
      %mul3A_516 = arith.mulf %get3A_515, %gather3A_172 : vector<16xf32>
      %add3A_517 = arith.addf %mul3A_512, %mul3A_516 : vector<16xf32>
      %swap3A_518 = arith.index_cast %scan3A_163 : i32 to index
      %swap3A_519 = arith.constant 448 : index
      %swap3A_520 = tpu.vector_load %arg15[%swap3A_518, %swap3A_519] {strides = array<i32>} : memref<32x1024xf32, #tpu.memory_space<vmem>>, vector<16xf32>,
      tpu.vector_store %arg15[%swap3A_518, %swap3A_519], %add3A_517 {strides = array<i32>} : memref<32x1024xf32, #tpu.memory_space<vmem>>, vector<16xf32>,
      %get3A_521 = arith.index_cast %scan3A_163 : i32 to index
      %get3A_522 = arith.constant 464 : index
      %get3A_523 = tpu.vector_load %arg15[%get3A_521, %get3A_522] {strides = array<i32>} : memref<32x1024xf32, #tpu.memory_space<vmem>>, vector<16xf32>,
      %mul3A_524 = arith.mulf %get3A_523, %gather3A_168 : vector<16xf32>
      %get3A_525 = arith.index_cast %scan3A_163 : i32 to index
      %get3A_526 = arith.constant 464 : index
      %get3A_527 = tpu.vector_load %arg16[%get3A_525, %get3A_526] {strides = array<i32>} : memref<32x1024xf32, #tpu.memory_space<vmem>>, vector<16xf32>,
      %mul3A_528 = arith.mulf %get3A_527, %gather3A_172 : vector<16xf32>
      %add3A_529 = arith.addf %mul3A_524, %mul3A_528 : vector<16xf32>
      %swap3A_530 = arith.index_cast %scan3A_163 : i32 to index
      %swap3A_531 = arith.constant 464 : index
      %swap3A_532 = tpu.vector_load %arg15[%swap3A_530, %swap3A_531] {strides = array<i32>} : memref<32x1024xf32, #tpu.memory_space<vmem>>, vector<16xf32>,
      tpu.vector_store %arg15[%swap3A_530, %swap3A_531], %add3A_529 {strides = array<i32>} : memref<32x1024xf32, #tpu.memory_space<vmem>>, vector<16xf32>,
      %get3A_533 = arith.index_cast %scan3A_163 : i32 to index
      %get3A_534 = arith.constant 480 : index
      %get3A_535 = tpu.vector_load %arg15[%get3A_533, %get3A_534] {strides = array<i32>} : memref<32x1024xf32, #tpu.memory_space<vmem>>, vector<16xf32>,
      %mul3A_536 = arith.mulf %get3A_535, %gather3A_168 : vector<16xf32>
      %get3A_537 = arith.index_cast %scan3A_163 : i32 to index
      %get3A_538 = arith.constant 480 : index
      %get3A_539 = tpu.vector_load %arg16[%get3A_537, %get3A_538] {strides = array<i32>} : memref<32x1024xf32, #tpu.memory_space<vmem>>, vector<16xf32>,
      %mul3A_540 = arith.mulf %get3A_539, %gather3A_172 : vector<16xf32>
      %add3A_541 = arith.addf %mul3A_536, %mul3A_540 : vector<16xf32>
      %swap3A_542 = arith.index_cast %scan3A_163 : i32 to index
      %swap3A_543 = arith.constant 480 : index
      %swap3A_544 = tpu.vector_load %arg15[%swap3A_542, %swap3A_543] {strides = array<i32>} : memref<32x1024xf32, #tpu.memory_space<vmem>>, vector<16xf32>,
      tpu.vector_store %arg15[%swap3A_542, %swap3A_543], %add3A_541 {strides = array<i32>} : memref<32x1024xf32, #tpu.memory_space<vmem>>, vector<16xf32>,
      %get3A_545 = arith.index_cast %scan3A_163 : i32 to index
      %get3A_546 = arith.constant 496 : index
      %get3A_547 = tpu.vector_load %arg15[%get3A_545, %get3A_546] {strides = array<i32>} : memref<32x1024xf32, #tpu.memory_space<vmem>>, vector<16xf32>,
      %mul3A_548 = arith.mulf %get3A_547, %gather3A_168 : vector<16xf32>
      %get3A_549 = arith.index_cast %scan3A_163 : i32 to index
      %get3A_550 = arith.constant 496 : index
      %get3A_551 = tpu.vector_load %arg16[%get3A_549, %get3A_550] {strides = array<i32>} : memref<32x1024xf32, #tpu.memory_space<vmem>>, vector<16xf32>,
      %mul3A_552 = arith.mulf %get3A_551, %gather3A_172 : vector<16xf32>
      %add3A_553 = arith.addf %mul3A_548, %mul3A_552 : vector<16xf32>
      %swap3A_554 = arith.index_cast %scan3A_163 : i32 to index
      %swap3A_555 = arith.constant 496 : index
      %swap3A_556 = tpu.vector_load %arg15[%swap3A_554, %swap3A_555] {strides = array<i32>} : memref<32x1024xf32, #tpu.memory_space<vmem>>, vector<16xf32>,
      tpu.vector_store %arg15[%swap3A_554, %swap3A_555], %add3A_553 {strides = array<i32>} : memref<32x1024xf32, #tpu.memory_space<vmem>>, vector<16xf32>,
      %get3A_557 = arith.index_cast %scan3A_163 : i32 to index
      %get3A_558 = arith.constant 512 : index
      %get3A_559 = tpu.vector_load %arg15[%get3A_557, %get3A_558] {strides = array<i32>} : memref<32x1024xf32, #tpu.memory_space<vmem>>, vector<16xf32>,
      %mul3A_560 = arith.mulf %get3A_559, %gather3A_168 : vector<16xf32>
      %get3A_561 = arith.index_cast %scan3A_163 : i32 to index
      %get3A_562 = arith.constant 512 : index
      %get3A_563 = tpu.vector_load %arg16[%get3A_561, %get3A_562] {strides = array<i32>} : memref<32x1024xf32, #tpu.memory_space<vmem>>, vector<16xf32>,
      %mul3A_564 = arith.mulf %get3A_563, %gather3A_172 : vector<16xf32>
      %add3A_565 = arith.addf %mul3A_560, %mul3A_564 : vector<16xf32>
      %swap3A_566 = arith.index_cast %scan3A_163 : i32 to index
      %swap3A_567 = arith.constant 512 : index
      %swap3A_568 = tpu.vector_load %arg15[%swap3A_566, %swap3A_567] {strides = array<i32>} : memref<32x1024xf32, #tpu.memory_space<vmem>>, vector<16xf32>,
      tpu.vector_store %arg15[%swap3A_566, %swap3A_567], %add3A_565 {strides = array<i32>} : memref<32x1024xf32, #tpu.memory_space<vmem>>, vector<16xf32>,
      %get3A_569 = arith.index_cast %scan3A_163 : i32 to index
      %get3A_570 = arith.constant 528 : index
      %get3A_571 = tpu.vector_load %arg15[%get3A_569, %get3A_570] {strides = array<i32>} : memref<32x1024xf32, #tpu.memory_space<vmem>>, vector<16xf32>,
      %mul3A_572 = arith.mulf %get3A_571, %gather3A_168 : vector<16xf32>
      %get3A_573 = arith.index_cast %scan3A_163 : i32 to index
      %get3A_574 = arith.constant 528 : index
      %get3A_575 = tpu.vector_load %arg16[%get3A_573, %get3A_574] {strides = array<i32>} : memref<32x1024xf32, #tpu.memory_space<vmem>>, vector<16xf32>,
      %mul3A_576 = arith.mulf %get3A_575, %gather3A_172 : vector<16xf32>
      %add3A_577 = arith.addf %mul3A_572, %mul3A_576 : vector<16xf32>
      %swap3A_578 = arith.index_cast %scan3A_163 : i32 to index
      %swap3A_579 = arith.constant 528 : index
      %swap3A_580 = tpu.vector_load %arg15[%swap3A_578, %swap3A_579] {strides = array<i32>} : memref<32x1024xf32, #tpu.memory_space<vmem>>, vector<16xf32>,
      tpu.vector_store %arg15[%swap3A_578, %swap3A_579], %add3A_577 {strides = array<i32>} : memref<32x1024xf32, #tpu.memory_space<vmem>>, vector<16xf32>,
      %get3A_581 = arith.index_cast %scan3A_163 : i32 to index
      %get3A_582 = arith.constant 544 : index
      %get3A_583 = tpu.vector_load %arg15[%get3A_581, %get3A_582] {strides = array<i32>} : memref<32x1024xf32, #tpu.memory_space<vmem>>, vector<16xf32>,
      %mul3A_584 = arith.mulf %get3A_583, %gather3A_168 : vector<16xf32>
      %get3A_585 = arith.index_cast %scan3A_163 : i32 to index
      %get3A_586 = arith.constant 544 : index
      %get3A_587 = tpu.vector_load %arg16[%get3A_585, %get3A_586] {strides = array<i32>} : memref<32x1024xf32, #tpu.memory_space<vmem>>, vector<16xf32>,
      %mul3A_588 = arith.mulf %get3A_587, %gather3A_172 : vector<16xf32>
      %add3A_589 = arith.addf %mul3A_584, %mul3A_588 : vector<16xf32>
      %swap3A_590 = arith.index_cast %scan3A_163 : i32 to index
      %swap3A_591 = arith.constant 544 : index
      %swap3A_592 = tpu.vector_load %arg15[%swap3A_590, %swap3A_591] {strides = array<i32>} : memref<32x1024xf32, #tpu.memory_space<vmem>>, vector<16xf32>,
      tpu.vector_store %arg15[%swap3A_590, %swap3A_591], %add3A_589 {strides = array<i32>} : memref<32x1024xf32, #tpu.memory_space<vmem>>, vector<16xf32>,
      %get3A_593 = arith.index_cast %scan3A_163 : i32 to index
      %get3A_594 = arith.constant 560 : index
      %get3A_595 = tpu.vector_load %arg15[%get3A_593, %get3A_594] {strides = array<i32>} : memref<32x1024xf32, #tpu.memory_space<vmem>>, vector<16xf32>,
      %mul3A_596 = arith.mulf %get3A_595, %gather3A_168 : vector<16xf32>
      %get3A_597 = arith.index_cast %scan3A_163 : i32 to index
      %get3A_598 = arith.constant 560 : index
      %get3A_599 = tpu.vector_load %arg16[%get3A_597, %get3A_598] {strides = array<i32>} : memref<32x1024xf32, #tpu.memory_space<vmem>>, vector<16xf32>,
      %mul3A_600 = arith.mulf %get3A_599, %gather3A_172 : vector<16xf32>
      %add3A_601 = arith.addf %mul3A_596, %mul3A_600 : vector<16xf32>
      %swap3A_602 = arith.index_cast %scan3A_163 : i32 to index
      %swap3A_603 = arith.constant 560 : index
      %swap3A_604 = tpu.vector_load %arg15[%swap3A_602, %swap3A_603] {strides = array<i32>} : memref<32x1024xf32, #tpu.memory_space<vmem>>, vector<16xf32>,
      tpu.vector_store %arg15[%swap3A_602, %swap3A_603], %add3A_601 {strides = array<i32>} : memref<32x1024xf32, #tpu.memory_space<vmem>>, vector<16xf32>,
      %get3A_605 = arith.index_cast %scan3A_163 : i32 to index
      %get3A_606 = arith.constant 576 : index
      %get3A_607 = tpu.vector_load %arg15[%get3A_605, %get3A_606] {strides = array<i32>} : memref<32x1024xf32, #tpu.memory_space<vmem>>, vector<16xf32>,
      %mul3A_608 = arith.mulf %get3A_607, %gather3A_168 : vector<16xf32>
      %get3A_609 = arith.index_cast %scan3A_163 : i32 to index
      %get3A_610 = arith.constant 576 : index
      %get3A_611 = tpu.vector_load %arg16[%get3A_609, %get3A_610] {strides = array<i32>} : memref<32x1024xf32, #tpu.memory_space<vmem>>, vector<16xf32>,
      %mul3A_612 = arith.mulf %get3A_611, %gather3A_172 : vector<16xf32>
      %add3A_613 = arith.addf %mul3A_608, %mul3A_612 : vector<16xf32>
      %swap3A_614 = arith.index_cast %scan3A_163 : i32 to index
      %swap3A_615 = arith.constant 576 : index
      %swap3A_616 = tpu.vector_load %arg15[%swap3A_614, %swap3A_615] {strides = array<i32>} : memref<32x1024xf32, #tpu.memory_space<vmem>>, vector<16xf32>,
      tpu.vector_store %arg15[%swap3A_614, %swap3A_615], %add3A_613 {strides = array<i32>} : memref<32x1024xf32, #tpu.memory_space<vmem>>, vector<16xf32>,
      %get3A_617 = arith.index_cast %scan3A_163 : i32 to index
      %get3A_618 = arith.constant 592 : index
      %get3A_619 = tpu.vector_load %arg15[%get3A_617, %get3A_618] {strides = array<i32>} : memref<32x1024xf32, #tpu.memory_space<vmem>>, vector<16xf32>,
      %mul3A_620 = arith.mulf %get3A_619, %gather3A_168 : vector<16xf32>
      %get3A_621 = arith.index_cast %scan3A_163 : i32 to index
      %get3A_622 = arith.constant 592 : index
      %get3A_623 = tpu.vector_load %arg16[%get3A_621, %get3A_622] {strides = array<i32>} : memref<32x1024xf32, #tpu.memory_space<vmem>>, vector<16xf32>,
      %mul3A_624 = arith.mulf %get3A_623, %gather3A_172 : vector<16xf32>
      %add3A_625 = arith.addf %mul3A_620, %mul3A_624 : vector<16xf32>
      %swap3A_626 = arith.index_cast %scan3A_163 : i32 to index
      %swap3A_627 = arith.constant 592 : index
      %swap3A_628 = tpu.vector_load %arg15[%swap3A_626, %swap3A_627] {strides = array<i32>} : memref<32x1024xf32, #tpu.memory_space<vmem>>, vector<16xf32>,
      tpu.vector_store %arg15[%swap3A_626, %swap3A_627], %add3A_625 {strides = array<i32>} : memref<32x1024xf32, #tpu.memory_space<vmem>>, vector<16xf32>,
      %get3A_629 = arith.index_cast %scan3A_163 : i32 to index
      %get3A_630 = arith.constant 608 : index
      %get3A_631 = tpu.vector_load %arg15[%get3A_629, %get3A_630] {strides = array<i32>} : memref<32x1024xf32, #tpu.memory_space<vmem>>, vector<16xf32>,
      %mul3A_632 = arith.mulf %get3A_631, %gather3A_168 : vector<16xf32>
      %get3A_633 = arith.index_cast %scan3A_163 : i32 to index
      %get3A_634 = arith.constant 608 : index
      %get3A_635 = tpu.vector_load %arg16[%get3A_633, %get3A_634] {strides = array<i32>} : memref<32x1024xf32, #tpu.memory_space<vmem>>, vector<16xf32>,
      %mul3A_636 = arith.mulf %get3A_635, %gather3A_172 : vector<16xf32>
      %add3A_637 = arith.addf %mul3A_632, %mul3A_636 : vector<16xf32>
      %swap3A_638 = arith.index_cast %scan3A_163 : i32 to index
      %swap3A_639 = arith.constant 608 : index
      %swap3A_640 = tpu.vector_load %arg15[%swap3A_638, %swap3A_639] {strides = array<i32>} : memref<32x1024xf32, #tpu.memory_space<vmem>>, vector<16xf32>,
      tpu.vector_store %arg15[%swap3A_638, %swap3A_639], %add3A_637 {strides = array<i32>} : memref<32x1024xf32, #tpu.memory_space<vmem>>, vector<16xf32>,
      %get3A_641 = arith.index_cast %scan3A_163 : i32 to index
      %get3A_642 = arith.constant 624 : index
      %get3A_643 = tpu.vector_load %arg15[%get3A_641, %get3A_642] {strides = array<i32>} : memref<32x1024xf32, #tpu.memory_space<vmem>>, vector<16xf32>,
      %mul3A_644 = arith.mulf %get3A_643, %gather3A_168 : vector<16xf32>
      %get3A_645 = arith.index_cast %scan3A_163 : i32 to index
      %get3A_646 = arith.constant 624 : index
      %get3A_647 = tpu.vector_load %arg16[%get3A_645, %get3A_646] {strides = array<i32>} : memref<32x1024xf32, #tpu.memory_space<vmem>>, vector<16xf32>,
      %mul3A_648 = arith.mulf %get3A_647, %gather3A_172 : vector<16xf32>
      %add3A_649 = arith.addf %mul3A_644, %mul3A_648 : vector<16xf32>
      %swap3A_650 = arith.index_cast %scan3A_163 : i32 to index
      %swap3A_651 = arith.constant 624 : index
      %swap3A_652 = tpu.vector_load %arg15[%swap3A_650, %swap3A_651] {strides = array<i32>} : memref<32x1024xf32, #tpu.memory_space<vmem>>, vector<16xf32>,
      tpu.vector_store %arg15[%swap3A_650, %swap3A_651], %add3A_649 {strides = array<i32>} : memref<32x1024xf32, #tpu.memory_space<vmem>>, vector<16xf32>,
      %get3A_653 = arith.index_cast %scan3A_163 : i32 to index
      %get3A_654 = arith.constant 640 : index
      %get3A_655 = tpu.vector_load %arg15[%get3A_653, %get3A_654] {strides = array<i32>} : memref<32x1024xf32, #tpu.memory_space<vmem>>, vector<16xf32>,
      %mul3A_656 = arith.mulf %get3A_655, %gather3A_168 : vector<16xf32>
      %get3A_657 = arith.index_cast %scan3A_163 : i32 to index
      %get3A_658 = arith.constant 640 : index
      %get3A_659 = tpu.vector_load %arg16[%get3A_657, %get3A_658] {strides = array<i32>} : memref<32x1024xf32, #tpu.memory_space<vmem>>, vector<16xf32>,
      %mul3A_660 = arith.mulf %get3A_659, %gather3A_172 : vector<16xf32>
      %add3A_661 = arith.addf %mul3A_656, %mul3A_660 : vector<16xf32>
      %swap3A_662 = arith.index_cast %scan3A_163 : i32 to index
      %swap3A_663 = arith.constant 640 : index
      %swap3A_664 = tpu.vector_load %arg15[%swap3A_662, %swap3A_663] {strides = array<i32>} : memref<32x1024xf32, #tpu.memory_space<vmem>>, vector<16xf32>,
      tpu.vector_store %arg15[%swap3A_662, %swap3A_663], %add3A_661 {strides = array<i32>} : memref<32x1024xf32, #tpu.memory_space<vmem>>, vector<16xf32>,
      %get3A_665 = arith.index_cast %scan3A_163 : i32 to index
      %get3A_666 = arith.constant 656 : index
      %get3A_667 = tpu.vector_load %arg15[%get3A_665, %get3A_666] {strides = array<i32>} : memref<32x1024xf32, #tpu.memory_space<vmem>>, vector<16xf32>,
      %mul3A_668 = arith.mulf %get3A_667, %gather3A_168 : vector<16xf32>
      %get3A_669 = arith.index_cast %scan3A_163 : i32 to index
      %get3A_670 = arith.constant 656 : index
      %get3A_671 = tpu.vector_load %arg16[%get3A_669, %get3A_670] {strides = array<i32>} : memref<32x1024xf32, #tpu.memory_space<vmem>>, vector<16xf32>,
      %mul3A_672 = arith.mulf %get3A_671, %gather3A_172 : vector<16xf32>
      %add3A_673 = arith.addf %mul3A_668, %mul3A_672 : vector<16xf32>
      %swap3A_674 = arith.index_cast %scan3A_163 : i32 to index
      %swap3A_675 = arith.constant 656 : index
      %swap3A_676 = tpu.vector_load %arg15[%swap3A_674, %swap3A_675] {strides = array<i32>} : memref<32x1024xf32, #tpu.memory_space<vmem>>, vector<16xf32>,
      tpu.vector_store %arg15[%swap3A_674, %swap3A_675], %add3A_673 {strides = array<i32>} : memref<32x1024xf32, #tpu.memory_space<vmem>>, vector<16xf32>,
      %get3A_677 = arith.index_cast %scan3A_163 : i32 to index
      %get3A_678 = arith.constant 672 : index
      %get3A_679 = tpu.vector_load %arg15[%get3A_677, %get3A_678] {strides = array<i32>} : memref<32x1024xf32, #tpu.memory_space<vmem>>, vector<16xf32>,
      %mul3A_680 = arith.mulf %get3A_679, %gather3A_168 : vector<16xf32>
      %get3A_681 = arith.index_cast %scan3A_163 : i32 to index
      %get3A_682 = arith.constant 672 : index
      %get3A_683 = tpu.vector_load %arg16[%get3A_681, %get3A_682] {strides = array<i32>} : memref<32x1024xf32, #tpu.memory_space<vmem>>, vector<16xf32>,
      %mul3A_684 = arith.mulf %get3A_683, %gather3A_172 : vector<16xf32>
      %add3A_685 = arith.addf %mul3A_680, %mul3A_684 : vector<16xf32>
      %swap3A_686 = arith.index_cast %scan3A_163 : i32 to index
      %swap3A_687 = arith.constant 672 : index
      %swap3A_688 = tpu.vector_load %arg15[%swap3A_686, %swap3A_687] {strides = array<i32>} : memref<32x1024xf32, #tpu.memory_space<vmem>>, vector<16xf32>,
      tpu.vector_store %arg15[%swap3A_686, %swap3A_687], %add3A_685 {strides = array<i32>} : memref<32x1024xf32, #tpu.memory_space<vmem>>, vector<16xf32>,
      %get3A_689 = arith.index_cast %scan3A_163 : i32 to index
      %get3A_690 = arith.constant 688 : index
      %get3A_691 = tpu.vector_load %arg15[%get3A_689, %get3A_690] {strides = array<i32>} : memref<32x1024xf32, #tpu.memory_space<vmem>>, vector<16xf32>,
      %mul3A_692 = arith.mulf %get3A_691, %gather3A_168 : vector<16xf32>
      %get3A_693 = arith.index_cast %scan3A_163 : i32 to index
      %get3A_694 = arith.constant 688 : index
      %get3A_695 = tpu.vector_load %arg16[%get3A_693, %get3A_694] {strides = array<i32>} : memref<32x1024xf32, #tpu.memory_space<vmem>>, vector<16xf32>,
      %mul3A_696 = arith.mulf %get3A_695, %gather3A_172 : vector<16xf32>
      %add3A_697 = arith.addf %mul3A_692, %mul3A_696 : vector<16xf32>
      %swap3A_698 = arith.index_cast %scan3A_163 : i32 to index
      %swap3A_699 = arith.constant 688 : index
      %swap3A_700 = tpu.vector_load %arg15[%swap3A_698, %swap3A_699] {strides = array<i32>} : memref<32x1024xf32, #tpu.memory_space<vmem>>, vector<16xf32>,
      tpu.vector_store %arg15[%swap3A_698, %swap3A_699], %add3A_697 {strides = array<i32>} : memref<32x1024xf32, #tpu.memory_space<vmem>>, vector<16xf32>,
      %get3A_701 = arith.index_cast %scan3A_163 : i32 to index
      %get3A_702 = arith.constant 704 : index
      %get3A_703 = tpu.vector_load %arg15[%get3A_701, %get3A_702] {strides = array<i32>} : memref<32x1024xf32, #tpu.memory_space<vmem>>, vector<16xf32>,
      %mul3A_704 = arith.mulf %get3A_703, %gather3A_168 : vector<16xf32>
      %get3A_705 = arith.index_cast %scan3A_163 : i32 to index
      %get3A_706 = arith.constant 704 : index
      %get3A_707 = tpu.vector_load %arg16[%get3A_705, %get3A_706] {strides = array<i32>} : memref<32x1024xf32, #tpu.memory_space<vmem>>, vector<16xf32>,
      %mul3A_708 = arith.mulf %get3A_707, %gather3A_172 : vector<16xf32>
      %add3A_709 = arith.addf %mul3A_704, %mul3A_708 : vector<16xf32>
      %swap3A_710 = arith.index_cast %scan3A_163 : i32 to index
      %swap3A_711 = arith.constant 704 : index
      %swap3A_712 = tpu.vector_load %arg15[%swap3A_710, %swap3A_711] {strides = array<i32>} : memref<32x1024xf32, #tpu.memory_space<vmem>>, vector<16xf32>,
      tpu.vector_store %arg15[%swap3A_710, %swap3A_711], %add3A_709 {strides = array<i32>} : memref<32x1024xf32, #tpu.memory_space<vmem>>, vector<16xf32>,
      %get3A_713 = arith.index_cast %scan3A_163 : i32 to index
      %get3A_714 = arith.constant 720 : index
      %get3A_715 = tpu.vector_load %arg15[%get3A_713, %get3A_714] {strides = array<i32>} : memref<32x1024xf32, #tpu.memory_space<vmem>>, vector<16xf32>,
      %mul3A_716 = arith.mulf %get3A_715, %gather3A_168 : vector<16xf32>
      %get3A_717 = arith.index_cast %scan3A_163 : i32 to index
      %get3A_718 = arith.constant 720 : index
      %get3A_719 = tpu.vector_load %arg16[%get3A_717, %get3A_718] {strides = array<i32>} : memref<32x1024xf32, #tpu.memory_space<vmem>>, vector<16xf32>,
      %mul3A_720 = arith.mulf %get3A_719, %gather3A_172 : vector<16xf32>
      %add3A_721 = arith.addf %mul3A_716, %mul3A_720 : vector<16xf32>
      %swap3A_722 = arith.index_cast %scan3A_163 : i32 to index
      %swap3A_723 = arith.constant 720 : index
      %swap3A_724 = tpu.vector_load %arg15[%swap3A_722, %swap3A_723] {strides = array<i32>} : memref<32x1024xf32, #tpu.memory_space<vmem>>, vector<16xf32>,
      tpu.vector_store %arg15[%swap3A_722, %swap3A_723], %add3A_721 {strides = array<i32>} : memref<32x1024xf32, #tpu.memory_space<vmem>>, vector<16xf32>,
      %get3A_725 = arith.index_cast %scan3A_163 : i32 to index
      %get3A_726 = arith.constant 736 : index
      %get3A_727 = tpu.vector_load %arg15[%get3A_725, %get3A_726] {strides = array<i32>} : memref<32x1024xf32, #tpu.memory_space<vmem>>, vector<16xf32>,
      %mul3A_728 = arith.mulf %get3A_727, %gather3A_168 : vector<16xf32>
      %get3A_729 = arith.index_cast %scan3A_163 : i32 to index
      %get3A_730 = arith.constant 736 : index
      %get3A_731 = tpu.vector_load %arg16[%get3A_729, %get3A_730] {strides = array<i32>} : memref<32x1024xf32, #tpu.memory_space<vmem>>, vector<16xf32>,
      %mul3A_732 = arith.mulf %get3A_731, %gather3A_172 : vector<16xf32>
      %add3A_733 = arith.addf %mul3A_728, %mul3A_732 : vector<16xf32>
      %swap3A_734 = arith.index_cast %scan3A_163 : i32 to index
      %swap3A_735 = arith.constant 736 : index
      %swap3A_736 = tpu.vector_load %arg15[%swap3A_734, %swap3A_735] {strides = array<i32>} : memref<32x1024xf32, #tpu.memory_space<vmem>>, vector<16xf32>,
      tpu.vector_store %arg15[%swap3A_734, %swap3A_735], %add3A_733 {strides = array<i32>} : memref<32x1024xf32, #tpu.memory_space<vmem>>, vector<16xf32>,
      %get3A_737 = arith.index_cast %scan3A_163 : i32 to index
      %get3A_738 = arith.constant 752 : index
      %get3A_739 = tpu.vector_load %arg15[%get3A_737, %get3A_738] {strides = array<i32>} : memref<32x1024xf32, #tpu.memory_space<vmem>>, vector<16xf32>,
      %mul3A_740 = arith.mulf %get3A_739, %gather3A_168 : vector<16xf32>
      %get3A_741 = arith.index_cast %scan3A_163 : i32 to index
      %get3A_742 = arith.constant 752 : index
      %get3A_743 = tpu.vector_load %arg16[%get3A_741, %get3A_742] {strides = array<i32>} : memref<32x1024xf32, #tpu.memory_space<vmem>>, vector<16xf32>,
      %mul3A_744 = arith.mulf %get3A_743, %gather3A_172 : vector<16xf32>
      %add3A_745 = arith.addf %mul3A_740, %mul3A_744 : vector<16xf32>
      %swap3A_746 = arith.index_cast %scan3A_163 : i32 to index
      %swap3A_747 = arith.constant 752 : index
      %swap3A_748 = tpu.vector_load %arg15[%swap3A_746, %swap3A_747] {strides = array<i32>} : memref<32x1024xf32, #tpu.memory_space<vmem>>, vector<16xf32>,
      tpu.vector_store %arg15[%swap3A_746, %swap3A_747], %add3A_745 {strides = array<i32>} : memref<32x1024xf32, #tpu.memory_space<vmem>>, vector<16xf32>,
      %get3A_749 = arith.index_cast %scan3A_163 : i32 to index
      %get3A_750 = arith.constant 768 : index
      %get3A_751 = tpu.vector_load %arg15[%get3A_749, %get3A_750] {strides = array<i32>} : memref<32x1024xf32, #tpu.memory_space<vmem>>, vector<16xf32>,
      %mul3A_752 = arith.mulf %get3A_751, %gather3A_168 : vector<16xf32>
      %get3A_753 = arith.index_cast %scan3A_163 : i32 to index
      %get3A_754 = arith.constant 768 : index
      %get3A_755 = tpu.vector_load %arg16[%get3A_753, %get3A_754] {strides = array<i32>} : memref<32x1024xf32, #tpu.memory_space<vmem>>, vector<16xf32>,
      %mul3A_756 = arith.mulf %get3A_755, %gather3A_172 : vector<16xf32>
      %add3A_757 = arith.addf %mul3A_752, %mul3A_756 : vector<16xf32>
      %swap3A_758 = arith.index_cast %scan3A_163 : i32 to index
      %swap3A_759 = arith.constant 768 : index
      %swap3A_760 = tpu.vector_load %arg15[%swap3A_758, %swap3A_759] {strides = array<i32>} : memref<32x1024xf32, #tpu.memory_space<vmem>>, vector<16xf32>,
      tpu.vector_store %arg15[%swap3A_758, %swap3A_759], %add3A_757 {strides = array<i32>} : memref<32x1024xf32, #tpu.memory_space<vmem>>, vector<16xf32>,
      %get3A_761 = arith.index_cast %scan3A_163 : i32 to index
      %get3A_762 = arith.constant 784 : index
      %get3A_763 = tpu.vector_load %arg15[%get3A_761, %get3A_762] {strides = array<i32>} : memref<32x1024xf32, #tpu.memory_space<vmem>>, vector<16xf32>,
      %mul3A_764 = arith.mulf %get3A_763, %gather3A_168 : vector<16xf32>
      %get3A_765 = arith.index_cast %scan3A_163 : i32 to index
      %get3A_766 = arith.constant 784 : index
      %get3A_767 = tpu.vector_load %arg16[%get3A_765, %get3A_766] {strides = array<i32>} : memref<32x1024xf32, #tpu.memory_space<vmem>>, vector<16xf32>,
      %mul3A_768 = arith.mulf %get3A_767, %gather3A_172 : vector<16xf32>
      %add3A_769 = arith.addf %mul3A_764, %mul3A_768 : vector<16xf32>
      %swap3A_770 = arith.index_cast %scan3A_163 : i32 to index
      %swap3A_771 = arith.constant 784 : index
      %swap3A_772 = tpu.vector_load %arg15[%swap3A_770, %swap3A_771] {strides = array<i32>} : memref<32x1024xf32, #tpu.memory_space<vmem>>, vector<16xf32>,
      tpu.vector_store %arg15[%swap3A_770, %swap3A_771], %add3A_769 {strides = array<i32>} : memref<32x1024xf32, #tpu.memory_space<vmem>>, vector<16xf32>,
      %get3A_773 = arith.index_cast %scan3A_163 : i32 to index
      %get3A_774 = arith.constant 800 : index
      %get3A_775 = tpu.vector_load %arg15[%get3A_773, %get3A_774] {strides = array<i32>} : memref<32x1024xf32, #tpu.memory_space<vmem>>, vector<16xf32>,
      %mul3A_776 = arith.mulf %get3A_775, %gather3A_168 : vector<16xf32>
      %get3A_777 = arith.index_cast %scan3A_163 : i32 to index
      %get3A_778 = arith.constant 800 : index
      %get3A_779 = tpu.vector_load %arg16[%get3A_777, %get3A_778] {strides = array<i32>} : memref<32x1024xf32, #tpu.memory_space<vmem>>, vector<16xf32>,
      %mul3A_780 = arith.mulf %get3A_779, %gather3A_172 : vector<16xf32>
      %add3A_781 = arith.addf %mul3A_776, %mul3A_780 : vector<16xf32>
      %swap3A_782 = arith.index_cast %scan3A_163 : i32 to index
      %swap3A_783 = arith.constant 800 : index
      %swap3A_784 = tpu.vector_load %arg15[%swap3A_782, %swap3A_783] {strides = array<i32>} : memref<32x1024xf32, #tpu.memory_space<vmem>>, vector<16xf32>,
      tpu.vector_store %arg15[%swap3A_782, %swap3A_783], %add3A_781 {strides = array<i32>} : memref<32x1024xf32, #tpu.memory_space<vmem>>, vector<16xf32>,
      %get3A_785 = arith.index_cast %scan3A_163 : i32 to index
      %get3A_786 = arith.constant 816 : index
      %get3A_787 = tpu.vector_load %arg15[%get3A_785, %get3A_786] {strides = array<i32>} : memref<32x1024xf32, #tpu.memory_space<vmem>>, vector<16xf32>,
      %mul3A_788 = arith.mulf %get3A_787, %gather3A_168 : vector<16xf32>
      %get3A_789 = arith.index_cast %scan3A_163 : i32 to index
      %get3A_790 = arith.constant 816 : index
      %get3A_791 = tpu.vector_load %arg16[%get3A_789, %get3A_790] {strides = array<i32>} : memref<32x1024xf32, #tpu.memory_space<vmem>>, vector<16xf32>,
      %mul3A_792 = arith.mulf %get3A_791, %gather3A_172 : vector<16xf32>
      %add3A_793 = arith.addf %mul3A_788, %mul3A_792 : vector<16xf32>
      %swap3A_794 = arith.index_cast %scan3A_163 : i32 to index
      %swap3A_795 = arith.constant 816 : index
      %swap3A_796 = tpu.vector_load %arg15[%swap3A_794, %swap3A_795] {strides = array<i32>} : memref<32x1024xf32, #tpu.memory_space<vmem>>, vector<16xf32>,
      tpu.vector_store %arg15[%swap3A_794, %swap3A_795], %add3A_793 {strides = array<i32>} : memref<32x1024xf32, #tpu.memory_space<vmem>>, vector<16xf32>,
      %get3A_797 = arith.index_cast %scan3A_163 : i32 to index
      %get3A_798 = arith.constant 832 : index
      %get3A_799 = tpu.vector_load %arg15[%get3A_797, %get3A_798] {strides = array<i32>} : memref<32x1024xf32, #tpu.memory_space<vmem>>, vector<16xf32>,
      %mul3A_800 = arith.mulf %get3A_799, %gather3A_168 : vector<16xf32>
      %get3A_801 = arith.index_cast %scan3A_163 : i32 to index
      %get3A_802 = arith.constant 832 : index
      %get3A_803 = tpu.vector_load %arg16[%get3A_801, %get3A_802] {strides = array<i32>} : memref<32x1024xf32, #tpu.memory_space<vmem>>, vector<16xf32>,
      %mul3A_804 = arith.mulf %get3A_803, %gather3A_172 : vector<16xf32>
      %add3A_805 = arith.addf %mul3A_800, %mul3A_804 : vector<16xf32>
      %swap3A_806 = arith.index_cast %scan3A_163 : i32 to index
      %swap3A_807 = arith.constant 832 : index
      %swap3A_808 = tpu.vector_load %arg15[%swap3A_806, %swap3A_807] {strides = array<i32>} : memref<32x1024xf32, #tpu.memory_space<vmem>>, vector<16xf32>,
      tpu.vector_store %arg15[%swap3A_806, %swap3A_807], %add3A_805 {strides = array<i32>} : memref<32x1024xf32, #tpu.memory_space<vmem>>, vector<16xf32>,
      %get3A_809 = arith.index_cast %scan3A_163 : i32 to index
      %get3A_810 = arith.constant 848 : index
      %get3A_811 = tpu.vector_load %arg15[%get3A_809, %get3A_810] {strides = array<i32>} : memref<32x1024xf32, #tpu.memory_space<vmem>>, vector<16xf32>,
      %mul3A_812 = arith.mulf %get3A_811, %gather3A_168 : vector<16xf32>
      %get3A_813 = arith.index_cast %scan3A_163 : i32 to index
      %get3A_814 = arith.constant 848 : index
      %get3A_815 = tpu.vector_load %arg16[%get3A_813, %get3A_814] {strides = array<i32>} : memref<32x1024xf32, #tpu.memory_space<vmem>>, vector<16xf32>,
      %mul3A_816 = arith.mulf %get3A_815, %gather3A_172 : vector<16xf32>
      %add3A_817 = arith.addf %mul3A_812, %mul3A_816 : vector<16xf32>
      %swap3A_818 = arith.index_cast %scan3A_163 : i32 to index
      %swap3A_819 = arith.constant 848 : index
      %swap3A_820 = tpu.vector_load %arg15[%swap3A_818, %swap3A_819] {strides = array<i32>} : memref<32x1024xf32, #tpu.memory_space<vmem>>, vector<16xf32>,
      tpu.vector_store %arg15[%swap3A_818, %swap3A_819], %add3A_817 {strides = array<i32>} : memref<32x1024xf32, #tpu.memory_space<vmem>>, vector<16xf32>,
      %get3A_821 = arith.index_cast %scan3A_163 : i32 to index
      %get3A_822 = arith.constant 864 : index
      %get3A_823 = tpu.vector_load %arg15[%get3A_821, %get3A_822] {strides = array<i32>} : memref<32x1024xf32, #tpu.memory_space<vmem>>, vector<16xf32>,
      %mul3A_824 = arith.mulf %get3A_823, %gather3A_168 : vector<16xf32>
      %get3A_825 = arith.index_cast %scan3A_163 : i32 to index
      %get3A_826 = arith.constant 864 : index
      %get3A_827 = tpu.vector_load %arg16[%get3A_825, %get3A_826] {strides = array<i32>} : memref<32x1024xf32, #tpu.memory_space<vmem>>, vector<16xf32>,
      %mul3A_828 = arith.mulf %get3A_827, %gather3A_172 : vector<16xf32>
      %add3A_829 = arith.addf %mul3A_824, %mul3A_828 : vector<16xf32>
      %swap3A_830 = arith.index_cast %scan3A_163 : i32 to index
      %swap3A_831 = arith.constant 864 : index
      %swap3A_832 = tpu.vector_load %arg15[%swap3A_830, %swap3A_831] {strides = array<i32>} : memref<32x1024xf32, #tpu.memory_space<vmem>>, vector<16xf32>,
      tpu.vector_store %arg15[%swap3A_830, %swap3A_831], %add3A_829 {strides = array<i32>} : memref<32x1024xf32, #tpu.memory_space<vmem>>, vector<16xf32>,
      %get3A_833 = arith.index_cast %scan3A_163 : i32 to index
      %get3A_834 = arith.constant 880 : index
      %get3A_835 = tpu.vector_load %arg15[%get3A_833, %get3A_834] {strides = array<i32>} : memref<32x1024xf32, #tpu.memory_space<vmem>>, vector<16xf32>,
      %mul3A_836 = arith.mulf %get3A_835, %gather3A_168 : vector<16xf32>
      %get3A_837 = arith.index_cast %scan3A_163 : i32 to index
      %get3A_838 = arith.constant 880 : index
      %get3A_839 = tpu.vector_load %arg16[%get3A_837, %get3A_838] {strides = array<i32>} : memref<32x1024xf32, #tpu.memory_space<vmem>>, vector<16xf32>,
      %mul3A_840 = arith.mulf %get3A_839, %gather3A_172 : vector<16xf32>
      %add3A_841 = arith.addf %mul3A_836, %mul3A_840 : vector<16xf32>
      %swap3A_842 = arith.index_cast %scan3A_163 : i32 to index
      %swap3A_843 = arith.constant 880 : index
      %swap3A_844 = tpu.vector_load %arg15[%swap3A_842, %swap3A_843] {strides = array<i32>} : memref<32x1024xf32, #tpu.memory_space<vmem>>, vector<16xf32>,
      tpu.vector_store %arg15[%swap3A_842, %swap3A_843], %add3A_841 {strides = array<i32>} : memref<32x1024xf32, #tpu.memory_space<vmem>>, vector<16xf32>,
      %get3A_845 = arith.index_cast %scan3A_163 : i32 to index
      %get3A_846 = arith.constant 896 : index
      %get3A_847 = tpu.vector_load %arg15[%get3A_845, %get3A_846] {strides = array<i32>} : memref<32x1024xf32, #tpu.memory_space<vmem>>, vector<16xf32>,
      %mul3A_848 = arith.mulf %get3A_847, %gather3A_168 : vector<16xf32>
      %get3A_849 = arith.index_cast %scan3A_163 : i32 to index
      %get3A_850 = arith.constant 896 : index
      %get3A_851 = tpu.vector_load %arg16[%get3A_849, %get3A_850] {strides = array<i32>} : memref<32x1024xf32, #tpu.memory_space<vmem>>, vector<16xf32>,
      %mul3A_852 = arith.mulf %get3A_851, %gather3A_172 : vector<16xf32>
      %add3A_853 = arith.addf %mul3A_848, %mul3A_852 : vector<16xf32>
      %swap3A_854 = arith.index_cast %scan3A_163 : i32 to index
      %swap3A_855 = arith.constant 896 : index
      %swap3A_856 = tpu.vector_load %arg15[%swap3A_854, %swap3A_855] {strides = array<i32>} : memref<32x1024xf32, #tpu.memory_space<vmem>>, vector<16xf32>,
      tpu.vector_store %arg15[%swap3A_854, %swap3A_855], %add3A_853 {strides = array<i32>} : memref<32x1024xf32, #tpu.memory_space<vmem>>, vector<16xf32>,
      %get3A_857 = arith.index_cast %scan3A_163 : i32 to index
      %get3A_858 = arith.constant 912 : index
      %get3A_859 = tpu.vector_load %arg15[%get3A_857, %get3A_858] {strides = array<i32>} : memref<32x1024xf32, #tpu.memory_space<vmem>>, vector<16xf32>,
      %mul3A_860 = arith.mulf %get3A_859, %gather3A_168 : vector<16xf32>
      %get3A_861 = arith.index_cast %scan3A_163 : i32 to index
      %get3A_862 = arith.constant 912 : index
      %get3A_863 = tpu.vector_load %arg16[%get3A_861, %get3A_862] {strides = array<i32>} : memref<32x1024xf32, #tpu.memory_space<vmem>>, vector<16xf32>,
      %mul3A_864 = arith.mulf %get3A_863, %gather3A_172 : vector<16xf32>
      %add3A_865 = arith.addf %mul3A_860, %mul3A_864 : vector<16xf32>
      %swap3A_866 = arith.index_cast %scan3A_163 : i32 to index
      %swap3A_867 = arith.constant 912 : index
      %swap3A_868 = tpu.vector_load %arg15[%swap3A_866, %swap3A_867] {strides = array<i32>} : memref<32x1024xf32, #tpu.memory_space<vmem>>, vector<16xf32>,
      tpu.vector_store %arg15[%swap3A_866, %swap3A_867], %add3A_865 {strides = array<i32>} : memref<32x1024xf32, #tpu.memory_space<vmem>>, vector<16xf32>,
      %get3A_869 = arith.index_cast %scan3A_163 : i32 to index
      %get3A_870 = arith.constant 928 : index
      %get3A_871 = tpu.vector_load %arg15[%get3A_869, %get3A_870] {strides = array<i32>} : memref<32x1024xf32, #tpu.memory_space<vmem>>, vector<16xf32>,
      %mul3A_872 = arith.mulf %get3A_871, %gather3A_168 : vector<16xf32>
      %get3A_873 = arith.index_cast %scan3A_163 : i32 to index
      %get3A_874 = arith.constant 928 : index
      %get3A_875 = tpu.vector_load %arg16[%get3A_873, %get3A_874] {strides = array<i32>} : memref<32x1024xf32, #tpu.memory_space<vmem>>, vector<16xf32>,
      %mul3A_876 = arith.mulf %get3A_875, %gather3A_172 : vector<16xf32>
      %add3A_877 = arith.addf %mul3A_872, %mul3A_876 : vector<16xf32>
      %swap3A_878 = arith.index_cast %scan3A_163 : i32 to index
      %swap3A_879 = arith.constant 928 : index
      %swap3A_880 = tpu.vector_load %arg15[%swap3A_878, %swap3A_879] {strides = array<i32>} : memref<32x1024xf32, #tpu.memory_space<vmem>>, vector<16xf32>,
      tpu.vector_store %arg15[%swap3A_878, %swap3A_879], %add3A_877 {strides = array<i32>} : memref<32x1024xf32, #tpu.memory_space<vmem>>, vector<16xf32>,
      %get3A_881 = arith.index_cast %scan3A_163 : i32 to index
      %get3A_882 = arith.constant 944 : index
      %get3A_883 = tpu.vector_load %arg15[%get3A_881, %get3A_882] {strides = array<i32>} : memref<32x1024xf32, #tpu.memory_space<vmem>>, vector<16xf32>,
      %mul3A_884 = arith.mulf %get3A_883, %gather3A_168 : vector<16xf32>
      %get3A_885 = arith.index_cast %scan3A_163 : i32 to index
      %get3A_886 = arith.constant 944 : index
      %get3A_887 = tpu.vector_load %arg16[%get3A_885, %get3A_886] {strides = array<i32>} : memref<32x1024xf32, #tpu.memory_space<vmem>>, vector<16xf32>,
      %mul3A_888 = arith.mulf %get3A_887, %gather3A_172 : vector<16xf32>
      %add3A_889 = arith.addf %mul3A_884, %mul3A_888 : vector<16xf32>
      %swap3A_890 = arith.index_cast %scan3A_163 : i32 to index
      %swap3A_891 = arith.constant 944 : index
      %swap3A_892 = tpu.vector_load %arg15[%swap3A_890, %swap3A_891] {strides = array<i32>} : memref<32x1024xf32, #tpu.memory_space<vmem>>, vector<16xf32>,
      tpu.vector_store %arg15[%swap3A_890, %swap3A_891], %add3A_889 {strides = array<i32>} : memref<32x1024xf32, #tpu.memory_space<vmem>>, vector<16xf32>,
      %get3A_893 = arith.index_cast %scan3A_163 : i32 to index
      %get3A_894 = arith.constant 960 : index
      %get3A_895 = tpu.vector_load %arg15[%get3A_893, %get3A_894] {strides = array<i32>} : memref<32x1024xf32, #tpu.memory_space<vmem>>, vector<16xf32>,
      %mul3A_896 = arith.mulf %get3A_895, %gather3A_168 : vector<16xf32>
      %get3A_897 = arith.index_cast %scan3A_163 : i32 to index
      %get3A_898 = arith.constant 960 : index
      %get3A_899 = tpu.vector_load %arg16[%get3A_897, %get3A_898] {strides = array<i32>} : memref<32x1024xf32, #tpu.memory_space<vmem>>, vector<16xf32>,
      %mul3A_900 = arith.mulf %get3A_899, %gather3A_172 : vector<16xf32>
      %add3A_901 = arith.addf %mul3A_896, %mul3A_900 : vector<16xf32>
      %swap3A_902 = arith.index_cast %scan3A_163 : i32 to index
      %swap3A_903 = arith.constant 960 : index
      %swap3A_904 = tpu.vector_load %arg15[%swap3A_902, %swap3A_903] {strides = array<i32>} : memref<32x1024xf32, #tpu.memory_space<vmem>>, vector<16xf32>,
      tpu.vector_store %arg15[%swap3A_902, %swap3A_903], %add3A_901 {strides = array<i32>} : memref<32x1024xf32, #tpu.memory_space<vmem>>, vector<16xf32>,
      %get3A_905 = arith.index_cast %scan3A_163 : i32 to index
      %get3A_906 = arith.constant 976 : index
      %get3A_907 = tpu.vector_load %arg15[%get3A_905, %get3A_906] {strides = array<i32>} : memref<32x1024xf32, #tpu.memory_space<vmem>>, vector<16xf32>,
      %mul3A_908 = arith.mulf %get3A_907, %gather3A_168 : vector<16xf32>
      %get3A_909 = arith.index_cast %scan3A_163 : i32 to index
      %get3A_910 = arith.constant 976 : index
      %get3A_911 = tpu.vector_load %arg16[%get3A_909, %get3A_910] {strides = array<i32>} : memref<32x1024xf32, #tpu.memory_space<vmem>>, vector<16xf32>,
      %mul3A_912 = arith.mulf %get3A_911, %gather3A_172 : vector<16xf32>
      %add3A_913 = arith.addf %mul3A_908, %mul3A_912 : vector<16xf32>
      %swap3A_914 = arith.index_cast %scan3A_163 : i32 to index
      %swap3A_915 = arith.constant 976 : index
      %swap3A_916 = tpu.vector_load %arg15[%swap3A_914, %swap3A_915] {strides = array<i32>} : memref<32x1024xf32, #tpu.memory_space<vmem>>, vector<16xf32>,
      tpu.vector_store %arg15[%swap3A_914, %swap3A_915], %add3A_913 {strides = array<i32>} : memref<32x1024xf32, #tpu.memory_space<vmem>>, vector<16xf32>,
      %get3A_917 = arith.index_cast %scan3A_163 : i32 to index
      %get3A_918 = arith.constant 992 : index
      %get3A_919 = tpu.vector_load %arg15[%get3A_917, %get3A_918] {strides = array<i32>} : memref<32x1024xf32, #tpu.memory_space<vmem>>, vector<16xf32>,
      %mul3A_920 = arith.mulf %get3A_919, %gather3A_168 : vector<16xf32>
      %get3A_921 = arith.index_cast %scan3A_163 : i32 to index
      %get3A_922 = arith.constant 992 : index
      %get3A_923 = tpu.vector_load %arg16[%get3A_921, %get3A_922] {strides = array<i32>} : memref<32x1024xf32, #tpu.memory_space<vmem>>, vector<16xf32>,
      %mul3A_924 = arith.mulf %get3A_923, %gather3A_172 : vector<16xf32>
      %add3A_925 = arith.addf %mul3A_920, %mul3A_924 : vector<16xf32>
      %swap3A_926 = arith.index_cast %scan3A_163 : i32 to index
      %swap3A_927 = arith.constant 992 : index
      %swap3A_928 = tpu.vector_load %arg15[%swap3A_926, %swap3A_927] {strides = array<i32>} : memref<32x1024xf32, #tpu.memory_space<vmem>>, vector<16xf32>,
      tpu.vector_store %arg15[%swap3A_926, %swap3A_927], %add3A_925 {strides = array<i32>} : memref<32x1024xf32, #tpu.memory_space<vmem>>, vector<16xf32>,
      %get3A_929 = arith.index_cast %scan3A_163 : i32 to index
      %get3A_930 = arith.constant 1008 : index
      %get3A_931 = tpu.vector_load %arg15[%get3A_929, %get3A_930] {strides = array<i32>} : memref<32x1024xf32, #tpu.memory_space<vmem>>, vector<16xf32>,
      %mul3A_932 = arith.mulf %get3A_931, %gather3A_168 : vector<16xf32>
      %get3A_933 = arith.index_cast %scan3A_163 : i32 to index
      %get3A_934 = arith.constant 1008 : index
      %get3A_935 = tpu.vector_load %arg16[%get3A_933, %get3A_934] {strides = array<i32>} : memref<32x1024xf32, #tpu.memory_space<vmem>>, vector<16xf32>,
      %mul3A_936 = arith.mulf %get3A_935, %gather3A_172 : vector<16xf32>
      %add3A_937 = arith.addf %mul3A_932, %mul3A_936 : vector<16xf32>
      %swap3A_938 = arith.index_cast %scan3A_163 : i32 to index
      %swap3A_939 = arith.constant 1008 : index
      %swap3A_940 = tpu.vector_load %arg15[%swap3A_938, %swap3A_939] {strides = array<i32>} : memref<32x1024xf32, #tpu.memory_space<vmem>>, vector<16xf32>,
      tpu.vector_store %arg15[%swap3A_938, %swap3A_939], %add3A_937 {strides = array<i32>} : memref<32x1024xf32, #tpu.memory_space<vmem>>, vector<16xf32>,
      %scan3A_941 = arith.constant 0 : i32
      scf.yield %scan3A_941 : i32
    }
    %scan3A_158 = arith.constant 32 : i32
    %mul3A_159 = arith.constant 64 : i32
    %mul3A_160 = arith.muli %add3A, %mul3A_159 : i32
    %add3A_161 = arith.constant 32 : i32
    %add3A_162 = arith.addi %mul3A_160, %add3A_161 : i32
    "tpu.region"() ({
      %run_scoped3A = tpu.sem_alloc : memref<!tpu.dma_semaphore, #tpu.memory_space<semaphore_mem>>
      %dma_start3A_163 = arith.constant 0 : i32
      %dma_start3A_164 = tpu.memref_slice %arg7[%add3A_162, %dma_start3A_163] : memref<2048x1024xf32, #tpu.memory_space<hbm>> -> memref<32x1024xf32, #tpu.memory_space<hbm>>
      %dma_start3A_165 = arith.constant 0 : i32
      %dma_start3A_166 = tpu.memref_slice %arg7[%add3A_162, %dma_start3A_165] : memref<2048x1024xf32, #tpu.memory_space<hbm>> -> memref<32x1024xf32, #tpu.memory_space<hbm>>
      tpu.enqueue_dma source(%arg15 : memref<32x1024xf32, #tpu.memory_space<vmem>>) target(%dma_start3A_166 : memref<32x1024xf32, #tpu.memory_space<hbm>>) target_semaphore(%run_scoped3A : memref<!tpu.dma_semaphore, #tpu.memory_space<semaphore_mem>>)
      %dma_wait3A_167 = arith.constant 0 : i32
      %dma_wait3A_168 = tpu.memref_slice %arg7[%add3A_162, %dma_wait3A_167] : memref<2048x1024xf32, #tpu.memory_space<hbm>> -> memref<32x1024xf32, #tpu.memory_space<hbm>>
      %dma_wait3A_169 = arith.constant 0 : i32
      %dma_wait3A_170 = tpu.memref_slice %arg7[%add3A_162, %dma_wait3A_169] : memref<2048x1024xf32, #tpu.memory_space<hbm>> -> memref<32x1024xf32, #tpu.memory_space<hbm>>
      tpu.wait_dma2 semaphore(%run_scoped3A : memref<!tpu.dma_semaphore, #tpu.memory_space<semaphore_mem>>) src(%arg15 : memref<32x1024xf32, #tpu.memory_space<vmem>>) dst(%dma_wait3A_170 : memref<32x1024xf32, #tpu.memory_space<hbm>>)
      tpu.yield
    }) : () -> ()
    return
  }
}

module attributes {stable_mosaic.version = 14 : i64} {
  func.func @_gating_body(%arg0: i32, %arg1: memref<512x1024xf32, #tpu.memory_space<vmem>>, %arg2: memref<1024x8xf32, #tpu.memory_space<vmem>>, %arg3: memref<1x8xf32, #tpu.memory_space<vmem>>, %arg4: memref<8x128xi32, #tpu.memory_space<vmem>>, %arg5: memref<8x128xi32, #tpu.memory_space<vmem>>, %arg6: memref<8x128xf32, #tpu.memory_space<vmem>>, %arg7: memref<1x16xi32, #tpu.memory_space<vmem>>, %arg8: memref<1x64xi32, #tpu.memory_space<vmem>>, %arg9: memref<1x8xf32, #tpu.memory_space<vmem>>) attributes {dimension_semantics = [#tpu.dimension_semantics<arbitrary>], iteration_bounds = array<i64: 4>, scalar_prefetch = 0 : i64, scratch_operands = 1 : i64, tpu.core_type = #tpu.core_type<tc>, window_params = [{transform_indices = @transform_0, window_bounds = array<i64: 512, 1024>}, {pipeline_mode = #tpu.pipeline_mode<synchronous>, transform_indices = @transform_1, window_bounds = array<i64: 1024, 8>}, {pipeline_mode = #tpu.pipeline_mode<synchronous>, transform_indices = @transform_2, window_bounds = array<i64: 1, 8>}, {transform_indices = @transform_3, window_bounds = array<i64: 8, 128>}, {transform_indices = @transform_4, window_bounds = array<i64: 8, 128>}, {transform_indices = @transform_5, window_bounds = array<i64: 8, 128>}, {pipeline_mode = #tpu.pipeline_mode<synchronous>, transform_indices = @transform_6, window_bounds = array<i64: 1, 16>}, {pipeline_mode = #tpu.pipeline_mode<synchronous>, transform_indices = @transform_7, window_bounds = array<i64: 1, 64>}]} {
    %get3A = arith.constant 0 : index
    %get3A_0 = arith.constant 0 : index
    %get3A_1 = vector.load %arg1[%get3A, %get3A_0] : memref<512x1024xf32, #tpu.memory_space<vmem>>, vector<512x1024xf32>
    %get3A_2 = arith.constant 0 : index
    %get3A_3 = arith.constant 0 : index
    %get3A_4 = vector.load %arg2[%get3A_2, %get3A_3] : memref<1024x8xf32, #tpu.memory_space<vmem>>, vector<1024x8xf32>
    %dot_general3A = arith.constant dense<0.000000e+00> : vector<512x8xf32>
    %dot_general3A_5 = tpu.matmul %get3A_1, %get3A_4, %dot_general3A {dimension_numbers = #tpu.dot_dimension_numbers<[1], [0], [0], [1], [0, 0, 1, 1], [], []>, transpose_lhs_hint = false} : vector<512x1024xf32>, vector<1024x8xf32>, vector<512x8xf32> -> vector<512x8xf32>
    %get3A_6 = arith.constant 0 : index
    %get3A_7 = arith.constant 0 : index
    %get3A_8 = vector.load %arg3[%get3A_6, %get3A_7] : memref<1x8xf32, #tpu.memory_space<vmem>>, vector<1x8xf32>
    %add3A = vector.broadcast %get3A_8 : vector<1x8xf32> to vector<512x8xf32>
    %add3A_9 = arith.addf %dot_general3A_5, %add3A : vector<512x8xf32>
    %iota3A = tpu.iota {dimensions = array<i32: 1>} : vector<512x8xi32>
    %reduce_max3A = arith.constant dense<0xFF800000> : vector<512xf32>
    %reduce_max3A_10 = vector.multi_reduction <maximumf>, %add3A_9, %reduce_max3A [1] : vector<512x8xf32> to vector<512xf32>
    %broadcast_in_dim3A = vector.shape_cast %reduce_max3A_10 : vector<512xf32> to vector<512x1xf32>
    %eq3A = vector.broadcast %broadcast_in_dim3A : vector<512x1xf32> to vector<512x8xf32>
    %eq3A_11 = arith.cmpf oeq, %add3A_9, %eq3A : vector<512x8xf32>
    %jit3A = arith.constant 8 : i32
    %broadcast_in_dim3A_12 = vector.broadcast %jit3A : i32 to vector<512x8xi32>
    %select_n3A = arith.select %eq3A_11, %iota3A, %broadcast_in_dim3A_12 : vector<512x8xi1>, vector<512x8xi32>
    %reduce_min3A = arith.constant dense<2147483647> : vector<512xi32>
    %reduce_min3A_13 = vector.multi_reduction <minsi>, %select_n3A, %reduce_min3A [1] : vector<512x8xi32> to vector<512xi32>
    %broadcast_in_dim3A_14 = vector.shape_cast %reduce_min3A_13 : vector<512xi32> to vector<512x1xi32>
    %eq3A_15 = vector.broadcast %broadcast_in_dim3A_14 : vector<512x1xi32> to vector<512x8xi32>
    %eq3A_16 = arith.cmpi eq, %iota3A, %eq3A_15 : vector<512x8xi32>
    %jit3A_17 = arith.constant 0xFF800000 : f32
    %broadcast_in_dim3A_18 = vector.broadcast %jit3A_17 : f32 to vector<512x8xf32>
    %select_n3A_19 = arith.select %eq3A_16, %broadcast_in_dim3A_18, %add3A_9 : vector<512x8xi1>, vector<512x8xf32>
    %reduce_max3A_20 = arith.constant dense<0xFF800000> : vector<512xf32>
    %reduce_max3A_21 = vector.multi_reduction <maximumf>, %select_n3A_19, %reduce_max3A_20 [1] : vector<512x8xf32> to vector<512xf32>
    %broadcast_in_dim3A_22 = vector.shape_cast %reduce_max3A_21 : vector<512xf32> to vector<512x1xf32>
    %eq3A_23 = vector.broadcast %broadcast_in_dim3A_22 : vector<512x1xf32> to vector<512x8xf32>
    %eq3A_24 = arith.cmpf oeq, %select_n3A_19, %eq3A_23 : vector<512x8xf32>
    %jit3A_25 = arith.constant 8 : i32
    %broadcast_in_dim3A_26 = vector.broadcast %jit3A_25 : i32 to vector<512x8xi32>
    %select_n3A_27 = arith.select %eq3A_24, %iota3A, %broadcast_in_dim3A_26 : vector<512x8xi1>, vector<512x8xi32>
    %reduce_min3A_28 = arith.constant dense<2147483647> : vector<512xi32>
    %reduce_min3A_29 = vector.multi_reduction <minsi>, %select_n3A_27, %reduce_min3A_28 [1] : vector<512x8xi32> to vector<512xi32>
    %broadcast_in_dim3A_30 = vector.shape_cast %reduce_min3A_29 : vector<512xi32> to vector<512x1xi32>
    %sub3A = arith.subf %broadcast_in_dim3A_22, %broadcast_in_dim3A : vector<512x1xf32>
    %exp3A = math.exp %sub3A : vector<512x1xf32>
    %add3A_31 = arith.constant 1.000000e+00 : f32
    %add3A_32 = vector.broadcast %add3A_31 : f32 to vector<512x1xf32>
    %add3A_33 = arith.addf %add3A_32, %exp3A : vector<512x1xf32>
    %div3A = arith.constant 1.000000e+00 : f32
    %div3A_34 = vector.broadcast %div3A : f32 to vector<512x1xf32>
    %div3A_35 = arith.divf %div3A_34, %add3A_33 : vector<512x1xf32>
    %div3A_36 = arith.divf %exp3A, %add3A_33 : vector<512x1xf32>
    %eq3A_37 = arith.constant 0 : i32
    %eq3A_38 = arith.cmpi eq, %arg0, %eq3A_37 : i32
    %convert_element_type3A = arith.extui %eq3A_38 : i1 to i32
    %cond3A = arith.constant 0 : i32
    %cond3A_39 = arith.cmpi ne, %convert_element_type3A, %cond3A : i32
    scf.if %cond3A_39 {
      %broadcast_in_dim3A_164 = arith.constant 0.000000e+00 : f32
      %broadcast_in_dim3A_165 = vector.broadcast %broadcast_in_dim3A_164 : f32 to vector<1x8xf32>
      %swap3A_166 = arith.constant 0 : index
      %swap3A_167 = arith.constant 0 : index
      %swap3A_168 = vector.load %arg9[%swap3A_166, %swap3A_167] : memref<1x8xf32, #tpu.memory_space<vmem>>, vector<1x8xf32>
      tpu.vector_store %arg9[%swap3A_166, %swap3A_167], %broadcast_in_dim3A_165 {strides = array<i32>} : memref<1x8xf32, #tpu.memory_space<vmem>>, vector<1x8xf32>,
    } else {
    }
    %eq3A_40 = vector.broadcast %broadcast_in_dim3A_14 : vector<512x1xi32> to vector<512x8xi32>
    %eq3A_41 = arith.cmpi eq, %eq3A_40, %iota3A : vector<512x8xi32>
    %convert_element_type3A_42 = arith.extui %eq3A_41 : vector<512x8xi1> to vector<512x8xi32>
    %convert_element_type3A_43 = arith.sitofp %convert_element_type3A_42 : vector<512x8xi32> to vector<512x8xf32>
    %convert_element_type3A_44 = arith.truncf %convert_element_type3A_43 : vector<512x8xf32> to vector<512x8xbf16>
    %eq3A_45 = vector.broadcast %broadcast_in_dim3A_30 : vector<512x1xi32> to vector<512x8xi32>
    %eq3A_46 = arith.cmpi eq, %eq3A_45, %iota3A : vector<512x8xi32>
    %convert_element_type3A_47 = arith.extui %eq3A_46 : vector<512x8xi1> to vector<512x8xi32>
    %convert_element_type3A_48 = arith.sitofp %convert_element_type3A_47 : vector<512x8xi32> to vector<512x8xf32>
    %convert_element_type3A_49 = arith.truncf %convert_element_type3A_48 : vector<512x8xf32> to vector<512x8xbf16>
    %iota3A_50 = tpu.iota {dimensions = array<i32: 0>} : vector<512x512xi32>
    %iota3A_51 = tpu.iota {dimensions = array<i32: 1>} : vector<512x512xi32>
    %gt3A = arith.cmpi sgt, %iota3A_50, %iota3A_51 : vector<512x512xi32>
    %convert_element_type3A_52 = arith.extui %gt3A : vector<512x512xi1> to vector<512x512xi32>
    %convert_element_type3A_53 = arith.sitofp %convert_element_type3A_52 : vector<512x512xi32> to vector<512x512xf32>
    %convert_element_type3A_54 = arith.truncf %convert_element_type3A_53 : vector<512x512xf32> to vector<512x512xbf16>
    %add3A_55 = arith.addf %convert_element_type3A_44, %convert_element_type3A_49 : vector<512x8xbf16>
    %dot_general3A_56 = arith.constant dense<0.000000e+00> : vector<512x8xf32>
    %dot_general3A_57 = tpu.matmul %convert_element_type3A_54, %add3A_55, %dot_general3A_56 {dimension_numbers = #tpu.dot_dimension_numbers<[1], [0], [0], [1], [0, 0, 1, 1], [], []>, transpose_lhs_hint = false} : vector<512x512xbf16>, vector<512x8xbf16>, vector<512x8xf32> -> vector<512x8xf32>
    %get3A_58 = arith.constant 0 : index
    %get3A_59 = arith.constant 0 : index
    %get3A_60 = vector.load %arg9[%get3A_58, %get3A_59] : memref<1x8xf32, #tpu.memory_space<vmem>>, vector<1x8xf32>
    %convert_element_type3A_61 = arith.extf %convert_element_type3A_44 : vector<512x8xbf16> to vector<512x8xf32>
    %convert_element_type3A_62 = arith.extf %convert_element_type3A_49 : vector<512x8xbf16> to vector<512x8xf32>
    %add3A_63 = vector.broadcast %get3A_60 : vector<1x8xf32> to vector<512x8xf32>
    %add3A_64 = arith.addf %dot_general3A_57, %add3A_63 : vector<512x8xf32>
    %mul3A = arith.mulf %add3A_64, %convert_element_type3A_61 : vector<512x8xf32>
    %reduce_sum3A = arith.constant dense<0.000000e+00> : vector<512xf32>
    %reduce_sum3A_65 = vector.multi_reduction <add>, %mul3A, %reduce_sum3A [1] : vector<512x8xf32> to vector<512xf32>
    %broadcast_in_dim3A_66 = vector.shape_cast %reduce_sum3A_65 : vector<512xf32> to vector<512x1xf32>
    %add3A_67 = vector.broadcast %get3A_60 : vector<1x8xf32> to vector<512x8xf32>
    %add3A_68 = arith.addf %dot_general3A_57, %add3A_67 : vector<512x8xf32>
    %mul3A_69 = arith.mulf %add3A_68, %convert_element_type3A_62 : vector<512x8xf32>
    %reduce_sum3A_70 = arith.constant dense<0.000000e+00> : vector<512xf32>
    %reduce_sum3A_71 = vector.multi_reduction <add>, %mul3A_69, %reduce_sum3A_70 [1] : vector<512x8xf32> to vector<512xf32>
    %broadcast_in_dim3A_72 = vector.shape_cast %reduce_sum3A_71 : vector<512xf32> to vector<512x1xf32>
    %reshape3A = vector.shape_cast %broadcast_in_dim3A_14 : vector<512x1xi32> to vector<8x64xi32>
    %reshape3A_73 = vector.shape_cast %broadcast_in_dim3A_30 : vector<512x1xi32> to vector<8x64xi32>
    %concatenate3A = tpu.concatenate %reshape3A, %reshape3A_73 in 1 : vector<8x64xi32>, vector<8x64xi32> -> vector<8x128xi32>
    %swap3A = arith.constant 0 : index
    %swap3A_74 = arith.constant 0 : index
    %swap3A_75 = vector.load %arg4[%swap3A, %swap3A_74] : memref<8x128xi32, #tpu.memory_space<vmem>>, vector<8x128xi32>
    tpu.vector_store %arg4[%swap3A, %swap3A_74], %concatenate3A {strides = array<i32>} : memref<8x128xi32, #tpu.memory_space<vmem>>, vector<8x128xi32>,
    %convert_element_type3A_76 = arith.fptosi %broadcast_in_dim3A_66 : vector<512x1xf32> to vector<512x1xi32>
    %convert_element_type3A_77 = arith.fptosi %broadcast_in_dim3A_72 : vector<512x1xf32> to vector<512x1xi32>
    %reshape3A_78 = vector.shape_cast %convert_element_type3A_76 : vector<512x1xi32> to vector<8x64xi32>
    %reshape3A_79 = vector.shape_cast %convert_element_type3A_77 : vector<512x1xi32> to vector<8x64xi32>
    %concatenate3A_80 = tpu.concatenate %reshape3A_78, %reshape3A_79 in 1 : vector<8x64xi32>, vector<8x64xi32> -> vector<8x128xi32>
    %swap3A_81 = arith.constant 0 : index
    %swap3A_82 = arith.constant 0 : index
    %swap3A_83 = vector.load %arg5[%swap3A_81, %swap3A_82] : memref<8x128xi32, #tpu.memory_space<vmem>>, vector<8x128xi32>
    tpu.vector_store %arg5[%swap3A_81, %swap3A_82], %concatenate3A_80 {strides = array<i32>} : memref<8x128xi32, #tpu.memory_space<vmem>>, vector<8x128xi32>,
    %reshape3A_84 = vector.shape_cast %div3A_35 : vector<512x1xf32> to vector<8x64xf32>
    %reshape3A_85 = vector.shape_cast %div3A_36 : vector<512x1xf32> to vector<8x64xf32>
    %concatenate3A_86 = tpu.concatenate %reshape3A_84, %reshape3A_85 in 1 : vector<8x64xf32>, vector<8x64xf32> -> vector<8x128xf32>
    %swap3A_87 = arith.constant 0 : index
    %swap3A_88 = arith.constant 0 : index
    %swap3A_89 = vector.load %arg6[%swap3A_87, %swap3A_88] : memref<8x128xf32, #tpu.memory_space<vmem>>, vector<8x128xf32>
    tpu.vector_store %arg6[%swap3A_87, %swap3A_88], %concatenate3A_86 {strides = array<i32>} : memref<8x128xf32, #tpu.memory_space<vmem>>, vector<8x128xf32>,
    %add3A_90 = arith.addf %convert_element_type3A_61, %convert_element_type3A_62 : vector<512x8xf32>
    %reduce_sum3A_91 = arith.constant dense<0.000000e+00> : vector<8xf32>
    %reduce_sum3A_92 = vector.multi_reduction <add>, %add3A_90, %reduce_sum3A_91 [0] : vector<512x8xf32> to vector<8xf32>
    %broadcast_in_dim3A_93 = vector.shape_cast %reduce_sum3A_92 : vector<8xf32> to vector<1x8xf32>
    %add3A_94 = arith.addf %get3A_60, %broadcast_in_dim3A_93 : vector<1x8xf32>
    %swap3A_95 = arith.constant 0 : index
    %swap3A_96 = arith.constant 0 : index
    %swap3A_97 = vector.load %arg9[%swap3A_95, %swap3A_96] : memref<1x8xf32, #tpu.memory_space<vmem>>, vector<1x8xf32>
    tpu.vector_store %arg9[%swap3A_95, %swap3A_96], %add3A_94 {strides = array<i32>} : memref<1x8xf32, #tpu.memory_space<vmem>>, vector<1x8xf32>,
    %broadcast_in_dim3A_98 = arith.constant 0.000000e+00 : f32
    %broadcast_in_dim3A_99 = vector.broadcast %broadcast_in_dim3A_98 : f32 to vector<1x8xf32>
    %concatenate3A_100 = tpu.concatenate %add3A_94, %broadcast_in_dim3A_99 in 1 : vector<1x8xf32>, vector<1x8xf32> -> vector<1x16xf32>
    %convert_element_type3A_101 = arith.fptosi %concatenate3A_100 : vector<1x16xf32> to vector<1x16xi32>
    %swap3A_102 = arith.constant 0 : index
    %swap3A_103 = arith.constant 0 : index
    %swap3A_104 = vector.load %arg7[%swap3A_102, %swap3A_103] : memref<1x16xi32, #tpu.memory_space<vmem>>, vector<1x16xi32>
    tpu.vector_store %arg7[%swap3A_102, %swap3A_103], %convert_element_type3A_101 {strides = array<i32>} : memref<1x16xi32, #tpu.memory_space<vmem>>, vector<1x16xi32>,
    %add3A_105 = arith.constant 1.270000e+02 : f32
    %add3A_106 = vector.broadcast %add3A_105 : f32 to vector<1x8xf32>
    %add3A_107 = arith.addf %add3A_94, %add3A_106 : vector<1x8xf32>
    %mul3A_108 = arith.constant 7.812500e-03 : f32
    %mul3A_109 = vector.broadcast %mul3A_108 : f32 to vector<1x8xf32>
    %mul3A_110 = arith.mulf %add3A_107, %mul3A_109 : vector<1x8xf32>
    %floor3A = math.floor %mul3A_110 : vector<1x8xf32>
    %iota3A_111 = tpu.iota {dimensions = array<i32: 0>} : vector<8x8xi32>
    %iota3A_112 = tpu.iota {dimensions = array<i32: 1>} : vector<8x8xi32>
    %le3A = arith.cmpi sle, %iota3A_111, %iota3A_112 : vector<8x8xi32>
    %convert_element_type3A_113 = arith.extui %le3A : vector<8x8xi1> to vector<8x8xi32>
    %convert_element_type3A_114 = arith.sitofp %convert_element_type3A_113 : vector<8x8xi32> to vector<8x8xf32>
    %dot_general3A_115 = arith.constant dense<0.000000e+00> : vector<1x8xf32>
    %dot_general3A_116 = tpu.matmul %floor3A, %convert_element_type3A_114, %dot_general3A_115 {dimension_numbers = #tpu.dot_dimension_numbers<[1], [0], [0], [1], [0, 0, 1, 1], [], []>, transpose_lhs_hint = false} : vector<1x8xf32>, vector<8x8xf32>, vector<1x8xf32> -> vector<1x8xf32>
    %iota3A_117 = tpu.iota {dimensions = array<i32: 1>} : vector<1x64xi32>
    %convert_element_type3A_118 = arith.sitofp %iota3A_117 : vector<1x64xi32> to vector<1x64xf32>
    %slice3A = vector.extract_strided_slice %dot_general3A_116 {offsets = [0, 0], sizes = [1, 1], strides = [1, 1]} : vector<1x8xf32> to vector<1x1xf32>
    %ge3A = vector.broadcast %slice3A : vector<1x1xf32> to vector<1x64xf32>
    %ge3A_119 = arith.cmpf oge, %convert_element_type3A_118, %ge3A : vector<1x64xf32>
    %convert_element_type3A_120 = arith.extui %ge3A_119 : vector<1x64xi1> to vector<1x64xi32>
    %add3A_121 = arith.constant 0 : i32
    %add3A_122 = vector.broadcast %add3A_121 : i32 to vector<1x64xi32>
    %add3A_123 = arith.addi %add3A_122, %convert_element_type3A_120 : vector<1x64xi32>
    %slice3A_124 = vector.extract_strided_slice %dot_general3A_116 {offsets = [0, 1], sizes = [1, 1], strides = [1, 1]} : vector<1x8xf32> to vector<1x1xf32>
    %ge3A_125 = vector.broadcast %slice3A_124 : vector<1x1xf32> to vector<1x64xf32>
    %ge3A_126 = arith.cmpf oge, %convert_element_type3A_118, %ge3A_125 : vector<1x64xf32>
    %convert_element_type3A_127 = arith.extui %ge3A_126 : vector<1x64xi1> to vector<1x64xi32>
    %add3A_128 = arith.addi %add3A_123, %convert_element_type3A_127 : vector<1x64xi32>
    %slice3A_129 = vector.extract_strided_slice %dot_general3A_116 {offsets = [0, 2], sizes = [1, 1], strides = [1, 1]} : vector<1x8xf32> to vector<1x1xf32>
    %ge3A_130 = vector.broadcast %slice3A_129 : vector<1x1xf32> to vector<1x64xf32>
    %ge3A_131 = arith.cmpf oge, %convert_element_type3A_118, %ge3A_130 : vector<1x64xf32>
    %convert_element_type3A_132 = arith.extui %ge3A_131 : vector<1x64xi1> to vector<1x64xi32>
    %add3A_133 = arith.addi %add3A_128, %convert_element_type3A_132 : vector<1x64xi32>
    %slice3A_134 = vector.extract_strided_slice %dot_general3A_116 {offsets = [0, 3], sizes = [1, 1], strides = [1, 1]} : vector<1x8xf32> to vector<1x1xf32>
    %ge3A_135 = vector.broadcast %slice3A_134 : vector<1x1xf32> to vector<1x64xf32>
    %ge3A_136 = arith.cmpf oge, %convert_element_type3A_118, %ge3A_135 : vector<1x64xf32>
    %convert_element_type3A_137 = arith.extui %ge3A_136 : vector<1x64xi1> to vector<1x64xi32>
    %add3A_138 = arith.addi %add3A_133, %convert_element_type3A_137 : vector<1x64xi32>
    %slice3A_139 = vector.extract_strided_slice %dot_general3A_116 {offsets = [0, 4], sizes = [1, 1], strides = [1, 1]} : vector<1x8xf32> to vector<1x1xf32>
    %ge3A_140 = vector.broadcast %slice3A_139 : vector<1x1xf32> to vector<1x64xf32>
    %ge3A_141 = arith.cmpf oge, %convert_element_type3A_118, %ge3A_140 : vector<1x64xf32>
    %convert_element_type3A_142 = arith.extui %ge3A_141 : vector<1x64xi1> to vector<1x64xi32>
    %add3A_143 = arith.addi %add3A_138, %convert_element_type3A_142 : vector<1x64xi32>
    %slice3A_144 = vector.extract_strided_slice %dot_general3A_116 {offsets = [0, 5], sizes = [1, 1], strides = [1, 1]} : vector<1x8xf32> to vector<1x1xf32>
    %ge3A_145 = vector.broadcast %slice3A_144 : vector<1x1xf32> to vector<1x64xf32>
    %ge3A_146 = arith.cmpf oge, %convert_element_type3A_118, %ge3A_145 : vector<1x64xf32>
    %convert_element_type3A_147 = arith.extui %ge3A_146 : vector<1x64xi1> to vector<1x64xi32>
    %add3A_148 = arith.addi %add3A_143, %convert_element_type3A_147 : vector<1x64xi32>
    %slice3A_149 = vector.extract_strided_slice %dot_general3A_116 {offsets = [0, 6], sizes = [1, 1], strides = [1, 1]} : vector<1x8xf32> to vector<1x1xf32>
    %ge3A_150 = vector.broadcast %slice3A_149 : vector<1x1xf32> to vector<1x64xf32>
    %ge3A_151 = arith.cmpf oge, %convert_element_type3A_118, %ge3A_150 : vector<1x64xf32>
    %convert_element_type3A_152 = arith.extui %ge3A_151 : vector<1x64xi1> to vector<1x64xi32>
    %add3A_153 = arith.addi %add3A_148, %convert_element_type3A_152 : vector<1x64xi32>
    %slice3A_154 = vector.extract_strided_slice %dot_general3A_116 {offsets = [0, 7], sizes = [1, 1], strides = [1, 1]} : vector<1x8xf32> to vector<1x1xf32>
    %ge3A_155 = vector.broadcast %slice3A_154 : vector<1x1xf32> to vector<1x64xf32>
    %ge3A_156 = arith.cmpf oge, %convert_element_type3A_118, %ge3A_155 : vector<1x64xf32>
    %convert_element_type3A_157 = arith.extui %ge3A_156 : vector<1x64xi1> to vector<1x64xi32>
    %add3A_158 = arith.addi %add3A_153, %convert_element_type3A_157 : vector<1x64xi32>
    %min3A = arith.constant 7 : i32
    %min3A_159 = vector.broadcast %min3A : i32 to vector<1x64xi32>
    %min3A_160 = arith.minsi %add3A_158, %min3A_159 : vector<1x64xi32>
    %swap3A_161 = arith.constant 0 : index
    %swap3A_162 = arith.constant 0 : index
    %swap3A_163 = vector.load %arg8[%swap3A_161, %swap3A_162] : memref<1x64xi32, #tpu.memory_space<vmem>>, vector<1x64xi32>
    tpu.vector_store %arg8[%swap3A_161, %swap3A_162], %min3A_160 {strides = array<i32>} : memref<1x64xi32, #tpu.memory_space<vmem>>, vector<1x64xi32>,
    return
  }
  func.func @transform_0(%arg0: i32) -> (i32, i32) {
    %c0_i32 = arith.constant 0 : i32
    %c0_i32_0 = arith.constant 0 : i32
    return %arg0, %c0_i32 : i32, i32
  }
  func.func @transform_1(%arg0: i32) -> (i32, i32) {
    %c0_i32 = arith.constant 0 : i32
    %c0_i32_0 = arith.constant 0 : i32
    %c0_i32_1 = arith.constant 0 : i32
    return %c0_i32, %c0_i32_0 : i32, i32
  }
  func.func @transform_2(%arg0: i32) -> (i32, i32) {
    %c0_i32 = arith.constant 0 : i32
    %c0_i32_0 = arith.constant 0 : i32
    %c0_i32_1 = arith.constant 0 : i32
    return %c0_i32, %c0_i32_0 : i32, i32
  }
  func.func @transform_3(%arg0: i32) -> (i32, i32) {
    %c0_i32 = arith.constant 0 : i32
    %c0_i32_0 = arith.constant 0 : i32
    return %arg0, %c0_i32 : i32, i32
  }
  func.func @transform_4(%arg0: i32) -> (i32, i32) {
    %c0_i32 = arith.constant 0 : i32
    %c0_i32_0 = arith.constant 0 : i32
    return %arg0, %c0_i32 : i32, i32
  }
  func.func @transform_5(%arg0: i32) -> (i32, i32) {
    %c0_i32 = arith.constant 0 : i32
    %c0_i32_0 = arith.constant 0 : i32
    return %arg0, %c0_i32 : i32, i32
  }
  func.func @transform_6(%arg0: i32) -> (i32, i32) {
    %c0_i32 = arith.constant 0 : i32
    %c0_i32_0 = arith.constant 0 : i32
    %c0_i32_1 = arith.constant 0 : i32
    return %c0_i32, %c0_i32_0 : i32, i32
  }
  func.func @transform_7(%arg0: i32) -> (i32, i32) {
    %c0_i32 = arith.constant 0 : i32
    %c0_i32_0 = arith.constant 0 : i32
    %c0_i32_1 = arith.constant 0 : i32
    return %c0_i32, %c0_i32_0 : i32, i32
  }
}

module attributes {stable_mosaic.version = 14 : i64} {
  func.func @_mlp_body(%arg0: i32, %arg1: memref<40xi32, #tpu.memory_space<smem>>, %arg2: memref<128x1024xf32, #tpu.memory_space<vmem>>, %arg3: memref<1x1024x1024xf32, #tpu.memory_space<vmem>>, %arg4: memref<1x1x1024xf32, #tpu.memory_space<vmem>>, %arg5: memref<1x1024x1024xf32, #tpu.memory_space<vmem>>, %arg6: memref<1x1x1024xf32, #tpu.memory_space<vmem>>, %arg7: memref<1x1024x1024xf32, #tpu.memory_space<vmem>>, %arg8: memref<1x1x1024xf32, #tpu.memory_space<vmem>>, %arg9: memref<128x1024xf32, #tpu.memory_space<vmem>>, %arg10: memref<1024x1024xbf16, #tpu.memory_space<vmem>>, %arg11: memref<1024x1024xbf16, #tpu.memory_space<vmem>>, %arg12: memref<1024x1024xbf16, #tpu.memory_space<vmem>>) attributes {dimension_semantics = [#tpu.dimension_semantics<arbitrary>], iteration_bounds = array<i64: 40>, scalar_prefetch = 1 : i64, scratch_operands = 3 : i64, tpu.core_type = #tpu.core_type<tc>, window_params = [{transform_indices = @transform_0, window_bounds = array<i64: 128, 1024>}, {transform_indices = @transform_1, window_bounds = array<i64: 1, 1024, 1024>}, {transform_indices = @transform_2, window_bounds = array<i64: 1, 1, 1024>}, {transform_indices = @transform_3, window_bounds = array<i64: 1, 1024, 1024>}, {transform_indices = @transform_4, window_bounds = array<i64: 1, 1, 1024>}, {transform_indices = @transform_5, window_bounds = array<i64: 1, 1024, 1024>}, {transform_indices = @transform_6, window_bounds = array<i64: 1, 1, 1024>}, {transform_indices = @transform_7, window_bounds = array<i64: 128, 1024>}]} {
    %eq3A = arith.constant 0 : i32
    %eq3A_0 = arith.cmpi eq, %arg0, %eq3A : i32
    %get3A = arith.index_cast %arg0 : i32 to index
    %get3A_1 = memref.load %arg1[%get3A] : memref<40xi32, #tpu.memory_space<smem>>
    %sub3A = arith.constant 1 : i32
    %sub3A_2 = arith.subi %arg0, %sub3A : i32
    %max3A = arith.constant 0 : i32
    %max3A_3 = arith.maxsi %sub3A_2, %max3A : i32
    %get3A_4 = arith.index_cast %max3A_3 : i32 to index
    %get3A_5 = memref.load %arg1[%get3A_4] : memref<40xi32, #tpu.memory_space<smem>>
    %ne3A = arith.cmpi ne, %get3A_1, %get3A_5 : i32
    %or3A = arith.ori %eq3A_0, %ne3A : i1
    %convert_element_type3A = arith.extui %or3A : i1 to i32
    %cond3A = arith.constant 0 : i32
    %cond3A_6 = arith.cmpi ne, %convert_element_type3A, %cond3A : i32
    scf.if %cond3A_6 {
      %get3A_55 = arith.constant 0 : index
      %get3A_56 = arith.constant 0 : index
      %get3A_57 = arith.constant 0 : index
      %get3A_58 = vector.load %arg3[%get3A_55, %get3A_56, %get3A_57] : memref<1x1024x1024xf32, #tpu.memory_space<vmem>>, vector<1x1024x1024xf32>
      %get3A_59 = vector.shape_cast %get3A_58 : vector<1x1024x1024xf32> to vector<1024x1024xf32>
      %convert_element_type3A_60 = arith.truncf %get3A_59 : vector<1024x1024xf32> to vector<1024x1024xbf16>
      %swap3A_61 = arith.constant 0 : index
      %swap3A_62 = arith.constant 0 : index
      %swap3A_63 = vector.load %arg10[%swap3A_61, %swap3A_62] : memref<1024x1024xbf16, #tpu.memory_space<vmem>>, vector<1024x1024xbf16>
      tpu.vector_store %arg10[%swap3A_61, %swap3A_62], %convert_element_type3A_60 {strides = array<i32>} : memref<1024x1024xbf16, #tpu.memory_space<vmem>>, vector<1024x1024xbf16>,
      %get3A_64 = arith.constant 0 : index
      %get3A_65 = arith.constant 0 : index
      %get3A_66 = arith.constant 0 : index
      %get3A_67 = vector.load %arg5[%get3A_64, %get3A_65, %get3A_66] : memref<1x1024x1024xf32, #tpu.memory_space<vmem>>, vector<1x1024x1024xf32>
      %get3A_68 = vector.shape_cast %get3A_67 : vector<1x1024x1024xf32> to vector<1024x1024xf32>
      %convert_element_type3A_69 = arith.truncf %get3A_68 : vector<1024x1024xf32> to vector<1024x1024xbf16>
      %swap3A_70 = arith.constant 0 : index
      %swap3A_71 = arith.constant 0 : index
      %swap3A_72 = vector.load %arg11[%swap3A_70, %swap3A_71] : memref<1024x1024xbf16, #tpu.memory_space<vmem>>, vector<1024x1024xbf16>
      tpu.vector_store %arg11[%swap3A_70, %swap3A_71], %convert_element_type3A_69 {strides = array<i32>} : memref<1024x1024xbf16, #tpu.memory_space<vmem>>, vector<1024x1024xbf16>,
      %get3A_73 = arith.constant 0 : index
      %get3A_74 = arith.constant 0 : index
      %get3A_75 = arith.constant 0 : index
      %get3A_76 = vector.load %arg7[%get3A_73, %get3A_74, %get3A_75] : memref<1x1024x1024xf32, #tpu.memory_space<vmem>>, vector<1x1024x1024xf32>
      %get3A_77 = vector.shape_cast %get3A_76 : vector<1x1024x1024xf32> to vector<1024x1024xf32>
      %convert_element_type3A_78 = arith.truncf %get3A_77 : vector<1024x1024xf32> to vector<1024x1024xbf16>
      %swap3A_79 = arith.constant 0 : index
      %swap3A_80 = arith.constant 0 : index
      %swap3A_81 = vector.load %arg12[%swap3A_79, %swap3A_80] : memref<1024x1024xbf16, #tpu.memory_space<vmem>>, vector<1024x1024xbf16>
      tpu.vector_store %arg12[%swap3A_79, %swap3A_80], %convert_element_type3A_78 {strides = array<i32>} : memref<1024x1024xbf16, #tpu.memory_space<vmem>>, vector<1024x1024xbf16>,
    } else {
    }
    %get3A_7 = arith.constant 0 : index
    %get3A_8 = arith.constant 0 : index
    %get3A_9 = vector.load %arg2[%get3A_7, %get3A_8] : memref<128x1024xf32, #tpu.memory_space<vmem>>, vector<128x1024xf32>
    %convert_element_type3A_10 = arith.truncf %get3A_9 : vector<128x1024xf32> to vector<128x1024xbf16>
    %get3A_11 = arith.constant 0 : index
    %get3A_12 = arith.constant 0 : index
    %get3A_13 = vector.load %arg10[%get3A_11, %get3A_12] : memref<1024x1024xbf16, #tpu.memory_space<vmem>>, vector<1024x1024xbf16>
    %dot_general3A = arith.constant dense<0.000000e+00> : vector<128x1024xf32>
    %dot_general3A_14 = tpu.matmul %convert_element_type3A_10, %get3A_13, %dot_general3A {dimension_numbers = #tpu.dot_dimension_numbers<[1], [0], [0], [1], [0, 0, 1, 1], [], []>, transpose_lhs_hint = false} : vector<128x1024xbf16>, vector<1024x1024xbf16>, vector<128x1024xf32> -> vector<128x1024xf32>
    %get3A_15 = arith.constant 0 : index
    %get3A_16 = arith.constant 0 : index
    %get3A_17 = arith.constant 0 : index
    %get3A_18 = vector.load %arg4[%get3A_15, %get3A_16, %get3A_17] : memref<1x1x1024xf32, #tpu.memory_space<vmem>>, vector<1x1x1024xf32>
    %get3A_19 = vector.shape_cast %get3A_18 : vector<1x1x1024xf32> to vector<1x1024xf32>
    %add3A = vector.broadcast %get3A_19 : vector<1x1024xf32> to vector<128x1024xf32>
    %add3A_20 = arith.addf %dot_general3A_14, %add3A : vector<128x1024xf32>
    %max3A_21 = arith.constant 0.000000e+00 : f32
    %max3A_22 = vector.broadcast %max3A_21 : f32 to vector<128x1024xf32>
    %max3A_23 = arith.maximumf %add3A_20, %max3A_22 : vector<128x1024xf32>
    %convert_element_type3A_24 = arith.truncf %max3A_23 : vector<128x1024xf32> to vector<128x1024xbf16>
    %get3A_25 = arith.constant 0 : index
    %get3A_26 = arith.constant 0 : index
    %get3A_27 = vector.load %arg11[%get3A_25, %get3A_26] : memref<1024x1024xbf16, #tpu.memory_space<vmem>>, vector<1024x1024xbf16>
    %dot_general3A_28 = arith.constant dense<0.000000e+00> : vector<128x1024xf32>
    %dot_general3A_29 = tpu.matmul %convert_element_type3A_24, %get3A_27, %dot_general3A_28 {dimension_numbers = #tpu.dot_dimension_numbers<[1], [0], [0], [1], [0, 0, 1, 1], [], []>, transpose_lhs_hint = false} : vector<128x1024xbf16>, vector<1024x1024xbf16>, vector<128x1024xf32> -> vector<128x1024xf32>
    %get3A_30 = arith.constant 0 : index
    %get3A_31 = arith.constant 0 : index
    %get3A_32 = arith.constant 0 : index
    %get3A_33 = vector.load %arg6[%get3A_30, %get3A_31, %get3A_32] : memref<1x1x1024xf32, #tpu.memory_space<vmem>>, vector<1x1x1024xf32>
    %get3A_34 = vector.shape_cast %get3A_33 : vector<1x1x1024xf32> to vector<1x1024xf32>
    %add3A_35 = vector.broadcast %get3A_34 : vector<1x1024xf32> to vector<128x1024xf32>
    %add3A_36 = arith.addf %dot_general3A_29, %add3A_35 : vector<128x1024xf32>
    %max3A_37 = arith.constant 0.000000e+00 : f32
    %max3A_38 = vector.broadcast %max3A_37 : f32 to vector<128x1024xf32>
    %max3A_39 = arith.maximumf %add3A_36, %max3A_38 : vector<128x1024xf32>
    %convert_element_type3A_40 = arith.truncf %max3A_39 : vector<128x1024xf32> to vector<128x1024xbf16>
    %get3A_41 = arith.constant 0 : index
    %get3A_42 = arith.constant 0 : index
    %get3A_43 = vector.load %arg12[%get3A_41, %get3A_42] : memref<1024x1024xbf16, #tpu.memory_space<vmem>>, vector<1024x1024xbf16>
    %dot_general3A_44 = arith.constant dense<0.000000e+00> : vector<128x1024xf32>
    %dot_general3A_45 = tpu.matmul %convert_element_type3A_40, %get3A_43, %dot_general3A_44 {dimension_numbers = #tpu.dot_dimension_numbers<[1], [0], [0], [1], [0, 0, 1, 1], [], []>, transpose_lhs_hint = false} : vector<128x1024xbf16>, vector<1024x1024xbf16>, vector<128x1024xf32> -> vector<128x1024xf32>
    %get3A_46 = arith.constant 0 : index
    %get3A_47 = arith.constant 0 : index
    %get3A_48 = arith.constant 0 : index
    %get3A_49 = vector.load %arg8[%get3A_46, %get3A_47, %get3A_48] : memref<1x1x1024xf32, #tpu.memory_space<vmem>>, vector<1x1x1024xf32>
    %get3A_50 = vector.shape_cast %get3A_49 : vector<1x1x1024xf32> to vector<1x1024xf32>
    %add3A_51 = vector.broadcast %get3A_50 : vector<1x1024xf32> to vector<128x1024xf32>
    %add3A_52 = arith.addf %dot_general3A_45, %add3A_51 : vector<128x1024xf32>
    %swap3A = arith.constant 0 : index
    %swap3A_53 = arith.constant 0 : index
    %swap3A_54 = vector.load %arg9[%swap3A, %swap3A_53] : memref<128x1024xf32, #tpu.memory_space<vmem>>, vector<128x1024xf32>
    tpu.vector_store %arg9[%swap3A, %swap3A_53], %add3A_52 {strides = array<i32>} : memref<128x1024xf32, #tpu.memory_space<vmem>>, vector<128x1024xf32>,
    return
  }
  func.func @transform_0(%arg0: i32, %arg1: memref<40xi32, #tpu.memory_space<smem>>) -> (i32, i32) {
    %c0_i32 = arith.constant 0 : i32
    %c0_i32_0 = arith.constant 0 : i32
    return %arg0, %c0_i32 : i32, i32
  }
  func.func @transform_1(%arg0: i32, %arg1: memref<40xi32, #tpu.memory_space<smem>>) -> (i32, i32, i32) {
    %get3A = arith.index_cast %arg0 : i32 to index
    %get3A_0 = memref.load %arg1[%get3A] : memref<40xi32, #tpu.memory_space<smem>>
    %c0_i32 = arith.constant 0 : i32
    %c0_i32_1 = arith.constant 0 : i32
    %c0_i32_2 = arith.constant 0 : i32
    return %get3A_0, %c0_i32, %c0_i32_1 : i32, i32, i32
  }
  func.func @transform_2(%arg0: i32, %arg1: memref<40xi32, #tpu.memory_space<smem>>) -> (i32, i32, i32) {
    %get3A = arith.index_cast %arg0 : i32 to index
    %get3A_0 = memref.load %arg1[%get3A] : memref<40xi32, #tpu.memory_space<smem>>
    %c0_i32 = arith.constant 0 : i32
    %c0_i32_1 = arith.constant 0 : i32
    %c0_i32_2 = arith.constant 0 : i32
    return %get3A_0, %c0_i32, %c0_i32_1 : i32, i32, i32
  }
  func.func @transform_3(%arg0: i32, %arg1: memref<40xi32, #tpu.memory_space<smem>>) -> (i32, i32, i32) {
    %get3A = arith.index_cast %arg0 : i32 to index
    %get3A_0 = memref.load %arg1[%get3A] : memref<40xi32, #tpu.memory_space<smem>>
    %c0_i32 = arith.constant 0 : i32
    %c0_i32_1 = arith.constant 0 : i32
    %c0_i32_2 = arith.constant 0 : i32
    return %get3A_0, %c0_i32, %c0_i32_1 : i32, i32, i32
  }
  func.func @transform_4(%arg0: i32, %arg1: memref<40xi32, #tpu.memory_space<smem>>) -> (i32, i32, i32) {
    %get3A = arith.index_cast %arg0 : i32 to index
    %get3A_0 = memref.load %arg1[%get3A] : memref<40xi32, #tpu.memory_space<smem>>
    %c0_i32 = arith.constant 0 : i32
    %c0_i32_1 = arith.constant 0 : i32
    %c0_i32_2 = arith.constant 0 : i32
    return %get3A_0, %c0_i32, %c0_i32_1 : i32, i32, i32
  }
  func.func @transform_5(%arg0: i32, %arg1: memref<40xi32, #tpu.memory_space<smem>>) -> (i32, i32, i32) {
    %get3A = arith.index_cast %arg0 : i32 to index
    %get3A_0 = memref.load %arg1[%get3A] : memref<40xi32, #tpu.memory_space<smem>>
    %c0_i32 = arith.constant 0 : i32
    %c0_i32_1 = arith.constant 0 : i32
    %c0_i32_2 = arith.constant 0 : i32
    return %get3A_0, %c0_i32, %c0_i32_1 : i32, i32, i32
  }
  func.func @transform_6(%arg0: i32, %arg1: memref<40xi32, #tpu.memory_space<smem>>) -> (i32, i32, i32) {
    %get3A = arith.index_cast %arg0 : i32 to index
    %get3A_0 = memref.load %arg1[%get3A] : memref<40xi32, #tpu.memory_space<smem>>
    %c0_i32 = arith.constant 0 : i32
    %c0_i32_1 = arith.constant 0 : i32
    %c0_i32_2 = arith.constant 0 : i32
    return %get3A_0, %c0_i32, %c0_i32_1 : i32, i32, i32
  }
  func.func @transform_7(%arg0: i32, %arg1: memref<40xi32, #tpu.memory_space<smem>>) -> (i32, i32) {
    %c0_i32 = arith.constant 0 : i32
    %c0_i32_0 = arith.constant 0 : i32
    return %arg0, %c0_i32 : i32, i32
  }
}

</mosaic_0001>

<sc_bundles>
// kernel: kernel.6.cloned.1.call-start
scs
__scs_entry_jumppad:
0x0: {  	(pc) =	sbr.rel $0x88, $3  }
0x1: {  	(tag) =	ssettag $0x0;
	lr =	simm.s32 $0x1  }
0x2: {  	[smem:$0x3F98] =	sst lr;
	_ =	strace $0xD0000000  }
0x3: {  	_ = 	snop  }
0x4: {  	_ = 	snop  }
0x5: {  	_ = 	snop  }
0x6: {  	_ = 	snop  }
0x7: {  	_ = 	snop  }
__scs_overlays_trampoline_lowered:
0x8: {  	[smem:$0x3FA7] =	sst s0  }
0x9: {  	[smem:$0x3FA8] =	sst s1  }
0xa: {  	[smem:$0x3FA9] =	sst s2  }
0xb: {  	[smem:$0x3FAA] =	sst s3  }
0xc: {  	[smem:$0x3FAB] =	sst s4  }
0xd: {  	[smem:$0x3FAC] =	sst s5  }
0xe: {  	[smem:$0x3FAD] =	sst s6  }
0xf: {  	[smem:$0x3FAE] =	sst s7  }
0x10: {  	[smem:$0x3FAF] =	sst s8  }
0x11: {  	[smem:$0x3FB0] =	sst s9;
	s0 =	simm.s32 @!p0 $0x0  }
0x12: {  	s1 =	sld [smem:$0x3F96];
	s0 =	simm.s32 @p0 $0x1  }
0x13: {  	[smem:$0x3FB1] =	sst s0;
	s0 =	simm.s32 @!p1 $0x0  }
0x14: {  	s2 =	sld [smem:$0x3F95];
	s0 =	simm.s32 @p1 $0x1  }
0x15: {  	[smem:$0x3FB2] =	sst s0;
	s0 =	simm.s32 @!p2 $0x0  }
0x16: {  	s3 =	sld [smem:$0x3FDB];
	s0 =	simm.s32 @p2 $0x1  }
0x17: {  	s4 =	simm.s32 $0x1BF5;
	[smem:$0x3FB4] =	sst s0  }
0x18: {  	s0 =	sld [smem:$0x3F97];
	_ =	swait.ge [sflag:s4], $0x0  }
0x19: {  	s7 =	sld [smem:$0x3F98]  }
0x1a: {  	s8 =	sadd.s32 $0xFFFFE003, lr  }
0x1b: {  	s9 =	sadd.s32 $0xFFFFFEF7, lr;
	s5 =	simm.s32 $0xFFFFFFFF;
	p2 =	slt.u32 s8, $0xFFFFF086  }
0x1c: {  	p1 =	slt.u32 s9, $0xF7A;
	s5 =	simm.s32 @!p2 $0x0  }
0x1d: {  	s5 =	simm.s32 @p1 $0x1;
	p0 =	seq.s32 s7, s2  }
0x1e: {  	s7 =	smul.u32 @!p0 $0xF7A, s2;
	p2 =	seq.s32 @!p0 s5, $0x0  }
0x1f: {  	s9 =	smul.u32 $0xF7A, s1;
	s8 =	simm.s32 @!p0 $0x1BF5;
	p2 =	por !p2, p0  }
0x20: {  	[sflag:s8] =	ssyncset.s32 @!p0 $0xFFFFF086;
	s6 =	sadd.s32 @!p0 s3, s7;
	s7 =	simm.s32 @!p0 $0x108  }
0x21: {  	s3 =	sadd.s32 s3, s9;
	s6 =	sadd.s32 @!p0 $0x88, s6;
	s7 =	simm.s32 @p2 $0x1082  }
0x22: {  	[simem:s7], [sflag:s8] =	dma.local @!p0 [hbm:s6], $0xF7A  }
0x23: {  	s9 =	sor.u32 $0xD0000000, s2;
	s6 =	simm.s32 $0x108;
	_ =	swait.ge @!p0 [sflag:s8], $0x0  }
0x24: {  	s3 =	sadd.s32 $0x88, s3;
	s6 =	simm.s32 @!p1 $0x1082;
	[sflag:s4] =	ssyncset.s32 $0xFFFFF086  }
0x25: {  	[simem:s6], [sflag:s4] =	dma.local [hbm:s3], $0xF7A  }
0x26: {  	[smem:$0x3F98] =	sst s1;
	(tag) =	ssettag s2;
	_ =	strace s9  }
0x27: {  	s1 =	sld [smem:$0x3FA8]  }
0x28: {  	s2 =	sld [smem:$0x3FA9]  }
0x29: {  	s4 =	sld [smem:$0x3FAB]  }
0x2a: {  	p0 =	seq.s32 s5, $0x0;
	s5 =	sld [smem:$0x3FAC]  }
0x2b: {  	s6 =	sld [smem:$0x3FAD]  }
0x2c: {  	s7 =	sld [smem:$0x3FAE]  }
0x2d: {  	s3 =	simm.s32 $0x108;
	s8 =	sld [smem:$0x3FAF]  }
0x2e: {  	s3 =	simm.s32 @!p0 $0x1082;
	s9 =	sld [smem:$0x3FB0]  }
0x2f: {  	lr =	sadd.s32 s0, s3;
	s0 =	sld [smem:$0x3FA7]  }
0x30: {  	s3 =	sld [smem:$0x3FAA]  }
0x31: {  	[smem:$0x3FB3] =	sst s10  }
0x32: {  	s10 =	sld [smem:$0x3FB1];
	_ =	sdelay $0x3  }
0x33: {  	p0 =	seq.s32 s10, $0x1;
	s10 =	sld [smem:$0x3FB3];
	_ =	sdelay $0x3  }
0x34: {  	[smem:$0x3FB3] =	sst s10  }
0x35: {  	s10 =	sld [smem:$0x3FB2];
	_ =	sdelay $0x3  }
0x36: {  	p1 =	seq.s32 s10, $0x1;
	s10 =	sld [smem:$0x3FB3];
	_ =	sdelay $0x3  }
0x37: {  	[smem:$0x3FB3] =	sst s10  }
0x38: {  	s10 =	sld [smem:$0x3FB4]  }
0x39: {  	_ = 	snop;
	(pc) =	sbr.ind lr, $3  }
0x3a: {  	_ = 	snop  }
0x3b: {  	_ = 	snop  }
0x3c: {  	p2 =	seq.s32 s10, $0x1;
	s10 =	sld [smem:$0x3FB3]  }
0x3d: {  	_ =	shalt  }
0x3e: {  	_ =	shalt  }
0x3f: {  	_ =	shalt  }
0x40: {  	_ =	shalt  }
0x41: {  	_ =	shalt  }
0x42: {  	_ =	shalt  }
0x43: {  	_ =	shalt  }
0x44: {  	_ =	shalt  }
0x45: {  	_ =	shalt  }
0x46: {  	_ =	shalt  }
0x47: {  	_ =	shalt  }
0x48: {  	_ =	shalt  }
0x49: {  	_ =	shalt  }
0x4a: {  	_ =	shalt  }
0x4b: {  	_ =	shalt  }
0x4c: {  	_ =	shalt  }
0x4d: {  	_ =	shalt  }
0x4e: {  	_ =	shalt  }
0x4f: {  	_ =	shalt  }
0x50: {  	_ =	shalt  }
0x51: {  	_ =	shalt  }
0x52: {  	_ =	shalt  }
0x53: {  	_ =	shalt  }
0x54: {  	_ =	shalt  }
0x55: {  	_ =	shalt  }
0x56: {  	_ =	shalt  }
0x57: {  	_ =	shalt  }
0x58: {  	_ =	shalt  }
0x59: {  	_ =	shalt  }
0x5a: {  	_ =	shalt  }
0x5b: {  	_ =	shalt  }
0x5c: {  	_ =	shalt  }
0x5d: {  	_ =	shalt  }
0x5e: {  	_ =	shalt  }
0x5f: {  	_ =	shalt  }
0x60: {  	_ =	shalt  }
0x61: {  	_ =	shalt  }
0x62: {  	_ =	shalt  }
0x63: {  	_ =	shalt  }
0x64: {  	_ =	shalt  }
0x65: {  	_ =	shalt  }
0x66: {  	_ =	shalt  }
0x67: {  	_ =	shalt  }
0x68: {  	_ =	shalt  }
0x69: {  	_ =	shalt  }
0x6a: {  	_ =	shalt  }
0x6b: {  	_ =	shalt  }
0x6c: {  	_ =	shalt  }
0x6d: {  	_ =	shalt  }
0x6e: {  	_ =	shalt  }
0x6f: {  	_ =	shalt  }
0x70: {  	_ =	shalt  }
0x71: {  	_ =	shalt  }
0x72: {  	_ =	shalt  }
0x73: {  	_ =	shalt  }
0x74: {  	_ =	shalt  }
0x75: {  	_ =	shalt  }
0x76: {  	_ =	shalt  }
0x77: {  	_ =	shalt  }
0x78: {  	_ =	shalt  }
0x79: {  	_ =	shalt  }
0x7a: {  	_ =	shalt  }
0x7b: {  	_ =	shalt  }
0x7c: {  	_ =	shalt  }
0x7d: {  	_ =	shalt  }
0x7e: {  	_ =	shalt  }
0x7f: {  	_ =	shalt  }
0x80: {  	_ =	shalt  }
0x81: {  	_ =	shalt  }
0x82: {  	_ =	shalt  }
0x83: {  	_ =	shalt  }
0x84: {  	_ =	shalt  }
0x85: {  	_ =	shalt  }
0x86: {  	_ =	shalt  }
0x87: {  	_ =	shalt  }
.Lfunc_end0:
.L_simem_size_0:
called_computation_lowered:
.L_overlay_start_0:
0x88: {  	s2 =	sld [smem:$0x3FD9]  }
0x89: {  	s3 =	sld [smem:$0x3FFE];
	_ =	sdelay $0x1  }
0x8a: {  	s1 =	srdreg.scid  }
0x8b: {  	s0 =	sand.u32 $0x1, s1  }
0x8c: {  	s17 =	sshll.u32 s0, $0xA;
	s2 =	sadd.s32 s3, s2  }
0x8d: {  	s2 =	sadd.s32 s2, s17  }
0x8e: {  	[smem:$0x3FBF] =	sst s2  }
0x8f: {  	_ = 	snop  }
0x90: {  	s2 =	sld [smem:$0x3FC9];
	(tm) =	ssettm $0x1  }
0x91: {  	s18 =	sld [smem:$0x3FFB];
	_ =	sdelay $0x3  }
0x92: {  	_ =	strace s18  }
0x93: {  	s3 =	sld [smem:$0x3FFC];
	_ =	sdelay $0x3  }
0x94: {  	_ =	strace s3  }
0x95: {  	s3 =	sld [smem:$0x3FFD];
	_ =	sdelay $0x3  }
0x96: {  	_ =	strace s3  }
0x97: {  	_ =	strace $0x8FFFFFFF  }
0x98: {  	s19 =	sld [smem:$0x3FDB];
	_ =	sdelay $0x1  }
0x99: {  	s4 =	simm.s32 $_scs_section_size  }
0x9a: {  	s5 =	simm.s32 $_size__tile_overlayer_lowered;
	s6 =	simm.s32 $_tile_overlayer_lowered  }
0x9b: {  	s22 =	simm.s32 $0x1BFF;
	s21 =	sshll.u32 s6, $0x1;
	s3 =	sadd.s32 s4, s19  }
0x9c: {  	s7 =	simm.s32 $0x0;
	s20 =	sshll.u32 s5, $0x1;
	s5 =	sadd.s32 s21, s3  }
0x9d: {  	[timem:s7], [sflag:s22] =	dma.local [hbm:s5], s20  }
0x9e: {  	_ =	swait.ge [sflag:s22], s20  }
0x9f: {  	s4 =	ssub.s32 $0x0, s20;
	[sflag:s22] =	ssyncset.done $0x0  }
0xa0: {  	[sflag:s22] =	ssyncadd.s32 s4;
	_ =	sdelay $0x1  }
0xa1: {  	s23 =	simm.s32 $0x1B8B  }
0xa2: {  	_ =	swait.ge [sflag:s23], $0x1  }
0xa3: {  	[sflag:s23] =	ssyncset.done $0x0  }
0xa4: {  	s25 =	simm.s32 $0x1B8E;
	s24 =	sld [smem:$0x3FFE];
	[sflag:s23] =	ssyncadd.s32 $0xFFFFFFFF  }
0xa5: {  	s26 =	simm.s32 $execute0_lowered;
	[smem:$0x3FD2] =	sst s25  }
0xa6: {  	s5 =	sshll.u32 s26, $0x1;
	_ =	strace $0x80000046;
	[dreg:$0x1] =	wrdreg $0xFFFFFFFF  }
0xa7: {  	s28 =	simm.s32 $_size_execute0_lowered;
	s3 =	sadd.s32 s3, s5;
	[dreg:$0x0] =	wrdreg $0x0  }
0xa8: {  	s5 =	sshll.u32 s28, $0x1;
	[dreg:$0x2] =	wrdreg s3  }
0xa9: {  	[dreg:$0x3] =	wrdreg s5  }
0xaa: {  	[dreg:$0x4] =	wrdreg $0xC0  }
0xab: {  	_ =	task [dreg:s7], $0x5FFFF  }
0xac: {  	[dreg:$0x1] =	wrdreg $0xFFFFFFFF  }
0xad: {  	[dreg:$0x0] =	wrdreg $0x60  }
0xae: {  	[dreg:$0x2] =	wrdreg s2  }
0xaf: {  	[dreg:$0x3] =	wrdreg s24  }
0xb0: {  	[dreg:$0x4] =	wrdreg $0x9  }
0xb1: {  	_ =	task.clear_ibuf [dreg:s7], $0x5FFFF;
	_ =	strace $0x90000046  }
0xb2: {  	s29 =	simm.s32 $0x9;
	_ =	strace $0x80000048  }
0xb3: {  	_ =	swait.ge [sflag:s29], $0x1  }
0xb4: {  	[sflag:s29] =	ssyncadd.s32 $0xFFFFFFFF  }
0xb5: {  	_ =	strace $0x90000048  }
0xb6: {  	_ =	sfence  }
0xb7: {  	s30 =	sld [smem:$0x0];
	_ =	sdelay $0x2  }
0xb8: {  	s31 =	sshll.u32 s1, $0xD;
	s1 =	sshrl.u32 s1, $0x2  }
0xb9: {  	s3 =	sand.u32 $0x4000, s31;
	s1 =	sadd.s32 s1, s30  }
0xba: {  	s0 =	sor.u32 s3, s0;
	s1 =	sshll.u32 s1, $0x11  }
0xbb: {  	s0 =	sor.u32 s1, s0  }
0xbc: {  	s0 =	sadd.s32 $0x8F2B, s0  }
0xbd: {  	[sflag:s0] =	ssyncadd.remote.s32 $0x1  }
0xbe: {  	_ =	sfence.sel $0xFFFF  }
0xbf: {  	[dreg:$0x0] =	wrdreg $0xFFFFFFFF;
	(pc) =	sbr.abs _section_cstart, $3  }
0xc0: {  	[dreg:$0x1] =	wrdreg $0xFFFFFFFF  }
0xc1: {  	_ =	task.clear_ibuf [dreg:s7], $0x2FFFF;
	_ =	strace $0x9FFFFFFF  }
0xc2: {  	(tm) =	ssettm $0x7FFFFFFF  }
0xc3: {  	_ =	shalt  }
tec
execute0_lowered:
.L_overlay_start_1:
0x0: {  	(tag) =	ssettag $0x1  }
0x1: {  	s0 =	rddreg [dreg:$0x0]  }
0x2: {  	s1 =	rddreg [dreg:$0x1]  }
0x3: {  	s3 =	srdreg.scid;
	s5 =	stileid.u32;
	s2 =	simm.s32 $0x0  }
0x4: {  	s25 =	simm.s32 $0x80;
	s8 =	simm.s32 $0x400;
	s26 =	simm.s32 $0x100  }
0x5: {  	s9 =	simm.s32 $0x3;
	s10 =	simm.s32 $0x180;
	s11 =	simm.s32 $0x2  }
0x6: {  	s17 =	simm.s32 $0xDC00;
	s18 =	simm.s32 $0xE400;
	s28 =	simm.s32 $0x2C00  }
0x7: {  	s29 =	simm.s32 $0x3400;
	s30 =	simm.s32 $0x3C00;
	s31 =	simm.s32 $0x4400  }
0x8: {  	s4 =	sand.u32 $0x1, s3;
	[smem:$0x7FF] =	sst s2;
	s6 =	sadd.s32 $0x2200, s1  }
0x9: {  	s19 =	sshll.u32 s5, $0x1;
	_ =	strace $0x80000047;
	[dreg:$0x3] =	wrdreg s6  }
0xa: {  	s3 =	sor.u32 s4, s19;
	s4 =	ssub.s32 $0x2, s4;
	[dreg:$0x7] =	wrdreg s25  }
0xb: {  	s6 =	sadd.s32 $0x2900, s1;
	[dreg:$0x8] =	wrdreg s26;
	s19 =	simm.s32 $0xEC00  }
0xc: {  	s20 =	sshll.u32 s3, $0x4;
	s21 =	sshll.u32 s3, $0xD;
	s3 =	sadd.s32 $0x2600, s1  }
0xd: {  	s22 =	sshrl.u32 s4, $0x1;
	s5 =	sadd.s32 s20, s1;
	s0 =	sadd.s32 s0, s21  }
0xe: {  	s7 =	ssub.s32 s4, s22;
	s4 =	sadd.s32 $0x2700, s1;
	s20 =	simm.s32 $0xF400  }
0xf: {  	v2 =	vlaneseq.u32;
	s21 =	simm.s32 $0xFC00;
	[dreg:$0x4] =	wrdreg s0;
	s23 =	sadd.s32 $0x1E00, s5  }
0x10: {  	vm0 =	vmmov $0xffff;
	v1 =	vshrl.u32 v2, $0x3;
	s22 =	simm.s32 $0x1;
	s24 =	sadd.s32 $0x2000, s5;
	[dreg:$0x5] =	wrdreg s23  }
0x11: {  	v0 =	vand.u32 $0x7, v2;
	v2 =	vor.u32 $0x8, v2;
	v1 =	vmul.u32 $0x8, v1;
	s5 =	sadd.s32 $0x2800, s1;
	s7 =	smax.u32 s7, $0x1;
	[dreg:$0x6] =	wrdreg s24  }
.LBB2_1:
0x12: {  	s23 =	rddreg [dreg:$0x4]  }
0x13: {  	[tilespmem:s8], [sflag:$0x2] =	stream.linear.gather [hbm4b:s23+s2], $0x10000, $0x38;
	[tilespmem:$0x10400] =	vst v63  }
0x14: {  	s24 =	rddreg [dreg:$0x5]  }
0x15: {  	[tilespmem:s2], [sflag:$0x3] =	stream.linear.gather [hbm4b:s24+s2], $0x80, $0x38;
	[tilespmem:$0x10400] =	vst v63  }
0x16: {  	_ =	swait.ge [sflag:s9], $0x80  }
0x17: {  	s15 =	rddreg [dreg:$0x6];
	[sflag:s9] =	ssyncset.done $0x0  }
0x18: {  	s16 =	rddreg [dreg:$0x7];
	[sflag:s9] =	ssyncadd.s32 $0xFFFFFF80  }
0x19: {  	[tilespmem:s16], [sflag:$0x3] =	stream.linear.gather [hbm4b:s15+s2], $0x80, $0x38;
	[tilespmem:$0x10400] =	vst v63  }
0x1a: {  	_ =	swait.ge [sflag:s9], $0x80  }
0x1b: {  	s25 =	rddreg [dreg:$0x3];
	[sflag:s9] =	ssyncset.done $0x0  }
0x1c: {  	s26 =	rddreg [dreg:$0x8];
	[sflag:s9] =	ssyncadd.s32 $0xFFFFFF80  }
0x1d: {  	[tilespmem:s26], [sflag:$0x3] =	stream.linear.gather [hbm4b:s25+s2], $0x80, $0x38;
	[tilespmem:$0x10400] =	vst v63  }
0x1e: {  	_ =	swait.ge [sflag:s9], $0x80  }
0x1f: {  	[sflag:s9] =	ssyncset.done $0x0  }
0x20: {  	[sflag:s9] =	ssyncadd.s32 $0xFFFFFF80  }
0x21: {  	v3 =	vld [tilespmem:$0x100];
	_ =	sdelay $0x4  }
0x22: {  	v3 =	vadd.s32 $0x7F, v3  }
0x23: {  	v3 =	vand.u32 $0xFFFFFF80, v3  }
0x24: {  	(xrf0) =	vadd.scan.msk.s32 $0xffff, v3  }
0x25: {  	v4 =	vld [tilespmem:$0x0];
	_ =	sdelay $0x4  }
0x26: {  	v5, _, _ =	vpop (xrf0)  }
0x27: {  	v41 =	vld [tilespmem:$0x40];
	v3 =	vsub.s32 v5, v3  }
0x28: {  	v42 =	vld [tilespmem:$0x80];
	[tilespmem:$0x180] =	vst v3  }
0x29: {  	v3 =	vld.idx.msk [tilespmem:v4+s10+$0x0], $0xffff;
	_ =	sdelay $0x4  }
0x2a: {  	v43 =	vld [tilespmem:$0x10];
	v3 =	vadd.s32 v3, v42  }
0x2b: {  	v44 =	vld [tilespmem:$0xC0];
	[tilespmem:$0x200] =	vst v3  }
0x2c: {  	v3 =	vld.idx.msk [tilespmem:v41+s10+$0x0], $0xffff;
	_ =	sdelay $0x4  }
0x2d: {  	v45 =	vld [tilespmem:$0x50];
	v3 =	vadd.s32 v3, v44  }
0x2e: {  	v46 =	vld [tilespmem:$0x90];
	[tilespmem:$0x300] =	vst v3  }
0x2f: {  	v3 =	vld.idx.msk [tilespmem:v43+s10+$0x0], $0xffff;
	_ =	sdelay $0x4  }
0x30: {  	v47 =	vld [tilespmem:$0x20];
	v3 =	vadd.s32 v3, v46  }
0x31: {  	v48 =	vld [tilespmem:$0xD0];
	[tilespmem:$0x210] =	vst v3  }
0x32: {  	v3 =	vld.idx.msk [tilespmem:v45+s10+$0x0], $0xffff;
	_ =	sdelay $0x4  }
0x33: {  	v49 =	vld [tilespmem:$0x60];
	v3 =	vadd.s32 v3, v48  }
0x34: {  	v50 =	vld [tilespmem:$0xA0];
	[tilespmem:$0x310] =	vst v3  }
0x35: {  	v3 =	vld.idx.msk [tilespmem:v47+s10+$0x0], $0xffff;
	_ =	sdelay $0x4  }
0x36: {  	v51 =	vld [tilespmem:$0x30];
	v3 =	vadd.s32 v3, v50  }
0x37: {  	v52 =	vld [tilespmem:$0xE0];
	[tilespmem:$0x280] =	vst v3  }
0x38: {  	v3 =	vld.idx.msk [tilespmem:v49+s10+$0x0], $0xffff;
	_ =	sdelay $0x4  }
0x39: {  	v53 =	vld [tilespmem:$0x70];
	v3 =	vadd.s32 v3, v52  }
0x3a: {  	v54 =	vld [tilespmem:$0xB0];
	[tilespmem:$0x380] =	vst v3  }
0x3b: {  	v3 =	vld.idx.msk [tilespmem:v51+s10+$0x0], $0xffff;
	_ =	sdelay $0x4  }
0x3c: {  	v3 =	vadd.s32 v3, v54  }
0x3d: {  	v55 =	vld [tilespmem:$0xF0];
	[tilespmem:$0x290] =	vst v3  }
0x3e: {  	v3 =	vld.idx.msk [tilespmem:v53+s10+$0x0], $0xffff;
	_ =	sdelay $0x4  }
0x3f: {  	v3 =	vadd.s32 v3, v55  }
0x40: {  	[tilespmem:$0x390] =	vst v3  }
0x41: {  	_ =	swait.ge [sflag:s11], $0x10000  }
0x42: {  	[sflag:s11] =	ssyncset.done $0x0  }
0x43: {  	[sflag:s11] =	ssyncadd.s32 $0xFFFF0000  }
0x44: {  	v3 =	vld [tilespmem:$0x200];
	_ =	sdelay $0x4  }
0x45: {  	v56 =	vshll.u32 v3, $0x3  }
0x46: {  	v3 =	vand.u32 $0x7, v3;
	v4 =	vand.u32 $0xFFFFFFC0, v56  }
0x47: {  	v3 =	vor.u32 v3, v4  }
0x48: {  	v4 =	vperm.xlane v3, v0;
	_ =	sdelay $0x1  }
0x49: {  	v4 =	vadd.s32 v1, v4;
	_ =	sdelay $0x4  }
0x4a: {  	[hbm4b:s3+s2] =	stream.indirect_vreg.scatter [tilespmem:s8], [sflag:$0x1], $0x80, v4, vm0, $0xb8;
	[tilespmem:$0x10400] =	vst v63  }
0x4b: {  	s23 =	simm.s32 $0xC00;
	v3 =	vperm.xlane v3, v2  }
0x4c: {  	[hbm4b:s4+s2] =	stream.indirect_vreg.scatter [tilespmem:s23], [sflag:$0x1], $0x80, v4, vm0, $0xb8;
	[tilespmem:$0x10400] =	vst v63  }
0x4d: {  	s24 =	simm.s32 $0x1400;
	v3 =	vadd.s32 v1, v3  }
0x4e: {  	[hbm4b:s5+s2] =	stream.indirect_vreg.scatter [tilespmem:s24], [sflag:$0x1], $0x80, v4, vm0, $0xb8;
	[tilespmem:$0x10400] =	vst v63  }
0x4f: {  	s25 =	simm.s32 $0x1C00  }
0x50: {  	[hbm4b:s6+s2] =	stream.indirect_vreg.scatter [tilespmem:s25], [sflag:$0x1], $0x80, v4, vm0, $0xb8;
	[tilespmem:$0x10400] =	vst v63  }
0x51: {  	s26 =	simm.s32 $0x2400  }
0x52: {  	[hbm4b:s3+s2] =	stream.indirect_vreg.scatter [tilespmem:s26], [sflag:$0x1], $0x80, v3, vm0, $0xb8;
	[tilespmem:$0x10400] =	vst v63  }
0x53: {  	_ = 	snop  }
0x54: {  	[hbm4b:s4+s2] =	stream.indirect_vreg.scatter [tilespmem:s28], [sflag:$0x1], $0x80, v3, vm0, $0xb8;
	[tilespmem:$0x10400] =	vst v63  }
0x55: {  	_ = 	snop  }
0x56: {  	[hbm4b:s5+s2] =	stream.indirect_vreg.scatter [tilespmem:s29], [sflag:$0x1], $0x80, v3, vm0, $0xb8;
	[tilespmem:$0x10400] =	vst v63  }
0x57: {  	_ = 	snop  }
0x58: {  	[hbm4b:s6+s2] =	stream.indirect_vreg.scatter [tilespmem:s30], [sflag:$0x1], $0x80, v3, vm0, $0xb8;
	[tilespmem:$0x10400] =	vst v63  }
0x59: {  	v3 =	vld [tilespmem:$0x210];
	_ =	sdelay $0x4  }
0x5a: {  	v57 =	vshll.u32 v3, $0x3  }
0x5b: {  	v3 =	vand.u32 $0x7, v3;
	v4 =	vand.u32 $0xFFFFFFC0, v57  }
0x5c: {  	v3 =	vor.u32 v3, v4  }
0x5d: {  	v4 =	vperm.xlane v3, v0;
	_ =	sdelay $0x1  }
0x5e: {  	v4 =	vadd.s32 v1, v4;
	_ =	sdelay $0x4  }
0x5f: {  	[hbm4b:s3+s2] =	stream.indirect_vreg.scatter [tilespmem:s31], [sflag:$0x1], $0x80, v4, vm0, $0xb8;
	[tilespmem:$0x10400] =	vst v63  }
0x60: {  	s0 =	simm.s32 $0x4C00;
	v3 =	vperm.xlane v3, v2  }
0x61: {  	[hbm4b:s4+s2] =	stream.indirect_vreg.scatter [tilespmem:s0], [sflag:$0x1], $0x80, v4, vm0, $0xb8;
	[tilespmem:$0x10400] =	vst v63  }
0x62: {  	s1 =	simm.s32 $0x5400;
	v3 =	vadd.s32 v1, v3  }
0x63: {  	[hbm4b:s5+s2] =	stream.indirect_vreg.scatter [tilespmem:s1], [sflag:$0x1], $0x80, v4, vm0, $0xb8;
	[tilespmem:$0x10400] =	vst v63  }
0x64: {  	s12 =	simm.s32 $0x5C00  }
0x65: {  	[hbm4b:s6+s2] =	stream.indirect_vreg.scatter [tilespmem:s12], [sflag:$0x1], $0x80, v4, vm0, $0xb8;
	[tilespmem:$0x10400] =	vst v63  }
0x66: {  	s13 =	simm.s32 $0x6400  }
0x67: {  	[hbm4b:s3+s2] =	stream.indirect_vreg.scatter [tilespmem:s13], [sflag:$0x1], $0x80, v3, vm0, $0xb8;
	[tilespmem:$0x10400] =	vst v63  }
0x68: {  	s14 =	simm.s32 $0x6C00  }
0x69: {  	[hbm4b:s4+s2] =	stream.indirect_vreg.scatter [tilespmem:s14], [sflag:$0x1], $0x80, v3, vm0, $0xb8;
	[tilespmem:$0x10400] =	vst v63  }
0x6a: {  	s15 =	simm.s32 $0x7400  }
0x6b: {  	[hbm4b:s5+s2] =	stream.indirect_vreg.scatter [tilespmem:s15], [sflag:$0x1], $0x80, v3, vm0, $0xb8;
	[tilespmem:$0x10400] =	vst v63  }
0x6c: {  	s16 =	simm.s32 $0x7C00  }
0x6d: {  	[hbm4b:s6+s2] =	stream.indirect_vreg.scatter [tilespmem:s16], [sflag:$0x1], $0x80, v3, vm0, $0xb8;
	[tilespmem:$0x10400] =	vst v63  }
0x6e: {  	v3 =	vld [tilespmem:$0x300];
	_ =	sdelay $0x4  }
0x6f: {  	v58 =	vshll.u32 v3, $0x3  }
0x70: {  	v3 =	vand.u32 $0x7, v3;
	v4 =	vand.u32 $0xFFFFFFC0, v58  }
0x71: {  	v3 =	vor.u32 v3, v4  }
0x72: {  	v4 =	vperm.xlane v3, v0;
	_ =	sdelay $0x1  }
0x73: {  	v4 =	vadd.s32 v1, v4;
	_ =	sdelay $0x4  }
0x74: {  	[hbm4b:s3+s2] =	stream.indirect_vreg.scatter [tilespmem:s8], [sflag:$0x1], $0x80, v4, vm0, $0xb8;
	[tilespmem:$0x10400] =	vst v63  }
0x75: {  	v3 =	vperm.xlane v3, v2  }
0x76: {  	[hbm4b:s4+s2] =	stream.indirect_vreg.scatter [tilespmem:s23], [sflag:$0x1], $0x80, v4, vm0, $0xb8;
	[tilespmem:$0x10400] =	vst v63  }
0x77: {  	v3 =	vadd.s32 v1, v3  }
0x78: {  	[hbm4b:s5+s2] =	stream.indirect_vreg.scatter [tilespmem:s24], [sflag:$0x1], $0x80, v4, vm0, $0xb8;
	[tilespmem:$0x10400] =	vst v63  }
0x79: {  	_ = 	snop  }
0x7a: {  	[hbm4b:s6+s2] =	stream.indirect_vreg.scatter [tilespmem:s25], [sflag:$0x1], $0x80, v4, vm0, $0xb8;
	[tilespmem:$0x10400] =	vst v63  }
0x7b: {  	_ = 	snop  }
0x7c: {  	[hbm4b:s3+s2] =	stream.indirect_vreg.scatter [tilespmem:s26], [sflag:$0x1], $0x80, v3, vm0, $0xb8;
	[tilespmem:$0x10400] =	vst v63  }
0x7d: {  	_ = 	snop  }
0x7e: {  	[hbm4b:s4+s2] =	stream.indirect_vreg.scatter [tilespmem:s28], [sflag:$0x1], $0x80, v3, vm0, $0xb8;
	[tilespmem:$0x10400] =	vst v63  }
0x7f: {  	_ = 	snop  }
0x80: {  	[hbm4b:s5+s2] =	stream.indirect_vreg.scatter [tilespmem:s29], [sflag:$0x1], $0x80, v3, vm0, $0xb8;
	[tilespmem:$0x10400] =	vst v63  }
0x81: {  	_ = 	snop  }
0x82: {  	[hbm4b:s6+s2] =	stream.indirect_vreg.scatter [tilespmem:s30], [sflag:$0x1], $0x80, v3, vm0, $0xb8;
	[tilespmem:$0x10400] =	vst v63  }
0x83: {  	v3 =	vld [tilespmem:$0x310];
	_ =	sdelay $0x4  }
0x84: {  	v59 =	vshll.u32 v3, $0x3  }
0x85: {  	v3 =	vand.u32 $0x7, v3;
	v4 =	vand.u32 $0xFFFFFFC0, v59  }
0x86: {  	v3 =	vor.u32 v3, v4  }
0x87: {  	v4 =	vperm.xlane v3, v0;
	_ =	sdelay $0x1  }
0x88: {  	v4 =	vadd.s32 v1, v4;
	_ =	sdelay $0x4  }
0x89: {  	[hbm4b:s3+s2] =	stream.indirect_vreg.scatter [tilespmem:s31], [sflag:$0x1], $0x80, v4, vm0, $0xb8;
	[tilespmem:$0x10400] =	vst v63  }
0x8a: {  	v3 =	vperm.xlane v3, v2  }
0x8b: {  	[hbm4b:s4+s2] =	stream.indirect_vreg.scatter [tilespmem:s0], [sflag:$0x1], $0x80, v4, vm0, $0xb8;
	[tilespmem:$0x10400] =	vst v63  }
0x8c: {  	v3 =	vadd.s32 v1, v3  }
0x8d: {  	[hbm4b:s5+s2] =	stream.indirect_vreg.scatter [tilespmem:s1], [sflag:$0x1], $0x80, v4, vm0, $0xb8;
	[tilespmem:$0x10400] =	vst v63  }
0x8e: {  	_ = 	snop  }
0x8f: {  	[hbm4b:s6+s2] =	stream.indirect_vreg.scatter [tilespmem:s12], [sflag:$0x1], $0x80, v4, vm0, $0xb8;
	[tilespmem:$0x10400] =	vst v63  }
0x90: {  	_ = 	snop  }
0x91: {  	[hbm4b:s3+s2] =	stream.indirect_vreg.scatter [tilespmem:s13], [sflag:$0x1], $0x80, v3, vm0, $0xb8;
	[tilespmem:$0x10400] =	vst v63  }
0x92: {  	_ = 	snop  }
0x93: {  	[hbm4b:s4+s2] =	stream.indirect_vreg.scatter [tilespmem:s14], [sflag:$0x1], $0x80, v3, vm0, $0xb8;
	[tilespmem:$0x10400] =	vst v63  }
0x94: {  	_ = 	snop  }
0x95: {  	[hbm4b:s5+s2] =	stream.indirect_vreg.scatter [tilespmem:s15], [sflag:$0x1], $0x80, v3, vm0, $0xb8;
	[tilespmem:$0x10400] =	vst v63  }
0x96: {  	_ = 	snop  }
0x97: {  	[hbm4b:s6+s2] =	stream.indirect_vreg.scatter [tilespmem:s16], [sflag:$0x1], $0x80, v3, vm0, $0xb8;
	[tilespmem:$0x10400] =	vst v63  }
0x98: {  	v3 =	vld [tilespmem:$0x280];
	_ =	sdelay $0x4  }
0x99: {  	v60 =	vshll.u32 v3, $0x3  }
0x9a: {  	v3 =	vand.u32 $0x7, v3;
	v4 =	vand.u32 $0xFFFFFFC0, v60  }
0x9b: {  	v3 =	vor.u32 v3, v4  }
0x9c: {  	v4 =	vperm.xlane v3, v0;
	_ =	sdelay $0x1  }
0x9d: {  	v4 =	vadd.s32 v1, v4;
	_ =	sdelay $0x3  }
0x9e: {  	s0 =	simm.s32 $0x8400  }
0x9f: {  	[hbm4b:s3+s2] =	stream.indirect_vreg.scatter [tilespmem:s0], [sflag:$0x1], $0x80, v4, vm0, $0xb8;
	[tilespmem:$0x10400] =	vst v63  }
0xa0: {  	s1 =	simm.s32 $0x8C00;
	v3 =	vperm.xlane v3, v2  }
0xa1: {  	[hbm4b:s4+s2] =	stream.indirect_vreg.scatter [tilespmem:s1], [sflag:$0x1], $0x80, v4, vm0, $0xb8;
	[tilespmem:$0x10400] =	vst v63  }
0xa2: {  	s12 =	simm.s32 $0x9400;
	v3 =	vadd.s32 v1, v3  }
0xa3: {  	[hbm4b:s5+s2] =	stream.indirect_vreg.scatter [tilespmem:s12], [sflag:$0x1], $0x80, v4, vm0, $0xb8;
	[tilespmem:$0x10400] =	vst v63  }
0xa4: {  	s13 =	simm.s32 $0x9C00  }
0xa5: {  	[hbm4b:s6+s2] =	stream.indirect_vreg.scatter [tilespmem:s13], [sflag:$0x1], $0x80, v4, vm0, $0xb8;
	[tilespmem:$0x10400] =	vst v63  }
0xa6: {  	s14 =	simm.s32 $0xA400  }
0xa7: {  	[hbm4b:s3+s2] =	stream.indirect_vreg.scatter [tilespmem:s14], [sflag:$0x1], $0x80, v3, vm0, $0xb8;
	[tilespmem:$0x10400] =	vst v63  }
0xa8: {  	s15 =	simm.s32 $0xAC00  }
0xa9: {  	[hbm4b:s4+s2] =	stream.indirect_vreg.scatter [tilespmem:s15], [sflag:$0x1], $0x80, v3, vm0, $0xb8;
	[tilespmem:$0x10400] =	vst v63  }
0xaa: {  	s16 =	simm.s32 $0xB400  }
0xab: {  	[hbm4b:s5+s2] =	stream.indirect_vreg.scatter [tilespmem:s16], [sflag:$0x1], $0x80, v3, vm0, $0xb8;
	[tilespmem:$0x10400] =	vst v63  }
0xac: {  	s23 =	simm.s32 $0xBC00  }
0xad: {  	[hbm4b:s6+s2] =	stream.indirect_vreg.scatter [tilespmem:s23], [sflag:$0x1], $0x80, v3, vm0, $0xb8;
	[tilespmem:$0x10400] =	vst v63  }
0xae: {  	v3 =	vld [tilespmem:$0x290];
	_ =	sdelay $0x4  }
0xaf: {  	v61 =	vshll.u32 v3, $0x3  }
0xb0: {  	v3 =	vand.u32 $0x7, v3;
	v4 =	vand.u32 $0xFFFFFFC0, v61  }
0xb1: {  	v3 =	vor.u32 v3, v4  }
0xb2: {  	v4 =	vperm.xlane v3, v0;
	_ =	sdelay $0x1  }
0xb3: {  	v4 =	vadd.s32 v1, v4;
	_ =	sdelay $0x3  }
0xb4: {  	s24 =	simm.s32 $0xC400  }
0xb5: {  	[hbm4b:s3+s2] =	stream.indirect_vreg.scatter [tilespmem:s24], [sflag:$0x1], $0x80, v4, vm0, $0xb8;
	[tilespmem:$0x10400] =	vst v63  }
0xb6: {  	s25 =	simm.s32 $0xCC00;
	v3 =	vperm.xlane v3, v2  }
0xb7: {  	[hbm4b:s4+s2] =	stream.indirect_vreg.scatter [tilespmem:s25], [sflag:$0x1], $0x80, v4, vm0, $0xb8;
	[tilespmem:$0x10400] =	vst v63  }
0xb8: {  	s26 =	simm.s32 $0xD400;
	v3 =	vadd.s32 v1, v3  }
0xb9: {  	[hbm4b:s5+s2] =	stream.indirect_vreg.scatter [tilespmem:s26], [sflag:$0x1], $0x80, v4, vm0, $0xb8;
	[tilespmem:$0x10400] =	vst v63  }
0xba: {  	_ = 	snop  }
0xbb: {  	[hbm4b:s6+s2] =	stream.indirect_vreg.scatter [tilespmem:s17], [sflag:$0x1], $0x80, v4, vm0, $0xb8;
	[tilespmem:$0x10400] =	vst v63  }
0xbc: {  	_ = 	snop  }
0xbd: {  	[hbm4b:s3+s2] =	stream.indirect_vreg.scatter [tilespmem:s18], [sflag:$0x1], $0x80, v3, vm0, $0xb8;
	[tilespmem:$0x10400] =	vst v63  }
0xbe: {  	_ = 	snop  }
0xbf: {  	[hbm4b:s4+s2] =	stream.indirect_vreg.scatter [tilespmem:s19], [sflag:$0x1], $0x80, v3, vm0, $0xb8;
	[tilespmem:$0x10400] =	vst v63  }
0xc0: {  	_ = 	snop  }
0xc1: {  	[hbm4b:s5+s2] =	stream.indirect_vreg.scatter [tilespmem:s20], [sflag:$0x1], $0x80, v3, vm0, $0xb8;
	[tilespmem:$0x10400] =	vst v63  }
0xc2: {  	_ = 	snop  }
0xc3: {  	[hbm4b:s6+s2] =	stream.indirect_vreg.scatter [tilespmem:s21], [sflag:$0x1], $0x80, v3, vm0, $0xb8;
	[tilespmem:$0x10400] =	vst v63  }
0xc4: {  	v3 =	vld [tilespmem:$0x380];
	_ =	sdelay $0x4  }
0xc5: {  	v62 =	vshll.u32 v3, $0x3  }
0xc6: {  	v3 =	vand.u32 $0x7, v3;
	v4 =	vand.u32 $0xFFFFFFC0, v62  }
0xc7: {  	v3 =	vor.u32 v3, v4  }
0xc8: {  	v4 =	vperm.xlane v3, v0;
	_ =	sdelay $0x1  }
0xc9: {  	v4 =	vadd.s32 v1, v4;
	_ =	sdelay $0x4  }
0xca: {  	[hbm4b:s3+s2] =	stream.indirect_vreg.scatter [tilespmem:s0], [sflag:$0x1], $0x80, v4, vm0, $0xb8;
	[tilespmem:$0x10400] =	vst v63  }
0xcb: {  	v3 =	vperm.xlane v3, v2  }
0xcc: {  	[hbm4b:s4+s2] =	stream.indirect_vreg.scatter [tilespmem:s1], [sflag:$0x1], $0x80, v4, vm0, $0xb8;
	[tilespmem:$0x10400] =	vst v63  }
0xcd: {  	v3 =	vadd.s32 v1, v3  }
0xce: {  	[hbm4b:s5+s2] =	stream.indirect_vreg.scatter [tilespmem:s12], [sflag:$0x1], $0x80, v4, vm0, $0xb8;
	[tilespmem:$0x10400] =	vst v63  }
0xcf: {  	_ = 	snop  }
0xd0: {  	[hbm4b:s6+s2] =	stream.indirect_vreg.scatter [tilespmem:s13], [sflag:$0x1], $0x80, v4, vm0, $0xb8;
	[tilespmem:$0x10400] =	vst v63  }
0xd1: {  	_ = 	snop  }
0xd2: {  	[hbm4b:s3+s2] =	stream.indirect_vreg.scatter [tilespmem:s14], [sflag:$0x1], $0x80, v3, vm0, $0xb8;
	[tilespmem:$0x10400] =	vst v63  }
0xd3: {  	_ = 	snop  }
0xd4: {  	[hbm4b:s4+s2] =	stream.indirect_vreg.scatter [tilespmem:s15], [sflag:$0x1], $0x80, v3, vm0, $0xb8;
	[tilespmem:$0x10400] =	vst v63  }
0xd5: {  	_ = 	snop  }
0xd6: {  	[hbm4b:s5+s2] =	stream.indirect_vreg.scatter [tilespmem:s16], [sflag:$0x1], $0x80, v3, vm0, $0xb8;
	[tilespmem:$0x10400] =	vst v63  }
0xd7: {  	_ = 	snop  }
0xd8: {  	[hbm4b:s6+s2] =	stream.indirect_vreg.scatter [tilespmem:s23], [sflag:$0x1], $0x80, v3, vm0, $0xb8;
	[tilespmem:$0x10400] =	vst v63  }
0xd9: {  	v3 =	vld [tilespmem:$0x390];
	_ =	sdelay $0x4  }
0xda: {  	v63 =	vshll.u32 v3, $0x3  }
0xdb: {  	v3 =	vand.u32 $0x7, v3;
	v4 =	vand.u32 $0xFFFFFFC0, v63  }
0xdc: {  	v3 =	vor.u32 v3, v4  }
0xdd: {  	v4 =	vperm.xlane v3, v0;
	_ =	sdelay $0x1  }
0xde: {  	v4 =	vadd.s32 v1, v4;
	_ =	sdelay $0x4  }
0xdf: {  	[hbm4b:s3+s2] =	stream.indirect_vreg.scatter [tilespmem:s24], [sflag:$0x1], $0x80, v4, vm0, $0xb8;
	[tilespmem:$0x10400] =	vst v63  }
0xe0: {  	v3 =	vperm.xlane v3, v2  }
0xe1: {  	[hbm4b:s4+s2] =	stream.indirect_vreg.scatter [tilespmem:s25], [sflag:$0x1], $0x80, v4, vm0, $0xb8;
	[tilespmem:$0x10400] =	vst v63  }
0xe2: {  	v3 =	vadd.s32 v1, v3  }
0xe3: {  	[hbm4b:s5+s2] =	stream.indirect_vreg.scatter [tilespmem:s26], [sflag:$0x1], $0x80, v4, vm0, $0xb8;
	[tilespmem:$0x10400] =	vst v63  }
0xe4: {  	_ = 	snop  }
0xe5: {  	[hbm4b:s6+s2] =	stream.indirect_vreg.scatter [tilespmem:s17], [sflag:$0x1], $0x80, v4, vm0, $0xb8;
	[tilespmem:$0x10400] =	vst v63  }
0xe6: {  	_ = 	snop  }
0xe7: {  	[hbm4b:s3+s2] =	stream.indirect_vreg.scatter [tilespmem:s18], [sflag:$0x1], $0x80, v3, vm0, $0xb8;
	[tilespmem:$0x10400] =	vst v63  }
0xe8: {  	_ = 	snop  }
0xe9: {  	[hbm4b:s4+s2] =	stream.indirect_vreg.scatter [tilespmem:s19], [sflag:$0x1], $0x80, v3, vm0, $0xb8;
	[tilespmem:$0x10400] =	vst v63  }
0xea: {  	_ = 	snop  }
0xeb: {  	[hbm4b:s5+s2] =	stream.indirect_vreg.scatter [tilespmem:s20], [sflag:$0x1], $0x80, v3, vm0, $0xb8;
	[tilespmem:$0x10400] =	vst v63  }
0xec: {  	_ = 	snop  }
0xed: {  	[hbm4b:s6+s2] =	stream.indirect_vreg.scatter [tilespmem:s21], [sflag:$0x1], $0x80, v3, vm0, $0xb8;
	[tilespmem:$0x10400] =	vst v63  }
0xee: {  	_ =	swait.ge [sflag:s22], $0x8000  }
0xef: {  	[sflag:s22] =	ssyncset.done $0x0  }
0xf0: {  	[sflag:s22] =	ssyncadd.s32 $0xFFFF8000  }
0xf1: {  	_ =	swait.ge [sflag:s22], $0x8000  }
0xf2: {  	[sflag:s22] =	ssyncset.done $0x0  }
0xf3: {  	[sflag:s22] =	ssyncadd.s32 $0xFFFF8000  }
0xf4: {  	p0 =	sne.s32 s7, $0x1;
	_ =	swait.ge [sflag:s22], $0x8000  }
.Ltmp0:
0xf5: {  	[sflag:s22] =	ssyncset.done $0x0;
	(pc) =	sbr.rel @p0 .LBB2_1-.Ltmp0, $4  }
0xf6: {  	[sflag:s22] =	ssyncadd.s32 $0xFFFF8000  }
0xf7: {  	_ =	swait.ge [sflag:s22], $0x8000  }
0xf8: {  	[sflag:s22] =	ssyncset.done $0x0  }
0xf9: {  	s7 =	sadd.s32 $0xFFFFFFFF, s7;
	[sflag:s22] =	ssyncadd.s32 $0xFFFF8000  }
0xfa: {  	_ =	sfence.sel $0x180000  }
0xfb: {  	[bflag:$0x0] =	sbarrier.arrive $0xFFFF  }
0xfc: {  	_ =	strace $0x90000047  }
0xfd: {  	s0 =	stileid.u32;
	[bflag:$0x2] =	sbarrier.arrive $0xFFFF  }
0xfe: {  	p0 =	sne.s32 s0, $0x0;
	s0 =	rddreg [dreg:$0x2]  }
0xff: {  	s0 =	sadd.s32 @!p0 $0x100000, s0  }
0x100: {  	[sflag:s0] =	ssyncadd.tile.s32 @!p0 $0x1;
	_ =	shalt  }
.Lfunc_end2:
_tile_overlayer_lowered:
.L_overlay_start_2:
0x101: {  	(tag) =	ssettag $0x2  }
0x102: {  	s0 =	rddreg [dreg:$0x0];
	s2 =	stileid.u32  }
0x103: {  	s1 =	rddreg [dreg:$0x1];
	p0 =	sne.s32 s2, $0x0  }
0x104: {  	s3 =	rddreg [dreg:$0x2];
	[bflag:$0x3] =	sbarrier.arrive $0xFFFF;
	s2 =	simm.s32 @!p0 $0x1C03  }
0x105: {  	[timem:s3], [sflag:s2] =	dma.local @!p0 [hbm:s0], s1  }
0x106: {  	s0 =	simm.s32 @!p0 $0x3  }
0x107: {  	_ =	swait.ge @!p0 [sflag:s0], s1  }
0x108: {  	s1 =	ssub.s32 @!p0 $0x0, s1;
	[sflag:s0] =	ssyncset.done @!p0 $0x0  }
0x109: {  	[sflag:s0] =	ssyncadd.s32 @!p0 s1  }
0x10a: {  	[bflag:$0x3] =	sbarrier.arrive $0xFFFF  }
0x10b: {  	_ =	shalt  }

// kernel: kernel.9.cloned.1.call-start
scs
__scs_entry_jumppad:
0x0: {  	(pc) =	sbr.rel $0x88, $3  }
0x1: {  	(tag) =	ssettag $0x0;
	lr =	simm.s32 $0x1  }
0x2: {  	[smem:$0x3F98] =	sst lr;
	_ =	strace $0xD0000000  }
0x3: {  	_ = 	snop  }
0x4: {  	_ = 	snop  }
0x5: {  	_ = 	snop  }
0x6: {  	_ = 	snop  }
0x7: {  	_ = 	snop  }
__scs_overlays_trampoline_lowered:
0x8: {  	[smem:$0x3FA7] =	sst s0  }
0x9: {  	[smem:$0x3FA8] =	sst s1  }
0xa: {  	[smem:$0x3FA9] =	sst s2  }
0xb: {  	[smem:$0x3FAA] =	sst s3  }
0xc: {  	[smem:$0x3FAB] =	sst s4  }
0xd: {  	[smem:$0x3FAC] =	sst s5  }
0xe: {  	[smem:$0x3FAD] =	sst s6  }
0xf: {  	[smem:$0x3FAE] =	sst s7  }
0x10: {  	[smem:$0x3FAF] =	sst s8  }
0x11: {  	[smem:$0x3FB0] =	sst s9;
	s0 =	simm.s32 @!p0 $0x0  }
0x12: {  	s1 =	sld [smem:$0x3F96];
	s0 =	simm.s32 @p0 $0x1  }
0x13: {  	[smem:$0x3FB1] =	sst s0;
	s0 =	simm.s32 @!p1 $0x0  }
0x14: {  	s2 =	sld [smem:$0x3F95];
	s0 =	simm.s32 @p1 $0x1  }
0x15: {  	[smem:$0x3FB2] =	sst s0;
	s0 =	simm.s32 @!p2 $0x0  }
0x16: {  	s3 =	sld [smem:$0x3FDB];
	s0 =	simm.s32 @p2 $0x1  }
0x17: {  	s4 =	simm.s32 $0x1BF5;
	[smem:$0x3FB4] =	sst s0  }
0x18: {  	s0 =	sld [smem:$0x3F97];
	_ =	swait.ge [sflag:s4], $0x0  }
0x19: {  	s7 =	sld [smem:$0x3F98]  }
0x1a: {  	s8 =	sadd.s32 $0xFFFFE003, lr  }
0x1b: {  	s9 =	sadd.s32 $0xFFFFFEF7, lr;
	s5 =	simm.s32 $0xFFFFFFFF;
	p2 =	slt.u32 s8, $0xFFFFF086  }
0x1c: {  	p1 =	slt.u32 s9, $0xF7A;
	s5 =	simm.s32 @!p2 $0x0  }
0x1d: {  	s5 =	simm.s32 @p1 $0x1;
	p0 =	seq.s32 s7, s2  }
0x1e: {  	s7 =	smul.u32 @!p0 $0xF7A, s2;
	p2 =	seq.s32 @!p0 s5, $0x0  }
0x1f: {  	s9 =	smul.u32 $0xF7A, s1;
	s8 =	simm.s32 @!p0 $0x1BF5;
	p2 =	por !p2, p0  }
0x20: {  	[sflag:s8] =	ssyncset.s32 @!p0 $0xFFFFF086;
	s6 =	sadd.s32 @!p0 s3, s7;
	s7 =	simm.s32 @!p0 $0x108  }
0x21: {  	s3 =	sadd.s32 s3, s9;
	s6 =	sadd.s32 @!p0 $0x88, s6;
	s7 =	simm.s32 @p2 $0x1082  }
0x22: {  	[simem:s7], [sflag:s8] =	dma.local @!p0 [hbm:s6], $0xF7A  }
0x23: {  	s9 =	sor.u32 $0xD0000000, s2;
	s6 =	simm.s32 $0x108;
	_ =	swait.ge @!p0 [sflag:s8], $0x0  }
0x24: {  	s3 =	sadd.s32 $0x88, s3;
	s6 =	simm.s32 @!p1 $0x1082;
	[sflag:s4] =	ssyncset.s32 $0xFFFFF086  }
0x25: {  	[simem:s6], [sflag:s4] =	dma.local [hbm:s3], $0xF7A  }
0x26: {  	[smem:$0x3F98] =	sst s1;
	(tag) =	ssettag s2;
	_ =	strace s9  }
0x27: {  	s1 =	sld [smem:$0x3FA8]  }
0x28: {  	s2 =	sld [smem:$0x3FA9]  }
0x29: {  	s4 =	sld [smem:$0x3FAB]  }
0x2a: {  	p0 =	seq.s32 s5, $0x0;
	s5 =	sld [smem:$0x3FAC]  }
0x2b: {  	s6 =	sld [smem:$0x3FAD]  }
0x2c: {  	s7 =	sld [smem:$0x3FAE]  }
0x2d: {  	s3 =	simm.s32 $0x108;
	s8 =	sld [smem:$0x3FAF]  }
0x2e: {  	s3 =	simm.s32 @!p0 $0x1082;
	s9 =	sld [smem:$0x3FB0]  }
0x2f: {  	lr =	sadd.s32 s0, s3;
	s0 =	sld [smem:$0x3FA7]  }
0x30: {  	s3 =	sld [smem:$0x3FAA]  }
0x31: {  	[smem:$0x3FB3] =	sst s10  }
0x32: {  	s10 =	sld [smem:$0x3FB1];
	_ =	sdelay $0x3  }
0x33: {  	p0 =	seq.s32 s10, $0x1;
	s10 =	sld [smem:$0x3FB3];
	_ =	sdelay $0x3  }
0x34: {  	[smem:$0x3FB3] =	sst s10  }
0x35: {  	s10 =	sld [smem:$0x3FB2];
	_ =	sdelay $0x3  }
0x36: {  	p1 =	seq.s32 s10, $0x1;
	s10 =	sld [smem:$0x3FB3];
	_ =	sdelay $0x3  }
0x37: {  	[smem:$0x3FB3] =	sst s10  }
0x38: {  	s10 =	sld [smem:$0x3FB4]  }
0x39: {  	_ = 	snop;
	(pc) =	sbr.ind lr, $3  }
0x3a: {  	_ = 	snop  }
0x3b: {  	_ = 	snop  }
0x3c: {  	p2 =	seq.s32 s10, $0x1;
	s10 =	sld [smem:$0x3FB3]  }
0x3d: {  	_ =	shalt  }
0x3e: {  	_ =	shalt  }
0x3f: {  	_ =	shalt  }
0x40: {  	_ =	shalt  }
0x41: {  	_ =	shalt  }
0x42: {  	_ =	shalt  }
0x43: {  	_ =	shalt  }
0x44: {  	_ =	shalt  }
0x45: {  	_ =	shalt  }
0x46: {  	_ =	shalt  }
0x47: {  	_ =	shalt  }
0x48: {  	_ =	shalt  }
0x49: {  	_ =	shalt  }
0x4a: {  	_ =	shalt  }
0x4b: {  	_ =	shalt  }
0x4c: {  	_ =	shalt  }
0x4d: {  	_ =	shalt  }
0x4e: {  	_ =	shalt  }
0x4f: {  	_ =	shalt  }
0x50: {  	_ =	shalt  }
0x51: {  	_ =	shalt  }
0x52: {  	_ =	shalt  }
0x53: {  	_ =	shalt  }
0x54: {  	_ =	shalt  }
0x55: {  	_ =	shalt  }
0x56: {  	_ =	shalt  }
0x57: {  	_ =	shalt  }
0x58: {  	_ =	shalt  }
0x59: {  	_ =	shalt  }
0x5a: {  	_ =	shalt  }
0x5b: {  	_ =	shalt  }
0x5c: {  	_ =	shalt  }
0x5d: {  	_ =	shalt  }
0x5e: {  	_ =	shalt  }
0x5f: {  	_ =	shalt  }
0x60: {  	_ =	shalt  }
0x61: {  	_ =	shalt  }
0x62: {  	_ =	shalt  }
0x63: {  	_ =	shalt  }
0x64: {  	_ =	shalt  }
0x65: {  	_ =	shalt  }
0x66: {  	_ =	shalt  }
0x67: {  	_ =	shalt  }
0x68: {  	_ =	shalt  }
0x69: {  	_ =	shalt  }
0x6a: {  	_ =	shalt  }
0x6b: {  	_ =	shalt  }
0x6c: {  	_ =	shalt  }
0x6d: {  	_ =	shalt  }
0x6e: {  	_ =	shalt  }
0x6f: {  	_ =	shalt  }
0x70: {  	_ =	shalt  }
0x71: {  	_ =	shalt  }
0x72: {  	_ =	shalt  }
0x73: {  	_ =	shalt  }
0x74: {  	_ =	shalt  }
0x75: {  	_ =	shalt  }
0x76: {  	_ =	shalt  }
0x77: {  	_ =	shalt  }
0x78: {  	_ =	shalt  }
0x79: {  	_ =	shalt  }
0x7a: {  	_ =	shalt  }
0x7b: {  	_ =	shalt  }
0x7c: {  	_ =	shalt  }
0x7d: {  	_ =	shalt  }
0x7e: {  	_ =	shalt  }
0x7f: {  	_ =	shalt  }
0x80: {  	_ =	shalt  }
0x81: {  	_ =	shalt  }
0x82: {  	_ =	shalt  }
0x83: {  	_ =	shalt  }
0x84: {  	_ =	shalt  }
0x85: {  	_ =	shalt  }
0x86: {  	_ =	shalt  }
0x87: {  	_ =	shalt  }
.Lfunc_end0:
.L_simem_size_0:
called_computation.1_lowered:
.L_overlay_start_0:
0x88: {  	s2 =	sld [smem:$0x3FD9]  }
0x89: {  	s3 =	sld [smem:$0x3FFE];
	_ =	sdelay $0x1  }
0x8a: {  	s1 =	srdreg.scid  }
0x8b: {  	s0 =	sand.u32 $0x1, s1  }
0x8c: {  	s17 =	sshll.u32 s0, $0xA;
	s2 =	sadd.s32 s3, s2  }
0x8d: {  	s2 =	sadd.s32 s2, s17  }
0x8e: {  	[smem:$0x3FBF] =	sst s2  }
0x8f: {  	_ = 	snop  }
0x90: {  	s2 =	sld [smem:$0x3FD0];
	(tm) =	ssettm $0x1  }
0x91: {  	s18 =	sld [smem:$0x3FFB];
	_ =	sdelay $0x3  }
0x92: {  	_ =	strace s18  }
0x93: {  	s3 =	sld [smem:$0x3FFC];
	_ =	sdelay $0x3  }
0x94: {  	_ =	strace s3  }
0x95: {  	s3 =	sld [smem:$0x3FFD];
	_ =	sdelay $0x3  }
0x96: {  	_ =	strace s3  }
0x97: {  	_ =	strace $0x8FFFFFFF  }
0x98: {  	s19 =	sld [smem:$0x3FDB];
	_ =	sdelay $0x1  }
0x99: {  	s4 =	simm.s32 $_scs_section_size  }
0x9a: {  	s5 =	simm.s32 $_size__tile_overlayer_lowered;
	s6 =	simm.s32 $_tile_overlayer_lowered  }
0x9b: {  	s22 =	simm.s32 $0x1BFF;
	s21 =	sshll.u32 s6, $0x1;
	s3 =	sadd.s32 s4, s19  }
0x9c: {  	s7 =	simm.s32 $0x0;
	s20 =	sshll.u32 s5, $0x1;
	s5 =	sadd.s32 s21, s3  }
0x9d: {  	[timem:s7], [sflag:s22] =	dma.local [hbm:s5], s20  }
0x9e: {  	_ =	swait.ge [sflag:s22], s20  }
0x9f: {  	s4 =	ssub.s32 $0x0, s20;
	[sflag:s22] =	ssyncset.done $0x0  }
0xa0: {  	[sflag:s22] =	ssyncadd.s32 s4;
	_ =	sdelay $0x1  }
0xa1: {  	s23 =	simm.s32 $0x1B8B  }
0xa2: {  	_ =	swait.ge [sflag:s23], $0x1  }
0xa3: {  	[sflag:s23] =	ssyncset.done $0x0  }
0xa4: {  	s25 =	simm.s32 $0x1B8E;
	s24 =	sld [smem:$0x3FFE];
	[sflag:s23] =	ssyncadd.s32 $0xFFFFFFFF  }
0xa5: {  	s26 =	simm.s32 $execute0_lowered;
	[smem:$0x3FD2] =	sst s25  }
0xa6: {  	s5 =	sshll.u32 s26, $0x1;
	_ =	strace $0x80000049;
	[dreg:$0x1] =	wrdreg $0xFFFFFFFF  }
0xa7: {  	s28 =	simm.s32 $_size_execute0_lowered;
	s3 =	sadd.s32 s3, s5;
	[dreg:$0x0] =	wrdreg $0x0  }
0xa8: {  	s5 =	sshll.u32 s28, $0x1;
	[dreg:$0x2] =	wrdreg s3  }
0xa9: {  	[dreg:$0x3] =	wrdreg s5  }
0xaa: {  	[dreg:$0x4] =	wrdreg $0xC0  }
0xab: {  	_ =	task [dreg:s7], $0x5FFFF  }
0xac: {  	[dreg:$0x1] =	wrdreg $0xFFFFFFFF  }
0xad: {  	[dreg:$0x0] =	wrdreg $0x60  }
0xae: {  	[dreg:$0x2] =	wrdreg s24  }
0xaf: {  	[dreg:$0x3] =	wrdreg s2  }
0xb0: {  	[dreg:$0x4] =	wrdreg $0x9  }
0xb1: {  	_ =	task.clear_ibuf [dreg:s7], $0x5FFFF;
	_ =	strace $0x90000049  }
0xb2: {  	s29 =	simm.s32 $0x9;
	_ =	strace $0x8000004B  }
0xb3: {  	_ =	swait.ge [sflag:s29], $0x1  }
0xb4: {  	[sflag:s29] =	ssyncadd.s32 $0xFFFFFFFF  }
0xb5: {  	_ =	strace $0x9000004B  }
0xb6: {  	_ =	sfence  }
0xb7: {  	s30 =	sld [smem:$0x0];
	_ =	sdelay $0x2  }
0xb8: {  	s31 =	sshll.u32 s1, $0xD;
	s1 =	sshrl.u32 s1, $0x2  }
0xb9: {  	s3 =	sand.u32 $0x4000, s31;
	s1 =	sadd.s32 s1, s30  }
0xba: {  	s0 =	sor.u32 s3, s0;
	s1 =	sshll.u32 s1, $0x11  }
0xbb: {  	s0 =	sor.u32 s1, s0  }
0xbc: {  	s0 =	sadd.s32 $0x8F2B, s0  }
0xbd: {  	[sflag:s0] =	ssyncadd.remote.s32 $0x1  }
0xbe: {  	_ =	sfence.sel $0xFFFF  }
0xbf: {  	[dreg:$0x0] =	wrdreg $0xFFFFFFFF;
	(pc) =	sbr.abs _section_cstart, $3  }
0xc0: {  	[dreg:$0x1] =	wrdreg $0xFFFFFFFF  }
0xc1: {  	_ =	task.clear_ibuf [dreg:s7], $0x2FFFF;
	_ =	strace $0x9FFFFFFF  }
0xc2: {  	(tm) =	ssettm $0x7FFFFFFF  }
0xc3: {  	_ =	shalt  }
tec
execute0_lowered:
.L_overlay_start_1:
0x0: {  	(tag) =	ssettag $0x1  }
0x1: {  	s0 =	rddreg [dreg:$0x0]  }
0x2: {  	s1 =	rddreg [dreg:$0x1];
	s2 =	simm.s32 $0x0  }
0x3: {  	s3 =	srdreg.scid;
	s5 =	stileid.u32;
	s14 =	simm.s32 $0x3  }
0x4: {  	s16 =	simm.s32 $0x100;
	s18 =	simm.s32 $0x200;
	s19 =	simm.s32 $0x480  }
0x5: {  	s28 =	simm.s32 $0xDC80;
	s29 =	simm.s32 $0xE480;
	s30 =	simm.s32 $0xEC80  }
0x6: {  	s12 =	simm.s32 $0xF480;
	s31 =	simm.s32 $0xFC80;
	s13 =	simm.s32 $0x1  }
0x7: {  	[smem:$0x7FF] =	sst s2;
	s4 =	sand.u32 $0x1, s3;
	s21 =	sshll.u32 s5, $0x1  }
0x8: {  	s3 =	sadd.s32 $0x2600, s0;
	s7 =	sadd.s32 $0x2200, s0;
	s8 =	sadd.s32 $0x2700, s0  }
0x9: {  	s9 =	sadd.s32 $0x2800, s0;
	s10 =	sadd.s32 $0x2900, s0;
	s5 =	sor.u32 s4, s21  }
0xa: {  	_ =	strace $0x8000004A;
	s4 =	ssub.s32 $0x2, s4;
	s6 =	sshll.u32 s5, $0x4  }
0xb: {  	[dreg:$0x3] =	wrdreg s7;
	s7 =	simm.s32 $0xBC80;
	s6 =	sadd.s32 s6, s0  }
0xc: {  	s22 =	sshrl.u32 s4, $0x1;
	s5 =	sshll.u32 s5, $0xD;
	s23 =	sadd.s32 $0x1E00, s6  }
0xd: {  	s4 =	ssub.s32 s4, s22;
	s24 =	sadd.s32 $0x2000, s6;
	[dreg:$0x4] =	wrdreg s23  }
0xe: {  	v2 =	vlaneseq.u32;
	s11 =	sadd.s32 s1, s5;
	s6 =	sadd.s32 $0x2400, s6;
	[dreg:$0x5] =	wrdreg s24  }
0xf: {  	v1 =	vshrl.u32 v2, $0x3;
	v0 =	vand.u32 $0x7, v2;
	s0 =	simm.s32 $0x2;
	s25 =	sadd.s32 $0x1000, s11;
	[dreg:$0x6] =	wrdreg s6  }
0x10: {  	v63 =	vor.u32 $0x8, v2;
	[tilespmem:$0x1FFD0] =	vst v0;
	v62 =	vmul.u32 $0x8, v1;
	s1 =	simm.s32 $0x0;
	s26 =	smax.u32 s4, $0x1;
	[dreg:$0x7] =	wrdreg s25  }
0x11: {  	[tilespmem:$0x1FFF0] =	vst v63;
	[dreg:$0x8] =	wrdreg s26;
	s6 =	simm.s32 $0xAC80;
	s23 =	simm.s32 $0xB480  }
0x12: {  	vm0 =	vmmov $0xffff;
	[tilespmem:$0x1FFE0] =	vst v62;
	s24 =	simm.s32 $0xC480;
	s25 =	simm.s32 $0xCC80;
	s26 =	simm.s32 $0xD480  }
.LBB2_1:
0x13: {  	s4 =	rddreg [dreg:$0x4]  }
0x14: {  	[tilespmem:s2], [sflag:$0x3] =	stream.linear.gather [hbm4b:s4+s2], $0x80, $0x38;
	[tilespmem:$0x10480] =	vst v63  }
0x15: {  	_ =	swait.ge [sflag:s14], $0x80  }
0x16: {  	[sflag:s14] =	ssyncset.done $0x0  }
0x17: {  	s5 =	simm.s32 $0x80;
	s22 =	rddreg [dreg:$0x5];
	[sflag:s14] =	ssyncadd.s32 $0xFFFFFF80  }
0x18: {  	[tilespmem:s5], [sflag:$0x3] =	stream.linear.gather [hbm4b:s22+s2], $0x80, $0x38;
	[tilespmem:$0x10480] =	vst v63  }
0x19: {  	_ =	swait.ge [sflag:s14], $0x80  }
0x1a: {  	[sflag:s14] =	ssyncset.done $0x0  }
0x1b: {  	s15 =	rddreg [dreg:$0x6];
	[sflag:s14] =	ssyncadd.s32 $0xFFFFFF80  }
0x1c: {  	[tilespmem:s16], [sflag:$0x3] =	stream.linear.gather [hbm4b:s15+s2], $0x80, $0x38;
	[tilespmem:$0x10480] =	vst v63  }
0x1d: {  	_ =	swait.ge [sflag:s14], $0x80  }
0x1e: {  	[sflag:s14] =	ssyncset.done $0x0  }
0x1f: {  	s20 =	simm.s32 $0x180;
	s17 =	rddreg [dreg:$0x3];
	[sflag:s14] =	ssyncadd.s32 $0xFFFFFF80  }
0x20: {  	[tilespmem:s20], [sflag:$0x3] =	stream.linear.gather [hbm4b:s17+s2], $0x80, $0x38;
	[tilespmem:$0x10480] =	vst v63  }
0x21: {  	_ =	swait.ge [sflag:s14], $0x80  }
0x22: {  	[sflag:s14] =	ssyncset.done $0x0  }
0x23: {  	[sflag:s14] =	ssyncadd.s32 $0xFFFFFF80  }
0x24: {  	v3 =	vld [tilespmem:$0x180];
	_ =	sdelay $0x4  }
0x25: {  	v3 =	vadd.s32 $0x7F, v3  }
0x26: {  	v3 =	vand.u32 $0xFFFFFF80, v3  }
0x27: {  	(xrf0) =	vadd.scan.msk.s32 $0xffff, v3  }
0x28: {  	v4 =	vld [tilespmem:$0x0];
	_ =	sdelay $0x4  }
0x29: {  	v5, _, _ =	vpop (xrf0)  }
0x2a: {  	v43 =	vld [tilespmem:$0x40];
	v3 =	vsub.s32 v5, v3  }
0x2b: {  	v44 =	vld [tilespmem:$0x80];
	[tilespmem:$0x200] =	vst v3  }
0x2c: {  	v3 =	vld.idx.msk [tilespmem:v4+s18+$0x0], $0xffff;
	_ =	sdelay $0x4  }
0x2d: {  	v45 =	vld [tilespmem:$0x10];
	v3 =	vadd.s32 v3, v44  }
0x2e: {  	v46 =	vld [tilespmem:$0xC0];
	[tilespmem:$0x280] =	vst v3  }
0x2f: {  	v3 =	vld.idx.msk [tilespmem:v43+s18+$0x0], $0xffff;
	_ =	sdelay $0x4  }
0x30: {  	v47 =	vld [tilespmem:$0x50];
	v3 =	vadd.s32 v3, v46  }
0x31: {  	v48 =	vld [tilespmem:$0x90];
	[tilespmem:$0x380] =	vst v3  }
0x32: {  	v3 =	vld.idx.msk [tilespmem:v45+s18+$0x0], $0xffff;
	_ =	sdelay $0x4  }
0x33: {  	v49 =	vld [tilespmem:$0x20];
	v3 =	vadd.s32 v3, v48  }
0x34: {  	v50 =	vld [tilespmem:$0xD0];
	[tilespmem:$0x290] =	vst v3  }
0x35: {  	v3 =	vld.idx.msk [tilespmem:v47+s18+$0x0], $0xffff;
	_ =	sdelay $0x4  }
0x36: {  	v51 =	vld [tilespmem:$0x60];
	v3 =	vadd.s32 v3, v50  }
0x37: {  	v52 =	vld [tilespmem:$0xA0];
	[tilespmem:$0x390] =	vst v3  }
0x38: {  	v3 =	vld.idx.msk [tilespmem:v49+s18+$0x0], $0xffff;
	_ =	sdelay $0x4  }
0x39: {  	v53 =	vld [tilespmem:$0x30];
	v3 =	vadd.s32 v3, v52  }
0x3a: {  	v54 =	vld [tilespmem:$0xE0];
	[tilespmem:$0x300] =	vst v3  }
0x3b: {  	v3 =	vld.idx.msk [tilespmem:v51+s18+$0x0], $0xffff;
	_ =	sdelay $0x3  }
0x3c: {  	v55 =	vld [tilespmem:$0xB0]  }
0x3d: {  	v56 =	vld [tilespmem:$0x70];
	v3 =	vadd.s32 v3, v54  }
0x3e: {  	v6 =	vld [tilespmem:$0x280];
	[tilespmem:$0x400] =	vst v3  }
0x3f: {  	v3 =	vld.idx.msk [tilespmem:v53+s18+$0x0], $0xffff;
	_ =	sdelay $0x1  }
0x40: {  	v0 =	vld [tilespmem:$0x1FFD0];
	_ =	sdelay $0x1  }
0x41: {  	v1 =	vld [tilespmem:$0x1FFE0];
	v57 =	vshll.u32 v6, $0x3  }
0x42: {  	v58 =	vand.u32 $0x7, v6;
	v4 =	vand.u32 $0xFFFFFFC0, v57;
	v3 =	vadd.s32 v3, v55  }
0x43: {  	v59 =	vld [tilespmem:$0xF0];
	[tilespmem:$0x310] =	vst v3;
	v3 =	vor.u32 v58, v4  }
0x44: {  	v5 =	vld.idx.msk [tilespmem:v56+s18+$0x0], $0xffff;
	v60 =	vperm.xlane v3, v0;
	_ =	sdelay $0x1  }
0x45: {  	v6 =	vadd.s32 v1, v60  }
0x46: {  	v2 =	vld [tilespmem:$0x1FFF0];
	_ =	sdelay $0x1  }
0x47: {  	v4 =	vadd.s32 v5, v59  }
0x48: {  	[tilespmem:$0x410] =	vst v4  }
0x49: {  	[tilespmem:s19], [sflag:$0x1] =	stream.indirect_vreg.gather [hbm4b:s3+s2], $0x80, v6, vm0, $0xb8;
	[tilespmem:$0x10480] =	vst v63  }
0x4a: {  	s21 =	simm.s32 $0xC80;
	v3 =	vperm.xlane v3, v2  }
0x4b: {  	[tilespmem:s21], [sflag:$0x1] =	stream.indirect_vreg.gather [hbm4b:s8+s2], $0x80, v6, vm0, $0xb8;
	[tilespmem:$0x10480] =	vst v63  }
0x4c: {  	s22 =	simm.s32 $0x1480;
	v3 =	vadd.s32 v1, v3  }
0x4d: {  	[tilespmem:s22], [sflag:$0x1] =	stream.indirect_vreg.gather [hbm4b:s9+s2], $0x80, v6, vm0, $0xb8;
	[tilespmem:$0x10480] =	vst v63  }
0x4e: {  	s5 =	simm.s32 $0x1C80  }
0x4f: {  	[tilespmem:s5], [sflag:$0x1] =	stream.indirect_vreg.gather [hbm4b:s10+s2], $0x80, v6, vm0, $0xb8;
	[tilespmem:$0x10480] =	vst v63  }
0x50: {  	s15 =	simm.s32 $0x2480  }
0x51: {  	[tilespmem:s15], [sflag:$0x1] =	stream.indirect_vreg.gather [hbm4b:s3+s2], $0x80, v3, vm0, $0xb8;
	[tilespmem:$0x10480] =	vst v63  }
0x52: {  	s17 =	simm.s32 $0x2C80  }
0x53: {  	[tilespmem:s17], [sflag:$0x1] =	stream.indirect_vreg.gather [hbm4b:s8+s2], $0x80, v3, vm0, $0xb8;
	[tilespmem:$0x10480] =	vst v63  }
0x54: {  	s20 =	simm.s32 $0x3480  }
0x55: {  	[tilespmem:s20], [sflag:$0x1] =	stream.indirect_vreg.gather [hbm4b:s9+s2], $0x80, v3, vm0, $0xb8;
	[tilespmem:$0x10480] =	vst v63  }
0x56: {  	s21 =	simm.s32 $0x3C80  }
0x57: {  	[tilespmem:s21], [sflag:$0x1] =	stream.indirect_vreg.gather [hbm4b:s10+s2], $0x80, v3, vm0, $0xb8;
	[tilespmem:$0x10480] =	vst v63  }
0x58: {  	v3 =	vld [tilespmem:$0x290];
	_ =	sdelay $0x4  }
0x59: {  	v61 =	vshll.u32 v3, $0x3  }
0x5a: {  	v3 =	vand.u32 $0x7, v3;
	v4 =	vand.u32 $0xFFFFFFC0, v61  }
0x5b: {  	v3 =	vor.u32 v3, v4  }
0x5c: {  	v4 =	vperm.xlane v3, v0;
	_ =	sdelay $0x1  }
0x5d: {  	v4 =	vadd.s32 v1, v4;
	_ =	sdelay $0x3  }
0x5e: {  	s22 =	simm.s32 $0x4480  }
0x5f: {  	[tilespmem:s22], [sflag:$0x1] =	stream.indirect_vreg.gather [hbm4b:s3+s2], $0x80, v4, vm0, $0xb8;
	[tilespmem:$0x10480] =	vst v63  }
0x60: {  	s5 =	simm.s32 $0x4C80;
	v3 =	vperm.xlane v3, v2  }
0x61: {  	[tilespmem:s5], [sflag:$0x1] =	stream.indirect_vreg.gather [hbm4b:s8+s2], $0x80, v4, vm0, $0xb8;
	[tilespmem:$0x10480] =	vst v63  }
0x62: {  	s15 =	simm.s32 $0x5480;
	v3 =	vadd.s32 v1, v3  }
0x63: {  	[tilespmem:s15], [sflag:$0x1] =	stream.indirect_vreg.gather [hbm4b:s9+s2], $0x80, v4, vm0, $0xb8;
	[tilespmem:$0x10480] =	vst v63  }
0x64: {  	s17 =	simm.s32 $0x5C80  }
0x65: {  	[tilespmem:s17], [sflag:$0x1] =	stream.indirect_vreg.gather [hbm4b:s10+s2], $0x80, v4, vm0, $0xb8;
	[tilespmem:$0x10480] =	vst v63  }
0x66: {  	s20 =	simm.s32 $0x6480  }
0x67: {  	[tilespmem:s20], [sflag:$0x1] =	stream.indirect_vreg.gather [hbm4b:s3+s2], $0x80, v3, vm0, $0xb8;
	[tilespmem:$0x10480] =	vst v63  }
0x68: {  	s21 =	simm.s32 $0x6C80  }
0x69: {  	[tilespmem:s21], [sflag:$0x1] =	stream.indirect_vreg.gather [hbm4b:s8+s2], $0x80, v3, vm0, $0xb8;
	[tilespmem:$0x10480] =	vst v63  }
0x6a: {  	s22 =	simm.s32 $0x7480  }
0x6b: {  	[tilespmem:s22], [sflag:$0x1] =	stream.indirect_vreg.gather [hbm4b:s9+s2], $0x80, v3, vm0, $0xb8;
	[tilespmem:$0x10480] =	vst v63  }
0x6c: {  	s5 =	simm.s32 $0x7C80  }
0x6d: {  	[tilespmem:s5], [sflag:$0x1] =	stream.indirect_vreg.gather [hbm4b:s10+s2], $0x80, v3, vm0, $0xb8;
	[tilespmem:$0x10480] =	vst v63  }
0x6e: {  	v3 =	vld [tilespmem:$0x380];
	_ =	sdelay $0x4  }
0x6f: {  	v62 =	vshll.u32 v3, $0x3  }
0x70: {  	v3 =	vand.u32 $0x7, v3;
	v4 =	vand.u32 $0xFFFFFFC0, v62  }
0x71: {  	v3 =	vor.u32 v3, v4  }
0x72: {  	v4 =	vperm.xlane v3, v0;
	_ =	sdelay $0x1  }
0x73: {  	v4 =	vadd.s32 v1, v4;
	_ =	sdelay $0x3  }
0x74: {  	s15 =	simm.s32 $0x8480  }
0x75: {  	[tilespmem:s15], [sflag:$0x2] =	stream.indirect_vreg.gather [hbm4b:s3+s2], $0x80, v4, vm0, $0xb8;
	[tilespmem:$0x10480] =	vst v63  }
0x76: {  	s17 =	simm.s32 $0x8C80;
	v3 =	vperm.xlane v3, v2  }
0x77: {  	[tilespmem:s17], [sflag:$0x2] =	stream.indirect_vreg.gather [hbm4b:s8+s2], $0x80, v4, vm0, $0xb8;
	[tilespmem:$0x10480] =	vst v63  }
0x78: {  	s20 =	simm.s32 $0x9480;
	v3 =	vadd.s32 v1, v3  }
0x79: {  	[tilespmem:s20], [sflag:$0x2] =	stream.indirect_vreg.gather [hbm4b:s9+s2], $0x80, v4, vm0, $0xb8;
	[tilespmem:$0x10480] =	vst v63  }
0x7a: {  	s21 =	simm.s32 $0x9C80  }
0x7b: {  	[tilespmem:s21], [sflag:$0x2] =	stream.indirect_vreg.gather [hbm4b:s10+s2], $0x80, v4, vm0, $0xb8;
	[tilespmem:$0x10480] =	vst v63  }
0x7c: {  	s22 =	simm.s32 $0xA480  }
0x7d: {  	[tilespmem:s22], [sflag:$0x2] =	stream.indirect_vreg.gather [hbm4b:s3+s2], $0x80, v3, vm0, $0xb8;
	[tilespmem:$0x10480] =	vst v63  }
0x7e: {  	_ = 	snop  }
0x7f: {  	[tilespmem:s6], [sflag:$0x2] =	stream.indirect_vreg.gather [hbm4b:s8+s2], $0x80, v3, vm0, $0xb8;
	[tilespmem:$0x10480] =	vst v63  }
0x80: {  	_ = 	snop  }
0x81: {  	[tilespmem:s23], [sflag:$0x2] =	stream.indirect_vreg.gather [hbm4b:s9+s2], $0x80, v3, vm0, $0xb8;
	[tilespmem:$0x10480] =	vst v63  }
0x82: {  	_ = 	snop  }
0x83: {  	[tilespmem:s7], [sflag:$0x2] =	stream.indirect_vreg.gather [hbm4b:s10+s2], $0x80, v3, vm0, $0xb8;
	[tilespmem:$0x10480] =	vst v63  }
0x84: {  	v3 =	vld [tilespmem:$0x390];
	_ =	sdelay $0x4  }
0x85: {  	v63 =	vshll.u32 v3, $0x3  }
0x86: {  	v3 =	vand.u32 $0x7, v3;
	v4 =	vand.u32 $0xFFFFFFC0, v63  }
0x87: {  	v3 =	vor.u32 v3, v4  }
0x88: {  	v4 =	vperm.xlane v3, v0;
	_ =	sdelay $0x1  }
0x89: {  	v4 =	vadd.s32 v1, v4;
	_ =	sdelay $0x4  }
0x8a: {  	[tilespmem:s24], [sflag:$0x2] =	stream.indirect_vreg.gather [hbm4b:s3+s2], $0x80, v4, vm0, $0xb8;
	[tilespmem:$0x10480] =	vst v63  }
0x8b: {  	v3 =	vperm.xlane v3, v2  }
0x8c: {  	[tilespmem:s25], [sflag:$0x2] =	stream.indirect_vreg.gather [hbm4b:s8+s2], $0x80, v4, vm0, $0xb8;
	[tilespmem:$0x10480] =	vst v63  }
0x8d: {  	v3 =	vadd.s32 v1, v3  }
0x8e: {  	[tilespmem:s26], [sflag:$0x2] =	stream.indirect_vreg.gather [hbm4b:s9+s2], $0x80, v4, vm0, $0xb8;
	[tilespmem:$0x10480] =	vst v63  }
0x8f: {  	_ = 	snop  }
0x90: {  	[tilespmem:s28], [sflag:$0x2] =	stream.indirect_vreg.gather [hbm4b:s10+s2], $0x80, v4, vm0, $0xb8;
	[tilespmem:$0x10480] =	vst v63  }
0x91: {  	_ = 	snop  }
0x92: {  	[tilespmem:s29], [sflag:$0x2] =	stream.indirect_vreg.gather [hbm4b:s3+s2], $0x80, v3, vm0, $0xb8;
	[tilespmem:$0x10480] =	vst v63  }
0x93: {  	_ = 	snop  }
0x94: {  	[tilespmem:s30], [sflag:$0x2] =	stream.indirect_vreg.gather [hbm4b:s8+s2], $0x80, v3, vm0, $0xb8;
	[tilespmem:$0x10480] =	vst v63  }
0x95: {  	_ = 	snop  }
0x96: {  	[tilespmem:s12], [sflag:$0x2] =	stream.indirect_vreg.gather [hbm4b:s9+s2], $0x80, v3, vm0, $0xb8;
	[tilespmem:$0x10480] =	vst v63  }
0x97: {  	_ = 	snop  }
0x98: {  	[tilespmem:s31], [sflag:$0x2] =	stream.indirect_vreg.gather [hbm4b:s10+s2], $0x80, v3, vm0, $0xb8;
	[tilespmem:$0x10480] =	vst v63  }
0x99: {  	_ =	swait.ge [sflag:s13], $0x8000  }
0x9a: {  	[sflag:s13] =	ssyncset.done $0x0  }
0x9b: {  	[sflag:s13] =	ssyncadd.s32 $0xFFFF8000  }
0x9c: {  	_ =	swait.ge [sflag:s0], $0x8000  }
0x9d: {  	s4 =	simm.s32 $0x0;
	s15 =	simm.s32 $0x0;
	[sflag:s0] =	ssyncset.done $0x0  }
0x9e: {  	s17 =	simm.s32 $0x0;
	s20 =	simm.s32 $0x0;
	[sflag:s0] =	ssyncadd.s32 $0xFFFF8000  }
.LBB2_2:
0x9f: {  	s21 =	sadd.s32 $0x40, s20;
	s22 =	sand.u32 $0x6000, s17;
	s5 =	sand.u32 $0x380, s4  }
0xa0: {  	v4 =	vmov s21;
	s21 =	sor.u32 s5, s22  }
0xa1: {  	v6 =	vld [tilespmem:s21+$0x480]  }
0xa2: {  	v7 =	vld [tilespmem:s21+$0x8480]  }
0xa3: {  	v10 =	vld [tilespmem:s21+$0x490]  }
0xa4: {  	v11 =	vld [tilespmem:s21+$0x8490]  }
0xa5: {  	v14 =	vld [tilespmem:s21+$0x4A0]  }
0xa6: {  	v17 =	vld [tilespmem:s21+$0x84A0]  }
0xa7: {  	v20 =	vld [tilespmem:s21+$0x4B0]  }
0xa8: {  	v21 =	vld [tilespmem:s21+$0x84B0]  }
0xa9: {  	v26 =	vld [tilespmem:s21+$0x4C0]  }
0xaa: {  	v27 =	vld [tilespmem:s21+$0x84C0]  }
0xab: {  	v28 =	vld [tilespmem:s21+$0x4D0]  }
0xac: {  	v29 =	vld [tilespmem:s21+$0x84D0]  }
0xad: {  	v30 =	vld [tilespmem:s21+$0x4E0]  }
0xae: {  	v31 =	vld [tilespmem:s21+$0x84E0]  }
0xaf: {  	v32 =	vld [tilespmem:s21+$0x4F0]  }
0xb0: {  	v33 =	vld [tilespmem:s21+$0x84F0]  }
0xb1: {  	v34 =	vld [tilespmem:s21+$0x880]  }
0xb2: {  	v35 =	vld [tilespmem:s21+$0x8880]  }
0xb3: {  	v36 =	vld [tilespmem:s21+$0x890]  }
0xb4: {  	v37 =	vld [tilespmem:s21+$0x8890]  }
0xb5: {  	v38 =	vld [tilespmem:s21+$0x8A0]  }
0xb6: {  	v39 =	vld [tilespmem:s21+$0x88A0]  }
0xb7: {  	v40 =	vld [tilespmem:s21+$0x8B0]  }
0xb8: {  	v41 =	vld [tilespmem:s21+$0x88B0]  }
0xb9: {  	v42 =	vld [tilespmem:s21+$0x8C0]  }
0xba: {  	v43 =	vld [tilespmem:s21+$0x88C0]  }
0xbb: {  	v44 =	vld [tilespmem:s21+$0x8D0]  }
0xbc: {  	v45 =	vld [tilespmem:s21+$0x88D0]  }
0xbd: {  	v46 =	vld [tilespmem:s21+$0x8E0]  }
0xbe: {  	v47 =	vld [tilespmem:s21+$0x88E0]  }
0xbf: {  	v48 =	vld [tilespmem:s21+$0x8F0]  }
0xc0: {  	v49 =	vld [tilespmem:s21+$0x88F0]  }
0xc1: {  	v50 =	vld [tilespmem:s21+$0xC80]  }
0xc2: {  	v51 =	vld [tilespmem:s21+$0x8C80]  }
0xc3: {  	v52 =	vld [tilespmem:s21+$0xC90]  }
0xc4: {  	v53 =	vld [tilespmem:s21+$0x8C90]  }
0xc5: {  	v54 =	vld [tilespmem:s21+$0xCA0]  }
0xc6: {  	v55 =	vld [tilespmem:s21+$0x8CA0]  }
0xc7: {  	v56 =	vld [tilespmem:s21+$0xCB0]  }
0xc8: {  	v57 =	vld [tilespmem:s21+$0x8CB0]  }
0xc9: {  	v58 =	vld [tilespmem:s21+$0xCC0]  }
0xca: {  	v59 =	vld [tilespmem:s21+$0x8CC0]  }
0xcb: {  	v60 =	vld [tilespmem:s21+$0xCD0]  }
0xcc: {  	v61 =	vld [tilespmem:s21+$0x8CD0]  }
0xcd: {  	v62 =	vld [tilespmem:s21+$0xCE0]  }
0xce: {  	v63 =	vld [tilespmem:s21+$0x8CE0]  }
0xcf: {  	v5 =	vld [tilespmem:s21+$0xCF0]  }
0xd0: {  	v2 =	vld [tilespmem:s21+$0x8CF0]  }
0xd1: {  	v24 =	vld [tilespmem:s21+$0x1080]  }
0xd2: {  	v3 =	vmov s20;
	v25 =	vld [tilespmem:s21+$0x9080]  }
0xd3: {  	v22 =	vld [tilespmem:s21+$0x1090]  }
0xd4: {  	v23 =	vld [tilespmem:s21+$0x9090]  }
0xd5: {  	v18 =	vld [tilespmem:s21+$0x10A0]  }
0xd6: {  	v19 =	vld [tilespmem:s21+$0x90A0]  }
0xd7: {  	v3 =	vld.idx.msk [tilespmem:v3+s16+$0x0], $0xffff  }
0xd8: {  	v15 =	vld [tilespmem:s21+$0x10B0]  }
0xd9: {  	v16 =	vld [tilespmem:s21+$0x90B0]  }
0xda: {  	v0 =	vld [tilespmem:s21+$0x10E0]  }
0xdb: {  	v4 =	vld.idx.msk [tilespmem:v4+s16+$0x0], $0xffff  }
0xdc: {  	v12 =	vld [tilespmem:s21+$0x10C0];
	v1 =	vmul.f32 v6, v3  }
0xdd: {  	v13 =	vld [tilespmem:s21+$0x90C0];
	v10 =	vmul.f32 v10, v3;
	v14 =	vmul.f32 v14, v3  }
0xde: {  	v8 =	vld [tilespmem:s21+$0x10D0];
	v20 =	vmul.f32 v20, v3;
	v26 =	vmul.f32 v26, v3  }
0xdf: {  	v9 =	vld [tilespmem:s21+$0x90D0];
	v34 =	vmul.f32 v34, v3;
	v38 =	vmul.f32 v38, v3  }
0xe0: {  	[tilespmem:$0x1FFC0] =	vst v0;
	v6 =	vld [tilespmem:s21+$0x10F0];
	v40 =	vmul.f32 v40, v3;
	v0 =	vmul.f32 v7, v4  }
0xe1: {  	v52 =	vmul.f32 v52, v3;
	v7 =	vld [tilespmem:s21+$0x90E0];
	v11 =	vmul.f32 v11, v4  }
0xe2: {  	v5 =	vmul.f32 v5, v3;
	v17 =	vmul.f32 v17, v4;
	v1 =	vadd.f32 v0, v1;
	v0 =	vld [tilespmem:s21+$0x90F0]  }
0xe3: {  	v24 =	vmul.f32 v24, v3;
	v21 =	vmul.f32 v21, v4;
	v10 =	vadd.f32 v11, v10;
	v11 =	vld [tilespmem:s21+$0x1480]  }
0xe4: {  	v27 =	vmul.f32 v27, v4;
	v2 =	vmul.f32 v2, v4;
	[tilespmem:s21+$0x480] =	vst v1;
	v1 =	vadd.f32 v17, v14;
	v14 =	vld [tilespmem:s21+$0x9480]  }
0xe5: {  	[tilespmem:s21+$0x490] =	vst v10;
	v10 =	vadd.f32 v21, v20;
	v21 =	vmul.f32 v28, v3;
	v28 =	vmul.f32 v29, v4;
	v17 =	vld [tilespmem:s21+$0x1490]  }
0xe6: {  	v18 =	vmul.f32 v18, v3;
	v2 =	vadd.f32 v2, v5;
	v20 =	vld [tilespmem:s21+$0x9490];
	v29 =	vmul.f32 v33, v4;
	[tilespmem:s21+$0x4A0] =	vst v1  }
0xe7: {  	v1 =	vadd.f32 v27, v26;
	v26 =	vmul.f32 v30, v3;
	[tilespmem:s21+$0x4B0] =	vst v10;
	v10 =	vadd.f32 v28, v21;
	v21 =	vld [tilespmem:s21+$0x14A0]  }
0xe8: {  	v27 =	vmul.f32 v31, v4;
	v28 =	vmul.f32 v32, v3;
	v31 =	vld [tilespmem:s21+$0x14B0]  }
0xe9: {  	v12 =	vmul.f32 v12, v3;
	v35 =	vmul.f32 v35, v4;
	[tilespmem:s21+$0xCF0] =	vst v2;
	v32 =	vld [tilespmem:s21+$0x94B0]  }
0xea: {  	v25 =	vmul.f32 v25, v4;
	v33 =	vadd.f32 v27, v26;
	v26 =	vld [tilespmem:s21+$0x94A0];
	[tilespmem:s21+$0x4D0] =	vst v10;
	v10 =	vadd.f32 v29, v28  }
0xeb: {  	[tilespmem:s21+$0x4C0] =	vst v1;
	v28 =	vmul.f32 v36, v3;
	v36 =	vmul.f32 v37, v4;
	v37 =	vadd.f32 v35, v34;
	v34 =	vld [tilespmem:s21+$0x94C0]  }
0xec: {  	v39 =	vmul.f32 v39, v4;
	v19 =	vmul.f32 v19, v4;
	v35 =	vld [tilespmem:s21+$0x14D0];
	[tilespmem:s21+$0x4E0] =	vst v33  }
0xed: {  	v13 =	vmul.f32 v13, v4;
	v27 =	vld [tilespmem:s21+$0x98A0];
	v29 =	vadd.f32 v25, v24;
	[tilespmem:s21+$0x4F0] =	vst v10;
	v10 =	vadd.f32 v36, v28  }
0xee: {  	v36 =	vmul.f32 v41, v4;
	v33 =	vld [tilespmem:s21+$0x14C0];
	[tilespmem:s21+$0x880] =	vst v37;
	v37 =	vadd.f32 v39, v38;
	v38 =	vmul.f32 v42, v3  }
0xef: {  	v39 =	vmul.f32 v43, v4;
	v41 =	vmul.f32 v45, v4;
	v28 =	vld [tilespmem:s21+$0x18A0];
	[tilespmem:s21+$0x1080] =	vst v29  }
0xf0: {  	v43 =	vmul.f32 v46, v3;
	[tilespmem:s21+$0x890] =	vst v10;
	v10 =	vadd.f32 v36, v40;
	v40 =	vmul.f32 v44, v3;
	v36 =	vld [tilespmem:s21+$0x94D0]  }
0xf1: {  	v46 =	vmul.f32 v48, v3;
	[tilespmem:s21+$0x8A0] =	vst v37;
	v42 =	vadd.f32 v39, v38;
	v44 =	vmul.f32 v47, v4;
	v37 =	vld [tilespmem:s21+$0x14E0]  }
0xf2: {  	v47 =	vmul.f32 v49, v4;
	v49 =	vmul.f32 v50, v3;
	v38 =	vld [tilespmem:s21+$0x94E0];
	[tilespmem:s21+$0x8B0] =	vst v10;
	v45 =	vadd.f32 v41, v40  }
0xf3: {  	v50 =	vmul.f32 v51, v4;
	v39 =	vld [tilespmem:s21+$0x14F0];
	[tilespmem:s21+$0x8C0] =	vst v42;
	v48 =	vadd.f32 v44, v43;
	v44 =	vmul.f32 v53, v4  }
0xf4: {  	v51 =	vadd.f32 v47, v46;
	v46 =	vmul.f32 v54, v3;
	v47 =	vmul.f32 v55, v4;
	v40 =	vld [tilespmem:s21+$0x94F0];
	[tilespmem:s21+$0x8D0] =	vst v45  }
0xf5: {  	v41 =	vld [tilespmem:s21+$0x1880];
	v53 =	vmul.f32 v59, v4;
	v55 =	vmul.f32 v60, v3;
	[tilespmem:s21+$0x8E0] =	vst v48;
	v45 =	vadd.f32 v50, v49  }
0xf6: {  	v42 =	vld [tilespmem:s21+$0x9880];
	v59 =	vmul.f32 v63, v4;
	v63 =	vmul.f32 v23, v4;
	[tilespmem:s21+$0x8F0] =	vst v51;
	v48 =	vadd.f32 v44, v52  }
0xf7: {  	v43 =	vld [tilespmem:s21+$0x1890];
	v49 =	vmul.f32 v56, v3;
	v50 =	vmul.f32 v57, v4;
	v51 =	vadd.f32 v47, v46;
	[tilespmem:s21+$0xC80] =	vst v45  }
0xf8: {  	v23 =	vld [tilespmem:s21+$0x98B0];
	v25 =	vmul.f32 v33, v3;
	v52 =	vmul.f32 v58, v3;
	v47 =	vadd.f32 v19, v18;
	[tilespmem:s21+$0xC90] =	vst v48  }
0xf9: {  	v56 =	vmul.f32 v61, v4;
	v58 =	vmul.f32 v62, v3;
	v44 =	vld [tilespmem:s21+$0x9890];
	v54 =	vadd.f32 v50, v49;
	[tilespmem:s21+$0xCA0] =	vst v51  }
0xfa: {  	v62 =	vmul.f32 v22, v3;
	v22 =	vld [tilespmem:s21+$0x18B0];
	v46 =	vmul.f32 v16, v4;
	v57 =	vadd.f32 v53, v52;
	[tilespmem:s21+$0x10A0] =	vst v47  }
0xfb: {  	v16 =	vld [tilespmem:s21+$0x98C0];
	v33 =	vmul.f32 v37, v3;
	v60 =	vadd.f32 v56, v55;
	v45 =	vmul.f32 v15, v3;
	[tilespmem:s21+$0xCB0] =	vst v54  }
0xfc: {  	v18 =	vld [tilespmem:s21+$0x1C90];
	v61 =	vadd.f32 v59, v58;
	v49 =	vmul.f32 v8, v3;
	v50 =	vmul.f32 v9, v4;
	[tilespmem:s21+$0xCC0] =	vst v57  }
0xfd: {  	v19 =	vld [tilespmem:s21+$0x9C90];
	v30 =	vadd.f32 v63, v62;
	v56 =	vmul.f32 v11, v3;
	v58 =	vmul.f32 v17, v3;
	[tilespmem:s21+$0xCD0] =	vst v60  }
0xfe: {  	v15 =	vld [tilespmem:s21+$0x18C0];
	v51 =	vadd.f32 v13, v12;
	v59 =	vmul.f32 v20, v4;
	v62 =	vmul.f32 v26, v4;
	[tilespmem:s21+$0xCE0] =	vst v61  }
0xff: {  	v9 =	vld [tilespmem:s21+$0x18D0];
	v20 =	vmul.f32 v31, v3;
	v26 =	vmul.f32 v34, v4;
	[tilespmem:s21+$0x1090] =	vst v30;
	v48 =	vadd.f32 v46, v45  }
0x100: {  	v52 =	vld [tilespmem:$0x1FFC0];
	v31 =	vmul.f32 v36, v4;
	v34 =	vmul.f32 v38, v4;
	v53 =	vadd.f32 v50, v49;
	[tilespmem:s21+$0x10C0] =	vst v51  }
0x101: {  	v12 =	vld [tilespmem:s21+$0x98D0];
	v36 =	vmul.f32 v39, v3;
	v37 =	vmul.f32 v40, v4;
	v63 =	vadd.f32 v59, v58;
	[tilespmem:s21+$0x10B0] =	vst v48  }
0x102: {  	v11 =	vld [tilespmem:s21+$0x18F0];
	v61 =	vmul.f32 v21, v3;
	v21 =	vmul.f32 v32, v4;
	v32 =	vadd.f32 v26, v25;
	[tilespmem:s21+$0x10D0] =	vst v53  }
0x103: {  	v13 =	vld [tilespmem:s21+$0x98F0];
	v39 =	vmul.f32 v41, v3;
	v40 =	vmul.f32 v42, v4;
	v38 =	vadd.f32 v34, v33;
	[tilespmem:s21+$0x1490] =	vst v63  }
0x104: {  	v0 =	vmul.f32 v0, v4;
	v17 =	vld [tilespmem:s21+$0x9C80];
	v54 =	vmul.f32 v6, v3;
	v42 =	vadd.f32 v37, v36;
	[tilespmem:s21+$0x14C0] =	vst v32  }
0x105: {  	v41 =	vld [tilespmem:s21+$0x9CA0];
	v57 =	vmul.f32 v14, v4;
	v47 =	vadd.f32 v40, v39;
	[tilespmem:s21+$0x14E0] =	vst v38  }
0x106: {  	v6 =	vld [tilespmem:s21+$0x18E0];
	v0 =	vadd.f32 v0, v54;
	[tilespmem:s21+$0x14F0] =	vst v42  }
0x107: {  	v14 =	vld [tilespmem:s21+$0x1C80];
	v60 =	vadd.f32 v57, v56;
	[tilespmem:s21+$0x1880] =	vst v47  }
0x108: {  	v7 =	vmul.f32 v7, v4;
	v30 =	vmul.f32 v35, v3;
	v46 =	vld [tilespmem:s21+$0x1CB0];
	v24 =	vadd.f32 v62, v61;
	[tilespmem:s21+$0x10F0] =	vst v0  }
0x109: {  	v43 =	vmul.f32 v43, v3;
	v50 =	vld [tilespmem:s21+$0x9CB0];
	v45 =	vmul.f32 v44, v4;
	v29 =	vadd.f32 v21, v20;
	[tilespmem:s21+$0x1480] =	vst v60  }
0x10a: {  	v49 =	vmul.f32 v27, v4;
	v58 =	vld [tilespmem:s21+$0x1CD0];
	v35 =	vadd.f32 v31, v30;
	v10 =	vmul.f32 v52, v3;
	[tilespmem:s21+$0x14A0] =	vst v24  }
0x10b: {  	v36 =	vld [tilespmem:s21+$0x9CF0];
	v53 =	vmul.f32 v23, v4;
	v51 =	vadd.f32 v45, v43;
	v52 =	vmul.f32 v22, v3;
	[tilespmem:s21+$0x14B0] =	vst v29  }
0x10c: {  	v40 =	vld [tilespmem:s21+$0x9CC0];
	v57 =	vmul.f32 v16, v4;
	v56 =	vmul.f32 v15, v3;
	[tilespmem:s21+$0x14D0] =	vst v35;
	v55 =	vadd.f32 v7, v10  }
0x10d: {  	v20 =	vld [tilespmem:s21+$0x1CA0];
	v26 =	vmul.f32 v11, v3;
	v27 =	vmul.f32 v13, v4;
	[tilespmem:s21+$0x1890] =	vst v51;
	v59 =	vadd.f32 v53, v52  }
0x10e: {  	v62 =	vld [tilespmem:s21+$0x9CD0];
	v61 =	vmul.f32 v12, v4;
	v60 =	vmul.f32 v9, v3;
	v63 =	vadd.f32 v57, v56;
	[tilespmem:s21+$0x10E0] =	vst v55  }
0x10f: {  	v34 =	vmul.f32 v18, v3;
	v16 =	vld [tilespmem:s21+$0x1CE0];
	v35 =	vmul.f32 v19, v4;
	v33 =	vadd.f32 v27, v26;
	[tilespmem:s21+$0x18B0] =	vst v59  }
0x110: {  	v48 =	vmul.f32 v28, v3;
	v28 =	vld [tilespmem:s21+$0x9CE0];
	v31 =	vmul.f32 v17, v4;
	v23 =	vadd.f32 v61, v60;
	[tilespmem:s21+$0x18C0] =	vst v63  }
0x111: {  	v32 =	vld [tilespmem:s21+$0x1CF0];
	v39 =	vmul.f32 v41, v4;
	v30 =	vmul.f32 v14, v3;
	v41 =	vadd.f32 v35, v34;
	[tilespmem:s21+$0x18F0] =	vst v33  }
0x112: {  	v10 =	vld [tilespmem:s21+$0x98E0];
	v42 =	vmul.f32 v46, v3;
	v43 =	vmul.f32 v50, v4;
	v55 =	vadd.f32 v49, v48;
	[tilespmem:s21+$0x18D0] =	vst v23  }
0x113: {  	v54 =	vld [tilespmem:s21+$0x1CC0];
	v37 =	vadd.f32 v31, v30;
	v38 =	vmul.f32 v20, v3;
	[tilespmem:s21+$0x1C90] =	vst v41  }
0x114: {  	v45 =	vmul.f32 v58, v3;
	v46 =	vmul.f32 v62, v4;
	v47 =	vadd.f32 v43, v42;
	[tilespmem:s21+$0x18A0] =	vst v55  }
0x115: {  	v48 =	vmul.f32 v16, v3;
	v49 =	vmul.f32 v28, v4;
	[tilespmem:s21+$0x1C80] =	vst v37;
	v44 =	vadd.f32 v39, v38  }
0x116: {  	v52 =	vmul.f32 v36, v4;
	v51 =	vmul.f32 v32, v3;
	v50 =	vadd.f32 v46, v45;
	[tilespmem:s21+$0x1CB0] =	vst v47  }
0x117: {  	v6 =	vmul.f32 v6, v3;
	v53 =	vadd.f32 v49, v48;
	v12 =	vmul.f32 v10, v4;
	[tilespmem:s21+$0x1CA0] =	vst v44  }
0x118: {  	s22 =	sand.u32 $0x7, s15;
	v54 =	vmul.f32 v54, v3;
	v55 =	vmul.f32 v40, v4;
	v56 =	vadd.f32 v52, v51;
	[tilespmem:s21+$0x1CD0] =	vst v50  }
0x119: {  	s5 =	sshll.u32 s22, $0x7;
	[tilespmem:s21+$0x1CE0] =	vst v53;
	v29 =	vadd.f32 v12, v6  }
0x11a: {  	s5 =	sadd.s32 s5, s17;
	v2 =	vadd.f32 v55, v54;
	[tilespmem:s21+$0x1CF0] =	vst v56  }
0x11b: {  	s22 =	sor.u32 $0x1C00, s5;
	[tilespmem:s21+$0x18E0] =	vst v29  }
0x11c: {  	[tilespmem:s21+$0x1CC0] =	vst v2;
	v0 =	vld [tilespmem:s22+$0x480]  }
0x11d: {  	v1 =	vld [tilespmem:s22+$0x8480];
	_ =	sdelay $0x4  }
0x11e: {  	v0 =	vmul.f32 v0, v3;
	v1 =	vmul.f32 v1, v4;
	_ =	sdelay $0x1  }
0x11f: {  	v0 =	vadd.f32 v1, v0;
	_ =	sdelay $0x1  }
0x120: {  	[tilespmem:s22+$0x480] =	vst v0;
	s22 =	sor.u32 $0x1C10, s5  }
0x121: {  	v0 =	vld [tilespmem:s22+$0x480]  }
0x122: {  	v57 =	vld [tilespmem:s22+$0x8480];
	_ =	sdelay $0x4  }
0x123: {  	v0 =	vmul.f32 v0, v3;
	v1 =	vmul.f32 v57, v4;
	_ =	sdelay $0x1  }
0x124: {  	v0 =	vadd.f32 v1, v0;
	_ =	sdelay $0x1  }
0x125: {  	[tilespmem:s22+$0x480] =	vst v0;
	s22 =	sor.u32 $0x1C20, s5  }
0x126: {  	v0 =	vld [tilespmem:s22+$0x480]  }
0x127: {  	v58 =	vld [tilespmem:s22+$0x8480];
	_ =	sdelay $0x4  }
0x128: {  	v0 =	vmul.f32 v0, v3;
	v1 =	vmul.f32 v58, v4;
	_ =	sdelay $0x1  }
0x129: {  	v0 =	vadd.f32 v1, v0;
	_ =	sdelay $0x1  }
0x12a: {  	[tilespmem:s22+$0x480] =	vst v0;
	s22 =	sor.u32 $0x1C30, s5  }
0x12b: {  	v0 =	vld [tilespmem:s22+$0x480]  }
0x12c: {  	v59 =	vld [tilespmem:s22+$0x8480];
	_ =	sdelay $0x4  }
0x12d: {  	v0 =	vmul.f32 v0, v3;
	v1 =	vmul.f32 v59, v4;
	_ =	sdelay $0x1  }
0x12e: {  	v0 =	vadd.f32 v1, v0;
	_ =	sdelay $0x1  }
0x12f: {  	[tilespmem:s22+$0x480] =	vst v0;
	s22 =	sor.u32 $0x1C40, s5  }
0x130: {  	v0 =	vld [tilespmem:s22+$0x480]  }
0x131: {  	v60 =	vld [tilespmem:s22+$0x8480];
	_ =	sdelay $0x4  }
0x132: {  	v0 =	vmul.f32 v0, v3;
	v1 =	vmul.f32 v60, v4;
	_ =	sdelay $0x1  }
0x133: {  	v0 =	vadd.f32 v1, v0;
	_ =	sdelay $0x1  }
0x134: {  	[tilespmem:s22+$0x480] =	vst v0;
	s22 =	sor.u32 $0x1C50, s5  }
0x135: {  	v0 =	vld [tilespmem:s22+$0x480]  }
0x136: {  	v61 =	vld [tilespmem:s22+$0x8480];
	_ =	sdelay $0x4  }
0x137: {  	v0 =	vmul.f32 v0, v3;
	v1 =	vmul.f32 v61, v4;
	_ =	sdelay $0x1  }
0x138: {  	v0 =	vadd.f32 v1, v0;
	_ =	sdelay $0x1  }
0x139: {  	[tilespmem:s22+$0x480] =	vst v0;
	s22 =	sor.u32 $0x1C60, s5  }
0x13a: {  	v0 =	vld [tilespmem:s22+$0x480]  }
0x13b: {  	v62 =	vld [tilespmem:s22+$0x8480];
	_ =	sdelay $0x4  }
0x13c: {  	v0 =	vmul.f32 v0, v3;
	v1 =	vmul.f32 v62, v4;
	_ =	sdelay $0x1  }
0x13d: {  	v0 =	vadd.f32 v1, v0;
	_ =	sdelay $0x1  }
0x13e: {  	s5 =	sor.u32 $0x1C70, s5;
	[tilespmem:s22+$0x480] =	vst v0  }
0x13f: {  	v0 =	vld [tilespmem:s5+$0x480]  }
0x140: {  	v63 =	vld [tilespmem:s5+$0x8480];
	_ =	sdelay $0x3  }
0x141: {  	p0 =	sne.s32 s20, $0x1F  }
.Ltmp0:
0x142: {  	v0 =	vmul.f32 v0, v3;
	v1 =	vmul.f32 v63, v4;
	(pc) =	sbr.rel @p0 .LBB2_2-.Ltmp0, $4  }
0x143: {  	_ = 	snop  }
0x144: {  	v0 =	vadd.f32 v1, v0  }
0x145: {  	s4 =	sadd.s32 $0x80, s4  }
0x146: {  	s20 =	sadd.s32 $0x1, s20;
	s15 =	sadd.s32 $0x1, s15;
	s17 =	sadd.s32 $0x400, s17;
	[tilespmem:s5+$0x480] =	vst v0  }
0x147: {  	s15 =	simm.s32 $0x0  }
0x148: {  	[hbm4b:s11+s15] =	stream.linear.scatter [tilespmem:s19], [sflag:$0x3], $0x8000, $0x38;
	[tilespmem:$0x10480] =	vst v63  }
0x149: {  	_ =	swait.ge [sflag:s14], $0x8000  }
0x14a: {  	[sflag:s14] =	ssyncset.done $0x0  }
0x14b: {  	[sflag:s14] =	ssyncadd.s32 $0xFFFF8000  }
0x14c: {  	v0 =	vld [tilespmem:$0x300];
	_ =	sdelay $0x2  }
0x14d: {  	v2 =	vld [tilespmem:$0x1FFD0];
	_ =	sdelay $0x1  }
0x14e: {  	v3 =	vld [tilespmem:$0x1FFE0];
	v1 =	vshll.u32 v0, $0x3  }
0x14f: {  	v0 =	vand.u32 $0x7, v0;
	v1 =	vand.u32 $0xFFFFFFC0, v1  }
0x150: {  	v0 =	vor.u32 v0, v1  }
0x151: {  	v1 =	vperm.xlane v0, v2;
	_ =	sdelay $0x1  }
0x152: {  	v1 =	vadd.s32 v3, v1  }
0x153: {  	v4 =	vld [tilespmem:$0x1FFF0];
	_ =	sdelay $0x3  }
0x154: {  	[tilespmem:s19], [sflag:$0x1] =	stream.indirect_vreg.gather [hbm4b:s3+s15], $0x80, v1, vm0, $0xb8;
	[tilespmem:$0x10480] =	vst v63  }
0x155: {  	s4 =	simm.s32 $0xC80;
	v0 =	vperm.xlane v0, v4  }
0x156: {  	[tilespmem:s4], [sflag:$0x1] =	stream.indirect_vreg.gather [hbm4b:s8+s15], $0x80, v1, vm0, $0xb8;
	[tilespmem:$0x10480] =	vst v63  }
0x157: {  	s17 =	simm.s32 $0x1480;
	v0 =	vadd.s32 v3, v0  }
0x158: {  	[tilespmem:s17], [sflag:$0x1] =	stream.indirect_vreg.gather [hbm4b:s9+s15], $0x80, v1, vm0, $0xb8;
	[tilespmem:$0x10480] =	vst v63  }
0x159: {  	s20 =	simm.s32 $0x1C80  }
0x15a: {  	[tilespmem:s20], [sflag:$0x1] =	stream.indirect_vreg.gather [hbm4b:s10+s15], $0x80, v1, vm0, $0xb8;
	[tilespmem:$0x10480] =	vst v63  }
0x15b: {  	s21 =	simm.s32 $0x2480  }
0x15c: {  	[tilespmem:s21], [sflag:$0x1] =	stream.indirect_vreg.gather [hbm4b:s3+s15], $0x80, v0, vm0, $0xb8;
	[tilespmem:$0x10480] =	vst v63  }
0x15d: {  	s22 =	simm.s32 $0x2C80  }
0x15e: {  	[tilespmem:s22], [sflag:$0x1] =	stream.indirect_vreg.gather [hbm4b:s8+s15], $0x80, v0, vm0, $0xb8;
	[tilespmem:$0x10480] =	vst v63  }
0x15f: {  	s5 =	simm.s32 $0x3480  }
0x160: {  	[tilespmem:s5], [sflag:$0x1] =	stream.indirect_vreg.gather [hbm4b:s9+s15], $0x80, v0, vm0, $0xb8;
	[tilespmem:$0x10480] =	vst v63  }
0x161: {  	s17 =	simm.s32 $0x3C80  }
0x162: {  	[tilespmem:s17], [sflag:$0x1] =	stream.indirect_vreg.gather [hbm4b:s10+s15], $0x80, v0, vm0, $0xb8;
	[tilespmem:$0x10480] =	vst v63  }
0x163: {  	v0 =	vld [tilespmem:$0x310];
	_ =	sdelay $0x4  }
0x164: {  	v61 =	vshll.u32 v0, $0x3  }
0x165: {  	v0 =	vand.u32 $0x7, v0;
	v1 =	vand.u32 $0xFFFFFFC0, v61  }
0x166: {  	v0 =	vor.u32 v0, v1  }
0x167: {  	v1 =	vperm.xlane v0, v2;
	_ =	sdelay $0x1  }
0x168: {  	v1 =	vadd.s32 v3, v1;
	_ =	sdelay $0x3  }
0x169: {  	s20 =	simm.s32 $0x4480  }
0x16a: {  	[tilespmem:s20], [sflag:$0x1] =	stream.indirect_vreg.gather [hbm4b:s3+s15], $0x80, v1, vm0, $0xb8;
	[tilespmem:$0x10480] =	vst v63  }
0x16b: {  	s21 =	simm.s32 $0x4C80;
	v0 =	vperm.xlane v0, v4  }
0x16c: {  	[tilespmem:s21], [sflag:$0x1] =	stream.indirect_vreg.gather [hbm4b:s8+s15], $0x80, v1, vm0, $0xb8;
	[tilespmem:$0x10480] =	vst v63  }
0x16d: {  	s22 =	simm.s32 $0x5480;
	v0 =	vadd.s32 v3, v0  }
0x16e: {  	[tilespmem:s22], [sflag:$0x1] =	stream.indirect_vreg.gather [hbm4b:s9+s15], $0x80, v1, vm0, $0xb8;
	[tilespmem:$0x10480] =	vst v63  }
0x16f: {  	s5 =	simm.s32 $0x5C80  }
0x170: {  	[tilespmem:s5], [sflag:$0x1] =	stream.indirect_vreg.gather [hbm4b:s10+s15], $0x80, v1, vm0, $0xb8;
	[tilespmem:$0x10480] =	vst v63  }
0x171: {  	s17 =	simm.s32 $0x6480  }
0x172: {  	[tilespmem:s17], [sflag:$0x1] =	stream.indirect_vreg.gather [hbm4b:s3+s15], $0x80, v0, vm0, $0xb8;
	[tilespmem:$0x10480] =	vst v63  }
0x173: {  	s20 =	simm.s32 $0x6C80  }
0x174: {  	[tilespmem:s20], [sflag:$0x1] =	stream.indirect_vreg.gather [hbm4b:s8+s15], $0x80, v0, vm0, $0xb8;
	[tilespmem:$0x10480] =	vst v63  }
0x175: {  	s21 =	simm.s32 $0x7480  }
0x176: {  	[tilespmem:s21], [sflag:$0x1] =	stream.indirect_vreg.gather [hbm4b:s9+s15], $0x80, v0, vm0, $0xb8;
	[tilespmem:$0x10480] =	vst v63  }
0x177: {  	s22 =	simm.s32 $0x7C80  }
0x178: {  	[tilespmem:s22], [sflag:$0x1] =	stream.indirect_vreg.gather [hbm4b:s10+s15], $0x80, v0, vm0, $0xb8;
	[tilespmem:$0x10480] =	vst v63  }
0x179: {  	v0 =	vld [tilespmem:$0x400];
	_ =	sdelay $0x4  }
0x17a: {  	v62 =	vshll.u32 v0, $0x3  }
0x17b: {  	v0 =	vand.u32 $0x7, v0;
	v1 =	vand.u32 $0xFFFFFFC0, v62  }
0x17c: {  	v0 =	vor.u32 v0, v1  }
0x17d: {  	v1 =	vperm.xlane v0, v2;
	_ =	sdelay $0x1  }
0x17e: {  	v1 =	vadd.s32 v3, v1;
	_ =	sdelay $0x3  }
0x17f: {  	s5 =	simm.s32 $0x8480  }
0x180: {  	[tilespmem:s5], [sflag:$0x2] =	stream.indirect_vreg.gather [hbm4b:s3+s15], $0x80, v1, vm0, $0xb8;
	[tilespmem:$0x10480] =	vst v63  }
0x181: {  	s17 =	simm.s32 $0x8C80;
	v0 =	vperm.xlane v0, v4  }
0x182: {  	[tilespmem:s17], [sflag:$0x2] =	stream.indirect_vreg.gather [hbm4b:s8+s15], $0x80, v1, vm0, $0xb8;
	[tilespmem:$0x10480] =	vst v63  }
0x183: {  	s20 =	simm.s32 $0x9480;
	v0 =	vadd.s32 v3, v0  }
0x184: {  	[tilespmem:s20], [sflag:$0x2] =	stream.indirect_vreg.gather [hbm4b:s9+s15], $0x80, v1, vm0, $0xb8;
	[tilespmem:$0x10480] =	vst v63  }
0x185: {  	s21 =	simm.s32 $0x9C80  }
0x186: {  	[tilespmem:s21], [sflag:$0x2] =	stream.indirect_vreg.gather [hbm4b:s10+s15], $0x80, v1, vm0, $0xb8;
	[tilespmem:$0x10480] =	vst v63  }
0x187: {  	s22 =	simm.s32 $0xA480  }
0x188: {  	[tilespmem:s22], [sflag:$0x2] =	stream.indirect_vreg.gather [hbm4b:s3+s15], $0x80, v0, vm0, $0xb8;
	[tilespmem:$0x10480] =	vst v63  }
0x189: {  	_ = 	snop  }
0x18a: {  	[tilespmem:s6], [sflag:$0x2] =	stream.indirect_vreg.gather [hbm4b:s8+s15], $0x80, v0, vm0, $0xb8;
	[tilespmem:$0x10480] =	vst v63  }
0x18b: {  	_ = 	snop  }
0x18c: {  	[tilespmem:s23], [sflag:$0x2] =	stream.indirect_vreg.gather [hbm4b:s9+s15], $0x80, v0, vm0, $0xb8;
	[tilespmem:$0x10480] =	vst v63  }
0x18d: {  	_ = 	snop  }
0x18e: {  	[tilespmem:s7], [sflag:$0x2] =	stream.indirect_vreg.gather [hbm4b:s10+s15], $0x80, v0, vm0, $0xb8;
	[tilespmem:$0x10480] =	vst v63  }
0x18f: {  	v0 =	vld [tilespmem:$0x410];
	_ =	sdelay $0x4  }
0x190: {  	v63 =	vshll.u32 v0, $0x3  }
0x191: {  	v0 =	vand.u32 $0x7, v0;
	v1 =	vand.u32 $0xFFFFFFC0, v63  }
0x192: {  	v0 =	vor.u32 v0, v1  }
0x193: {  	v1 =	vperm.xlane v0, v2;
	_ =	sdelay $0x1  }
0x194: {  	v1 =	vadd.s32 v3, v1;
	_ =	sdelay $0x4  }
0x195: {  	[tilespmem:s24], [sflag:$0x2] =	stream.indirect_vreg.gather [hbm4b:s3+s15], $0x80, v1, vm0, $0xb8;
	[tilespmem:$0x10480] =	vst v63  }
0x196: {  	v0 =	vperm.xlane v0, v4  }
0x197: {  	[tilespmem:s25], [sflag:$0x2] =	stream.indirect_vreg.gather [hbm4b:s8+s15], $0x80, v1, vm0, $0xb8;
	[tilespmem:$0x10480] =	vst v63  }
0x198: {  	v0 =	vadd.s32 v3, v0  }
0x199: {  	[tilespmem:s26], [sflag:$0x2] =	stream.indirect_vreg.gather [hbm4b:s9+s15], $0x80, v1, vm0, $0xb8;
	[tilespmem:$0x10480] =	vst v63  }
0x19a: {  	_ = 	snop  }
0x19b: {  	[tilespmem:s28], [sflag:$0x2] =	stream.indirect_vreg.gather [hbm4b:s10+s15], $0x80, v1, vm0, $0xb8;
	[tilespmem:$0x10480] =	vst v63  }
0x19c: {  	_ = 	snop  }
0x19d: {  	[tilespmem:s29], [sflag:$0x2] =	stream.indirect_vreg.gather [hbm4b:s3+s15], $0x80, v0, vm0, $0xb8;
	[tilespmem:$0x10480] =	vst v63  }
0x19e: {  	_ = 	snop  }
0x19f: {  	[tilespmem:s30], [sflag:$0x2] =	stream.indirect_vreg.gather [hbm4b:s8+s15], $0x80, v0, vm0, $0xb8;
	[tilespmem:$0x10480] =	vst v63  }
0x1a0: {  	_ = 	snop  }
0x1a1: {  	[tilespmem:s12], [sflag:$0x2] =	stream.indirect_vreg.gather [hbm4b:s9+s15], $0x80, v0, vm0, $0xb8;
	[tilespmem:$0x10480] =	vst v63  }
0x1a2: {  	_ = 	snop  }
0x1a3: {  	[tilespmem:s31], [sflag:$0x2] =	stream.indirect_vreg.gather [hbm4b:s10+s15], $0x80, v0, vm0, $0xb8;
	[tilespmem:$0x10480] =	vst v63  }
0x1a4: {  	_ =	swait.ge [sflag:s13], $0x8000  }
0x1a5: {  	[sflag:s13] =	ssyncset.done $0x0  }
0x1a6: {  	[sflag:s13] =	ssyncadd.s32 $0xFFFF8000  }
0x1a7: {  	_ =	swait.ge [sflag:s0], $0x8000  }
0x1a8: {  	s4 =	simm.s32 $0x0;
	[sflag:s0] =	ssyncset.done $0x0  }
0x1a9: {  	s17 =	simm.s32 $0x20;
	s20 =	simm.s32 $0x0;
	[sflag:s0] =	ssyncadd.s32 $0xFFFF8000  }
.LBB2_4:
0x1aa: {  	s22 =	sand.u32 $0x6000, s4;
	s21 =	sand.u32 $0x380, s20  }
0x1ab: {  	s21 =	sor.u32 s21, s22  }
0x1ac: {  	v2 =	vld [tilespmem:s21+$0x490]  }
0x1ad: {  	v6 =	vld [tilespmem:s21+$0x8490]  }
0x1ae: {  	v10 =	vld [tilespmem:s21+$0x4A0]  }
0x1af: {  	v11 =	vld [tilespmem:s21+$0x84A0]  }
0x1b0: {  	v14 =	vld [tilespmem:s21+$0x4B0]  }
0x1b1: {  	v17 =	vld [tilespmem:s21+$0x84B0]  }
0x1b2: {  	v20 =	vld [tilespmem:s21+$0x4C0]  }
0x1b3: {  	v21 =	vld [tilespmem:s21+$0x84C0]  }
0x1b4: {  	v26 =	vld [tilespmem:s21+$0x4D0]  }
0x1b5: {  	v27 =	vld [tilespmem:s21+$0x84D0]  }
0x1b6: {  	v28 =	vld [tilespmem:s21+$0x4E0]  }
0x1b7: {  	v29 =	vld [tilespmem:s21+$0x84E0]  }
0x1b8: {  	v30 =	vld [tilespmem:s21+$0x4F0]  }
0x1b9: {  	v31 =	vld [tilespmem:s21+$0x84F0]  }
0x1ba: {  	v32 =	vld [tilespmem:s21+$0x880]  }
0x1bb: {  	v33 =	vld [tilespmem:s21+$0x8880]  }
0x1bc: {  	v34 =	vld [tilespmem:s21+$0x890]  }
0x1bd: {  	v35 =	vld [tilespmem:s21+$0x8890]  }
0x1be: {  	v36 =	vld [tilespmem:s21+$0x8A0]  }
0x1bf: {  	v37 =	vld [tilespmem:s21+$0x88A0]  }
0x1c0: {  	v38 =	vld [tilespmem:s21+$0x8B0]  }
0x1c1: {  	v39 =	vld [tilespmem:s21+$0x88B0]  }
0x1c2: {  	v40 =	vld [tilespmem:s21+$0x8C0]  }
0x1c3: {  	v41 =	vld [tilespmem:s21+$0x88C0]  }
0x1c4: {  	v42 =	vld [tilespmem:s21+$0x8D0]  }
0x1c5: {  	v43 =	vld [tilespmem:s21+$0x88D0]  }
0x1c6: {  	v44 =	vld [tilespmem:s21+$0x8E0]  }
0x1c7: {  	v45 =	vld [tilespmem:s21+$0x88E0]  }
0x1c8: {  	v46 =	vld [tilespmem:s21+$0x8F0]  }
0x1c9: {  	v47 =	vld [tilespmem:s21+$0x88F0]  }
0x1ca: {  	v48 =	vld [tilespmem:s21+$0xC80]  }
0x1cb: {  	v49 =	vld [tilespmem:s21+$0x8C80]  }
0x1cc: {  	v50 =	vld [tilespmem:s21+$0xC90]  }
0x1cd: {  	v51 =	vld [tilespmem:s21+$0x8C90]  }
0x1ce: {  	v52 =	vld [tilespmem:s21+$0xCA0]  }
0x1cf: {  	v53 =	vld [tilespmem:s21+$0x8CA0]  }
0x1d0: {  	v54 =	vld [tilespmem:s21+$0xCB0]  }
0x1d1: {  	v55 =	vld [tilespmem:s21+$0x8CB0]  }
0x1d2: {  	v56 =	vld [tilespmem:s21+$0xCC0]  }
0x1d3: {  	v57 =	vld [tilespmem:s21+$0x8CC0]  }
0x1d4: {  	v58 =	vld [tilespmem:s21+$0xCD0]  }
0x1d5: {  	v59 =	vld [tilespmem:s21+$0x8CD0]  }
0x1d6: {  	v60 =	vld [tilespmem:s21+$0xCE0]  }
0x1d7: {  	v61 =	vld [tilespmem:s21+$0x8CE0]  }
0x1d8: {  	v62 =	vld [tilespmem:s21+$0xCF0]  }
0x1d9: {  	v63 =	vld [tilespmem:s21+$0x8CF0]  }
0x1da: {  	v24 =	vld [tilespmem:s21+$0x1080]  }
0x1db: {  	v25 =	vld [tilespmem:s21+$0x9080]  }
0x1dc: {  	v22 =	vld [tilespmem:s21+$0x1090]  }
0x1dd: {  	v0 =	vmov s17;
	v23 =	vld [tilespmem:s21+$0x9090]  }
0x1de: {  	s5 =	sadd.s32 $0x40, s17;
	v18 =	vld [tilespmem:s21+$0x10A0]  }
0x1df: {  	v1 =	vmov s5;
	v19 =	vld [tilespmem:s21+$0x90A0]  }
0x1e0: {  	v15 =	vld [tilespmem:s21+$0x10B0]  }
0x1e1: {  	v16 =	vld [tilespmem:s21+$0x90B0]  }
0x1e2: {  	v3 =	vld.idx.msk [tilespmem:v0+s16+$0x0], $0xffff  }
0x1e3: {  	v0 =	vld [tilespmem:s21+$0x480]  }
0x1e4: {  	v4 =	vld.idx.msk [tilespmem:v1+s16+$0x0], $0xffff  }
0x1e5: {  	v1 =	vld [tilespmem:s21+$0x8480]  }
0x1e6: {  	v5 =	vld [tilespmem:s21+$0x10E0]  }
0x1e7: {  	v12 =	vld [tilespmem:s21+$0x10C0]  }
0x1e8: {  	v13 =	vld [tilespmem:s21+$0x90C0]  }
0x1e9: {  	v8 =	vld [tilespmem:s21+$0x10D0]  }
0x1ea: {  	v9 =	vld [tilespmem:s21+$0x90D0];
	v0 =	vmul.f32 v0, v3;
	v1 =	vmul.f32 v1, v4  }
0x1eb: {  	v7 =	vld [tilespmem:s21+$0x90E0];
	[tilespmem:$0x1FFA0] =	vst v5;
	v5 =	vmul.f32 v2, v3;
	v2 =	vmul.f32 v6, v4  }
0x1ec: {  	v6 =	vld [tilespmem:s21+$0x10F0];
	v17 =	vmul.f32 v17, v4;
	v0 =	vadd.f32 v1, v0  }
0x1ed: {  	v1 =	vmul.f32 v10, v3;
	v10 =	vld [tilespmem:s21+$0x90F0];
	v5 =	vadd.f32 v2, v5;
	v2 =	vmul.f32 v14, v3  }
0x1ee: {  	v11 =	vmul.f32 v11, v4;
	v14 =	vld [tilespmem:s21+$0x9480]  }
0x1ef: {  	v26 =	vmul.f32 v26, v3;
	v2 =	vadd.f32 v17, v2;
	v17 =	vld [tilespmem:s21+$0x1490]  }
0x1f0: {  	[tilespmem:s21+$0x480] =	vst v0;
	v0 =	vadd.f32 v11, v1;
	v1 =	vmul.f32 v20, v3;
	v11 =	vmul.f32 v21, v4;
	v20 =	vld [tilespmem:s21+$0x9490]  }
0x1f1: {  	v30 =	vmul.f32 v30, v3;
	v27 =	vmul.f32 v27, v4;
	v21 =	vld [tilespmem:s21+$0x14A0];
	[tilespmem:$0x1FFB0] =	vst v6  }
0x1f2: {  	v42 =	vmul.f32 v42, v3;
	v31 =	vmul.f32 v31, v4;
	v6 =	vld [tilespmem:s21+$0x1480];
	[tilespmem:s21+$0x4A0] =	vst v0;
	v0 =	vadd.f32 v11, v1  }
0x1f3: {  	v1 =	vmul.f32 v28, v3;
	v11 =	vmul.f32 v29, v4;
	[tilespmem:s21+$0x4B0] =	vst v2;
	v2 =	vadd.f32 v27, v26;
	v26 =	vld [tilespmem:s21+$0x94A0]  }
0x1f4: {  	v33 =	vmul.f32 v33, v4;
	[tilespmem:s21+$0x490] =	vst v5;
	v5 =	vmul.f32 v34, v3;
	v28 =	vld [tilespmem:s21+$0x14B0]  }
0x1f5: {  	v34 =	vmul.f32 v37, v4;
	v29 =	vld [tilespmem:s21+$0x94B0];
	[tilespmem:s21+$0x4C0] =	vst v0;
	v0 =	vadd.f32 v11, v1;
	v1 =	vmul.f32 v32, v3  }
0x1f6: {  	v37 =	vmul.f32 v39, v4;
	[tilespmem:s21+$0x4D0] =	vst v2;
	v2 =	vadd.f32 v31, v30;
	v32 =	vmul.f32 v35, v4;
	v30 =	vld [tilespmem:s21+$0x14C0]  }
0x1f7: {  	v31 =	vld [tilespmem:s21+$0x94C0];
	[tilespmem:s21+$0x4E0] =	vst v0;
	v0 =	vadd.f32 v33, v1;
	v33 =	vmul.f32 v36, v3;
	v36 =	vmul.f32 v38, v3  }
0x1f8: {  	v39 =	vmul.f32 v40, v3;
	v40 =	vmul.f32 v41, v4;
	v11 =	vld [tilespmem:s21+$0x98D0];
	[tilespmem:s21+$0x4F0] =	vst v2;
	v35 =	vadd.f32 v32, v5  }
0x1f9: {  	v56 =	vmul.f32 v56, v3;
	v32 =	vld [tilespmem:s21+$0x14D0];
	[tilespmem:s21+$0x880] =	vst v0;
	v38 =	vadd.f32 v34, v33;
	v41 =	vadd.f32 v37, v36  }
0x1fa: {  	[tilespmem:s21+$0x890] =	vst v35;
	v36 =	vmul.f32 v43, v4;
	v37 =	vadd.f32 v40, v39;
	v39 =	vmul.f32 v45, v4;
	v33 =	vld [tilespmem:s21+$0x94D0]  }
0x1fb: {  	v34 =	vld [tilespmem:s21+$0x14E0];
	v45 =	vmul.f32 v49, v4;
	[tilespmem:s21+$0x8A0] =	vst v38;
	v38 =	vmul.f32 v44, v3  }
0x1fc: {  	v35 =	vld [tilespmem:s21+$0x94E0];
	[tilespmem:s21+$0x8B0] =	vst v41;
	v40 =	vadd.f32 v36, v42;
	v41 =	vmul.f32 v46, v3;
	v42 =	vmul.f32 v47, v4  }
0x1fd: {  	[tilespmem:s21+$0x8C0] =	vst v37;
	v44 =	vmul.f32 v48, v3;
	v47 =	vmul.f32 v50, v3;
	v36 =	vld [tilespmem:s21+$0x14F0];
	v43 =	vadd.f32 v39, v38  }
0x1fe: {  	v48 =	vmul.f32 v51, v4;
	v50 =	vmul.f32 v52, v3;
	v37 =	vld [tilespmem:s21+$0x94F0];
	[tilespmem:s21+$0x8D0] =	vst v40;
	v46 =	vadd.f32 v42, v41  }
0x1ff: {  	v51 =	vmul.f32 v53, v4;
	v53 =	vmul.f32 v54, v3;
	v49 =	vadd.f32 v45, v44;
	v38 =	vld [tilespmem:s21+$0x1880];
	[tilespmem:s21+$0x8E0] =	vst v43  }
0x200: {  	v54 =	vmul.f32 v55, v4;
	v52 =	vadd.f32 v48, v47;
	v44 =	vmul.f32 v57, v4;
	v39 =	vld [tilespmem:s21+$0x9880];
	[tilespmem:s21+$0x8F0] =	vst v46  }
0x201: {  	v55 =	vadd.f32 v51, v50;
	v47 =	vmul.f32 v59, v4;
	v40 =	vld [tilespmem:s21+$0x1890];
	v50 =	vmul.f32 v61, v4;
	[tilespmem:s21+$0xC80] =	vst v49  }
0x202: {  	v45 =	vadd.f32 v54, v53;
	v41 =	vld [tilespmem:s21+$0x9890];
	v53 =	vmul.f32 v63, v4;
	[tilespmem:s21+$0xC90] =	vst v52;
	v46 =	vmul.f32 v58, v3  }
0x203: {  	v42 =	vld [tilespmem:s21+$0x18A0];
	v59 =	vmul.f32 v23, v4;
	[tilespmem:s21+$0xCA0] =	vst v55;
	v48 =	vadd.f32 v44, v56;
	v49 =	vmul.f32 v60, v3  }
0x204: {  	v23 =	vld [tilespmem:s21+$0x18B0];
	v61 =	vmul.f32 v18, v3;
	[tilespmem:s21+$0xCB0] =	vst v45;
	v52 =	vmul.f32 v62, v3;
	v51 =	vadd.f32 v47, v46  }
0x205: {  	v18 =	vld [tilespmem:s21+$0x98B0];
	v55 =	vmul.f32 v24, v3;
	v56 =	vmul.f32 v25, v4;
	[tilespmem:s21+$0xCC0] =	vst v48;
	v54 =	vadd.f32 v50, v49  }
0x206: {  	v24 =	vld [tilespmem:s21+$0x98A0];
	v58 =	vmul.f32 v22, v3;
	v62 =	vmul.f32 v19, v4;
	v57 =	vadd.f32 v53, v52;
	[tilespmem:s21+$0xCD0] =	vst v51  }
0x207: {  	v22 =	vmul.f32 v15, v3;
	v25 =	vmul.f32 v16, v4;
	v16 =	vld [tilespmem:s21+$0x18C0];
	v60 =	vadd.f32 v56, v55;
	[tilespmem:s21+$0xCE0] =	vst v54  }
0x208: {  	v43 =	vmul.f32 v12, v3;
	v44 =	vmul.f32 v13, v4;
	v12 =	vld [tilespmem:s21+$0x98C0];
	v63 =	vadd.f32 v59, v58;
	[tilespmem:s21+$0xCF0] =	vst v57  }
0x209: {  	v13 =	vld [tilespmem:s21+$0x18F0];
	v27 =	vadd.f32 v62, v61;
	v46 =	vmul.f32 v8, v3;
	v47 =	vmul.f32 v9, v4;
	[tilespmem:s21+$0x1080] =	vst v60  }
0x20a: {  	v15 =	vld [tilespmem:s21+$0x1C80];
	v45 =	vadd.f32 v25, v22;
	v55 =	vmul.f32 v14, v4;
	v58 =	vmul.f32 v20, v4;
	[tilespmem:s21+$0x1090] =	vst v63  }
0x20b: {  	v19 =	vld [tilespmem:s21+$0x1C90];
	v48 =	vadd.f32 v44, v43;
	v22 =	vmul.f32 v30, v3;
	v25 =	vmul.f32 v31, v4;
	[tilespmem:s21+$0x10A0] =	vst v27  }
0x20c: {  	v9 =	vld [tilespmem:s21+$0x18D0];
	v30 =	vmul.f32 v34, v3;
	v31 =	vmul.f32 v35, v4;
	[tilespmem:s21+$0x10B0] =	vst v45;
	v50 =	vadd.f32 v47, v46  }
0x20d: {  	v49 =	vld [tilespmem:$0x1FFA0];
	v20 =	vmul.f32 v29, v4;
	[tilespmem:s21+$0x10C0] =	vst v48;
	v54 =	vmul.f32 v6, v3;
	v29 =	vadd.f32 v25, v22  }
0x20e: {  	v52 =	vmul.f32 v10, v4;
	v10 =	vld [tilespmem:s21+$0x18E0];
	v57 =	vmul.f32 v17, v3;
	v35 =	vadd.f32 v31, v30;
	[tilespmem:s21+$0x10D0] =	vst v50  }
0x20f: {  	v61 =	vmul.f32 v26, v4;
	v14 =	vld [tilespmem:s21+$0x98F0];
	v60 =	vmul.f32 v21, v3;
	v59 =	vadd.f32 v55, v54;
	[tilespmem:s21+$0x14C0] =	vst v29  }
0x210: {  	v7 =	vmul.f32 v7, v4;
	v44 =	vld [tilespmem:s21+$0x1CB0];
	v63 =	vmul.f32 v28, v3;
	v62 =	vadd.f32 v58, v57;
	[tilespmem:s21+$0x14E0] =	vst v35  }
0x211: {  	v51 =	vld [tilespmem:$0x1FFB0];
	v27 =	vmul.f32 v32, v3;
	v28 =	vmul.f32 v33, v4;
	v21 =	vadd.f32 v61, v60;
	[tilespmem:s21+$0x1480] =	vst v59  }
0x212: {  	v34 =	vmul.f32 v37, v4;
	v17 =	vld [tilespmem:s21+$0x9C80];
	v33 =	vmul.f32 v36, v3;
	v26 =	vadd.f32 v20, v63;
	[tilespmem:s21+$0x1490] =	vst v62  }
0x213: {  	v37 =	vmul.f32 v39, v4;
	v36 =	vmul.f32 v38, v3;
	v38 =	vld [tilespmem:s21+$0x9CA0];
	v32 =	vadd.f32 v28, v27;
	[tilespmem:s21+$0x14A0] =	vst v21  }
0x214: {  	v40 =	vmul.f32 v40, v3;
	v43 =	vmul.f32 v41, v4;
	v48 =	vld [tilespmem:s21+$0x9CB0];
	v39 =	vadd.f32 v34, v33;
	[tilespmem:s21+$0x14B0] =	vst v26  }
0x215: {  	v31 =	vld [tilespmem:s21+$0x1CF0];
	v45 =	vadd.f32 v37, v36;
	v50 =	vmul.f32 v23, v3;
	v1 =	vmul.f32 v49, v3;
	[tilespmem:s21+$0x14D0] =	vst v32  }
0x216: {  	v20 =	vld [tilespmem:s21+$0x9C90];
	v23 =	vmul.f32 v13, v3;
	v49 =	vadd.f32 v43, v40;
	[tilespmem:s21+$0x14F0] =	vst v39;
	v26 =	vmul.f32 v14, v4  }
0x217: {  	v46 =	vmul.f32 v42, v3;
	v55 =	vld [tilespmem:s21+$0x1CD0];
	[tilespmem:s21+$0x1880] =	vst v45;
	v5 =	vmul.f32 v51, v3;
	v53 =	vadd.f32 v7, v1  }
0x218: {  	v47 =	vmul.f32 v24, v4;
	v58 =	vmul.f32 v11, v4;
	v63 =	vld [tilespmem:s21+$0x1CE0];
	[tilespmem:s21+$0x1890] =	vst v49;
	v32 =	vadd.f32 v26, v23  }
0x219: {  	v27 =	vld [tilespmem:s21+$0x9CE0];
	v29 =	vmul.f32 v15, v3;
	v57 =	vmul.f32 v9, v3;
	v56 =	vadd.f32 v52, v5;
	[tilespmem:s21+$0x10E0] =	vst v53  }
0x21a: {  	v35 =	vld [tilespmem:s21+$0x9CF0];
	v41 =	vmul.f32 v44, v3;
	v30 =	vmul.f32 v17, v4;
	v52 =	vadd.f32 v47, v46;
	[tilespmem:s21+$0x18F0] =	vst v32  }
0x21b: {  	v21 =	vld [tilespmem:s21+$0x1CA0];
	v42 =	vmul.f32 v48, v4;
	v53 =	vmul.f32 v16, v3;
	v16 =	vadd.f32 v58, v57;
	[tilespmem:s21+$0x10F0] =	vst v56  }
0x21c: {  	v59 =	vld [tilespmem:s21+$0x9CD0];
	v51 =	vmul.f32 v18, v4;
	v36 =	vadd.f32 v30, v29;
	[tilespmem:s21+$0x18A0] =	vst v52  }
0x21d: {  	v54 =	vmul.f32 v12, v4;
	v39 =	vld [tilespmem:s21+$0x9CC0];
	v46 =	vadd.f32 v42, v41;
	[tilespmem:s21+$0x18D0] =	vst v16  }
0x21e: {  	v33 =	vmul.f32 v19, v3;
	v7 =	vld [tilespmem:s21+$0x98E0];
	v34 =	vmul.f32 v20, v4;
	v56 =	vadd.f32 v51, v50;
	[tilespmem:s21+$0x1C80] =	vst v36  }
0x21f: {  	v18 =	vld [tilespmem:s21+$0x1CC0];
	v47 =	vmul.f32 v63, v3;
	v48 =	vmul.f32 v27, v4;
	v60 =	vadd.f32 v54, v53;
	[tilespmem:s21+$0x1CB0] =	vst v46  }
0x220: {  	v38 =	vmul.f32 v38, v4;
	v37 =	vmul.f32 v21, v3;
	v40 =	vadd.f32 v34, v33;
	[tilespmem:s21+$0x18B0] =	vst v56  }
0x221: {  	v44 =	vmul.f32 v55, v3;
	v45 =	vmul.f32 v59, v4;
	v52 =	vadd.f32 v48, v47;
	[tilespmem:s21+$0x18C0] =	vst v60  }
0x222: {  	v50 =	vmul.f32 v31, v3;
	v51 =	vmul.f32 v35, v4;
	v43 =	vadd.f32 v38, v37;
	[tilespmem:s21+$0x1C90] =	vst v40  }
0x223: {  	v61 =	vmul.f32 v10, v3;
	v62 =	vmul.f32 v7, v4;
	v49 =	vadd.f32 v45, v44;
	[tilespmem:s21+$0x1CE0] =	vst v52  }
0x224: {  	s22 =	sand.u32 $0x7, s15;
	v54 =	vmul.f32 v39, v4;
	v53 =	vmul.f32 v18, v3;
	v55 =	vadd.f32 v51, v50;
	[tilespmem:s21+$0x1CA0] =	vst v43  }
0x225: {  	s5 =	sshll.u32 s22, $0x7;
	v28 =	vadd.f32 v62, v61;
	[tilespmem:s21+$0x1CD0] =	vst v49  }
0x226: {  	s5 =	sadd.s32 s5, s4;
	v56 =	vadd.f32 v54, v53;
	[tilespmem:s21+$0x1CF0] =	vst v55  }
0x227: {  	s22 =	sor.u32 $0x1C00, s5;
	[tilespmem:s21+$0x18E0] =	vst v28  }
0x228: {  	[tilespmem:s21+$0x1CC0] =	vst v56;
	v0 =	vld [tilespmem:s22+$0x480]  }
0x229: {  	v1 =	vld [tilespmem:s22+$0x8480];
	_ =	sdelay $0x4  }
0x22a: {  	v0 =	vmul.f32 v0, v3;
	v1 =	vmul.f32 v1, v4;
	_ =	sdelay $0x1  }
0x22b: {  	v0 =	vadd.f32 v1, v0;
	_ =	sdelay $0x1  }
0x22c: {  	[tilespmem:s22+$0x480] =	vst v0;
	s22 =	sor.u32 $0x1C10, s5  }
0x22d: {  	v0 =	vld [tilespmem:s22+$0x480]  }
0x22e: {  	v57 =	vld [tilespmem:s22+$0x8480];
	_ =	sdelay $0x4  }
0x22f: {  	v0 =	vmul.f32 v0, v3;
	v1 =	vmul.f32 v57, v4;
	_ =	sdelay $0x1  }
0x230: {  	v0 =	vadd.f32 v1, v0;
	_ =	sdelay $0x1  }
0x231: {  	[tilespmem:s22+$0x480] =	vst v0;
	s22 =	sor.u32 $0x1C20, s5  }
0x232: {  	v0 =	vld [tilespmem:s22+$0x480]  }
0x233: {  	v58 =	vld [tilespmem:s22+$0x8480];
	_ =	sdelay $0x4  }
0x234: {  	v0 =	vmul.f32 v0, v3;
	v1 =	vmul.f32 v58, v4;
	_ =	sdelay $0x1  }
0x235: {  	v0 =	vadd.f32 v1, v0;
	_ =	sdelay $0x1  }
0x236: {  	[tilespmem:s22+$0x480] =	vst v0;
	s22 =	sor.u32 $0x1C30, s5  }
0x237: {  	v0 =	vld [tilespmem:s22+$0x480]  }
0x238: {  	v59 =	vld [tilespmem:s22+$0x8480];
	_ =	sdelay $0x4  }
0x239: {  	v0 =	vmul.f32 v0, v3;
	v1 =	vmul.f32 v59, v4;
	_ =	sdelay $0x1  }
0x23a: {  	v0 =	vadd.f32 v1, v0;
	_ =	sdelay $0x1  }
0x23b: {  	[tilespmem:s22+$0x480] =	vst v0;
	s22 =	sor.u32 $0x1C40, s5  }
0x23c: {  	v0 =	vld [tilespmem:s22+$0x480]  }
0x23d: {  	v60 =	vld [tilespmem:s22+$0x8480];
	_ =	sdelay $0x4  }
0x23e: {  	v0 =	vmul.f32 v0, v3;
	v1 =	vmul.f32 v60, v4;
	_ =	sdelay $0x1  }
0x23f: {  	v0 =	vadd.f32 v1, v0;
	_ =	sdelay $0x1  }
0x240: {  	[tilespmem:s22+$0x480] =	vst v0;
	s22 =	sor.u32 $0x1C50, s5  }
0x241: {  	v0 =	vld [tilespmem:s22+$0x480]  }
0x242: {  	v61 =	vld [tilespmem:s22+$0x8480];
	_ =	sdelay $0x4  }
0x243: {  	v0 =	vmul.f32 v0, v3;
	v1 =	vmul.f32 v61, v4;
	_ =	sdelay $0x1  }
0x244: {  	v0 =	vadd.f32 v1, v0;
	_ =	sdelay $0x1  }
0x245: {  	[tilespmem:s22+$0x480] =	vst v0;
	s22 =	sor.u32 $0x1C60, s5  }
0x246: {  	v0 =	vld [tilespmem:s22+$0x480]  }
0x247: {  	v62 =	vld [tilespmem:s22+$0x8480];
	_ =	sdelay $0x4  }
0x248: {  	v0 =	vmul.f32 v0, v3;
	v1 =	vmul.f32 v62, v4;
	_ =	sdelay $0x1  }
0x249: {  	v0 =	vadd.f32 v1, v0;
	_ =	sdelay $0x1  }
0x24a: {  	s5 =	sor.u32 $0x1C70, s5;
	[tilespmem:s22+$0x480] =	vst v0  }
0x24b: {  	v0 =	vld [tilespmem:s5+$0x480]  }
0x24c: {  	v63 =	vld [tilespmem:s5+$0x8480];
	_ =	sdelay $0x3  }
0x24d: {  	p0 =	sne.s32 s17, $0x3F  }
.Ltmp1:
0x24e: {  	v0 =	vmul.f32 v0, v3;
	v1 =	vmul.f32 v63, v4;
	(pc) =	sbr.rel @p0 .LBB2_4-.Ltmp1, $4  }
0x24f: {  	_ = 	snop  }
0x250: {  	v0 =	vadd.f32 v1, v0  }
0x251: {  	s20 =	sadd.s32 $0x80, s20  }
0x252: {  	s17 =	sadd.s32 $0x1, s17;
	s15 =	sadd.s32 $0x1, s15;
	s4 =	sadd.s32 $0x400, s4;
	[tilespmem:s5+$0x480] =	vst v0  }
0x253: {  	s4 =	rddreg [dreg:$0x7]  }
0x254: {  	[hbm4b:s4+s2] =	stream.linear.scatter [tilespmem:s19], [sflag:$0x3], $0x8000, $0x38;
	[tilespmem:$0x10480] =	vst v63  }
0x255: {  	_ =	swait.ge [sflag:s14], $0x8000  }
0x256: {  	s1 =	sadd.s32 $0x1, s1;
	s22 =	rddreg [dreg:$0x8]  }
0x257: {  	p0 =	sne.s32 s1, s22  }
.Ltmp2:
0x258: {  	_ = 	snop;
	(pc) =	sbr.rel @p0 .LBB2_1-.Ltmp2, $3  }
0x259: {  	_ =	sdelay $0x1  }
0x25a: {  	[sflag:s14] =	ssyncset.done $0x0  }
0x25b: {  	[sflag:s14] =	ssyncadd.s32 $0xFFFF8000  }
0x25c: {  	_ =	sfence.sel $0x180000  }
0x25d: {  	[bflag:$0x0] =	sbarrier.arrive $0xFFFF  }
0x25e: {  	_ =	strace $0x9000004A  }
0x25f: {  	s0 =	stileid.u32;
	[bflag:$0x2] =	sbarrier.arrive $0xFFFF  }
0x260: {  	p0 =	sne.s32 s0, $0x0;
	s0 =	rddreg [dreg:$0x2]  }
0x261: {  	s0 =	sadd.s32 @!p0 $0x100000, s0  }
0x262: {  	[sflag:s0] =	ssyncadd.tile.s32 @!p0 $0x1;
	_ =	shalt  }
.Lfunc_end2:
_tile_overlayer_lowered:
.L_overlay_start_2:
0x263: {  	(tag) =	ssettag $0x2  }
0x264: {  	s0 =	rddreg [dreg:$0x0];
	s2 =	stileid.u32  }
0x265: {  	s1 =	rddreg [dreg:$0x1];
	p0 =	sne.s32 s2, $0x0  }
0x266: {  	s3 =	rddreg [dreg:$0x2];
	[bflag:$0x3] =	sbarrier.arrive $0xFFFF;
	s2 =	simm.s32 @!p0 $0x1C03  }
0x267: {  	[timem:s3], [sflag:s2] =	dma.local @!p0 [hbm:s0], s1  }
0x268: {  	s0 =	simm.s32 @!p0 $0x3  }
0x269: {  	_ =	swait.ge @!p0 [sflag:s0], s1  }
0x26a: {  	s1 =	ssub.s32 @!p0 $0x0, s1;
	[sflag:s0] =	ssyncset.done @!p0 $0x0  }
0x26b: {  	[sflag:s0] =	ssyncadd.s32 @!p0 s1  }
0x26c: {  	[bflag:$0x3] =	sbarrier.arrive $0xFFFF  }
0x26d: {  	_ =	shalt  }

</sc_bundles>
